<compile_context>
chip_gen: v7x
topology: tpu7x:2x2x1
jax: 0.10.2.dev20260603
libtpu: 0.0.44.dev20260713+nightly
codegen_flags: <defaults>
</compile_context>

<pallas_src>
import jax
import jax.numpy as jnp
from jax import lax
from jax.experimental import pallas as pl
from jax.experimental.pallas import tpu as pltpu
from jax.experimental.pallas import tpu_sc as plsc

N_EDGES = 320000
D = 128
CHUNK = 128
NUM_CHUNKS = N_EDGES // CHUNK
NW = 32
NC = 2
NSLOTS = 3
ITERS_PER_WORKER = 81
LANES = 16
GROUPS = CHUNK // LANES


def _dot_chunk(u_buf, m_buf, res_ref):
    lane = lax.broadcasted_iota(jnp.int32, (LANES,), 0)
    for g in range(GROUPS):
        row = lane + (g * LANES)

        def body(d, acc):
            col = (lane + d) & (D - 1)
            uv = plsc.load_gather(u_buf, [row, col])
            mv = plsc.load_gather(m_buf, [row, col])
            return acc + uv * mv

        acc = lax.fori_loop(0, D, body, jnp.zeros((LANES,), jnp.float32),
                            unroll=8)
        res_ref[pl.ds(g * LANES, LANES)] = acc


def _sc_kernel(user_hbm, movie_hbm, uidx_hbm, midx_hbm, out_hbm,
               uidx0, uidx1, uidx2, midx0, midx1, midx2,
               u0, u1, u2, m0, m1, m2, res,
               sem_u0, sem_u1, sem_u2, sem_m0, sem_m1, sem_m2,
               isem_u0, isem_u1, isem_u2, isem_m0, isem_m1, isem_m2):
    wid = lax.axis_index("s") * NC + lax.axis_index("c")

    uidx = (uidx0, uidx1, uidx2)
    midx = (midx0, midx1, midx2)
    ubuf = (u0, u1, u2)
    mbuf = (m0, m1, m2)
    sem_u = (sem_u0, sem_u1, sem_u2)
    sem_m = (sem_m0, sem_m1, sem_m2)
    isem_u = (isem_u0, isem_u1, isem_u2)
    isem_m = (isem_m0, isem_m1, isem_m2)

    def chunk_id(i):
        return wid + i * NW

    def idx_start(i, slot):
        c = chunk_id(i)

        @pl.when(c < NUM_CHUNKS)
        def _():
            base = c * CHUNK
            pltpu.async_copy(uidx_hbm.at[pl.ds(base, CHUNK)], uidx[slot],
                             isem_u[slot])
            pltpu.async_copy(midx_hbm.at[pl.ds(base, CHUNK)], midx[slot],
                             isem_m[slot])

    def gather_start(i, slot):
        c = chunk_id(i)

        @pl.when(c < NUM_CHUNKS)
        def _():
            base = c * CHUNK
            pltpu.make_async_copy(uidx_hbm.at[pl.ds(base, CHUNK)], uidx[slot],
                                  isem_u[slot]).wait()
            pltpu.make_async_copy(midx_hbm.at[pl.ds(base, CHUNK)], midx[slot],
                                  isem_m[slot]).wait()
            pltpu.async_copy(user_hbm.at[uidx[slot]], ubuf[slot], sem_u[slot])
            pltpu.async_copy(movie_hbm.at[midx[slot]], mbuf[slot], sem_m[slot])

    def gather_wait(i, slot):
        c = chunk_id(i)

        @pl.when(c < NUM_CHUNKS)
        def _():
            pltpu.make_async_copy(user_hbm.at[uidx[slot]], ubuf[slot],
                                  sem_u[slot]).wait()
            pltpu.make_async_copy(movie_hbm.at[midx[slot]], mbuf[slot],
                                  sem_m[slot]).wait()

    def compute(i, slot):
        c = chunk_id(i)

        @pl.when(c < NUM_CHUNKS)
        def _():
            _dot_chunk(ubuf[slot], mbuf[slot], res)
            pltpu.sync_copy(res, out_hbm.at[pl.ds(c * CHUNK, CHUNK)])

    for s in range(NSLOTS):
        idx_start(s, s)
    for s in range(NSLOTS):
        gather_start(s, s)

    def outer(j, carry):
        i0 = j * NSLOTS
        for s in range(NSLOTS):
            i = i0 + s
            gather_wait(i, s)
            idx_start(i + NSLOTS, s)
            compute(i, s)
            gather_start(i + NSLOTS, s)
        return carry

    lax.fori_loop(0, ITERS_PER_WORKER // NSLOTS, outer, 0)


def kernel(user_z, movie_z, edge_label_index):
    u_idx = edge_label_index[0]
    m_idx = edge_label_index[1]

    mesh = plsc.VectorSubcoreMesh(core_axis_name="c", subcore_axis_name="s")
    f = pl.kernel(
        _sc_kernel,
        mesh=mesh,
        compiler_params=pltpu.CompilerParams(needs_layout_passes=False),
        out_type=jax.ShapeDtypeStruct((N_EDGES,), jnp.float32),
        scratch_types=(
            [pltpu.VMEM((CHUNK,), jnp.int32)] * 6
            + [pltpu.VMEM((CHUNK, D), jnp.float32)] * 6
            + [pltpu.VMEM((CHUNK,), jnp.float32)]
            + [pltpu.SemaphoreType.DMA] * 12
        ),
    )
    return f(user_z, movie_z, u_idx, m_idx)

# --- scband reference (transcript-rebuilt; emitter-appended) ---
"""Pipeline reference for scband-decoder-12043088298236 (READ-ONLY COPY).

The authoritative reference and input builder live on the scoring server;
editing this copy changes nothing except your own understanding.
"""

import jax, jax.numpy as jnp
import numpy as np

N_USER = 10000
N_MOVIE = 10000
N_EDGES = 320000
D = 128  # hidden_channels(32) * num_heads(4)


def setup_inputs(seed: int = 0) -> dict:
    key = jax.random.key(seed)
    k1, k2, k3 = jax.random.split(key, 3)
    user_z = jax.random.normal(k1, (N_USER, D), dtype=jnp.float32)
    movie_z = jax.random.normal(k2, (N_MOVIE, D), dtype=jnp.float32)
    edge_label_index = jax.random.randint(k3, (2, N_EDGES), 0, N_USER, dtype=jnp.int32)
    return {"user_z": user_z, "movie_z": movie_z, "edge_label_index": edge_label_index}


def reference(user_z, movie_z, edge_label_index):
    # z_dict['user'][edge_label_index[0]] -> gather
    user_embed = jnp.take(user_z, edge_label_index[0], axis=0)
    # z_dict['movie'][edge_label_index[1]] -> gather
    movie_embed = jnp.take(movie_z, edge_label_index[1], axis=0)
    # elementwise product + reduce over feature dim
    return (user_embed * movie_embed).sum(axis=-1)

if __name__ == "__main__":
    import jax
    _d = setup_inputs()
    print(jax.jit(kernel)(*tuple(_d.values())))

</pallas_src>

<mosaic_0001>
#map = affine_map<(d0, d1) -> (0, 0)>
#map1 = affine_map<(d0, d1) -> (0)>
module attributes {stable_mosaic.version = 14 : i64} {
  func.func @_sc_kernel(%arg0: i32, %arg1: i32, %arg2: memref<10000x128xf32, #tpu.memory_space<hbm>>, %arg3: memref<10000x128xf32, #tpu.memory_space<hbm>>, %arg4: memref<320000xi32, #tpu.memory_space<hbm>>, %arg5: memref<320000xi32, #tpu.memory_space<hbm>>, %arg6: memref<320000xf32, #tpu.memory_space<hbm>>, %arg7: memref<128xi32, #tpu.memory_space<vmem>>, %arg8: memref<128xi32, #tpu.memory_space<vmem>>, %arg9: memref<128xi32, #tpu.memory_space<vmem>>, %arg10: memref<128xi32, #tpu.memory_space<vmem>>, %arg11: memref<128xi32, #tpu.memory_space<vmem>>, %arg12: memref<128xi32, #tpu.memory_space<vmem>>, %arg13: memref<128x128xf32, #tpu.memory_space<vmem>>, %arg14: memref<128x128xf32, #tpu.memory_space<vmem>>, %arg15: memref<128x128xf32, #tpu.memory_space<vmem>>, %arg16: memref<128x128xf32, #tpu.memory_space<vmem>>, %arg17: memref<128x128xf32, #tpu.memory_space<vmem>>, %arg18: memref<128x128xf32, #tpu.memory_space<vmem>>, %arg19: memref<128xf32, #tpu.memory_space<vmem>>, %arg20: memref<!tpu.dma_semaphore, #tpu.memory_space<semaphore_mem>>, %arg21: memref<!tpu.dma_semaphore, #tpu.memory_space<semaphore_mem>>, %arg22: memref<!tpu.dma_semaphore, #tpu.memory_space<semaphore_mem>>, %arg23: memref<!tpu.dma_semaphore, #tpu.memory_space<semaphore_mem>>, %arg24: memref<!tpu.dma_semaphore, #tpu.memory_space<semaphore_mem>>, %arg25: memref<!tpu.dma_semaphore, #tpu.memory_space<semaphore_mem>>, %arg26: memref<!tpu.dma_semaphore, #tpu.memory_space<semaphore_mem>>, %arg27: memref<!tpu.dma_semaphore, #tpu.memory_space<semaphore_mem>>, %arg28: memref<!tpu.dma_semaphore, #tpu.memory_space<semaphore_mem>>, %arg29: memref<!tpu.dma_semaphore, #tpu.memory_space<semaphore_mem>>, %arg30: memref<!tpu.dma_semaphore, #tpu.memory_space<semaphore_mem>>, %arg31: memref<!tpu.dma_semaphore, #tpu.memory_space<semaphore_mem>>) attributes {dimension_semantics = [#tpu.dimension_semantics<core_parallel>, #tpu.dimension_semantics<subcore_parallel>], iteration_bounds = array<i64: 2, 16>, scalar_prefetch = 0 : i64, scratch_operands = 25 : i64, tpu.core_type = #tpu.core_type<sc_vector_subcore>, window_params = [{transform_indices = #map}, {transform_indices = #map}, {transform_indices = #map1}, {transform_indices = #map1}, {transform_indices = #map1}]} {
    %mul3A = arith.constant 2 : i32
    %mul3A_0 = arith.muli %arg1, %mul3A : i32
    %add3A = arith.addi %mul3A_0, %arg0 : i32
    %add3A_1 = arith.constant 0 : i32
    %add3A_2 = arith.addi %add3A, %add3A_1 : i32
    %lt3A = arith.constant 2500 : i32
    %lt3A_3 = arith.cmpi slt, %add3A_2, %lt3A : i32
    %convert_element_type3A = arith.extui %lt3A_3 : i1 to i32
    %cond3A = arith.constant 0 : i32
    %cond3A_4 = arith.cmpi ne, %convert_element_type3A, %cond3A : i32
    scf.if %cond3A_4 {
      %mul3A_45 = arith.constant 128 : i32
      %mul3A_46 = arith.muli %add3A_2, %mul3A_45 : i32
      %dma_start3A = tpu.memref_slice %arg4[%mul3A_46] : memref<320000xi32, #tpu.memory_space<hbm>> -> memref<128xi32, #tpu.memory_space<hbm>>
      %dma_start3A_47 = tpu.memref_slice %arg4[%mul3A_46] : memref<320000xi32, #tpu.memory_space<hbm>> -> memref<128xi32, #tpu.memory_space<hbm>>
      tpu.enqueue_dma source(%dma_start3A_47 : memref<128xi32, #tpu.memory_space<hbm>>) target(%arg7 : memref<128xi32, #tpu.memory_space<vmem>>) target_semaphore(%arg26 : memref<!tpu.dma_semaphore, #tpu.memory_space<semaphore_mem>>)
      %dma_start3A_48 = tpu.memref_slice %arg5[%mul3A_46] : memref<320000xi32, #tpu.memory_space<hbm>> -> memref<128xi32, #tpu.memory_space<hbm>>
      %dma_start3A_49 = tpu.memref_slice %arg5[%mul3A_46] : memref<320000xi32, #tpu.memory_space<hbm>> -> memref<128xi32, #tpu.memory_space<hbm>>
      tpu.enqueue_dma source(%dma_start3A_49 : memref<128xi32, #tpu.memory_space<hbm>>) target(%arg10 : memref<128xi32, #tpu.memory_space<vmem>>) target_semaphore(%arg29 : memref<!tpu.dma_semaphore, #tpu.memory_space<semaphore_mem>>)
    } else {
    }
    %add3A_5 = arith.constant 32 : i32
    %add3A_6 = arith.addi %add3A, %add3A_5 : i32
    %lt3A_7 = arith.constant 2500 : i32
    %lt3A_8 = arith.cmpi slt, %add3A_6, %lt3A_7 : i32
    %convert_element_type3A_9 = arith.extui %lt3A_8 : i1 to i32
    %cond3A_10 = arith.constant 0 : i32
    %cond3A_11 = arith.cmpi ne, %convert_element_type3A_9, %cond3A_10 : i32
    scf.if %cond3A_11 {
      %mul3A_45 = arith.constant 128 : i32
      %mul3A_46 = arith.muli %add3A_6, %mul3A_45 : i32
      %dma_start3A = tpu.memref_slice %arg4[%mul3A_46] : memref<320000xi32, #tpu.memory_space<hbm>> -> memref<128xi32, #tpu.memory_space<hbm>>
      %dma_start3A_47 = tpu.memref_slice %arg4[%mul3A_46] : memref<320000xi32, #tpu.memory_space<hbm>> -> memref<128xi32, #tpu.memory_space<hbm>>
      tpu.enqueue_dma source(%dma_start3A_47 : memref<128xi32, #tpu.memory_space<hbm>>) target(%arg8 : memref<128xi32, #tpu.memory_space<vmem>>) target_semaphore(%arg27 : memref<!tpu.dma_semaphore, #tpu.memory_space<semaphore_mem>>)
      %dma_start3A_48 = tpu.memref_slice %arg5[%mul3A_46] : memref<320000xi32, #tpu.memory_space<hbm>> -> memref<128xi32, #tpu.memory_space<hbm>>
      %dma_start3A_49 = tpu.memref_slice %arg5[%mul3A_46] : memref<320000xi32, #tpu.memory_space<hbm>> -> memref<128xi32, #tpu.memory_space<hbm>>
      tpu.enqueue_dma source(%dma_start3A_49 : memref<128xi32, #tpu.memory_space<hbm>>) target(%arg11 : memref<128xi32, #tpu.memory_space<vmem>>) target_semaphore(%arg30 : memref<!tpu.dma_semaphore, #tpu.memory_space<semaphore_mem>>)
    } else {
    }
    %add3A_12 = arith.constant 64 : i32
    %add3A_13 = arith.addi %add3A, %add3A_12 : i32
    %lt3A_14 = arith.constant 2500 : i32
    %lt3A_15 = arith.cmpi slt, %add3A_13, %lt3A_14 : i32
    %convert_element_type3A_16 = arith.extui %lt3A_15 : i1 to i32
    %cond3A_17 = arith.constant 0 : i32
    %cond3A_18 = arith.cmpi ne, %convert_element_type3A_16, %cond3A_17 : i32
    scf.if %cond3A_18 {
      %mul3A_45 = arith.constant 128 : i32
      %mul3A_46 = arith.muli %add3A_13, %mul3A_45 : i32
      %dma_start3A = tpu.memref_slice %arg4[%mul3A_46] : memref<320000xi32, #tpu.memory_space<hbm>> -> memref<128xi32, #tpu.memory_space<hbm>>
      %dma_start3A_47 = tpu.memref_slice %arg4[%mul3A_46] : memref<320000xi32, #tpu.memory_space<hbm>> -> memref<128xi32, #tpu.memory_space<hbm>>
      tpu.enqueue_dma source(%dma_start3A_47 : memref<128xi32, #tpu.memory_space<hbm>>) target(%arg9 : memref<128xi32, #tpu.memory_space<vmem>>) target_semaphore(%arg28 : memref<!tpu.dma_semaphore, #tpu.memory_space<semaphore_mem>>)
      %dma_start3A_48 = tpu.memref_slice %arg5[%mul3A_46] : memref<320000xi32, #tpu.memory_space<hbm>> -> memref<128xi32, #tpu.memory_space<hbm>>
      %dma_start3A_49 = tpu.memref_slice %arg5[%mul3A_46] : memref<320000xi32, #tpu.memory_space<hbm>> -> memref<128xi32, #tpu.memory_space<hbm>>
      tpu.enqueue_dma source(%dma_start3A_49 : memref<128xi32, #tpu.memory_space<hbm>>) target(%arg12 : memref<128xi32, #tpu.memory_space<vmem>>) target_semaphore(%arg31 : memref<!tpu.dma_semaphore, #tpu.memory_space<semaphore_mem>>)
    } else {
    }
    %add3A_19 = arith.constant 0 : i32
    %add3A_20 = arith.addi %add3A, %add3A_19 : i32
    %lt3A_21 = arith.constant 2500 : i32
    %lt3A_22 = arith.cmpi slt, %add3A_20, %lt3A_21 : i32
    %convert_element_type3A_23 = arith.extui %lt3A_22 : i1 to i32
    %cond3A_24 = arith.constant 0 : i32
    %cond3A_25 = arith.cmpi ne, %convert_element_type3A_23, %cond3A_24 : i32
    scf.if %cond3A_25 {
      %mul3A_45 = arith.constant 128 : i32
      %mul3A_46 = arith.muli %add3A_20, %mul3A_45 : i32
      %dma_wait3A = tpu.memref_slice %arg4[%mul3A_46] : memref<320000xi32, #tpu.memory_space<hbm>> -> memref<128xi32, #tpu.memory_space<hbm>>
      %dma_wait3A_47 = tpu.memref_slice %arg4[%mul3A_46] : memref<320000xi32, #tpu.memory_space<hbm>> -> memref<128xi32, #tpu.memory_space<hbm>>
      tpu.wait_dma2 semaphore(%arg26 : memref<!tpu.dma_semaphore, #tpu.memory_space<semaphore_mem>>) src(%dma_wait3A_47 : memref<128xi32, #tpu.memory_space<hbm>>) dst(%arg7 : memref<128xi32, #tpu.memory_space<vmem>>)
      %dma_wait3A_48 = tpu.memref_slice %arg5[%mul3A_46] : memref<320000xi32, #tpu.memory_space<hbm>> -> memref<128xi32, #tpu.memory_space<hbm>>
      %dma_wait3A_49 = tpu.memref_slice %arg5[%mul3A_46] : memref<320000xi32, #tpu.memory_space<hbm>> -> memref<128xi32, #tpu.memory_space<hbm>>
      tpu.wait_dma2 semaphore(%arg29 : memref<!tpu.dma_semaphore, #tpu.memory_space<semaphore_mem>>) src(%dma_wait3A_49 : memref<128xi32, #tpu.memory_space<hbm>>) dst(%arg10 : memref<128xi32, #tpu.memory_space<vmem>>)
      %dma_start3A = arith.constant 0 : i32
      %dma_start3A_50 = arith.constant 0 : i32
      %dma_start3A_51 = tpu.memref_slice %arg2[%dma_start3A, %dma_start3A_50] : memref<10000x128xf32, #tpu.memory_space<hbm>> -> memref<10000x128xf32, #tpu.memory_space<hbm>>
      tpu.enqueue_indirect_dma source(%dma_start3A_51 : memref<10000x128xf32, #tpu.memory_space<hbm>>) target(%arg13 : memref<128x128xf32, #tpu.memory_space<vmem>>) offsets(%arg7 : memref<128xi32, #tpu.memory_space<vmem>>) semaphore(%arg20 : memref<!tpu.dma_semaphore, #tpu.memory_space<semaphore_mem>>)
      %dma_start3A_52 = arith.constant 0 : i32
      %dma_start3A_53 = arith.constant 0 : i32
      %dma_start3A_54 = tpu.memref_slice %arg3[%dma_start3A_52, %dma_start3A_53] : memref<10000x128xf32, #tpu.memory_space<hbm>> -> memref<10000x128xf32, #tpu.memory_space<hbm>>
      tpu.enqueue_indirect_dma source(%dma_start3A_54 : memref<10000x128xf32, #tpu.memory_space<hbm>>) target(%arg16 : memref<128x128xf32, #tpu.memory_space<vmem>>) offsets(%arg10 : memref<128xi32, #tpu.memory_space<vmem>>) semaphore(%arg23 : memref<!tpu.dma_semaphore, #tpu.memory_space<semaphore_mem>>)
    } else {
    }
    %add3A_26 = arith.constant 32 : i32
    %add3A_27 = arith.addi %add3A, %add3A_26 : i32
    %lt3A_28 = arith.constant 2500 : i32
    %lt3A_29 = arith.cmpi slt, %add3A_27, %lt3A_28 : i32
    %convert_element_type3A_30 = arith.extui %lt3A_29 : i1 to i32
    %cond3A_31 = arith.constant 0 : i32
    %cond3A_32 = arith.cmpi ne, %convert_element_type3A_30, %cond3A_31 : i32
    scf.if %cond3A_32 {
      %mul3A_45 = arith.constant 128 : i32
      %mul3A_46 = arith.muli %add3A_27, %mul3A_45 : i32
      %dma_wait3A = tpu.memref_slice %arg4[%mul3A_46] : memref<320000xi32, #tpu.memory_space<hbm>> -> memref<128xi32, #tpu.memory_space<hbm>>
      %dma_wait3A_47 = tpu.memref_slice %arg4[%mul3A_46] : memref<320000xi32, #tpu.memory_space<hbm>> -> memref<128xi32, #tpu.memory_space<hbm>>
      tpu.wait_dma2 semaphore(%arg27 : memref<!tpu.dma_semaphore, #tpu.memory_space<semaphore_mem>>) src(%dma_wait3A_47 : memref<128xi32, #tpu.memory_space<hbm>>) dst(%arg8 : memref<128xi32, #tpu.memory_space<vmem>>)
      %dma_wait3A_48 = tpu.memref_slice %arg5[%mul3A_46] : memref<320000xi32, #tpu.memory_space<hbm>> -> memref<128xi32, #tpu.memory_space<hbm>>
      %dma_wait3A_49 = tpu.memref_slice %arg5[%mul3A_46] : memref<320000xi32, #tpu.memory_space<hbm>> -> memref<128xi32, #tpu.memory_space<hbm>>
      tpu.wait_dma2 semaphore(%arg30 : memref<!tpu.dma_semaphore, #tpu.memory_space<semaphore_mem>>) src(%dma_wait3A_49 : memref<128xi32, #tpu.memory_space<hbm>>) dst(%arg11 : memref<128xi32, #tpu.memory_space<vmem>>)
      %dma_start3A = arith.constant 0 : i32
      %dma_start3A_50 = arith.constant 0 : i32
      %dma_start3A_51 = tpu.memref_slice %arg2[%dma_start3A, %dma_start3A_50] : memref<10000x128xf32, #tpu.memory_space<hbm>> -> memref<10000x128xf32, #tpu.memory_space<hbm>>
      tpu.enqueue_indirect_dma source(%dma_start3A_51 : memref<10000x128xf32, #tpu.memory_space<hbm>>) target(%arg14 : memref<128x128xf32, #tpu.memory_space<vmem>>) offsets(%arg8 : memref<128xi32, #tpu.memory_space<vmem>>) semaphore(%arg21 : memref<!tpu.dma_semaphore, #tpu.memory_space<semaphore_mem>>)
      %dma_start3A_52 = arith.constant 0 : i32
      %dma_start3A_53 = arith.constant 0 : i32
      %dma_start3A_54 = tpu.memref_slice %arg3[%dma_start3A_52, %dma_start3A_53] : memref<10000x128xf32, #tpu.memory_space<hbm>> -> memref<10000x128xf32, #tpu.memory_space<hbm>>
      tpu.enqueue_indirect_dma source(%dma_start3A_54 : memref<10000x128xf32, #tpu.memory_space<hbm>>) target(%arg17 : memref<128x128xf32, #tpu.memory_space<vmem>>) offsets(%arg11 : memref<128xi32, #tpu.memory_space<vmem>>) semaphore(%arg24 : memref<!tpu.dma_semaphore, #tpu.memory_space<semaphore_mem>>)
    } else {
    }
    %add3A_33 = arith.constant 64 : i32
    %add3A_34 = arith.addi %add3A, %add3A_33 : i32
    %lt3A_35 = arith.constant 2500 : i32
    %lt3A_36 = arith.cmpi slt, %add3A_34, %lt3A_35 : i32
    %convert_element_type3A_37 = arith.extui %lt3A_36 : i1 to i32
    %cond3A_38 = arith.constant 0 : i32
    %cond3A_39 = arith.cmpi ne, %convert_element_type3A_37, %cond3A_38 : i32
    scf.if %cond3A_39 {
      %mul3A_45 = arith.constant 128 : i32
      %mul3A_46 = arith.muli %add3A_34, %mul3A_45 : i32
      %dma_wait3A = tpu.memref_slice %arg4[%mul3A_46] : memref<320000xi32, #tpu.memory_space<hbm>> -> memref<128xi32, #tpu.memory_space<hbm>>
      %dma_wait3A_47 = tpu.memref_slice %arg4[%mul3A_46] : memref<320000xi32, #tpu.memory_space<hbm>> -> memref<128xi32, #tpu.memory_space<hbm>>
      tpu.wait_dma2 semaphore(%arg28 : memref<!tpu.dma_semaphore, #tpu.memory_space<semaphore_mem>>) src(%dma_wait3A_47 : memref<128xi32, #tpu.memory_space<hbm>>) dst(%arg9 : memref<128xi32, #tpu.memory_space<vmem>>)
      %dma_wait3A_48 = tpu.memref_slice %arg5[%mul3A_46] : memref<320000xi32, #tpu.memory_space<hbm>> -> memref<128xi32, #tpu.memory_space<hbm>>
      %dma_wait3A_49 = tpu.memref_slice %arg5[%mul3A_46] : memref<320000xi32, #tpu.memory_space<hbm>> -> memref<128xi32, #tpu.memory_space<hbm>>
      tpu.wait_dma2 semaphore(%arg31 : memref<!tpu.dma_semaphore, #tpu.memory_space<semaphore_mem>>) src(%dma_wait3A_49 : memref<128xi32, #tpu.memory_space<hbm>>) dst(%arg12 : memref<128xi32, #tpu.memory_space<vmem>>)
      %dma_start3A = arith.constant 0 : i32
      %dma_start3A_50 = arith.constant 0 : i32
      %dma_start3A_51 = tpu.memref_slice %arg2[%dma_start3A, %dma_start3A_50] : memref<10000x128xf32, #tpu.memory_space<hbm>> -> memref<10000x128xf32, #tpu.memory_space<hbm>>
      tpu.enqueue_indirect_dma source(%dma_start3A_51 : memref<10000x128xf32, #tpu.memory_space<hbm>>) target(%arg15 : memref<128x128xf32, #tpu.memory_space<vmem>>) offsets(%arg9 : memref<128xi32, #tpu.memory_space<vmem>>) semaphore(%arg22 : memref<!tpu.dma_semaphore, #tpu.memory_space<semaphore_mem>>)
      %dma_start3A_52 = arith.constant 0 : i32
      %dma_start3A_53 = arith.constant 0 : i32
      %dma_start3A_54 = tpu.memref_slice %arg3[%dma_start3A_52, %dma_start3A_53] : memref<10000x128xf32, #tpu.memory_space<hbm>> -> memref<10000x128xf32, #tpu.memory_space<hbm>>
      tpu.enqueue_indirect_dma source(%dma_start3A_54 : memref<10000x128xf32, #tpu.memory_space<hbm>>) target(%arg18 : memref<128x128xf32, #tpu.memory_space<vmem>>) offsets(%arg12 : memref<128xi32, #tpu.memory_space<vmem>>) semaphore(%arg25 : memref<!tpu.dma_semaphore, #tpu.memory_space<semaphore_mem>>)
    } else {
    }
    %scan3A = arith.constant 0 : i32
    %scan3A_40 = arith.constant 0 : i32
    %scan3A_41 = arith.constant 27 : i32
    %scan3A_42 = arith.addi %scan3A_40, %scan3A_41 : i32
    %scan3A_43 = arith.constant 1 : i32
    scf.for %scan3A_45 = %scan3A_40 to %scan3A_42 step %scan3A_43  : i32 {
      %mul3A_46 = arith.constant 3 : i32
      %mul3A_47 = arith.muli %scan3A_45, %mul3A_46 : i32
      %add3A_48 = arith.constant 0 : i32
      %add3A_49 = arith.addi %mul3A_47, %add3A_48 : i32
      %mul3A_50 = arith.constant 32 : i32
      %mul3A_51 = arith.muli %add3A_49, %mul3A_50 : i32
      %add3A_52 = arith.addi %add3A, %mul3A_51 : i32
      %lt3A_53 = arith.constant 2500 : i32
      %lt3A_54 = arith.cmpi slt, %add3A_52, %lt3A_53 : i32
      %convert_element_type3A_55 = arith.extui %lt3A_54 : i1 to i32
      %cond3A_56 = arith.constant 0 : i32
      %cond3A_57 = arith.cmpi ne, %convert_element_type3A_55, %cond3A_56 : i32
      scf.if %cond3A_57 {
        %dma_wait3A = arith.constant 0 : i32
        %dma_wait3A_162 = arith.constant 0 : i32
        %dma_wait3A_163 = tpu.memref_slice %arg2[%dma_wait3A, %dma_wait3A_162] : memref<10000x128xf32, #tpu.memory_space<hbm>> -> memref<10000x128xf32, #tpu.memory_space<hbm>>
        tpu.wait_indirect_dma semaphore(%arg20 : memref<!tpu.dma_semaphore, #tpu.memory_space<semaphore_mem>>) src(%dma_wait3A_163 : memref<10000x128xf32, #tpu.memory_space<hbm>>) dst(%arg13 : memref<128x128xf32, #tpu.memory_space<vmem>>)
        %dma_wait3A_164 = arith.constant 0 : i32
        %dma_wait3A_165 = arith.constant 0 : i32
        %dma_wait3A_166 = tpu.memref_slice %arg3[%dma_wait3A_164, %dma_wait3A_165] : memref<10000x128xf32, #tpu.memory_space<hbm>> -> memref<10000x128xf32, #tpu.memory_space<hbm>>
        tpu.wait_indirect_dma semaphore(%arg23 : memref<!tpu.dma_semaphore, #tpu.memory_space<semaphore_mem>>) src(%dma_wait3A_166 : memref<10000x128xf32, #tpu.memory_space<hbm>>) dst(%arg16 : memref<128x128xf32, #tpu.memory_space<vmem>>)
      } else {
      }
      %add3A_58 = arith.constant 3 : i32
      %add3A_59 = arith.addi %add3A_49, %add3A_58 : i32
      %mul3A_60 = arith.constant 32 : i32
      %mul3A_61 = arith.muli %add3A_59, %mul3A_60 : i32
      %add3A_62 = arith.addi %add3A, %mul3A_61 : i32
      %lt3A_63 = arith.constant 2500 : i32
      %lt3A_64 = arith.cmpi slt, %add3A_62, %lt3A_63 : i32
      %convert_element_type3A_65 = arith.extui %lt3A_64 : i1 to i32
      %cond3A_66 = arith.constant 0 : i32
      %cond3A_67 = arith.cmpi ne, %convert_element_type3A_65, %cond3A_66 : i32
      scf.if %cond3A_67 {
        %mul3A_162 = arith.constant 128 : i32
        %mul3A_163 = arith.muli %add3A_62, %mul3A_162 : i32
        %dma_start3A = tpu.memref_slice %arg4[%mul3A_163] : memref<320000xi32, #tpu.memory_space<hbm>> -> memref<128xi32, #tpu.memory_space<hbm>>
        %dma_start3A_164 = tpu.memref_slice %arg4[%mul3A_163] : memref<320000xi32, #tpu.memory_space<hbm>> -> memref<128xi32, #tpu.memory_space<hbm>>
        tpu.enqueue_dma source(%dma_start3A_164 : memref<128xi32, #tpu.memory_space<hbm>>) target(%arg7 : memref<128xi32, #tpu.memory_space<vmem>>) target_semaphore(%arg26 : memref<!tpu.dma_semaphore, #tpu.memory_space<semaphore_mem>>)
        %dma_start3A_165 = tpu.memref_slice %arg5[%mul3A_163] : memref<320000xi32, #tpu.memory_space<hbm>> -> memref<128xi32, #tpu.memory_space<hbm>>
        %dma_start3A_166 = tpu.memref_slice %arg5[%mul3A_163] : memref<320000xi32, #tpu.memory_space<hbm>> -> memref<128xi32, #tpu.memory_space<hbm>>
        tpu.enqueue_dma source(%dma_start3A_166 : memref<128xi32, #tpu.memory_space<hbm>>) target(%arg10 : memref<128xi32, #tpu.memory_space<vmem>>) target_semaphore(%arg29 : memref<!tpu.dma_semaphore, #tpu.memory_space<semaphore_mem>>)
      } else {
      }
      %mul3A_68 = arith.constant 32 : i32
      %mul3A_69 = arith.muli %add3A_49, %mul3A_68 : i32
      %add3A_70 = arith.addi %add3A, %mul3A_69 : i32
      %lt3A_71 = arith.constant 2500 : i32
      %lt3A_72 = arith.cmpi slt, %add3A_70, %lt3A_71 : i32
      %convert_element_type3A_73 = arith.extui %lt3A_72 : i1 to i32
      %cond3A_74 = arith.constant 0 : i32
      %cond3A_75 = arith.cmpi ne, %convert_element_type3A_73, %cond3A_74 : i32
      scf.if %cond3A_75 {
        %iota3A = tpu.iota {dimensions = array<i32: 0>} : vector<16xi32>
        %add3A_162 = arith.constant 0 : i32
        %add3A_163 = vector.broadcast %add3A_162 : i32 to vector<16xi32>
        %add3A_164 = arith.addi %iota3A, %add3A_163 : vector<16xi32>
        %broadcast_in_dim3A = arith.constant 0.000000e+00 : f32
        %broadcast_in_dim3A_165 = vector.broadcast %broadcast_in_dim3A : f32 to vector<16xf32>
        %scan3A_166 = arith.constant 0 : i32
        %scan3A_167 = arith.constant 128 : i32
        %scan3A_168 = arith.addi %scan3A_166, %scan3A_167 : i32
        %scan3A_169 = arith.constant 8 : i32
        %scan3A_170 = scf.for %scan3A_266 = %scan3A_166 to %scan3A_168 step %scan3A_169 iter_args(%scan3A_267 = %broadcast_in_dim3A_165) -> (vector<16xf32>)  : i32 {
          %add3A_268 = vector.broadcast %scan3A_266 : i32 to vector<16xi32>
          %add3A_269 = arith.addi %iota3A, %add3A_268 : vector<16xi32>
          %and3A = arith.constant 127 : i32
          %and3A_270 = vector.broadcast %and3A : i32 to vector<16xi32>
          %and3A_271 = arith.andi %add3A_269, %and3A_270 : vector<16xi32>
          %gather3A = tpu.vector_load_idx %arg13[%add3A_164, %and3A_271] : memref<128x128xf32, #tpu.memory_space<vmem>>[vector<16xi32>, vector<16xi32>], vector<16xf32>,
          %gather3A_272 = tpu.vector_load_idx %arg16[%add3A_164, %and3A_271] : memref<128x128xf32, #tpu.memory_space<vmem>>[vector<16xi32>, vector<16xi32>], vector<16xf32>,
          %mul3A_273 = arith.mulf %gather3A, %gather3A_272 : vector<16xf32>
          %add3A_274 = arith.addf %scan3A_267, %mul3A_273 : vector<16xf32>
          %scan3A_275 = arith.constant 1 : i32
          %scan3A_276 = arith.addi %scan3A_266, %scan3A_275 : i32
          %add3A_277 = vector.broadcast %scan3A_276 : i32 to vector<16xi32>
          %add3A_278 = arith.addi %iota3A, %add3A_277 : vector<16xi32>
          %and3A_279 = arith.constant 127 : i32
          %and3A_280 = vector.broadcast %and3A_279 : i32 to vector<16xi32>
          %and3A_281 = arith.andi %add3A_278, %and3A_280 : vector<16xi32>
          %gather3A_282 = tpu.vector_load_idx %arg13[%add3A_164, %and3A_281] : memref<128x128xf32, #tpu.memory_space<vmem>>[vector<16xi32>, vector<16xi32>], vector<16xf32>,
          %gather3A_283 = tpu.vector_load_idx %arg16[%add3A_164, %and3A_281] : memref<128x128xf32, #tpu.memory_space<vmem>>[vector<16xi32>, vector<16xi32>], vector<16xf32>,
          %mul3A_284 = arith.mulf %gather3A_282, %gather3A_283 : vector<16xf32>
          %add3A_285 = arith.addf %add3A_274, %mul3A_284 : vector<16xf32>
          %scan3A_286 = arith.constant 2 : i32
          %scan3A_287 = arith.addi %scan3A_266, %scan3A_286 : i32
          %add3A_288 = vector.broadcast %scan3A_287 : i32 to vector<16xi32>
          %add3A_289 = arith.addi %iota3A, %add3A_288 : vector<16xi32>
          %and3A_290 = arith.constant 127 : i32
          %and3A_291 = vector.broadcast %and3A_290 : i32 to vector<16xi32>
          %and3A_292 = arith.andi %add3A_289, %and3A_291 : vector<16xi32>
          %gather3A_293 = tpu.vector_load_idx %arg13[%add3A_164, %and3A_292] : memref<128x128xf32, #tpu.memory_space<vmem>>[vector<16xi32>, vector<16xi32>], vector<16xf32>,
          %gather3A_294 = tpu.vector_load_idx %arg16[%add3A_164, %and3A_292] : memref<128x128xf32, #tpu.memory_space<vmem>>[vector<16xi32>, vector<16xi32>], vector<16xf32>,
          %mul3A_295 = arith.mulf %gather3A_293, %gather3A_294 : vector<16xf32>
          %add3A_296 = arith.addf %add3A_285, %mul3A_295 : vector<16xf32>
          %scan3A_297 = arith.constant 3 : i32
          %scan3A_298 = arith.addi %scan3A_266, %scan3A_297 : i32
          %add3A_299 = vector.broadcast %scan3A_298 : i32 to vector<16xi32>
          %add3A_300 = arith.addi %iota3A, %add3A_299 : vector<16xi32>
          %and3A_301 = arith.constant 127 : i32
          %and3A_302 = vector.broadcast %and3A_301 : i32 to vector<16xi32>
          %and3A_303 = arith.andi %add3A_300, %and3A_302 : vector<16xi32>
          %gather3A_304 = tpu.vector_load_idx %arg13[%add3A_164, %and3A_303] : memref<128x128xf32, #tpu.memory_space<vmem>>[vector<16xi32>, vector<16xi32>], vector<16xf32>,
          %gather3A_305 = tpu.vector_load_idx %arg16[%add3A_164, %and3A_303] : memref<128x128xf32, #tpu.memory_space<vmem>>[vector<16xi32>, vector<16xi32>], vector<16xf32>,
          %mul3A_306 = arith.mulf %gather3A_304, %gather3A_305 : vector<16xf32>
          %add3A_307 = arith.addf %add3A_296, %mul3A_306 : vector<16xf32>
          %scan3A_308 = arith.constant 4 : i32
          %scan3A_309 = arith.addi %scan3A_266, %scan3A_308 : i32
          %add3A_310 = vector.broadcast %scan3A_309 : i32 to vector<16xi32>
          %add3A_311 = arith.addi %iota3A, %add3A_310 : vector<16xi32>
          %and3A_312 = arith.constant 127 : i32
          %and3A_313 = vector.broadcast %and3A_312 : i32 to vector<16xi32>
          %and3A_314 = arith.andi %add3A_311, %and3A_313 : vector<16xi32>
          %gather3A_315 = tpu.vector_load_idx %arg13[%add3A_164, %and3A_314] : memref<128x128xf32, #tpu.memory_space<vmem>>[vector<16xi32>, vector<16xi32>], vector<16xf32>,
          %gather3A_316 = tpu.vector_load_idx %arg16[%add3A_164, %and3A_314] : memref<128x128xf32, #tpu.memory_space<vmem>>[vector<16xi32>, vector<16xi32>], vector<16xf32>,
          %mul3A_317 = arith.mulf %gather3A_315, %gather3A_316 : vector<16xf32>
          %add3A_318 = arith.addf %add3A_307, %mul3A_317 : vector<16xf32>
          %scan3A_319 = arith.constant 5 : i32
          %scan3A_320 = arith.addi %scan3A_266, %scan3A_319 : i32
          %add3A_321 = vector.broadcast %scan3A_320 : i32 to vector<16xi32>
          %add3A_322 = arith.addi %iota3A, %add3A_321 : vector<16xi32>
          %and3A_323 = arith.constant 127 : i32
          %and3A_324 = vector.broadcast %and3A_323 : i32 to vector<16xi32>
          %and3A_325 = arith.andi %add3A_322, %and3A_324 : vector<16xi32>
          %gather3A_326 = tpu.vector_load_idx %arg13[%add3A_164, %and3A_325] : memref<128x128xf32, #tpu.memory_space<vmem>>[vector<16xi32>, vector<16xi32>], vector<16xf32>,
          %gather3A_327 = tpu.vector_load_idx %arg16[%add3A_164, %and3A_325] : memref<128x128xf32, #tpu.memory_space<vmem>>[vector<16xi32>, vector<16xi32>], vector<16xf32>,
          %mul3A_328 = arith.mulf %gather3A_326, %gather3A_327 : vector<16xf32>
          %add3A_329 = arith.addf %add3A_318, %mul3A_328 : vector<16xf32>
          %scan3A_330 = arith.constant 6 : i32
          %scan3A_331 = arith.addi %scan3A_266, %scan3A_330 : i32
          %add3A_332 = vector.broadcast %scan3A_331 : i32 to vector<16xi32>
          %add3A_333 = arith.addi %iota3A, %add3A_332 : vector<16xi32>
          %and3A_334 = arith.constant 127 : i32
          %and3A_335 = vector.broadcast %and3A_334 : i32 to vector<16xi32>
          %and3A_336 = arith.andi %add3A_333, %and3A_335 : vector<16xi32>
          %gather3A_337 = tpu.vector_load_idx %arg13[%add3A_164, %and3A_336] : memref<128x128xf32, #tpu.memory_space<vmem>>[vector<16xi32>, vector<16xi32>], vector<16xf32>,
          %gather3A_338 = tpu.vector_load_idx %arg16[%add3A_164, %and3A_336] : memref<128x128xf32, #tpu.memory_space<vmem>>[vector<16xi32>, vector<16xi32>], vector<16xf32>,
          %mul3A_339 = arith.mulf %gather3A_337, %gather3A_338 : vector<16xf32>
          %add3A_340 = arith.addf %add3A_329, %mul3A_339 : vector<16xf32>
          %scan3A_341 = arith.constant 7 : i32
          %scan3A_342 = arith.addi %scan3A_266, %scan3A_341 : i32
          %add3A_343 = vector.broadcast %scan3A_342 : i32 to vector<16xi32>
          %add3A_344 = arith.addi %iota3A, %add3A_343 : vector<16xi32>
          %and3A_345 = arith.constant 127 : i32
          %and3A_346 = vector.broadcast %and3A_345 : i32 to vector<16xi32>
          %and3A_347 = arith.andi %add3A_344, %and3A_346 : vector<16xi32>
          %gather3A_348 = tpu.vector_load_idx %arg13[%add3A_164, %and3A_347] : memref<128x128xf32, #tpu.memory_space<vmem>>[vector<16xi32>, vector<16xi32>], vector<16xf32>,
          %gather3A_349 = tpu.vector_load_idx %arg16[%add3A_164, %and3A_347] : memref<128x128xf32, #tpu.memory_space<vmem>>[vector<16xi32>, vector<16xi32>], vector<16xf32>,
          %mul3A_350 = arith.mulf %gather3A_348, %gather3A_349 : vector<16xf32>
          %add3A_351 = arith.addf %add3A_340, %mul3A_350 : vector<16xf32>
          scf.yield %add3A_351 : vector<16xf32>
        }
        %scan3A_171 = arith.constant 128 : i32
        %swap3A = arith.constant 0 : index
        %swap3A_172 = tpu.vector_load %arg19[%swap3A] {strides = array<i32>} : memref<128xf32, #tpu.memory_space<vmem>>, vector<16xf32>,
        tpu.vector_store %arg19[%swap3A], %scan3A_170 {strides = array<i32>} : memref<128xf32, #tpu.memory_space<vmem>>, vector<16xf32>,
        %add3A_173 = arith.constant 16 : i32
        %add3A_174 = vector.broadcast %add3A_173 : i32 to vector<16xi32>
        %add3A_175 = arith.addi %iota3A, %add3A_174 : vector<16xi32>
        %broadcast_in_dim3A_176 = arith.constant 0.000000e+00 : f32
        %broadcast_in_dim3A_177 = vector.broadcast %broadcast_in_dim3A_176 : f32 to vector<16xf32>
        %scan3A_178 = arith.constant 0 : i32
        %scan3A_179 = arith.constant 128 : i32
        %scan3A_180 = arith.addi %scan3A_178, %scan3A_179 : i32
        %scan3A_181 = arith.constant 8 : i32
        %scan3A_182 = scf.for %scan3A_266 = %scan3A_178 to %scan3A_180 step %scan3A_181 iter_args(%scan3A_267 = %broadcast_in_dim3A_177) -> (vector<16xf32>)  : i32 {
          %add3A_268 = vector.broadcast %scan3A_266 : i32 to vector<16xi32>
          %add3A_269 = arith.addi %iota3A, %add3A_268 : vector<16xi32>
          %and3A = arith.constant 127 : i32
          %and3A_270 = vector.broadcast %and3A : i32 to vector<16xi32>
          %and3A_271 = arith.andi %add3A_269, %and3A_270 : vector<16xi32>
          %gather3A = tpu.vector_load_idx %arg13[%add3A_175, %and3A_271] : memref<128x128xf32, #tpu.memory_space<vmem>>[vector<16xi32>, vector<16xi32>], vector<16xf32>,
          %gather3A_272 = tpu.vector_load_idx %arg16[%add3A_175, %and3A_271] : memref<128x128xf32, #tpu.memory_space<vmem>>[vector<16xi32>, vector<16xi32>], vector<16xf32>,
          %mul3A_273 = arith.mulf %gather3A, %gather3A_272 : vector<16xf32>
          %add3A_274 = arith.addf %scan3A_267, %mul3A_273 : vector<16xf32>
          %scan3A_275 = arith.constant 1 : i32
          %scan3A_276 = arith.addi %scan3A_266, %scan3A_275 : i32
          %add3A_277 = vector.broadcast %scan3A_276 : i32 to vector<16xi32>
          %add3A_278 = arith.addi %iota3A, %add3A_277 : vector<16xi32>
          %and3A_279 = arith.constant 127 : i32
          %and3A_280 = vector.broadcast %and3A_279 : i32 to vector<16xi32>
          %and3A_281 = arith.andi %add3A_278, %and3A_280 : vector<16xi32>
          %gather3A_282 = tpu.vector_load_idx %arg13[%add3A_175, %and3A_281] : memref<128x128xf32, #tpu.memory_space<vmem>>[vector<16xi32>, vector<16xi32>], vector<16xf32>,
          %gather3A_283 = tpu.vector_load_idx %arg16[%add3A_175, %and3A_281] : memref<128x128xf32, #tpu.memory_space<vmem>>[vector<16xi32>, vector<16xi32>], vector<16xf32>,
          %mul3A_284 = arith.mulf %gather3A_282, %gather3A_283 : vector<16xf32>
          %add3A_285 = arith.addf %add3A_274, %mul3A_284 : vector<16xf32>
          %scan3A_286 = arith.constant 2 : i32
          %scan3A_287 = arith.addi %scan3A_266, %scan3A_286 : i32
          %add3A_288 = vector.broadcast %scan3A_287 : i32 to vector<16xi32>
          %add3A_289 = arith.addi %iota3A, %add3A_288 : vector<16xi32>
          %and3A_290 = arith.constant 127 : i32
          %and3A_291 = vector.broadcast %and3A_290 : i32 to vector<16xi32>
          %and3A_292 = arith.andi %add3A_289, %and3A_291 : vector<16xi32>
          %gather3A_293 = tpu.vector_load_idx %arg13[%add3A_175, %and3A_292] : memref<128x128xf32, #tpu.memory_space<vmem>>[vector<16xi32>, vector<16xi32>], vector<16xf32>,
          %gather3A_294 = tpu.vector_load_idx %arg16[%add3A_175, %and3A_292] : memref<128x128xf32, #tpu.memory_space<vmem>>[vector<16xi32>, vector<16xi32>], vector<16xf32>,
          %mul3A_295 = arith.mulf %gather3A_293, %gather3A_294 : vector<16xf32>
          %add3A_296 = arith.addf %add3A_285, %mul3A_295 : vector<16xf32>
          %scan3A_297 = arith.constant 3 : i32
          %scan3A_298 = arith.addi %scan3A_266, %scan3A_297 : i32
          %add3A_299 = vector.broadcast %scan3A_298 : i32 to vector<16xi32>
          %add3A_300 = arith.addi %iota3A, %add3A_299 : vector<16xi32>
          %and3A_301 = arith.constant 127 : i32
          %and3A_302 = vector.broadcast %and3A_301 : i32 to vector<16xi32>
          %and3A_303 = arith.andi %add3A_300, %and3A_302 : vector<16xi32>
          %gather3A_304 = tpu.vector_load_idx %arg13[%add3A_175, %and3A_303] : memref<128x128xf32, #tpu.memory_space<vmem>>[vector<16xi32>, vector<16xi32>], vector<16xf32>,
          %gather3A_305 = tpu.vector_load_idx %arg16[%add3A_175, %and3A_303] : memref<128x128xf32, #tpu.memory_space<vmem>>[vector<16xi32>, vector<16xi32>], vector<16xf32>,
          %mul3A_306 = arith.mulf %gather3A_304, %gather3A_305 : vector<16xf32>
          %add3A_307 = arith.addf %add3A_296, %mul3A_306 : vector<16xf32>
          %scan3A_308 = arith.constant 4 : i32
          %scan3A_309 = arith.addi %scan3A_266, %scan3A_308 : i32
          %add3A_310 = vector.broadcast %scan3A_309 : i32 to vector<16xi32>
          %add3A_311 = arith.addi %iota3A, %add3A_310 : vector<16xi32>
          %and3A_312 = arith.constant 127 : i32
          %and3A_313 = vector.broadcast %and3A_312 : i32 to vector<16xi32>
          %and3A_314 = arith.andi %add3A_311, %and3A_313 : vector<16xi32>
          %gather3A_315 = tpu.vector_load_idx %arg13[%add3A_175, %and3A_314] : memref<128x128xf32, #tpu.memory_space<vmem>>[vector<16xi32>, vector<16xi32>], vector<16xf32>,
          %gather3A_316 = tpu.vector_load_idx %arg16[%add3A_175, %and3A_314] : memref<128x128xf32, #tpu.memory_space<vmem>>[vector<16xi32>, vector<16xi32>], vector<16xf32>,
          %mul3A_317 = arith.mulf %gather3A_315, %gather3A_316 : vector<16xf32>
          %add3A_318 = arith.addf %add3A_307, %mul3A_317 : vector<16xf32>
          %scan3A_319 = arith.constant 5 : i32
          %scan3A_320 = arith.addi %scan3A_266, %scan3A_319 : i32
          %add3A_321 = vector.broadcast %scan3A_320 : i32 to vector<16xi32>
          %add3A_322 = arith.addi %iota3A, %add3A_321 : vector<16xi32>
          %and3A_323 = arith.constant 127 : i32
          %and3A_324 = vector.broadcast %and3A_323 : i32 to vector<16xi32>
          %and3A_325 = arith.andi %add3A_322, %and3A_324 : vector<16xi32>
          %gather3A_326 = tpu.vector_load_idx %arg13[%add3A_175, %and3A_325] : memref<128x128xf32, #tpu.memory_space<vmem>>[vector<16xi32>, vector<16xi32>], vector<16xf32>,
          %gather3A_327 = tpu.vector_load_idx %arg16[%add3A_175, %and3A_325] : memref<128x128xf32, #tpu.memory_space<vmem>>[vector<16xi32>, vector<16xi32>], vector<16xf32>,
          %mul3A_328 = arith.mulf %gather3A_326, %gather3A_327 : vector<16xf32>
          %add3A_329 = arith.addf %add3A_318, %mul3A_328 : vector<16xf32>
          %scan3A_330 = arith.constant 6 : i32
          %scan3A_331 = arith.addi %scan3A_266, %scan3A_330 : i32
          %add3A_332 = vector.broadcast %scan3A_331 : i32 to vector<16xi32>
          %add3A_333 = arith.addi %iota3A, %add3A_332 : vector<16xi32>
          %and3A_334 = arith.constant 127 : i32
          %and3A_335 = vector.broadcast %and3A_334 : i32 to vector<16xi32>
          %and3A_336 = arith.andi %add3A_333, %and3A_335 : vector<16xi32>
          %gather3A_337 = tpu.vector_load_idx %arg13[%add3A_175, %and3A_336] : memref<128x128xf32, #tpu.memory_space<vmem>>[vector<16xi32>, vector<16xi32>], vector<16xf32>,
          %gather3A_338 = tpu.vector_load_idx %arg16[%add3A_175, %and3A_336] : memref<128x128xf32, #tpu.memory_space<vmem>>[vector<16xi32>, vector<16xi32>], vector<16xf32>,
          %mul3A_339 = arith.mulf %gather3A_337, %gather3A_338 : vector<16xf32>
          %add3A_340 = arith.addf %add3A_329, %mul3A_339 : vector<16xf32>
          %scan3A_341 = arith.constant 7 : i32
          %scan3A_342 = arith.addi %scan3A_266, %scan3A_341 : i32
          %add3A_343 = vector.broadcast %scan3A_342 : i32 to vector<16xi32>
          %add3A_344 = arith.addi %iota3A, %add3A_343 : vector<16xi32>
          %and3A_345 = arith.constant 127 : i32
          %and3A_346 = vector.broadcast %and3A_345 : i32 to vector<16xi32>
          %and3A_347 = arith.andi %add3A_344, %and3A_346 : vector<16xi32>
          %gather3A_348 = tpu.vector_load_idx %arg13[%add3A_175, %and3A_347] : memref<128x128xf32, #tpu.memory_space<vmem>>[vector<16xi32>, vector<16xi32>], vector<16xf32>,
          %gather3A_349 = tpu.vector_load_idx %arg16[%add3A_175, %and3A_347] : memref<128x128xf32, #tpu.memory_space<vmem>>[vector<16xi32>, vector<16xi32>], vector<16xf32>,
          %mul3A_350 = arith.mulf %gather3A_348, %gather3A_349 : vector<16xf32>
          %add3A_351 = arith.addf %add3A_340, %mul3A_350 : vector<16xf32>
          scf.yield %add3A_351 : vector<16xf32>
        }
        %scan3A_183 = arith.constant 128 : i32
        %swap3A_184 = arith.constant 16 : index
        %swap3A_185 = tpu.vector_load %arg19[%swap3A_184] {strides = array<i32>} : memref<128xf32, #tpu.memory_space<vmem>>, vector<16xf32>,
        tpu.vector_store %arg19[%swap3A_184], %scan3A_182 {strides = array<i32>} : memref<128xf32, #tpu.memory_space<vmem>>, vector<16xf32>,
        %add3A_186 = arith.constant 32 : i32
        %add3A_187 = vector.broadcast %add3A_186 : i32 to vector<16xi32>
        %add3A_188 = arith.addi %iota3A, %add3A_187 : vector<16xi32>
        %broadcast_in_dim3A_189 = arith.constant 0.000000e+00 : f32
        %broadcast_in_dim3A_190 = vector.broadcast %broadcast_in_dim3A_189 : f32 to vector<16xf32>
        %scan3A_191 = arith.constant 0 : i32
        %scan3A_192 = arith.constant 128 : i32
        %scan3A_193 = arith.addi %scan3A_191, %scan3A_192 : i32
        %scan3A_194 = arith.constant 8 : i32
        %scan3A_195 = scf.for %scan3A_266 = %scan3A_191 to %scan3A_193 step %scan3A_194 iter_args(%scan3A_267 = %broadcast_in_dim3A_190) -> (vector<16xf32>)  : i32 {
          %add3A_268 = vector.broadcast %scan3A_266 : i32 to vector<16xi32>
          %add3A_269 = arith.addi %iota3A, %add3A_268 : vector<16xi32>
          %and3A = arith.constant 127 : i32
          %and3A_270 = vector.broadcast %and3A : i32 to vector<16xi32>
          %and3A_271 = arith.andi %add3A_269, %and3A_270 : vector<16xi32>
          %gather3A = tpu.vector_load_idx %arg13[%add3A_188, %and3A_271] : memref<128x128xf32, #tpu.memory_space<vmem>>[vector<16xi32>, vector<16xi32>], vector<16xf32>,
          %gather3A_272 = tpu.vector_load_idx %arg16[%add3A_188, %and3A_271] : memref<128x128xf32, #tpu.memory_space<vmem>>[vector<16xi32>, vector<16xi32>], vector<16xf32>,
          %mul3A_273 = arith.mulf %gather3A, %gather3A_272 : vector<16xf32>
          %add3A_274 = arith.addf %scan3A_267, %mul3A_273 : vector<16xf32>
          %scan3A_275 = arith.constant 1 : i32
          %scan3A_276 = arith.addi %scan3A_266, %scan3A_275 : i32
          %add3A_277 = vector.broadcast %scan3A_276 : i32 to vector<16xi32>
          %add3A_278 = arith.addi %iota3A, %add3A_277 : vector<16xi32>
          %and3A_279 = arith.constant 127 : i32
          %and3A_280 = vector.broadcast %and3A_279 : i32 to vector<16xi32>
          %and3A_281 = arith.andi %add3A_278, %and3A_280 : vector<16xi32>
          %gather3A_282 = tpu.vector_load_idx %arg13[%add3A_188, %and3A_281] : memref<128x128xf32, #tpu.memory_space<vmem>>[vector<16xi32>, vector<16xi32>], vector<16xf32>,
          %gather3A_283 = tpu.vector_load_idx %arg16[%add3A_188, %and3A_281] : memref<128x128xf32, #tpu.memory_space<vmem>>[vector<16xi32>, vector<16xi32>], vector<16xf32>,
          %mul3A_284 = arith.mulf %gather3A_282, %gather3A_283 : vector<16xf32>
          %add3A_285 = arith.addf %add3A_274, %mul3A_284 : vector<16xf32>
          %scan3A_286 = arith.constant 2 : i32
          %scan3A_287 = arith.addi %scan3A_266, %scan3A_286 : i32
          %add3A_288 = vector.broadcast %scan3A_287 : i32 to vector<16xi32>
          %add3A_289 = arith.addi %iota3A, %add3A_288 : vector<16xi32>
          %and3A_290 = arith.constant 127 : i32
          %and3A_291 = vector.broadcast %and3A_290 : i32 to vector<16xi32>
          %and3A_292 = arith.andi %add3A_289, %and3A_291 : vector<16xi32>
          %gather3A_293 = tpu.vector_load_idx %arg13[%add3A_188, %and3A_292] : memref<128x128xf32, #tpu.memory_space<vmem>>[vector<16xi32>, vector<16xi32>], vector<16xf32>,
          %gather3A_294 = tpu.vector_load_idx %arg16[%add3A_188, %and3A_292] : memref<128x128xf32, #tpu.memory_space<vmem>>[vector<16xi32>, vector<16xi32>], vector<16xf32>,
          %mul3A_295 = arith.mulf %gather3A_293, %gather3A_294 : vector<16xf32>
          %add3A_296 = arith.addf %add3A_285, %mul3A_295 : vector<16xf32>
          %scan3A_297 = arith.constant 3 : i32
          %scan3A_298 = arith.addi %scan3A_266, %scan3A_297 : i32
          %add3A_299 = vector.broadcast %scan3A_298 : i32 to vector<16xi32>
          %add3A_300 = arith.addi %iota3A, %add3A_299 : vector<16xi32>
          %and3A_301 = arith.constant 127 : i32
          %and3A_302 = vector.broadcast %and3A_301 : i32 to vector<16xi32>
          %and3A_303 = arith.andi %add3A_300, %and3A_302 : vector<16xi32>
          %gather3A_304 = tpu.vector_load_idx %arg13[%add3A_188, %and3A_303] : memref<128x128xf32, #tpu.memory_space<vmem>>[vector<16xi32>, vector<16xi32>], vector<16xf32>,
          %gather3A_305 = tpu.vector_load_idx %arg16[%add3A_188, %and3A_303] : memref<128x128xf32, #tpu.memory_space<vmem>>[vector<16xi32>, vector<16xi32>], vector<16xf32>,
          %mul3A_306 = arith.mulf %gather3A_304, %gather3A_305 : vector<16xf32>
          %add3A_307 = arith.addf %add3A_296, %mul3A_306 : vector<16xf32>
          %scan3A_308 = arith.constant 4 : i32
          %scan3A_309 = arith.addi %scan3A_266, %scan3A_308 : i32
          %add3A_310 = vector.broadcast %scan3A_309 : i32 to vector<16xi32>
          %add3A_311 = arith.addi %iota3A, %add3A_310 : vector<16xi32>
          %and3A_312 = arith.constant 127 : i32
          %and3A_313 = vector.broadcast %and3A_312 : i32 to vector<16xi32>
          %and3A_314 = arith.andi %add3A_311, %and3A_313 : vector<16xi32>
          %gather3A_315 = tpu.vector_load_idx %arg13[%add3A_188, %and3A_314] : memref<128x128xf32, #tpu.memory_space<vmem>>[vector<16xi32>, vector<16xi32>], vector<16xf32>,
          %gather3A_316 = tpu.vector_load_idx %arg16[%add3A_188, %and3A_314] : memref<128x128xf32, #tpu.memory_space<vmem>>[vector<16xi32>, vector<16xi32>], vector<16xf32>,
          %mul3A_317 = arith.mulf %gather3A_315, %gather3A_316 : vector<16xf32>
          %add3A_318 = arith.addf %add3A_307, %mul3A_317 : vector<16xf32>
          %scan3A_319 = arith.constant 5 : i32
          %scan3A_320 = arith.addi %scan3A_266, %scan3A_319 : i32
          %add3A_321 = vector.broadcast %scan3A_320 : i32 to vector<16xi32>
          %add3A_322 = arith.addi %iota3A, %add3A_321 : vector<16xi32>
          %and3A_323 = arith.constant 127 : i32
          %and3A_324 = vector.broadcast %and3A_323 : i32 to vector<16xi32>
          %and3A_325 = arith.andi %add3A_322, %and3A_324 : vector<16xi32>
          %gather3A_326 = tpu.vector_load_idx %arg13[%add3A_188, %and3A_325] : memref<128x128xf32, #tpu.memory_space<vmem>>[vector<16xi32>, vector<16xi32>], vector<16xf32>,
          %gather3A_327 = tpu.vector_load_idx %arg16[%add3A_188, %and3A_325] : memref<128x128xf32, #tpu.memory_space<vmem>>[vector<16xi32>, vector<16xi32>], vector<16xf32>,
          %mul3A_328 = arith.mulf %gather3A_326, %gather3A_327 : vector<16xf32>
          %add3A_329 = arith.addf %add3A_318, %mul3A_328 : vector<16xf32>
          %scan3A_330 = arith.constant 6 : i32
          %scan3A_331 = arith.addi %scan3A_266, %scan3A_330 : i32
          %add3A_332 = vector.broadcast %scan3A_331 : i32 to vector<16xi32>
          %add3A_333 = arith.addi %iota3A, %add3A_332 : vector<16xi32>
          %and3A_334 = arith.constant 127 : i32
          %and3A_335 = vector.broadcast %and3A_334 : i32 to vector<16xi32>
          %and3A_336 = arith.andi %add3A_333, %and3A_335 : vector<16xi32>
          %gather3A_337 = tpu.vector_load_idx %arg13[%add3A_188, %and3A_336] : memref<128x128xf32, #tpu.memory_space<vmem>>[vector<16xi32>, vector<16xi32>], vector<16xf32>,
          %gather3A_338 = tpu.vector_load_idx %arg16[%add3A_188, %and3A_336] : memref<128x128xf32, #tpu.memory_space<vmem>>[vector<16xi32>, vector<16xi32>], vector<16xf32>,
          %mul3A_339 = arith.mulf %gather3A_337, %gather3A_338 : vector<16xf32>
          %add3A_340 = arith.addf %add3A_329, %mul3A_339 : vector<16xf32>
          %scan3A_341 = arith.constant 7 : i32
          %scan3A_342 = arith.addi %scan3A_266, %scan3A_341 : i32
          %add3A_343 = vector.broadcast %scan3A_342 : i32 to vector<16xi32>
          %add3A_344 = arith.addi %iota3A, %add3A_343 : vector<16xi32>
          %and3A_345 = arith.constant 127 : i32
          %and3A_346 = vector.broadcast %and3A_345 : i32 to vector<16xi32>
          %and3A_347 = arith.andi %add3A_344, %and3A_346 : vector<16xi32>
          %gather3A_348 = tpu.vector_load_idx %arg13[%add3A_188, %and3A_347] : memref<128x128xf32, #tpu.memory_space<vmem>>[vector<16xi32>, vector<16xi32>], vector<16xf32>,
          %gather3A_349 = tpu.vector_load_idx %arg16[%add3A_188, %and3A_347] : memref<128x128xf32, #tpu.memory_space<vmem>>[vector<16xi32>, vector<16xi32>], vector<16xf32>,
          %mul3A_350 = arith.mulf %gather3A_348, %gather3A_349 : vector<16xf32>
          %add3A_351 = arith.addf %add3A_340, %mul3A_350 : vector<16xf32>
          scf.yield %add3A_351 : vector<16xf32>
        }
        %scan3A_196 = arith.constant 128 : i32
        %swap3A_197 = arith.constant 32 : index
        %swap3A_198 = tpu.vector_load %arg19[%swap3A_197] {strides = array<i32>} : memref<128xf32, #tpu.memory_space<vmem>>, vector<16xf32>,
        tpu.vector_store %arg19[%swap3A_197], %scan3A_195 {strides = array<i32>} : memref<128xf32, #tpu.memory_space<vmem>>, vector<16xf32>,
        %add3A_199 = arith.constant 48 : i32
        %add3A_200 = vector.broadcast %add3A_199 : i32 to vector<16xi32>
        %add3A_201 = arith.addi %iota3A, %add3A_200 : vector<16xi32>
        %broadcast_in_dim3A_202 = arith.constant 0.000000e+00 : f32
        %broadcast_in_dim3A_203 = vector.broadcast %broadcast_in_dim3A_202 : f32 to vector<16xf32>
        %scan3A_204 = arith.constant 0 : i32
        %scan3A_205 = arith.constant 128 : i32
        %scan3A_206 = arith.addi %scan3A_204, %scan3A_205 : i32
        %scan3A_207 = arith.constant 8 : i32
        %scan3A_208 = scf.for %scan3A_266 = %scan3A_204 to %scan3A_206 step %scan3A_207 iter_args(%scan3A_267 = %broadcast_in_dim3A_203) -> (vector<16xf32>)  : i32 {
          %add3A_268 = vector.broadcast %scan3A_266 : i32 to vector<16xi32>
          %add3A_269 = arith.addi %iota3A, %add3A_268 : vector<16xi32>
          %and3A = arith.constant 127 : i32
          %and3A_270 = vector.broadcast %and3A : i32 to vector<16xi32>
          %and3A_271 = arith.andi %add3A_269, %and3A_270 : vector<16xi32>
          %gather3A = tpu.vector_load_idx %arg13[%add3A_201, %and3A_271] : memref<128x128xf32, #tpu.memory_space<vmem>>[vector<16xi32>, vector<16xi32>], vector<16xf32>,
          %gather3A_272 = tpu.vector_load_idx %arg16[%add3A_201, %and3A_271] : memref<128x128xf32, #tpu.memory_space<vmem>>[vector<16xi32>, vector<16xi32>], vector<16xf32>,
          %mul3A_273 = arith.mulf %gather3A, %gather3A_272 : vector<16xf32>
          %add3A_274 = arith.addf %scan3A_267, %mul3A_273 : vector<16xf32>
          %scan3A_275 = arith.constant 1 : i32
          %scan3A_276 = arith.addi %scan3A_266, %scan3A_275 : i32
          %add3A_277 = vector.broadcast %scan3A_276 : i32 to vector<16xi32>
          %add3A_278 = arith.addi %iota3A, %add3A_277 : vector<16xi32>
          %and3A_279 = arith.constant 127 : i32
          %and3A_280 = vector.broadcast %and3A_279 : i32 to vector<16xi32>
          %and3A_281 = arith.andi %add3A_278, %and3A_280 : vector<16xi32>
          %gather3A_282 = tpu.vector_load_idx %arg13[%add3A_201, %and3A_281] : memref<128x128xf32, #tpu.memory_space<vmem>>[vector<16xi32>, vector<16xi32>], vector<16xf32>,
          %gather3A_283 = tpu.vector_load_idx %arg16[%add3A_201, %and3A_281] : memref<128x128xf32, #tpu.memory_space<vmem>>[vector<16xi32>, vector<16xi32>], vector<16xf32>,
          %mul3A_284 = arith.mulf %gather3A_282, %gather3A_283 : vector<16xf32>
          %add3A_285 = arith.addf %add3A_274, %mul3A_284 : vector<16xf32>
          %scan3A_286 = arith.constant 2 : i32
          %scan3A_287 = arith.addi %scan3A_266, %scan3A_286 : i32
          %add3A_288 = vector.broadcast %scan3A_287 : i32 to vector<16xi32>
          %add3A_289 = arith.addi %iota3A, %add3A_288 : vector<16xi32>
          %and3A_290 = arith.constant 127 : i32
          %and3A_291 = vector.broadcast %and3A_290 : i32 to vector<16xi32>
          %and3A_292 = arith.andi %add3A_289, %and3A_291 : vector<16xi32>
          %gather3A_293 = tpu.vector_load_idx %arg13[%add3A_201, %and3A_292] : memref<128x128xf32, #tpu.memory_space<vmem>>[vector<16xi32>, vector<16xi32>], vector<16xf32>,
          %gather3A_294 = tpu.vector_load_idx %arg16[%add3A_201, %and3A_292] : memref<128x128xf32, #tpu.memory_space<vmem>>[vector<16xi32>, vector<16xi32>], vector<16xf32>,
          %mul3A_295 = arith.mulf %gather3A_293, %gather3A_294 : vector<16xf32>
          %add3A_296 = arith.addf %add3A_285, %mul3A_295 : vector<16xf32>
          %scan3A_297 = arith.constant 3 : i32
          %scan3A_298 = arith.addi %scan3A_266, %scan3A_297 : i32
          %add3A_299 = vector.broadcast %scan3A_298 : i32 to vector<16xi32>
          %add3A_300 = arith.addi %iota3A, %add3A_299 : vector<16xi32>
          %and3A_301 = arith.constant 127 : i32
          %and3A_302 = vector.broadcast %and3A_301 : i32 to vector<16xi32>
          %and3A_303 = arith.andi %add3A_300, %and3A_302 : vector<16xi32>
          %gather3A_304 = tpu.vector_load_idx %arg13[%add3A_201, %and3A_303] : memref<128x128xf32, #tpu.memory_space<vmem>>[vector<16xi32>, vector<16xi32>], vector<16xf32>,
          %gather3A_305 = tpu.vector_load_idx %arg16[%add3A_201, %and3A_303] : memref<128x128xf32, #tpu.memory_space<vmem>>[vector<16xi32>, vector<16xi32>], vector<16xf32>,
          %mul3A_306 = arith.mulf %gather3A_304, %gather3A_305 : vector<16xf32>
          %add3A_307 = arith.addf %add3A_296, %mul3A_306 : vector<16xf32>
          %scan3A_308 = arith.constant 4 : i32
          %scan3A_309 = arith.addi %scan3A_266, %scan3A_308 : i32
          %add3A_310 = vector.broadcast %scan3A_309 : i32 to vector<16xi32>
          %add3A_311 = arith.addi %iota3A, %add3A_310 : vector<16xi32>
          %and3A_312 = arith.constant 127 : i32
          %and3A_313 = vector.broadcast %and3A_312 : i32 to vector<16xi32>
          %and3A_314 = arith.andi %add3A_311, %and3A_313 : vector<16xi32>
          %gather3A_315 = tpu.vector_load_idx %arg13[%add3A_201, %and3A_314] : memref<128x128xf32, #tpu.memory_space<vmem>>[vector<16xi32>, vector<16xi32>], vector<16xf32>,
          %gather3A_316 = tpu.vector_load_idx %arg16[%add3A_201, %and3A_314] : memref<128x128xf32, #tpu.memory_space<vmem>>[vector<16xi32>, vector<16xi32>], vector<16xf32>,
          %mul3A_317 = arith.mulf %gather3A_315, %gather3A_316 : vector<16xf32>
          %add3A_318 = arith.addf %add3A_307, %mul3A_317 : vector<16xf32>
          %scan3A_319 = arith.constant 5 : i32
          %scan3A_320 = arith.addi %scan3A_266, %scan3A_319 : i32
          %add3A_321 = vector.broadcast %scan3A_320 : i32 to vector<16xi32>
          %add3A_322 = arith.addi %iota3A, %add3A_321 : vector<16xi32>
          %and3A_323 = arith.constant 127 : i32
          %and3A_324 = vector.broadcast %and3A_323 : i32 to vector<16xi32>
          %and3A_325 = arith.andi %add3A_322, %and3A_324 : vector<16xi32>
          %gather3A_326 = tpu.vector_load_idx %arg13[%add3A_201, %and3A_325] : memref<128x128xf32, #tpu.memory_space<vmem>>[vector<16xi32>, vector<16xi32>], vector<16xf32>,
          %gather3A_327 = tpu.vector_load_idx %arg16[%add3A_201, %and3A_325] : memref<128x128xf32, #tpu.memory_space<vmem>>[vector<16xi32>, vector<16xi32>], vector<16xf32>,
          %mul3A_328 = arith.mulf %gather3A_326, %gather3A_327 : vector<16xf32>
          %add3A_329 = arith.addf %add3A_318, %mul3A_328 : vector<16xf32>
          %scan3A_330 = arith.constant 6 : i32
          %scan3A_331 = arith.addi %scan3A_266, %scan3A_330 : i32
          %add3A_332 = vector.broadcast %scan3A_331 : i32 to vector<16xi32>
          %add3A_333 = arith.addi %iota3A, %add3A_332 : vector<16xi32>
          %and3A_334 = arith.constant 127 : i32
          %and3A_335 = vector.broadcast %and3A_334 : i32 to vector<16xi32>
          %and3A_336 = arith.andi %add3A_333, %and3A_335 : vector<16xi32>
          %gather3A_337 = tpu.vector_load_idx %arg13[%add3A_201, %and3A_336] : memref<128x128xf32, #tpu.memory_space<vmem>>[vector<16xi32>, vector<16xi32>], vector<16xf32>,
          %gather3A_338 = tpu.vector_load_idx %arg16[%add3A_201, %and3A_336] : memref<128x128xf32, #tpu.memory_space<vmem>>[vector<16xi32>, vector<16xi32>], vector<16xf32>,
          %mul3A_339 = arith.mulf %gather3A_337, %gather3A_338 : vector<16xf32>
          %add3A_340 = arith.addf %add3A_329, %mul3A_339 : vector<16xf32>
          %scan3A_341 = arith.constant 7 : i32
          %scan3A_342 = arith.addi %scan3A_266, %scan3A_341 : i32
          %add3A_343 = vector.broadcast %scan3A_342 : i32 to vector<16xi32>
          %add3A_344 = arith.addi %iota3A, %add3A_343 : vector<16xi32>
          %and3A_345 = arith.constant 127 : i32
          %and3A_346 = vector.broadcast %and3A_345 : i32 to vector<16xi32>
          %and3A_347 = arith.andi %add3A_344, %and3A_346 : vector<16xi32>
          %gather3A_348 = tpu.vector_load_idx %arg13[%add3A_201, %and3A_347] : memref<128x128xf32, #tpu.memory_space<vmem>>[vector<16xi32>, vector<16xi32>], vector<16xf32>,
          %gather3A_349 = tpu.vector_load_idx %arg16[%add3A_201, %and3A_347] : memref<128x128xf32, #tpu.memory_space<vmem>>[vector<16xi32>, vector<16xi32>], vector<16xf32>,
          %mul3A_350 = arith.mulf %gather3A_348, %gather3A_349 : vector<16xf32>
          %add3A_351 = arith.addf %add3A_340, %mul3A_350 : vector<16xf32>
          scf.yield %add3A_351 : vector<16xf32>
        }
        %scan3A_209 = arith.constant 128 : i32
        %swap3A_210 = arith.constant 48 : index
        %swap3A_211 = tpu.vector_load %arg19[%swap3A_210] {strides = array<i32>} : memref<128xf32, #tpu.memory_space<vmem>>, vector<16xf32>,
        tpu.vector_store %arg19[%swap3A_210], %scan3A_208 {strides = array<i32>} : memref<128xf32, #tpu.memory_space<vmem>>, vector<16xf32>,
        %add3A_212 = arith.constant 64 : i32
        %add3A_213 = vector.broadcast %add3A_212 : i32 to vector<16xi32>
        %add3A_214 = arith.addi %iota3A, %add3A_213 : vector<16xi32>
        %broadcast_in_dim3A_215 = arith.constant 0.000000e+00 : f32
        %broadcast_in_dim3A_216 = vector.broadcast %broadcast_in_dim3A_215 : f32 to vector<16xf32>
        %scan3A_217 = arith.constant 0 : i32
        %scan3A_218 = arith.constant 128 : i32
        %scan3A_219 = arith.addi %scan3A_217, %scan3A_218 : i32
        %scan3A_220 = arith.constant 8 : i32
        %scan3A_221 = scf.for %scan3A_266 = %scan3A_217 to %scan3A_219 step %scan3A_220 iter_args(%scan3A_267 = %broadcast_in_dim3A_216) -> (vector<16xf32>)  : i32 {
          %add3A_268 = vector.broadcast %scan3A_266 : i32 to vector<16xi32>
          %add3A_269 = arith.addi %iota3A, %add3A_268 : vector<16xi32>
          %and3A = arith.constant 127 : i32
          %and3A_270 = vector.broadcast %and3A : i32 to vector<16xi32>
          %and3A_271 = arith.andi %add3A_269, %and3A_270 : vector<16xi32>
          %gather3A = tpu.vector_load_idx %arg13[%add3A_214, %and3A_271] : memref<128x128xf32, #tpu.memory_space<vmem>>[vector<16xi32>, vector<16xi32>], vector<16xf32>,
          %gather3A_272 = tpu.vector_load_idx %arg16[%add3A_214, %and3A_271] : memref<128x128xf32, #tpu.memory_space<vmem>>[vector<16xi32>, vector<16xi32>], vector<16xf32>,
          %mul3A_273 = arith.mulf %gather3A, %gather3A_272 : vector<16xf32>
          %add3A_274 = arith.addf %scan3A_267, %mul3A_273 : vector<16xf32>
          %scan3A_275 = arith.constant 1 : i32
          %scan3A_276 = arith.addi %scan3A_266, %scan3A_275 : i32
          %add3A_277 = vector.broadcast %scan3A_276 : i32 to vector<16xi32>
          %add3A_278 = arith.addi %iota3A, %add3A_277 : vector<16xi32>
          %and3A_279 = arith.constant 127 : i32
          %and3A_280 = vector.broadcast %and3A_279 : i32 to vector<16xi32>
          %and3A_281 = arith.andi %add3A_278, %and3A_280 : vector<16xi32>
          %gather3A_282 = tpu.vector_load_idx %arg13[%add3A_214, %and3A_281] : memref<128x128xf32, #tpu.memory_space<vmem>>[vector<16xi32>, vector<16xi32>], vector<16xf32>,
          %gather3A_283 = tpu.vector_load_idx %arg16[%add3A_214, %and3A_281] : memref<128x128xf32, #tpu.memory_space<vmem>>[vector<16xi32>, vector<16xi32>], vector<16xf32>,
          %mul3A_284 = arith.mulf %gather3A_282, %gather3A_283 : vector<16xf32>
          %add3A_285 = arith.addf %add3A_274, %mul3A_284 : vector<16xf32>
          %scan3A_286 = arith.constant 2 : i32
          %scan3A_287 = arith.addi %scan3A_266, %scan3A_286 : i32
          %add3A_288 = vector.broadcast %scan3A_287 : i32 to vector<16xi32>
          %add3A_289 = arith.addi %iota3A, %add3A_288 : vector<16xi32>
          %and3A_290 = arith.constant 127 : i32
          %and3A_291 = vector.broadcast %and3A_290 : i32 to vector<16xi32>
          %and3A_292 = arith.andi %add3A_289, %and3A_291 : vector<16xi32>
          %gather3A_293 = tpu.vector_load_idx %arg13[%add3A_214, %and3A_292] : memref<128x128xf32, #tpu.memory_space<vmem>>[vector<16xi32>, vector<16xi32>], vector<16xf32>,
          %gather3A_294 = tpu.vector_load_idx %arg16[%add3A_214, %and3A_292] : memref<128x128xf32, #tpu.memory_space<vmem>>[vector<16xi32>, vector<16xi32>], vector<16xf32>,
          %mul3A_295 = arith.mulf %gather3A_293, %gather3A_294 : vector<16xf32>
          %add3A_296 = arith.addf %add3A_285, %mul3A_295 : vector<16xf32>
          %scan3A_297 = arith.constant 3 : i32
          %scan3A_298 = arith.addi %scan3A_266, %scan3A_297 : i32
          %add3A_299 = vector.broadcast %scan3A_298 : i32 to vector<16xi32>
          %add3A_300 = arith.addi %iota3A, %add3A_299 : vector<16xi32>
          %and3A_301 = arith.constant 127 : i32
          %and3A_302 = vector.broadcast %and3A_301 : i32 to vector<16xi32>
          %and3A_303 = arith.andi %add3A_300, %and3A_302 : vector<16xi32>
          %gather3A_304 = tpu.vector_load_idx %arg13[%add3A_214, %and3A_303] : memref<128x128xf32, #tpu.memory_space<vmem>>[vector<16xi32>, vector<16xi32>], vector<16xf32>,
          %gather3A_305 = tpu.vector_load_idx %arg16[%add3A_214, %and3A_303] : memref<128x128xf32, #tpu.memory_space<vmem>>[vector<16xi32>, vector<16xi32>], vector<16xf32>,
          %mul3A_306 = arith.mulf %gather3A_304, %gather3A_305 : vector<16xf32>
          %add3A_307 = arith.addf %add3A_296, %mul3A_306 : vector<16xf32>
          %scan3A_308 = arith.constant 4 : i32
          %scan3A_309 = arith.addi %scan3A_266, %scan3A_308 : i32
          %add3A_310 = vector.broadcast %scan3A_309 : i32 to vector<16xi32>
          %add3A_311 = arith.addi %iota3A, %add3A_310 : vector<16xi32>
          %and3A_312 = arith.constant 127 : i32
          %and3A_313 = vector.broadcast %and3A_312 : i32 to vector<16xi32>
          %and3A_314 = arith.andi %add3A_311, %and3A_313 : vector<16xi32>
          %gather3A_315 = tpu.vector_load_idx %arg13[%add3A_214, %and3A_314] : memref<128x128xf32, #tpu.memory_space<vmem>>[vector<16xi32>, vector<16xi32>], vector<16xf32>,
          %gather3A_316 = tpu.vector_load_idx %arg16[%add3A_214, %and3A_314] : memref<128x128xf32, #tpu.memory_space<vmem>>[vector<16xi32>, vector<16xi32>], vector<16xf32>,
          %mul3A_317 = arith.mulf %gather3A_315, %gather3A_316 : vector<16xf32>
          %add3A_318 = arith.addf %add3A_307, %mul3A_317 : vector<16xf32>
          %scan3A_319 = arith.constant 5 : i32
          %scan3A_320 = arith.addi %scan3A_266, %scan3A_319 : i32
          %add3A_321 = vector.broadcast %scan3A_320 : i32 to vector<16xi32>
          %add3A_322 = arith.addi %iota3A, %add3A_321 : vector<16xi32>
          %and3A_323 = arith.constant 127 : i32
          %and3A_324 = vector.broadcast %and3A_323 : i32 to vector<16xi32>
          %and3A_325 = arith.andi %add3A_322, %and3A_324 : vector<16xi32>
          %gather3A_326 = tpu.vector_load_idx %arg13[%add3A_214, %and3A_325] : memref<128x128xf32, #tpu.memory_space<vmem>>[vector<16xi32>, vector<16xi32>], vector<16xf32>,
          %gather3A_327 = tpu.vector_load_idx %arg16[%add3A_214, %and3A_325] : memref<128x128xf32, #tpu.memory_space<vmem>>[vector<16xi32>, vector<16xi32>], vector<16xf32>,
          %mul3A_328 = arith.mulf %gather3A_326, %gather3A_327 : vector<16xf32>
          %add3A_329 = arith.addf %add3A_318, %mul3A_328 : vector<16xf32>
          %scan3A_330 = arith.constant 6 : i32
          %scan3A_331 = arith.addi %scan3A_266, %scan3A_330 : i32
          %add3A_332 = vector.broadcast %scan3A_331 : i32 to vector<16xi32>
          %add3A_333 = arith.addi %iota3A, %add3A_332 : vector<16xi32>
          %and3A_334 = arith.constant 127 : i32
          %and3A_335 = vector.broadcast %and3A_334 : i32 to vector<16xi32>
          %and3A_336 = arith.andi %add3A_333, %and3A_335 : vector<16xi32>
          %gather3A_337 = tpu.vector_load_idx %arg13[%add3A_214, %and3A_336] : memref<128x128xf32, #tpu.memory_space<vmem>>[vector<16xi32>, vector<16xi32>], vector<16xf32>,
          %gather3A_338 = tpu.vector_load_idx %arg16[%add3A_214, %and3A_336] : memref<128x128xf32, #tpu.memory_space<vmem>>[vector<16xi32>, vector<16xi32>], vector<16xf32>,
          %mul3A_339 = arith.mulf %gather3A_337, %gather3A_338 : vector<16xf32>
          %add3A_340 = arith.addf %add3A_329, %mul3A_339 : vector<16xf32>
          %scan3A_341 = arith.constant 7 : i32
          %scan3A_342 = arith.addi %scan3A_266, %scan3A_341 : i32
          %add3A_343 = vector.broadcast %scan3A_342 : i32 to vector<16xi32>
          %add3A_344 = arith.addi %iota3A, %add3A_343 : vector<16xi32>
          %and3A_345 = arith.constant 127 : i32
          %and3A_346 = vector.broadcast %and3A_345 : i32 to vector<16xi32>
          %and3A_347 = arith.andi %add3A_344, %and3A_346 : vector<16xi32>
          %gather3A_348 = tpu.vector_load_idx %arg13[%add3A_214, %and3A_347] : memref<128x128xf32, #tpu.memory_space<vmem>>[vector<16xi32>, vector<16xi32>], vector<16xf32>,
          %gather3A_349 = tpu.vector_load_idx %arg16[%add3A_214, %and3A_347] : memref<128x128xf32, #tpu.memory_space<vmem>>[vector<16xi32>, vector<16xi32>], vector<16xf32>,
          %mul3A_350 = arith.mulf %gather3A_348, %gather3A_349 : vector<16xf32>
          %add3A_351 = arith.addf %add3A_340, %mul3A_350 : vector<16xf32>
          scf.yield %add3A_351 : vector<16xf32>
        }
        %scan3A_222 = arith.constant 128 : i32
        %swap3A_223 = arith.constant 64 : index
        %swap3A_224 = tpu.vector_load %arg19[%swap3A_223] {strides = array<i32>} : memref<128xf32, #tpu.memory_space<vmem>>, vector<16xf32>,
        tpu.vector_store %arg19[%swap3A_223], %scan3A_221 {strides = array<i32>} : memref<128xf32, #tpu.memory_space<vmem>>, vector<16xf32>,
        %add3A_225 = arith.constant 80 : i32
        %add3A_226 = vector.broadcast %add3A_225 : i32 to vector<16xi32>
        %add3A_227 = arith.addi %iota3A, %add3A_226 : vector<16xi32>
        %broadcast_in_dim3A_228 = arith.constant 0.000000e+00 : f32
        %broadcast_in_dim3A_229 = vector.broadcast %broadcast_in_dim3A_228 : f32 to vector<16xf32>
        %scan3A_230 = arith.constant 0 : i32
        %scan3A_231 = arith.constant 128 : i32
        %scan3A_232 = arith.addi %scan3A_230, %scan3A_231 : i32
        %scan3A_233 = arith.constant 8 : i32
        %scan3A_234 = scf.for %scan3A_266 = %scan3A_230 to %scan3A_232 step %scan3A_233 iter_args(%scan3A_267 = %broadcast_in_dim3A_229) -> (vector<16xf32>)  : i32 {
          %add3A_268 = vector.broadcast %scan3A_266 : i32 to vector<16xi32>
          %add3A_269 = arith.addi %iota3A, %add3A_268 : vector<16xi32>
          %and3A = arith.constant 127 : i32
          %and3A_270 = vector.broadcast %and3A : i32 to vector<16xi32>
          %and3A_271 = arith.andi %add3A_269, %and3A_270 : vector<16xi32>
          %gather3A = tpu.vector_load_idx %arg13[%add3A_227, %and3A_271] : memref<128x128xf32, #tpu.memory_space<vmem>>[vector<16xi32>, vector<16xi32>], vector<16xf32>,
          %gather3A_272 = tpu.vector_load_idx %arg16[%add3A_227, %and3A_271] : memref<128x128xf32, #tpu.memory_space<vmem>>[vector<16xi32>, vector<16xi32>], vector<16xf32>,
          %mul3A_273 = arith.mulf %gather3A, %gather3A_272 : vector<16xf32>
          %add3A_274 = arith.addf %scan3A_267, %mul3A_273 : vector<16xf32>
          %scan3A_275 = arith.constant 1 : i32
          %scan3A_276 = arith.addi %scan3A_266, %scan3A_275 : i32
          %add3A_277 = vector.broadcast %scan3A_276 : i32 to vector<16xi32>
          %add3A_278 = arith.addi %iota3A, %add3A_277 : vector<16xi32>
          %and3A_279 = arith.constant 127 : i32
          %and3A_280 = vector.broadcast %and3A_279 : i32 to vector<16xi32>
          %and3A_281 = arith.andi %add3A_278, %and3A_280 : vector<16xi32>
          %gather3A_282 = tpu.vector_load_idx %arg13[%add3A_227, %and3A_281] : memref<128x128xf32, #tpu.memory_space<vmem>>[vector<16xi32>, vector<16xi32>], vector<16xf32>,
          %gather3A_283 = tpu.vector_load_idx %arg16[%add3A_227, %and3A_281] : memref<128x128xf32, #tpu.memory_space<vmem>>[vector<16xi32>, vector<16xi32>], vector<16xf32>,
          %mul3A_284 = arith.mulf %gather3A_282, %gather3A_283 : vector<16xf32>
          %add3A_285 = arith.addf %add3A_274, %mul3A_284 : vector<16xf32>
          %scan3A_286 = arith.constant 2 : i32
          %scan3A_287 = arith.addi %scan3A_266, %scan3A_286 : i32
          %add3A_288 = vector.broadcast %scan3A_287 : i32 to vector<16xi32>
          %add3A_289 = arith.addi %iota3A, %add3A_288 : vector<16xi32>
          %and3A_290 = arith.constant 127 : i32
          %and3A_291 = vector.broadcast %and3A_290 : i32 to vector<16xi32>
          %and3A_292 = arith.andi %add3A_289, %and3A_291 : vector<16xi32>
          %gather3A_293 = tpu.vector_load_idx %arg13[%add3A_227, %and3A_292] : memref<128x128xf32, #tpu.memory_space<vmem>>[vector<16xi32>, vector<16xi32>], vector<16xf32>,
          %gather3A_294 = tpu.vector_load_idx %arg16[%add3A_227, %and3A_292] : memref<128x128xf32, #tpu.memory_space<vmem>>[vector<16xi32>, vector<16xi32>], vector<16xf32>,
          %mul3A_295 = arith.mulf %gather3A_293, %gather3A_294 : vector<16xf32>
          %add3A_296 = arith.addf %add3A_285, %mul3A_295 : vector<16xf32>
          %scan3A_297 = arith.constant 3 : i32
          %scan3A_298 = arith.addi %scan3A_266, %scan3A_297 : i32
          %add3A_299 = vector.broadcast %scan3A_298 : i32 to vector<16xi32>
          %add3A_300 = arith.addi %iota3A, %add3A_299 : vector<16xi32>
          %and3A_301 = arith.constant 127 : i32
          %and3A_302 = vector.broadcast %and3A_301 : i32 to vector<16xi32>
          %and3A_303 = arith.andi %add3A_300, %and3A_302 : vector<16xi32>
          %gather3A_304 = tpu.vector_load_idx %arg13[%add3A_227, %and3A_303] : memref<128x128xf32, #tpu.memory_space<vmem>>[vector<16xi32>, vector<16xi32>], vector<16xf32>,
          %gather3A_305 = tpu.vector_load_idx %arg16[%add3A_227, %and3A_303] : memref<128x128xf32, #tpu.memory_space<vmem>>[vector<16xi32>, vector<16xi32>], vector<16xf32>,
          %mul3A_306 = arith.mulf %gather3A_304, %gather3A_305 : vector<16xf32>
          %add3A_307 = arith.addf %add3A_296, %mul3A_306 : vector<16xf32>
          %scan3A_308 = arith.constant 4 : i32
          %scan3A_309 = arith.addi %scan3A_266, %scan3A_308 : i32
          %add3A_310 = vector.broadcast %scan3A_309 : i32 to vector<16xi32>
          %add3A_311 = arith.addi %iota3A, %add3A_310 : vector<16xi32>
          %and3A_312 = arith.constant 127 : i32
          %and3A_313 = vector.broadcast %and3A_312 : i32 to vector<16xi32>
          %and3A_314 = arith.andi %add3A_311, %and3A_313 : vector<16xi32>
          %gather3A_315 = tpu.vector_load_idx %arg13[%add3A_227, %and3A_314] : memref<128x128xf32, #tpu.memory_space<vmem>>[vector<16xi32>, vector<16xi32>], vector<16xf32>,
          %gather3A_316 = tpu.vector_load_idx %arg16[%add3A_227, %and3A_314] : memref<128x128xf32, #tpu.memory_space<vmem>>[vector<16xi32>, vector<16xi32>], vector<16xf32>,
          %mul3A_317 = arith.mulf %gather3A_315, %gather3A_316 : vector<16xf32>
          %add3A_318 = arith.addf %add3A_307, %mul3A_317 : vector<16xf32>
          %scan3A_319 = arith.constant 5 : i32
          %scan3A_320 = arith.addi %scan3A_266, %scan3A_319 : i32
          %add3A_321 = vector.broadcast %scan3A_320 : i32 to vector<16xi32>
          %add3A_322 = arith.addi %iota3A, %add3A_321 : vector<16xi32>
          %and3A_323 = arith.constant 127 : i32
          %and3A_324 = vector.broadcast %and3A_323 : i32 to vector<16xi32>
          %and3A_325 = arith.andi %add3A_322, %and3A_324 : vector<16xi32>
          %gather3A_326 = tpu.vector_load_idx %arg13[%add3A_227, %and3A_325] : memref<128x128xf32, #tpu.memory_space<vmem>>[vector<16xi32>, vector<16xi32>], vector<16xf32>,
          %gather3A_327 = tpu.vector_load_idx %arg16[%add3A_227, %and3A_325] : memref<128x128xf32, #tpu.memory_space<vmem>>[vector<16xi32>, vector<16xi32>], vector<16xf32>,
          %mul3A_328 = arith.mulf %gather3A_326, %gather3A_327 : vector<16xf32>
          %add3A_329 = arith.addf %add3A_318, %mul3A_328 : vector<16xf32>
          %scan3A_330 = arith.constant 6 : i32
          %scan3A_331 = arith.addi %scan3A_266, %scan3A_330 : i32
          %add3A_332 = vector.broadcast %scan3A_331 : i32 to vector<16xi32>
          %add3A_333 = arith.addi %iota3A, %add3A_332 : vector<16xi32>
          %and3A_334 = arith.constant 127 : i32
          %and3A_335 = vector.broadcast %and3A_334 : i32 to vector<16xi32>
          %and3A_336 = arith.andi %add3A_333, %and3A_335 : vector<16xi32>
          %gather3A_337 = tpu.vector_load_idx %arg13[%add3A_227, %and3A_336] : memref<128x128xf32, #tpu.memory_space<vmem>>[vector<16xi32>, vector<16xi32>], vector<16xf32>,
          %gather3A_338 = tpu.vector_load_idx %arg16[%add3A_227, %and3A_336] : memref<128x128xf32, #tpu.memory_space<vmem>>[vector<16xi32>, vector<16xi32>], vector<16xf32>,
          %mul3A_339 = arith.mulf %gather3A_337, %gather3A_338 : vector<16xf32>
          %add3A_340 = arith.addf %add3A_329, %mul3A_339 : vector<16xf32>
          %scan3A_341 = arith.constant 7 : i32
          %scan3A_342 = arith.addi %scan3A_266, %scan3A_341 : i32
          %add3A_343 = vector.broadcast %scan3A_342 : i32 to vector<16xi32>
          %add3A_344 = arith.addi %iota3A, %add3A_343 : vector<16xi32>
          %and3A_345 = arith.constant 127 : i32
          %and3A_346 = vector.broadcast %and3A_345 : i32 to vector<16xi32>
          %and3A_347 = arith.andi %add3A_344, %and3A_346 : vector<16xi32>
          %gather3A_348 = tpu.vector_load_idx %arg13[%add3A_227, %and3A_347] : memref<128x128xf32, #tpu.memory_space<vmem>>[vector<16xi32>, vector<16xi32>], vector<16xf32>,
          %gather3A_349 = tpu.vector_load_idx %arg16[%add3A_227, %and3A_347] : memref<128x128xf32, #tpu.memory_space<vmem>>[vector<16xi32>, vector<16xi32>], vector<16xf32>,
          %mul3A_350 = arith.mulf %gather3A_348, %gather3A_349 : vector<16xf32>
          %add3A_351 = arith.addf %add3A_340, %mul3A_350 : vector<16xf32>
          scf.yield %add3A_351 : vector<16xf32>
        }
        %scan3A_235 = arith.constant 128 : i32
        %swap3A_236 = arith.constant 80 : index
        %swap3A_237 = tpu.vector_load %arg19[%swap3A_236] {strides = array<i32>} : memref<128xf32, #tpu.memory_space<vmem>>, vector<16xf32>,
        tpu.vector_store %arg19[%swap3A_236], %scan3A_234 {strides = array<i32>} : memref<128xf32, #tpu.memory_space<vmem>>, vector<16xf32>,
        %add3A_238 = arith.constant 96 : i32
        %add3A_239 = vector.broadcast %add3A_238 : i32 to vector<16xi32>
        %add3A_240 = arith.addi %iota3A, %add3A_239 : vector<16xi32>
        %broadcast_in_dim3A_241 = arith.constant 0.000000e+00 : f32
        %broadcast_in_dim3A_242 = vector.broadcast %broadcast_in_dim3A_241 : f32 to vector<16xf32>
        %scan3A_243 = arith.constant 0 : i32
        %scan3A_244 = arith.constant 128 : i32
        %scan3A_245 = arith.addi %scan3A_243, %scan3A_244 : i32
        %scan3A_246 = arith.constant 8 : i32
        %scan3A_247 = scf.for %scan3A_266 = %scan3A_243 to %scan3A_245 step %scan3A_246 iter_args(%scan3A_267 = %broadcast_in_dim3A_242) -> (vector<16xf32>)  : i32 {
          %add3A_268 = vector.broadcast %scan3A_266 : i32 to vector<16xi32>
          %add3A_269 = arith.addi %iota3A, %add3A_268 : vector<16xi32>
          %and3A = arith.constant 127 : i32
          %and3A_270 = vector.broadcast %and3A : i32 to vector<16xi32>
          %and3A_271 = arith.andi %add3A_269, %and3A_270 : vector<16xi32>
          %gather3A = tpu.vector_load_idx %arg13[%add3A_240, %and3A_271] : memref<128x128xf32, #tpu.memory_space<vmem>>[vector<16xi32>, vector<16xi32>], vector<16xf32>,
          %gather3A_272 = tpu.vector_load_idx %arg16[%add3A_240, %and3A_271] : memref<128x128xf32, #tpu.memory_space<vmem>>[vector<16xi32>, vector<16xi32>], vector<16xf32>,
          %mul3A_273 = arith.mulf %gather3A, %gather3A_272 : vector<16xf32>
          %add3A_274 = arith.addf %scan3A_267, %mul3A_273 : vector<16xf32>
          %scan3A_275 = arith.constant 1 : i32
          %scan3A_276 = arith.addi %scan3A_266, %scan3A_275 : i32
          %add3A_277 = vector.broadcast %scan3A_276 : i32 to vector<16xi32>
          %add3A_278 = arith.addi %iota3A, %add3A_277 : vector<16xi32>
          %and3A_279 = arith.constant 127 : i32
          %and3A_280 = vector.broadcast %and3A_279 : i32 to vector<16xi32>
          %and3A_281 = arith.andi %add3A_278, %and3A_280 : vector<16xi32>
          %gather3A_282 = tpu.vector_load_idx %arg13[%add3A_240, %and3A_281] : memref<128x128xf32, #tpu.memory_space<vmem>>[vector<16xi32>, vector<16xi32>], vector<16xf32>,
          %gather3A_283 = tpu.vector_load_idx %arg16[%add3A_240, %and3A_281] : memref<128x128xf32, #tpu.memory_space<vmem>>[vector<16xi32>, vector<16xi32>], vector<16xf32>,
          %mul3A_284 = arith.mulf %gather3A_282, %gather3A_283 : vector<16xf32>
          %add3A_285 = arith.addf %add3A_274, %mul3A_284 : vector<16xf32>
          %scan3A_286 = arith.constant 2 : i32
          %scan3A_287 = arith.addi %scan3A_266, %scan3A_286 : i32
          %add3A_288 = vector.broadcast %scan3A_287 : i32 to vector<16xi32>
          %add3A_289 = arith.addi %iota3A, %add3A_288 : vector<16xi32>
          %and3A_290 = arith.constant 127 : i32
          %and3A_291 = vector.broadcast %and3A_290 : i32 to vector<16xi32>
          %and3A_292 = arith.andi %add3A_289, %and3A_291 : vector<16xi32>
          %gather3A_293 = tpu.vector_load_idx %arg13[%add3A_240, %and3A_292] : memref<128x128xf32, #tpu.memory_space<vmem>>[vector<16xi32>, vector<16xi32>], vector<16xf32>,
          %gather3A_294 = tpu.vector_load_idx %arg16[%add3A_240, %and3A_292] : memref<128x128xf32, #tpu.memory_space<vmem>>[vector<16xi32>, vector<16xi32>], vector<16xf32>,
          %mul3A_295 = arith.mulf %gather3A_293, %gather3A_294 : vector<16xf32>
          %add3A_296 = arith.addf %add3A_285, %mul3A_295 : vector<16xf32>
          %scan3A_297 = arith.constant 3 : i32
          %scan3A_298 = arith.addi %scan3A_266, %scan3A_297 : i32
          %add3A_299 = vector.broadcast %scan3A_298 : i32 to vector<16xi32>
          %add3A_300 = arith.addi %iota3A, %add3A_299 : vector<16xi32>
          %and3A_301 = arith.constant 127 : i32
          %and3A_302 = vector.broadcast %and3A_301 : i32 to vector<16xi32>
          %and3A_303 = arith.andi %add3A_300, %and3A_302 : vector<16xi32>
          %gather3A_304 = tpu.vector_load_idx %arg13[%add3A_240, %and3A_303] : memref<128x128xf32, #tpu.memory_space<vmem>>[vector<16xi32>, vector<16xi32>], vector<16xf32>,
          %gather3A_305 = tpu.vector_load_idx %arg16[%add3A_240, %and3A_303] : memref<128x128xf32, #tpu.memory_space<vmem>>[vector<16xi32>, vector<16xi32>], vector<16xf32>,
          %mul3A_306 = arith.mulf %gather3A_304, %gather3A_305 : vector<16xf32>
          %add3A_307 = arith.addf %add3A_296, %mul3A_306 : vector<16xf32>
          %scan3A_308 = arith.constant 4 : i32
          %scan3A_309 = arith.addi %scan3A_266, %scan3A_308 : i32
          %add3A_310 = vector.broadcast %scan3A_309 : i32 to vector<16xi32>
          %add3A_311 = arith.addi %iota3A, %add3A_310 : vector<16xi32>
          %and3A_312 = arith.constant 127 : i32
          %and3A_313 = vector.broadcast %and3A_312 : i32 to vector<16xi32>
          %and3A_314 = arith.andi %add3A_311, %and3A_313 : vector<16xi32>
          %gather3A_315 = tpu.vector_load_idx %arg13[%add3A_240, %and3A_314] : memref<128x128xf32, #tpu.memory_space<vmem>>[vector<16xi32>, vector<16xi32>], vector<16xf32>,
          %gather3A_316 = tpu.vector_load_idx %arg16[%add3A_240, %and3A_314] : memref<128x128xf32, #tpu.memory_space<vmem>>[vector<16xi32>, vector<16xi32>], vector<16xf32>,
          %mul3A_317 = arith.mulf %gather3A_315, %gather3A_316 : vector<16xf32>
          %add3A_318 = arith.addf %add3A_307, %mul3A_317 : vector<16xf32>
          %scan3A_319 = arith.constant 5 : i32
          %scan3A_320 = arith.addi %scan3A_266, %scan3A_319 : i32
          %add3A_321 = vector.broadcast %scan3A_320 : i32 to vector<16xi32>
          %add3A_322 = arith.addi %iota3A, %add3A_321 : vector<16xi32>
          %and3A_323 = arith.constant 127 : i32
          %and3A_324 = vector.broadcast %and3A_323 : i32 to vector<16xi32>
          %and3A_325 = arith.andi %add3A_322, %and3A_324 : vector<16xi32>
          %gather3A_326 = tpu.vector_load_idx %arg13[%add3A_240, %and3A_325] : memref<128x128xf32, #tpu.memory_space<vmem>>[vector<16xi32>, vector<16xi32>], vector<16xf32>,
          %gather3A_327 = tpu.vector_load_idx %arg16[%add3A_240, %and3A_325] : memref<128x128xf32, #tpu.memory_space<vmem>>[vector<16xi32>, vector<16xi32>], vector<16xf32>,
          %mul3A_328 = arith.mulf %gather3A_326, %gather3A_327 : vector<16xf32>
          %add3A_329 = arith.addf %add3A_318, %mul3A_328 : vector<16xf32>
          %scan3A_330 = arith.constant 6 : i32
          %scan3A_331 = arith.addi %scan3A_266, %scan3A_330 : i32
          %add3A_332 = vector.broadcast %scan3A_331 : i32 to vector<16xi32>
          %add3A_333 = arith.addi %iota3A, %add3A_332 : vector<16xi32>
          %and3A_334 = arith.constant 127 : i32
          %and3A_335 = vector.broadcast %and3A_334 : i32 to vector<16xi32>
          %and3A_336 = arith.andi %add3A_333, %and3A_335 : vector<16xi32>
          %gather3A_337 = tpu.vector_load_idx %arg13[%add3A_240, %and3A_336] : memref<128x128xf32, #tpu.memory_space<vmem>>[vector<16xi32>, vector<16xi32>], vector<16xf32>,
          %gather3A_338 = tpu.vector_load_idx %arg16[%add3A_240, %and3A_336] : memref<128x128xf32, #tpu.memory_space<vmem>>[vector<16xi32>, vector<16xi32>], vector<16xf32>,
          %mul3A_339 = arith.mulf %gather3A_337, %gather3A_338 : vector<16xf32>
          %add3A_340 = arith.addf %add3A_329, %mul3A_339 : vector<16xf32>
          %scan3A_341 = arith.constant 7 : i32
          %scan3A_342 = arith.addi %scan3A_266, %scan3A_341 : i32
          %add3A_343 = vector.broadcast %scan3A_342 : i32 to vector<16xi32>
          %add3A_344 = arith.addi %iota3A, %add3A_343 : vector<16xi32>
          %and3A_345 = arith.constant 127 : i32
          %and3A_346 = vector.broadcast %and3A_345 : i32 to vector<16xi32>
          %and3A_347 = arith.andi %add3A_344, %and3A_346 : vector<16xi32>
          %gather3A_348 = tpu.vector_load_idx %arg13[%add3A_240, %and3A_347] : memref<128x128xf32, #tpu.memory_space<vmem>>[vector<16xi32>, vector<16xi32>], vector<16xf32>,
          %gather3A_349 = tpu.vector_load_idx %arg16[%add3A_240, %and3A_347] : memref<128x128xf32, #tpu.memory_space<vmem>>[vector<16xi32>, vector<16xi32>], vector<16xf32>,
          %mul3A_350 = arith.mulf %gather3A_348, %gather3A_349 : vector<16xf32>
          %add3A_351 = arith.addf %add3A_340, %mul3A_350 : vector<16xf32>
          scf.yield %add3A_351 : vector<16xf32>
        }
        %scan3A_248 = arith.constant 128 : i32
        %swap3A_249 = arith.constant 96 : index
        %swap3A_250 = tpu.vector_load %arg19[%swap3A_249] {strides = array<i32>} : memref<128xf32, #tpu.memory_space<vmem>>, vector<16xf32>,
        tpu.vector_store %arg19[%swap3A_249], %scan3A_247 {strides = array<i32>} : memref<128xf32, #tpu.memory_space<vmem>>, vector<16xf32>,
        %add3A_251 = arith.constant 112 : i32
        %add3A_252 = vector.broadcast %add3A_251 : i32 to vector<16xi32>
        %add3A_253 = arith.addi %iota3A, %add3A_252 : vector<16xi32>
        %broadcast_in_dim3A_254 = arith.constant 0.000000e+00 : f32
        %broadcast_in_dim3A_255 = vector.broadcast %broadcast_in_dim3A_254 : f32 to vector<16xf32>
        %scan3A_256 = arith.constant 0 : i32
        %scan3A_257 = arith.constant 128 : i32
        %scan3A_258 = arith.addi %scan3A_256, %scan3A_257 : i32
        %scan3A_259 = arith.constant 8 : i32
        %scan3A_260 = scf.for %scan3A_266 = %scan3A_256 to %scan3A_258 step %scan3A_259 iter_args(%scan3A_267 = %broadcast_in_dim3A_255) -> (vector<16xf32>)  : i32 {
          %add3A_268 = vector.broadcast %scan3A_266 : i32 to vector<16xi32>
          %add3A_269 = arith.addi %iota3A, %add3A_268 : vector<16xi32>
          %and3A = arith.constant 127 : i32
          %and3A_270 = vector.broadcast %and3A : i32 to vector<16xi32>
          %and3A_271 = arith.andi %add3A_269, %and3A_270 : vector<16xi32>
          %gather3A = tpu.vector_load_idx %arg13[%add3A_253, %and3A_271] : memref<128x128xf32, #tpu.memory_space<vmem>>[vector<16xi32>, vector<16xi32>], vector<16xf32>,
          %gather3A_272 = tpu.vector_load_idx %arg16[%add3A_253, %and3A_271] : memref<128x128xf32, #tpu.memory_space<vmem>>[vector<16xi32>, vector<16xi32>], vector<16xf32>,
          %mul3A_273 = arith.mulf %gather3A, %gather3A_272 : vector<16xf32>
          %add3A_274 = arith.addf %scan3A_267, %mul3A_273 : vector<16xf32>
          %scan3A_275 = arith.constant 1 : i32
          %scan3A_276 = arith.addi %scan3A_266, %scan3A_275 : i32
          %add3A_277 = vector.broadcast %scan3A_276 : i32 to vector<16xi32>
          %add3A_278 = arith.addi %iota3A, %add3A_277 : vector<16xi32>
          %and3A_279 = arith.constant 127 : i32
          %and3A_280 = vector.broadcast %and3A_279 : i32 to vector<16xi32>
          %and3A_281 = arith.andi %add3A_278, %and3A_280 : vector<16xi32>
          %gather3A_282 = tpu.vector_load_idx %arg13[%add3A_253, %and3A_281] : memref<128x128xf32, #tpu.memory_space<vmem>>[vector<16xi32>, vector<16xi32>], vector<16xf32>,
          %gather3A_283 = tpu.vector_load_idx %arg16[%add3A_253, %and3A_281] : memref<128x128xf32, #tpu.memory_space<vmem>>[vector<16xi32>, vector<16xi32>], vector<16xf32>,
          %mul3A_284 = arith.mulf %gather3A_282, %gather3A_283 : vector<16xf32>
          %add3A_285 = arith.addf %add3A_274, %mul3A_284 : vector<16xf32>
          %scan3A_286 = arith.constant 2 : i32
          %scan3A_287 = arith.addi %scan3A_266, %scan3A_286 : i32
          %add3A_288 = vector.broadcast %scan3A_287 : i32 to vector<16xi32>
          %add3A_289 = arith.addi %iota3A, %add3A_288 : vector<16xi32>
          %and3A_290 = arith.constant 127 : i32
          %and3A_291 = vector.broadcast %and3A_290 : i32 to vector<16xi32>
          %and3A_292 = arith.andi %add3A_289, %and3A_291 : vector<16xi32>
          %gather3A_293 = tpu.vector_load_idx %arg13[%add3A_253, %and3A_292] : memref<128x128xf32, #tpu.memory_space<vmem>>[vector<16xi32>, vector<16xi32>], vector<16xf32>,
          %gather3A_294 = tpu.vector_load_idx %arg16[%add3A_253, %and3A_292] : memref<128x128xf32, #tpu.memory_space<vmem>>[vector<16xi32>, vector<16xi32>], vector<16xf32>,
          %mul3A_295 = arith.mulf %gather3A_293, %gather3A_294 : vector<16xf32>
          %add3A_296 = arith.addf %add3A_285, %mul3A_295 : vector<16xf32>
          %scan3A_297 = arith.constant 3 : i32
          %scan3A_298 = arith.addi %scan3A_266, %scan3A_297 : i32
          %add3A_299 = vector.broadcast %scan3A_298 : i32 to vector<16xi32>
          %add3A_300 = arith.addi %iota3A, %add3A_299 : vector<16xi32>
          %and3A_301 = arith.constant 127 : i32
          %and3A_302 = vector.broadcast %and3A_301 : i32 to vector<16xi32>
          %and3A_303 = arith.andi %add3A_300, %and3A_302 : vector<16xi32>
          %gather3A_304 = tpu.vector_load_idx %arg13[%add3A_253, %and3A_303] : memref<128x128xf32, #tpu.memory_space<vmem>>[vector<16xi32>, vector<16xi32>], vector<16xf32>,
          %gather3A_305 = tpu.vector_load_idx %arg16[%add3A_253, %and3A_303] : memref<128x128xf32, #tpu.memory_space<vmem>>[vector<16xi32>, vector<16xi32>], vector<16xf32>,
          %mul3A_306 = arith.mulf %gather3A_304, %gather3A_305 : vector<16xf32>
          %add3A_307 = arith.addf %add3A_296, %mul3A_306 : vector<16xf32>
          %scan3A_308 = arith.constant 4 : i32
          %scan3A_309 = arith.addi %scan3A_266, %scan3A_308 : i32
          %add3A_310 = vector.broadcast %scan3A_309 : i32 to vector<16xi32>
          %add3A_311 = arith.addi %iota3A, %add3A_310 : vector<16xi32>
          %and3A_312 = arith.constant 127 : i32
          %and3A_313 = vector.broadcast %and3A_312 : i32 to vector<16xi32>
          %and3A_314 = arith.andi %add3A_311, %and3A_313 : vector<16xi32>
          %gather3A_315 = tpu.vector_load_idx %arg13[%add3A_253, %and3A_314] : memref<128x128xf32, #tpu.memory_space<vmem>>[vector<16xi32>, vector<16xi32>], vector<16xf32>,
          %gather3A_316 = tpu.vector_load_idx %arg16[%add3A_253, %and3A_314] : memref<128x128xf32, #tpu.memory_space<vmem>>[vector<16xi32>, vector<16xi32>], vector<16xf32>,
          %mul3A_317 = arith.mulf %gather3A_315, %gather3A_316 : vector<16xf32>
          %add3A_318 = arith.addf %add3A_307, %mul3A_317 : vector<16xf32>
          %scan3A_319 = arith.constant 5 : i32
          %scan3A_320 = arith.addi %scan3A_266, %scan3A_319 : i32
          %add3A_321 = vector.broadcast %scan3A_320 : i32 to vector<16xi32>
          %add3A_322 = arith.addi %iota3A, %add3A_321 : vector<16xi32>
          %and3A_323 = arith.constant 127 : i32
          %and3A_324 = vector.broadcast %and3A_323 : i32 to vector<16xi32>
          %and3A_325 = arith.andi %add3A_322, %and3A_324 : vector<16xi32>
          %gather3A_326 = tpu.vector_load_idx %arg13[%add3A_253, %and3A_325] : memref<128x128xf32, #tpu.memory_space<vmem>>[vector<16xi32>, vector<16xi32>], vector<16xf32>,
          %gather3A_327 = tpu.vector_load_idx %arg16[%add3A_253, %and3A_325] : memref<128x128xf32, #tpu.memory_space<vmem>>[vector<16xi32>, vector<16xi32>], vector<16xf32>,
          %mul3A_328 = arith.mulf %gather3A_326, %gather3A_327 : vector<16xf32>
          %add3A_329 = arith.addf %add3A_318, %mul3A_328 : vector<16xf32>
          %scan3A_330 = arith.constant 6 : i32
          %scan3A_331 = arith.addi %scan3A_266, %scan3A_330 : i32
          %add3A_332 = vector.broadcast %scan3A_331 : i32 to vector<16xi32>
          %add3A_333 = arith.addi %iota3A, %add3A_332 : vector<16xi32>
          %and3A_334 = arith.constant 127 : i32
          %and3A_335 = vector.broadcast %and3A_334 : i32 to vector<16xi32>
          %and3A_336 = arith.andi %add3A_333, %and3A_335 : vector<16xi32>
          %gather3A_337 = tpu.vector_load_idx %arg13[%add3A_253, %and3A_336] : memref<128x128xf32, #tpu.memory_space<vmem>>[vector<16xi32>, vector<16xi32>], vector<16xf32>,
          %gather3A_338 = tpu.vector_load_idx %arg16[%add3A_253, %and3A_336] : memref<128x128xf32, #tpu.memory_space<vmem>>[vector<16xi32>, vector<16xi32>], vector<16xf32>,
          %mul3A_339 = arith.mulf %gather3A_337, %gather3A_338 : vector<16xf32>
          %add3A_340 = arith.addf %add3A_329, %mul3A_339 : vector<16xf32>
          %scan3A_341 = arith.constant 7 : i32
          %scan3A_342 = arith.addi %scan3A_266, %scan3A_341 : i32
          %add3A_343 = vector.broadcast %scan3A_342 : i32 to vector<16xi32>
          %add3A_344 = arith.addi %iota3A, %add3A_343 : vector<16xi32>
          %and3A_345 = arith.constant 127 : i32
          %and3A_346 = vector.broadcast %and3A_345 : i32 to vector<16xi32>
          %and3A_347 = arith.andi %add3A_344, %and3A_346 : vector<16xi32>
          %gather3A_348 = tpu.vector_load_idx %arg13[%add3A_253, %and3A_347] : memref<128x128xf32, #tpu.memory_space<vmem>>[vector<16xi32>, vector<16xi32>], vector<16xf32>,
          %gather3A_349 = tpu.vector_load_idx %arg16[%add3A_253, %and3A_347] : memref<128x128xf32, #tpu.memory_space<vmem>>[vector<16xi32>, vector<16xi32>], vector<16xf32>,
          %mul3A_350 = arith.mulf %gather3A_348, %gather3A_349 : vector<16xf32>
          %add3A_351 = arith.addf %add3A_340, %mul3A_350 : vector<16xf32>
          scf.yield %add3A_351 : vector<16xf32>
        }
        %scan3A_261 = arith.constant 128 : i32
        %swap3A_262 = arith.constant 112 : index
        %swap3A_263 = tpu.vector_load %arg19[%swap3A_262] {strides = array<i32>} : memref<128xf32, #tpu.memory_space<vmem>>, vector<16xf32>,
        tpu.vector_store %arg19[%swap3A_262], %scan3A_260 {strides = array<i32>} : memref<128xf32, #tpu.memory_space<vmem>>, vector<16xf32>,
        %mul3A_264 = arith.constant 128 : i32
        %mul3A_265 = arith.muli %add3A_70, %mul3A_264 : i32
        "tpu.region"() ({
          %run_scoped3A = tpu.sem_alloc : memref<!tpu.dma_semaphore, #tpu.memory_space<semaphore_mem>>
          %dma_start3A = tpu.memref_slice %arg6[%mul3A_265] : memref<320000xf32, #tpu.memory_space<hbm>> -> memref<128xf32, #tpu.memory_space<hbm>>
          %dma_start3A_266 = tpu.memref_slice %arg6[%mul3A_265] : memref<320000xf32, #tpu.memory_space<hbm>> -> memref<128xf32, #tpu.memory_space<hbm>>
          tpu.enqueue_dma source(%arg19 : memref<128xf32, #tpu.memory_space<vmem>>) target(%dma_start3A_266 : memref<128xf32, #tpu.memory_space<hbm>>) target_semaphore(%run_scoped3A : memref<!tpu.dma_semaphore, #tpu.memory_space<semaphore_mem>>)
          %dma_wait3A = tpu.memref_slice %arg6[%mul3A_265] : memref<320000xf32, #tpu.memory_space<hbm>> -> memref<128xf32, #tpu.memory_space<hbm>>
          %dma_wait3A_267 = tpu.memref_slice %arg6[%mul3A_265] : memref<320000xf32, #tpu.memory_space<hbm>> -> memref<128xf32, #tpu.memory_space<hbm>>
          tpu.wait_dma2 semaphore(%run_scoped3A : memref<!tpu.dma_semaphore, #tpu.memory_space<semaphore_mem>>) src(%arg19 : memref<128xf32, #tpu.memory_space<vmem>>) dst(%dma_wait3A_267 : memref<128xf32, #tpu.memory_space<hbm>>)
          tpu.yield
        }) : () -> ()
      } else {
      }
      %add3A_76 = arith.constant 3 : i32
      %add3A_77 = arith.addi %add3A_49, %add3A_76 : i32
      %mul3A_78 = arith.constant 32 : i32
      %mul3A_79 = arith.muli %add3A_77, %mul3A_78 : i32
      %add3A_80 = arith.addi %add3A, %mul3A_79 : i32
      %lt3A_81 = arith.constant 2500 : i32
      %lt3A_82 = arith.cmpi slt, %add3A_80, %lt3A_81 : i32
      %convert_element_type3A_83 = arith.extui %lt3A_82 : i1 to i32
      %cond3A_84 = arith.constant 0 : i32
      %cond3A_85 = arith.cmpi ne, %convert_element_type3A_83, %cond3A_84 : i32
      scf.if %cond3A_85 {
        %mul3A_162 = arith.constant 128 : i32
        %mul3A_163 = arith.muli %add3A_80, %mul3A_162 : i32
        %dma_wait3A = tpu.memref_slice %arg4[%mul3A_163] : memref<320000xi32, #tpu.memory_space<hbm>> -> memref<128xi32, #tpu.memory_space<hbm>>
        %dma_wait3A_164 = tpu.memref_slice %arg4[%mul3A_163] : memref<320000xi32, #tpu.memory_space<hbm>> -> memref<128xi32, #tpu.memory_space<hbm>>
        tpu.wait_dma2 semaphore(%arg26 : memref<!tpu.dma_semaphore, #tpu.memory_space<semaphore_mem>>) src(%dma_wait3A_164 : memref<128xi32, #tpu.memory_space<hbm>>) dst(%arg7 : memref<128xi32, #tpu.memory_space<vmem>>)
        %dma_wait3A_165 = tpu.memref_slice %arg5[%mul3A_163] : memref<320000xi32, #tpu.memory_space<hbm>> -> memref<128xi32, #tpu.memory_space<hbm>>
        %dma_wait3A_166 = tpu.memref_slice %arg5[%mul3A_163] : memref<320000xi32, #tpu.memory_space<hbm>> -> memref<128xi32, #tpu.memory_space<hbm>>
        tpu.wait_dma2 semaphore(%arg29 : memref<!tpu.dma_semaphore, #tpu.memory_space<semaphore_mem>>) src(%dma_wait3A_166 : memref<128xi32, #tpu.memory_space<hbm>>) dst(%arg10 : memref<128xi32, #tpu.memory_space<vmem>>)
        %dma_start3A = arith.constant 0 : i32
        %dma_start3A_167 = arith.constant 0 : i32
        %dma_start3A_168 = tpu.memref_slice %arg2[%dma_start3A, %dma_start3A_167] : memref<10000x128xf32, #tpu.memory_space<hbm>> -> memref<10000x128xf32, #tpu.memory_space<hbm>>
        tpu.enqueue_indirect_dma source(%dma_start3A_168 : memref<10000x128xf32, #tpu.memory_space<hbm>>) target(%arg13 : memref<128x128xf32, #tpu.memory_space<vmem>>) offsets(%arg7 : memref<128xi32, #tpu.memory_space<vmem>>) semaphore(%arg20 : memref<!tpu.dma_semaphore, #tpu.memory_space<semaphore_mem>>)
        %dma_start3A_169 = arith.constant 0 : i32
        %dma_start3A_170 = arith.constant 0 : i32
        %dma_start3A_171 = tpu.memref_slice %arg3[%dma_start3A_169, %dma_start3A_170] : memref<10000x128xf32, #tpu.memory_space<hbm>> -> memref<10000x128xf32, #tpu.memory_space<hbm>>
        tpu.enqueue_indirect_dma source(%dma_start3A_171 : memref<10000x128xf32, #tpu.memory_space<hbm>>) target(%arg16 : memref<128x128xf32, #tpu.memory_space<vmem>>) offsets(%arg10 : memref<128xi32, #tpu.memory_space<vmem>>) semaphore(%arg23 : memref<!tpu.dma_semaphore, #tpu.memory_space<semaphore_mem>>)
      } else {
      }
      %add3A_86 = arith.constant 1 : i32
      %add3A_87 = arith.addi %mul3A_47, %add3A_86 : i32
      %mul3A_88 = arith.constant 32 : i32
      %mul3A_89 = arith.muli %add3A_87, %mul3A_88 : i32
      %add3A_90 = arith.addi %add3A, %mul3A_89 : i32
      %lt3A_91 = arith.constant 2500 : i32
      %lt3A_92 = arith.cmpi slt, %add3A_90, %lt3A_91 : i32
      %convert_element_type3A_93 = arith.extui %lt3A_92 : i1 to i32
      %cond3A_94 = arith.constant 0 : i32
      %cond3A_95 = arith.cmpi ne, %convert_element_type3A_93, %cond3A_94 : i32
      scf.if %cond3A_95 {
        %dma_wait3A = arith.constant 0 : i32
        %dma_wait3A_162 = arith.constant 0 : i32
        %dma_wait3A_163 = tpu.memref_slice %arg2[%dma_wait3A, %dma_wait3A_162] : memref<10000x128xf32, #tpu.memory_space<hbm>> -> memref<10000x128xf32, #tpu.memory_space<hbm>>
        tpu.wait_indirect_dma semaphore(%arg21 : memref<!tpu.dma_semaphore, #tpu.memory_space<semaphore_mem>>) src(%dma_wait3A_163 : memref<10000x128xf32, #tpu.memory_space<hbm>>) dst(%arg14 : memref<128x128xf32, #tpu.memory_space<vmem>>)
        %dma_wait3A_164 = arith.constant 0 : i32
        %dma_wait3A_165 = arith.constant 0 : i32
        %dma_wait3A_166 = tpu.memref_slice %arg3[%dma_wait3A_164, %dma_wait3A_165] : memref<10000x128xf32, #tpu.memory_space<hbm>> -> memref<10000x128xf32, #tpu.memory_space<hbm>>
        tpu.wait_indirect_dma semaphore(%arg24 : memref<!tpu.dma_semaphore, #tpu.memory_space<semaphore_mem>>) src(%dma_wait3A_166 : memref<10000x128xf32, #tpu.memory_space<hbm>>) dst(%arg17 : memref<128x128xf32, #tpu.memory_space<vmem>>)
      } else {
      }
      %add3A_96 = arith.constant 3 : i32
      %add3A_97 = arith.addi %add3A_87, %add3A_96 : i32
      %mul3A_98 = arith.constant 32 : i32
      %mul3A_99 = arith.muli %add3A_97, %mul3A_98 : i32
      %add3A_100 = arith.addi %add3A, %mul3A_99 : i32
      %lt3A_101 = arith.constant 2500 : i32
      %lt3A_102 = arith.cmpi slt, %add3A_100, %lt3A_101 : i32
      %convert_element_type3A_103 = arith.extui %lt3A_102 : i1 to i32
      %cond3A_104 = arith.constant 0 : i32
      %cond3A_105 = arith.cmpi ne, %convert_element_type3A_103, %cond3A_104 : i32
      scf.if %cond3A_105 {
        %mul3A_162 = arith.constant 128 : i32
        %mul3A_163 = arith.muli %add3A_100, %mul3A_162 : i32
        %dma_start3A = tpu.memref_slice %arg4[%mul3A_163] : memref<320000xi32, #tpu.memory_space<hbm>> -> memref<128xi32, #tpu.memory_space<hbm>>
        %dma_start3A_164 = tpu.memref_slice %arg4[%mul3A_163] : memref<320000xi32, #tpu.memory_space<hbm>> -> memref<128xi32, #tpu.memory_space<hbm>>
        tpu.enqueue_dma source(%dma_start3A_164 : memref<128xi32, #tpu.memory_space<hbm>>) target(%arg8 : memref<128xi32, #tpu.memory_space<vmem>>) target_semaphore(%arg27 : memref<!tpu.dma_semaphore, #tpu.memory_space<semaphore_mem>>)
        %dma_start3A_165 = tpu.memref_slice %arg5[%mul3A_163] : memref<320000xi32, #tpu.memory_space<hbm>> -> memref<128xi32, #tpu.memory_space<hbm>>
        %dma_start3A_166 = tpu.memref_slice %arg5[%mul3A_163] : memref<320000xi32, #tpu.memory_space<hbm>> -> memref<128xi32, #tpu.memory_space<hbm>>
        tpu.enqueue_dma source(%dma_start3A_166 : memref<128xi32, #tpu.memory_space<hbm>>) target(%arg11 : memref<128xi32, #tpu.memory_space<vmem>>) target_semaphore(%arg30 : memref<!tpu.dma_semaphore, #tpu.memory_space<semaphore_mem>>)
      } else {
      }
      %mul3A_106 = arith.constant 32 : i32
      %mul3A_107 = arith.muli %add3A_87, %mul3A_106 : i32
      %add3A_108 = arith.addi %add3A, %mul3A_107 : i32
      %lt3A_109 = arith.constant 2500 : i32
      %lt3A_110 = arith.cmpi slt, %add3A_108, %lt3A_109 : i32
      %convert_element_type3A_111 = arith.extui %lt3A_110 : i1 to i32
      %cond3A_112 = arith.constant 0 : i32
      %cond3A_113 = arith.cmpi ne, %convert_element_type3A_111, %cond3A_112 : i32
      scf.if %cond3A_113 {
        %iota3A = tpu.iota {dimensions = array<i32: 0>} : vector<16xi32>
        %add3A_162 = arith.constant 0 : i32
        %add3A_163 = vector.broadcast %add3A_162 : i32 to vector<16xi32>
        %add3A_164 = arith.addi %iota3A, %add3A_163 : vector<16xi32>
        %broadcast_in_dim3A = arith.constant 0.000000e+00 : f32
        %broadcast_in_dim3A_165 = vector.broadcast %broadcast_in_dim3A : f32 to vector<16xf32>
        %scan3A_166 = arith.constant 0 : i32
        %scan3A_167 = arith.constant 128 : i32
        %scan3A_168 = arith.addi %scan3A_166, %scan3A_167 : i32
        %scan3A_169 = arith.constant 8 : i32
        %scan3A_170 = scf.for %scan3A_266 = %scan3A_166 to %scan3A_168 step %scan3A_169 iter_args(%scan3A_267 = %broadcast_in_dim3A_165) -> (vector<16xf32>)  : i32 {
          %add3A_268 = vector.broadcast %scan3A_266 : i32 to vector<16xi32>
          %add3A_269 = arith.addi %iota3A, %add3A_268 : vector<16xi32>
          %and3A = arith.constant 127 : i32
          %and3A_270 = vector.broadcast %and3A : i32 to vector<16xi32>
          %and3A_271 = arith.andi %add3A_269, %and3A_270 : vector<16xi32>
          %gather3A = tpu.vector_load_idx %arg14[%add3A_164, %and3A_271] : memref<128x128xf32, #tpu.memory_space<vmem>>[vector<16xi32>, vector<16xi32>], vector<16xf32>,
          %gather3A_272 = tpu.vector_load_idx %arg17[%add3A_164, %and3A_271] : memref<128x128xf32, #tpu.memory_space<vmem>>[vector<16xi32>, vector<16xi32>], vector<16xf32>,
          %mul3A_273 = arith.mulf %gather3A, %gather3A_272 : vector<16xf32>
          %add3A_274 = arith.addf %scan3A_267, %mul3A_273 : vector<16xf32>
          %scan3A_275 = arith.constant 1 : i32
          %scan3A_276 = arith.addi %scan3A_266, %scan3A_275 : i32
          %add3A_277 = vector.broadcast %scan3A_276 : i32 to vector<16xi32>
          %add3A_278 = arith.addi %iota3A, %add3A_277 : vector<16xi32>
          %and3A_279 = arith.constant 127 : i32
          %and3A_280 = vector.broadcast %and3A_279 : i32 to vector<16xi32>
          %and3A_281 = arith.andi %add3A_278, %and3A_280 : vector<16xi32>
          %gather3A_282 = tpu.vector_load_idx %arg14[%add3A_164, %and3A_281] : memref<128x128xf32, #tpu.memory_space<vmem>>[vector<16xi32>, vector<16xi32>], vector<16xf32>,
          %gather3A_283 = tpu.vector_load_idx %arg17[%add3A_164, %and3A_281] : memref<128x128xf32, #tpu.memory_space<vmem>>[vector<16xi32>, vector<16xi32>], vector<16xf32>,
          %mul3A_284 = arith.mulf %gather3A_282, %gather3A_283 : vector<16xf32>
          %add3A_285 = arith.addf %add3A_274, %mul3A_284 : vector<16xf32>
          %scan3A_286 = arith.constant 2 : i32
          %scan3A_287 = arith.addi %scan3A_266, %scan3A_286 : i32
          %add3A_288 = vector.broadcast %scan3A_287 : i32 to vector<16xi32>
          %add3A_289 = arith.addi %iota3A, %add3A_288 : vector<16xi32>
          %and3A_290 = arith.constant 127 : i32
          %and3A_291 = vector.broadcast %and3A_290 : i32 to vector<16xi32>
          %and3A_292 = arith.andi %add3A_289, %and3A_291 : vector<16xi32>
          %gather3A_293 = tpu.vector_load_idx %arg14[%add3A_164, %and3A_292] : memref<128x128xf32, #tpu.memory_space<vmem>>[vector<16xi32>, vector<16xi32>], vector<16xf32>,
          %gather3A_294 = tpu.vector_load_idx %arg17[%add3A_164, %and3A_292] : memref<128x128xf32, #tpu.memory_space<vmem>>[vector<16xi32>, vector<16xi32>], vector<16xf32>,
          %mul3A_295 = arith.mulf %gather3A_293, %gather3A_294 : vector<16xf32>
          %add3A_296 = arith.addf %add3A_285, %mul3A_295 : vector<16xf32>
          %scan3A_297 = arith.constant 3 : i32
          %scan3A_298 = arith.addi %scan3A_266, %scan3A_297 : i32
          %add3A_299 = vector.broadcast %scan3A_298 : i32 to vector<16xi32>
          %add3A_300 = arith.addi %iota3A, %add3A_299 : vector<16xi32>
          %and3A_301 = arith.constant 127 : i32
          %and3A_302 = vector.broadcast %and3A_301 : i32 to vector<16xi32>
          %and3A_303 = arith.andi %add3A_300, %and3A_302 : vector<16xi32>
          %gather3A_304 = tpu.vector_load_idx %arg14[%add3A_164, %and3A_303] : memref<128x128xf32, #tpu.memory_space<vmem>>[vector<16xi32>, vector<16xi32>], vector<16xf32>,
          %gather3A_305 = tpu.vector_load_idx %arg17[%add3A_164, %and3A_303] : memref<128x128xf32, #tpu.memory_space<vmem>>[vector<16xi32>, vector<16xi32>], vector<16xf32>,
          %mul3A_306 = arith.mulf %gather3A_304, %gather3A_305 : vector<16xf32>
          %add3A_307 = arith.addf %add3A_296, %mul3A_306 : vector<16xf32>
          %scan3A_308 = arith.constant 4 : i32
          %scan3A_309 = arith.addi %scan3A_266, %scan3A_308 : i32
          %add3A_310 = vector.broadcast %scan3A_309 : i32 to vector<16xi32>
          %add3A_311 = arith.addi %iota3A, %add3A_310 : vector<16xi32>
          %and3A_312 = arith.constant 127 : i32
          %and3A_313 = vector.broadcast %and3A_312 : i32 to vector<16xi32>
          %and3A_314 = arith.andi %add3A_311, %and3A_313 : vector<16xi32>
          %gather3A_315 = tpu.vector_load_idx %arg14[%add3A_164, %and3A_314] : memref<128x128xf32, #tpu.memory_space<vmem>>[vector<16xi32>, vector<16xi32>], vector<16xf32>,
          %gather3A_316 = tpu.vector_load_idx %arg17[%add3A_164, %and3A_314] : memref<128x128xf32, #tpu.memory_space<vmem>>[vector<16xi32>, vector<16xi32>], vector<16xf32>,
          %mul3A_317 = arith.mulf %gather3A_315, %gather3A_316 : vector<16xf32>
          %add3A_318 = arith.addf %add3A_307, %mul3A_317 : vector<16xf32>
          %scan3A_319 = arith.constant 5 : i32
          %scan3A_320 = arith.addi %scan3A_266, %scan3A_319 : i32
          %add3A_321 = vector.broadcast %scan3A_320 : i32 to vector<16xi32>
          %add3A_322 = arith.addi %iota3A, %add3A_321 : vector<16xi32>
          %and3A_323 = arith.constant 127 : i32
          %and3A_324 = vector.broadcast %and3A_323 : i32 to vector<16xi32>
          %and3A_325 = arith.andi %add3A_322, %and3A_324 : vector<16xi32>
          %gather3A_326 = tpu.vector_load_idx %arg14[%add3A_164, %and3A_325] : memref<128x128xf32, #tpu.memory_space<vmem>>[vector<16xi32>, vector<16xi32>], vector<16xf32>,
          %gather3A_327 = tpu.vector_load_idx %arg17[%add3A_164, %and3A_325] : memref<128x128xf32, #tpu.memory_space<vmem>>[vector<16xi32>, vector<16xi32>], vector<16xf32>,
          %mul3A_328 = arith.mulf %gather3A_326, %gather3A_327 : vector<16xf32>
          %add3A_329 = arith.addf %add3A_318, %mul3A_328 : vector<16xf32>
          %scan3A_330 = arith.constant 6 : i32
          %scan3A_331 = arith.addi %scan3A_266, %scan3A_330 : i32
          %add3A_332 = vector.broadcast %scan3A_331 : i32 to vector<16xi32>
          %add3A_333 = arith.addi %iota3A, %add3A_332 : vector<16xi32>
          %and3A_334 = arith.constant 127 : i32
          %and3A_335 = vector.broadcast %and3A_334 : i32 to vector<16xi32>
          %and3A_336 = arith.andi %add3A_333, %and3A_335 : vector<16xi32>
          %gather3A_337 = tpu.vector_load_idx %arg14[%add3A_164, %and3A_336] : memref<128x128xf32, #tpu.memory_space<vmem>>[vector<16xi32>, vector<16xi32>], vector<16xf32>,
          %gather3A_338 = tpu.vector_load_idx %arg17[%add3A_164, %and3A_336] : memref<128x128xf32, #tpu.memory_space<vmem>>[vector<16xi32>, vector<16xi32>], vector<16xf32>,
          %mul3A_339 = arith.mulf %gather3A_337, %gather3A_338 : vector<16xf32>
          %add3A_340 = arith.addf %add3A_329, %mul3A_339 : vector<16xf32>
          %scan3A_341 = arith.constant 7 : i32
          %scan3A_342 = arith.addi %scan3A_266, %scan3A_341 : i32
          %add3A_343 = vector.broadcast %scan3A_342 : i32 to vector<16xi32>
          %add3A_344 = arith.addi %iota3A, %add3A_343 : vector<16xi32>
          %and3A_345 = arith.constant 127 : i32
          %and3A_346 = vector.broadcast %and3A_345 : i32 to vector<16xi32>
          %and3A_347 = arith.andi %add3A_344, %and3A_346 : vector<16xi32>
          %gather3A_348 = tpu.vector_load_idx %arg14[%add3A_164, %and3A_347] : memref<128x128xf32, #tpu.memory_space<vmem>>[vector<16xi32>, vector<16xi32>], vector<16xf32>,
          %gather3A_349 = tpu.vector_load_idx %arg17[%add3A_164, %and3A_347] : memref<128x128xf32, #tpu.memory_space<vmem>>[vector<16xi32>, vector<16xi32>], vector<16xf32>,
          %mul3A_350 = arith.mulf %gather3A_348, %gather3A_349 : vector<16xf32>
          %add3A_351 = arith.addf %add3A_340, %mul3A_350 : vector<16xf32>
          scf.yield %add3A_351 : vector<16xf32>
        }
        %scan3A_171 = arith.constant 128 : i32
        %swap3A = arith.constant 0 : index
        %swap3A_172 = tpu.vector_load %arg19[%swap3A] {strides = array<i32>} : memref<128xf32, #tpu.memory_space<vmem>>, vector<16xf32>,
        tpu.vector_store %arg19[%swap3A], %scan3A_170 {strides = array<i32>} : memref<128xf32, #tpu.memory_space<vmem>>, vector<16xf32>,
        %add3A_173 = arith.constant 16 : i32
        %add3A_174 = vector.broadcast %add3A_173 : i32 to vector<16xi32>
        %add3A_175 = arith.addi %iota3A, %add3A_174 : vector<16xi32>
        %broadcast_in_dim3A_176 = arith.constant 0.000000e+00 : f32
        %broadcast_in_dim3A_177 = vector.broadcast %broadcast_in_dim3A_176 : f32 to vector<16xf32>
        %scan3A_178 = arith.constant 0 : i32
        %scan3A_179 = arith.constant 128 : i32
        %scan3A_180 = arith.addi %scan3A_178, %scan3A_179 : i32
        %scan3A_181 = arith.constant 8 : i32
        %scan3A_182 = scf.for %scan3A_266 = %scan3A_178 to %scan3A_180 step %scan3A_181 iter_args(%scan3A_267 = %broadcast_in_dim3A_177) -> (vector<16xf32>)  : i32 {
          %add3A_268 = vector.broadcast %scan3A_266 : i32 to vector<16xi32>
          %add3A_269 = arith.addi %iota3A, %add3A_268 : vector<16xi32>
          %and3A = arith.constant 127 : i32
          %and3A_270 = vector.broadcast %and3A : i32 to vector<16xi32>
          %and3A_271 = arith.andi %add3A_269, %and3A_270 : vector<16xi32>
          %gather3A = tpu.vector_load_idx %arg14[%add3A_175, %and3A_271] : memref<128x128xf32, #tpu.memory_space<vmem>>[vector<16xi32>, vector<16xi32>], vector<16xf32>,
          %gather3A_272 = tpu.vector_load_idx %arg17[%add3A_175, %and3A_271] : memref<128x128xf32, #tpu.memory_space<vmem>>[vector<16xi32>, vector<16xi32>], vector<16xf32>,
          %mul3A_273 = arith.mulf %gather3A, %gather3A_272 : vector<16xf32>
          %add3A_274 = arith.addf %scan3A_267, %mul3A_273 : vector<16xf32>
          %scan3A_275 = arith.constant 1 : i32
          %scan3A_276 = arith.addi %scan3A_266, %scan3A_275 : i32
          %add3A_277 = vector.broadcast %scan3A_276 : i32 to vector<16xi32>
          %add3A_278 = arith.addi %iota3A, %add3A_277 : vector<16xi32>
          %and3A_279 = arith.constant 127 : i32
          %and3A_280 = vector.broadcast %and3A_279 : i32 to vector<16xi32>
          %and3A_281 = arith.andi %add3A_278, %and3A_280 : vector<16xi32>
          %gather3A_282 = tpu.vector_load_idx %arg14[%add3A_175, %and3A_281] : memref<128x128xf32, #tpu.memory_space<vmem>>[vector<16xi32>, vector<16xi32>], vector<16xf32>,
          %gather3A_283 = tpu.vector_load_idx %arg17[%add3A_175, %and3A_281] : memref<128x128xf32, #tpu.memory_space<vmem>>[vector<16xi32>, vector<16xi32>], vector<16xf32>,
          %mul3A_284 = arith.mulf %gather3A_282, %gather3A_283 : vector<16xf32>
          %add3A_285 = arith.addf %add3A_274, %mul3A_284 : vector<16xf32>
          %scan3A_286 = arith.constant 2 : i32
          %scan3A_287 = arith.addi %scan3A_266, %scan3A_286 : i32
          %add3A_288 = vector.broadcast %scan3A_287 : i32 to vector<16xi32>
          %add3A_289 = arith.addi %iota3A, %add3A_288 : vector<16xi32>
          %and3A_290 = arith.constant 127 : i32
          %and3A_291 = vector.broadcast %and3A_290 : i32 to vector<16xi32>
          %and3A_292 = arith.andi %add3A_289, %and3A_291 : vector<16xi32>
          %gather3A_293 = tpu.vector_load_idx %arg14[%add3A_175, %and3A_292] : memref<128x128xf32, #tpu.memory_space<vmem>>[vector<16xi32>, vector<16xi32>], vector<16xf32>,
          %gather3A_294 = tpu.vector_load_idx %arg17[%add3A_175, %and3A_292] : memref<128x128xf32, #tpu.memory_space<vmem>>[vector<16xi32>, vector<16xi32>], vector<16xf32>,
          %mul3A_295 = arith.mulf %gather3A_293, %gather3A_294 : vector<16xf32>
          %add3A_296 = arith.addf %add3A_285, %mul3A_295 : vector<16xf32>
          %scan3A_297 = arith.constant 3 : i32
          %scan3A_298 = arith.addi %scan3A_266, %scan3A_297 : i32
          %add3A_299 = vector.broadcast %scan3A_298 : i32 to vector<16xi32>
          %add3A_300 = arith.addi %iota3A, %add3A_299 : vector<16xi32>
          %and3A_301 = arith.constant 127 : i32
          %and3A_302 = vector.broadcast %and3A_301 : i32 to vector<16xi32>
          %and3A_303 = arith.andi %add3A_300, %and3A_302 : vector<16xi32>
          %gather3A_304 = tpu.vector_load_idx %arg14[%add3A_175, %and3A_303] : memref<128x128xf32, #tpu.memory_space<vmem>>[vector<16xi32>, vector<16xi32>], vector<16xf32>,
          %gather3A_305 = tpu.vector_load_idx %arg17[%add3A_175, %and3A_303] : memref<128x128xf32, #tpu.memory_space<vmem>>[vector<16xi32>, vector<16xi32>], vector<16xf32>,
          %mul3A_306 = arith.mulf %gather3A_304, %gather3A_305 : vector<16xf32>
          %add3A_307 = arith.addf %add3A_296, %mul3A_306 : vector<16xf32>
          %scan3A_308 = arith.constant 4 : i32
          %scan3A_309 = arith.addi %scan3A_266, %scan3A_308 : i32
          %add3A_310 = vector.broadcast %scan3A_309 : i32 to vector<16xi32>
          %add3A_311 = arith.addi %iota3A, %add3A_310 : vector<16xi32>
          %and3A_312 = arith.constant 127 : i32
          %and3A_313 = vector.broadcast %and3A_312 : i32 to vector<16xi32>
          %and3A_314 = arith.andi %add3A_311, %and3A_313 : vector<16xi32>
          %gather3A_315 = tpu.vector_load_idx %arg14[%add3A_175, %and3A_314] : memref<128x128xf32, #tpu.memory_space<vmem>>[vector<16xi32>, vector<16xi32>], vector<16xf32>,
          %gather3A_316 = tpu.vector_load_idx %arg17[%add3A_175, %and3A_314] : memref<128x128xf32, #tpu.memory_space<vmem>>[vector<16xi32>, vector<16xi32>], vector<16xf32>,
          %mul3A_317 = arith.mulf %gather3A_315, %gather3A_316 : vector<16xf32>
          %add3A_318 = arith.addf %add3A_307, %mul3A_317 : vector<16xf32>
          %scan3A_319 = arith.constant 5 : i32
          %scan3A_320 = arith.addi %scan3A_266, %scan3A_319 : i32
          %add3A_321 = vector.broadcast %scan3A_320 : i32 to vector<16xi32>
          %add3A_322 = arith.addi %iota3A, %add3A_321 : vector<16xi32>
          %and3A_323 = arith.constant 127 : i32
          %and3A_324 = vector.broadcast %and3A_323 : i32 to vector<16xi32>
          %and3A_325 = arith.andi %add3A_322, %and3A_324 : vector<16xi32>
          %gather3A_326 = tpu.vector_load_idx %arg14[%add3A_175, %and3A_325] : memref<128x128xf32, #tpu.memory_space<vmem>>[vector<16xi32>, vector<16xi32>], vector<16xf32>,
          %gather3A_327 = tpu.vector_load_idx %arg17[%add3A_175, %and3A_325] : memref<128x128xf32, #tpu.memory_space<vmem>>[vector<16xi32>, vector<16xi32>], vector<16xf32>,
          %mul3A_328 = arith.mulf %gather3A_326, %gather3A_327 : vector<16xf32>
          %add3A_329 = arith.addf %add3A_318, %mul3A_328 : vector<16xf32>
          %scan3A_330 = arith.constant 6 : i32
          %scan3A_331 = arith.addi %scan3A_266, %scan3A_330 : i32
          %add3A_332 = vector.broadcast %scan3A_331 : i32 to vector<16xi32>
          %add3A_333 = arith.addi %iota3A, %add3A_332 : vector<16xi32>
          %and3A_334 = arith.constant 127 : i32
          %and3A_335 = vector.broadcast %and3A_334 : i32 to vector<16xi32>
          %and3A_336 = arith.andi %add3A_333, %and3A_335 : vector<16xi32>
          %gather3A_337 = tpu.vector_load_idx %arg14[%add3A_175, %and3A_336] : memref<128x128xf32, #tpu.memory_space<vmem>>[vector<16xi32>, vector<16xi32>], vector<16xf32>,
          %gather3A_338 = tpu.vector_load_idx %arg17[%add3A_175, %and3A_336] : memref<128x128xf32, #tpu.memory_space<vmem>>[vector<16xi32>, vector<16xi32>], vector<16xf32>,
          %mul3A_339 = arith.mulf %gather3A_337, %gather3A_338 : vector<16xf32>
          %add3A_340 = arith.addf %add3A_329, %mul3A_339 : vector<16xf32>
          %scan3A_341 = arith.constant 7 : i32
          %scan3A_342 = arith.addi %scan3A_266, %scan3A_341 : i32
          %add3A_343 = vector.broadcast %scan3A_342 : i32 to vector<16xi32>
          %add3A_344 = arith.addi %iota3A, %add3A_343 : vector<16xi32>
          %and3A_345 = arith.constant 127 : i32
          %and3A_346 = vector.broadcast %and3A_345 : i32 to vector<16xi32>
          %and3A_347 = arith.andi %add3A_344, %and3A_346 : vector<16xi32>
          %gather3A_348 = tpu.vector_load_idx %arg14[%add3A_175, %and3A_347] : memref<128x128xf32, #tpu.memory_space<vmem>>[vector<16xi32>, vector<16xi32>], vector<16xf32>,
          %gather3A_349 = tpu.vector_load_idx %arg17[%add3A_175, %and3A_347] : memref<128x128xf32, #tpu.memory_space<vmem>>[vector<16xi32>, vector<16xi32>], vector<16xf32>,
          %mul3A_350 = arith.mulf %gather3A_348, %gather3A_349 : vector<16xf32>
          %add3A_351 = arith.addf %add3A_340, %mul3A_350 : vector<16xf32>
          scf.yield %add3A_351 : vector<16xf32>
        }
        %scan3A_183 = arith.constant 128 : i32
        %swap3A_184 = arith.constant 16 : index
        %swap3A_185 = tpu.vector_load %arg19[%swap3A_184] {strides = array<i32>} : memref<128xf32, #tpu.memory_space<vmem>>, vector<16xf32>,
        tpu.vector_store %arg19[%swap3A_184], %scan3A_182 {strides = array<i32>} : memref<128xf32, #tpu.memory_space<vmem>>, vector<16xf32>,
        %add3A_186 = arith.constant 32 : i32
        %add3A_187 = vector.broadcast %add3A_186 : i32 to vector<16xi32>
        %add3A_188 = arith.addi %iota3A, %add3A_187 : vector<16xi32>
        %broadcast_in_dim3A_189 = arith.constant 0.000000e+00 : f32
        %broadcast_in_dim3A_190 = vector.broadcast %broadcast_in_dim3A_189 : f32 to vector<16xf32>
        %scan3A_191 = arith.constant 0 : i32
        %scan3A_192 = arith.constant 128 : i32
        %scan3A_193 = arith.addi %scan3A_191, %scan3A_192 : i32
        %scan3A_194 = arith.constant 8 : i32
        %scan3A_195 = scf.for %scan3A_266 = %scan3A_191 to %scan3A_193 step %scan3A_194 iter_args(%scan3A_267 = %broadcast_in_dim3A_190) -> (vector<16xf32>)  : i32 {
          %add3A_268 = vector.broadcast %scan3A_266 : i32 to vector<16xi32>
          %add3A_269 = arith.addi %iota3A, %add3A_268 : vector<16xi32>
          %and3A = arith.constant 127 : i32
          %and3A_270 = vector.broadcast %and3A : i32 to vector<16xi32>
          %and3A_271 = arith.andi %add3A_269, %and3A_270 : vector<16xi32>
          %gather3A = tpu.vector_load_idx %arg14[%add3A_188, %and3A_271] : memref<128x128xf32, #tpu.memory_space<vmem>>[vector<16xi32>, vector<16xi32>], vector<16xf32>,
          %gather3A_272 = tpu.vector_load_idx %arg17[%add3A_188, %and3A_271] : memref<128x128xf32, #tpu.memory_space<vmem>>[vector<16xi32>, vector<16xi32>], vector<16xf32>,
          %mul3A_273 = arith.mulf %gather3A, %gather3A_272 : vector<16xf32>
          %add3A_274 = arith.addf %scan3A_267, %mul3A_273 : vector<16xf32>
          %scan3A_275 = arith.constant 1 : i32
          %scan3A_276 = arith.addi %scan3A_266, %scan3A_275 : i32
          %add3A_277 = vector.broadcast %scan3A_276 : i32 to vector<16xi32>
          %add3A_278 = arith.addi %iota3A, %add3A_277 : vector<16xi32>
          %and3A_279 = arith.constant 127 : i32
          %and3A_280 = vector.broadcast %and3A_279 : i32 to vector<16xi32>
          %and3A_281 = arith.andi %add3A_278, %and3A_280 : vector<16xi32>
          %gather3A_282 = tpu.vector_load_idx %arg14[%add3A_188, %and3A_281] : memref<128x128xf32, #tpu.memory_space<vmem>>[vector<16xi32>, vector<16xi32>], vector<16xf32>,
          %gather3A_283 = tpu.vector_load_idx %arg17[%add3A_188, %and3A_281] : memref<128x128xf32, #tpu.memory_space<vmem>>[vector<16xi32>, vector<16xi32>], vector<16xf32>,
          %mul3A_284 = arith.mulf %gather3A_282, %gather3A_283 : vector<16xf32>
          %add3A_285 = arith.addf %add3A_274, %mul3A_284 : vector<16xf32>
          %scan3A_286 = arith.constant 2 : i32
          %scan3A_287 = arith.addi %scan3A_266, %scan3A_286 : i32
          %add3A_288 = vector.broadcast %scan3A_287 : i32 to vector<16xi32>
          %add3A_289 = arith.addi %iota3A, %add3A_288 : vector<16xi32>
          %and3A_290 = arith.constant 127 : i32
          %and3A_291 = vector.broadcast %and3A_290 : i32 to vector<16xi32>
          %and3A_292 = arith.andi %add3A_289, %and3A_291 : vector<16xi32>
          %gather3A_293 = tpu.vector_load_idx %arg14[%add3A_188, %and3A_292] : memref<128x128xf32, #tpu.memory_space<vmem>>[vector<16xi32>, vector<16xi32>], vector<16xf32>,
          %gather3A_294 = tpu.vector_load_idx %arg17[%add3A_188, %and3A_292] : memref<128x128xf32, #tpu.memory_space<vmem>>[vector<16xi32>, vector<16xi32>], vector<16xf32>,
          %mul3A_295 = arith.mulf %gather3A_293, %gather3A_294 : vector<16xf32>
          %add3A_296 = arith.addf %add3A_285, %mul3A_295 : vector<16xf32>
          %scan3A_297 = arith.constant 3 : i32
          %scan3A_298 = arith.addi %scan3A_266, %scan3A_297 : i32
          %add3A_299 = vector.broadcast %scan3A_298 : i32 to vector<16xi32>
          %add3A_300 = arith.addi %iota3A, %add3A_299 : vector<16xi32>
          %and3A_301 = arith.constant 127 : i32
          %and3A_302 = vector.broadcast %and3A_301 : i32 to vector<16xi32>
          %and3A_303 = arith.andi %add3A_300, %and3A_302 : vector<16xi32>
          %gather3A_304 = tpu.vector_load_idx %arg14[%add3A_188, %and3A_303] : memref<128x128xf32, #tpu.memory_space<vmem>>[vector<16xi32>, vector<16xi32>], vector<16xf32>,
          %gather3A_305 = tpu.vector_load_idx %arg17[%add3A_188, %and3A_303] : memref<128x128xf32, #tpu.memory_space<vmem>>[vector<16xi32>, vector<16xi32>], vector<16xf32>,
          %mul3A_306 = arith.mulf %gather3A_304, %gather3A_305 : vector<16xf32>
          %add3A_307 = arith.addf %add3A_296, %mul3A_306 : vector<16xf32>
          %scan3A_308 = arith.constant 4 : i32
          %scan3A_309 = arith.addi %scan3A_266, %scan3A_308 : i32
          %add3A_310 = vector.broadcast %scan3A_309 : i32 to vector<16xi32>
          %add3A_311 = arith.addi %iota3A, %add3A_310 : vector<16xi32>
          %and3A_312 = arith.constant 127 : i32
          %and3A_313 = vector.broadcast %and3A_312 : i32 to vector<16xi32>
          %and3A_314 = arith.andi %add3A_311, %and3A_313 : vector<16xi32>
          %gather3A_315 = tpu.vector_load_idx %arg14[%add3A_188, %and3A_314] : memref<128x128xf32, #tpu.memory_space<vmem>>[vector<16xi32>, vector<16xi32>], vector<16xf32>,
          %gather3A_316 = tpu.vector_load_idx %arg17[%add3A_188, %and3A_314] : memref<128x128xf32, #tpu.memory_space<vmem>>[vector<16xi32>, vector<16xi32>], vector<16xf32>,
          %mul3A_317 = arith.mulf %gather3A_315, %gather3A_316 : vector<16xf32>
          %add3A_318 = arith.addf %add3A_307, %mul3A_317 : vector<16xf32>
          %scan3A_319 = arith.constant 5 : i32
          %scan3A_320 = arith.addi %scan3A_266, %scan3A_319 : i32
          %add3A_321 = vector.broadcast %scan3A_320 : i32 to vector<16xi32>
          %add3A_322 = arith.addi %iota3A, %add3A_321 : vector<16xi32>
          %and3A_323 = arith.constant 127 : i32
          %and3A_324 = vector.broadcast %and3A_323 : i32 to vector<16xi32>
          %and3A_325 = arith.andi %add3A_322, %and3A_324 : vector<16xi32>
          %gather3A_326 = tpu.vector_load_idx %arg14[%add3A_188, %and3A_325] : memref<128x128xf32, #tpu.memory_space<vmem>>[vector<16xi32>, vector<16xi32>], vector<16xf32>,
          %gather3A_327 = tpu.vector_load_idx %arg17[%add3A_188, %and3A_325] : memref<128x128xf32, #tpu.memory_space<vmem>>[vector<16xi32>, vector<16xi32>], vector<16xf32>,
          %mul3A_328 = arith.mulf %gather3A_326, %gather3A_327 : vector<16xf32>
          %add3A_329 = arith.addf %add3A_318, %mul3A_328 : vector<16xf32>
          %scan3A_330 = arith.constant 6 : i32
          %scan3A_331 = arith.addi %scan3A_266, %scan3A_330 : i32
          %add3A_332 = vector.broadcast %scan3A_331 : i32 to vector<16xi32>
          %add3A_333 = arith.addi %iota3A, %add3A_332 : vector<16xi32>
          %and3A_334 = arith.constant 127 : i32
          %and3A_335 = vector.broadcast %and3A_334 : i32 to vector<16xi32>
          %and3A_336 = arith.andi %add3A_333, %and3A_335 : vector<16xi32>
          %gather3A_337 = tpu.vector_load_idx %arg14[%add3A_188, %and3A_336] : memref<128x128xf32, #tpu.memory_space<vmem>>[vector<16xi32>, vector<16xi32>], vector<16xf32>,
          %gather3A_338 = tpu.vector_load_idx %arg17[%add3A_188, %and3A_336] : memref<128x128xf32, #tpu.memory_space<vmem>>[vector<16xi32>, vector<16xi32>], vector<16xf32>,
          %mul3A_339 = arith.mulf %gather3A_337, %gather3A_338 : vector<16xf32>
          %add3A_340 = arith.addf %add3A_329, %mul3A_339 : vector<16xf32>
          %scan3A_341 = arith.constant 7 : i32
          %scan3A_342 = arith.addi %scan3A_266, %scan3A_341 : i32
          %add3A_343 = vector.broadcast %scan3A_342 : i32 to vector<16xi32>
          %add3A_344 = arith.addi %iota3A, %add3A_343 : vector<16xi32>
          %and3A_345 = arith.constant 127 : i32
          %and3A_346 = vector.broadcast %and3A_345 : i32 to vector<16xi32>
          %and3A_347 = arith.andi %add3A_344, %and3A_346 : vector<16xi32>
          %gather3A_348 = tpu.vector_load_idx %arg14[%add3A_188, %and3A_347] : memref<128x128xf32, #tpu.memory_space<vmem>>[vector<16xi32>, vector<16xi32>], vector<16xf32>,
          %gather3A_349 = tpu.vector_load_idx %arg17[%add3A_188, %and3A_347] : memref<128x128xf32, #tpu.memory_space<vmem>>[vector<16xi32>, vector<16xi32>], vector<16xf32>,
          %mul3A_350 = arith.mulf %gather3A_348, %gather3A_349 : vector<16xf32>
          %add3A_351 = arith.addf %add3A_340, %mul3A_350 : vector<16xf32>
          scf.yield %add3A_351 : vector<16xf32>
        }
        %scan3A_196 = arith.constant 128 : i32
        %swap3A_197 = arith.constant 32 : index
        %swap3A_198 = tpu.vector_load %arg19[%swap3A_197] {strides = array<i32>} : memref<128xf32, #tpu.memory_space<vmem>>, vector<16xf32>,
        tpu.vector_store %arg19[%swap3A_197], %scan3A_195 {strides = array<i32>} : memref<128xf32, #tpu.memory_space<vmem>>, vector<16xf32>,
        %add3A_199 = arith.constant 48 : i32
        %add3A_200 = vector.broadcast %add3A_199 : i32 to vector<16xi32>
        %add3A_201 = arith.addi %iota3A, %add3A_200 : vector<16xi32>
        %broadcast_in_dim3A_202 = arith.constant 0.000000e+00 : f32
        %broadcast_in_dim3A_203 = vector.broadcast %broadcast_in_dim3A_202 : f32 to vector<16xf32>
        %scan3A_204 = arith.constant 0 : i32
        %scan3A_205 = arith.constant 128 : i32
        %scan3A_206 = arith.addi %scan3A_204, %scan3A_205 : i32
        %scan3A_207 = arith.constant 8 : i32
        %scan3A_208 = scf.for %scan3A_266 = %scan3A_204 to %scan3A_206 step %scan3A_207 iter_args(%scan3A_267 = %broadcast_in_dim3A_203) -> (vector<16xf32>)  : i32 {
          %add3A_268 = vector.broadcast %scan3A_266 : i32 to vector<16xi32>
          %add3A_269 = arith.addi %iota3A, %add3A_268 : vector<16xi32>
          %and3A = arith.constant 127 : i32
          %and3A_270 = vector.broadcast %and3A : i32 to vector<16xi32>
          %and3A_271 = arith.andi %add3A_269, %and3A_270 : vector<16xi32>
          %gather3A = tpu.vector_load_idx %arg14[%add3A_201, %and3A_271] : memref<128x128xf32, #tpu.memory_space<vmem>>[vector<16xi32>, vector<16xi32>], vector<16xf32>,
          %gather3A_272 = tpu.vector_load_idx %arg17[%add3A_201, %and3A_271] : memref<128x128xf32, #tpu.memory_space<vmem>>[vector<16xi32>, vector<16xi32>], vector<16xf32>,
          %mul3A_273 = arith.mulf %gather3A, %gather3A_272 : vector<16xf32>
          %add3A_274 = arith.addf %scan3A_267, %mul3A_273 : vector<16xf32>
          %scan3A_275 = arith.constant 1 : i32
          %scan3A_276 = arith.addi %scan3A_266, %scan3A_275 : i32
          %add3A_277 = vector.broadcast %scan3A_276 : i32 to vector<16xi32>
          %add3A_278 = arith.addi %iota3A, %add3A_277 : vector<16xi32>
          %and3A_279 = arith.constant 127 : i32
          %and3A_280 = vector.broadcast %and3A_279 : i32 to vector<16xi32>
          %and3A_281 = arith.andi %add3A_278, %and3A_280 : vector<16xi32>
          %gather3A_282 = tpu.vector_load_idx %arg14[%add3A_201, %and3A_281] : memref<128x128xf32, #tpu.memory_space<vmem>>[vector<16xi32>, vector<16xi32>], vector<16xf32>,
          %gather3A_283 = tpu.vector_load_idx %arg17[%add3A_201, %and3A_281] : memref<128x128xf32, #tpu.memory_space<vmem>>[vector<16xi32>, vector<16xi32>], vector<16xf32>,
          %mul3A_284 = arith.mulf %gather3A_282, %gather3A_283 : vector<16xf32>
          %add3A_285 = arith.addf %add3A_274, %mul3A_284 : vector<16xf32>
          %scan3A_286 = arith.constant 2 : i32
          %scan3A_287 = arith.addi %scan3A_266, %scan3A_286 : i32
          %add3A_288 = vector.broadcast %scan3A_287 : i32 to vector<16xi32>
          %add3A_289 = arith.addi %iota3A, %add3A_288 : vector<16xi32>
          %and3A_290 = arith.constant 127 : i32
          %and3A_291 = vector.broadcast %and3A_290 : i32 to vector<16xi32>
          %and3A_292 = arith.andi %add3A_289, %and3A_291 : vector<16xi32>
          %gather3A_293 = tpu.vector_load_idx %arg14[%add3A_201, %and3A_292] : memref<128x128xf32, #tpu.memory_space<vmem>>[vector<16xi32>, vector<16xi32>], vector<16xf32>,
          %gather3A_294 = tpu.vector_load_idx %arg17[%add3A_201, %and3A_292] : memref<128x128xf32, #tpu.memory_space<vmem>>[vector<16xi32>, vector<16xi32>], vector<16xf32>,
          %mul3A_295 = arith.mulf %gather3A_293, %gather3A_294 : vector<16xf32>
          %add3A_296 = arith.addf %add3A_285, %mul3A_295 : vector<16xf32>
          %scan3A_297 = arith.constant 3 : i32
          %scan3A_298 = arith.addi %scan3A_266, %scan3A_297 : i32
          %add3A_299 = vector.broadcast %scan3A_298 : i32 to vector<16xi32>
          %add3A_300 = arith.addi %iota3A, %add3A_299 : vector<16xi32>
          %and3A_301 = arith.constant 127 : i32
          %and3A_302 = vector.broadcast %and3A_301 : i32 to vector<16xi32>
          %and3A_303 = arith.andi %add3A_300, %and3A_302 : vector<16xi32>
          %gather3A_304 = tpu.vector_load_idx %arg14[%add3A_201, %and3A_303] : memref<128x128xf32, #tpu.memory_space<vmem>>[vector<16xi32>, vector<16xi32>], vector<16xf32>,
          %gather3A_305 = tpu.vector_load_idx %arg17[%add3A_201, %and3A_303] : memref<128x128xf32, #tpu.memory_space<vmem>>[vector<16xi32>, vector<16xi32>], vector<16xf32>,
          %mul3A_306 = arith.mulf %gather3A_304, %gather3A_305 : vector<16xf32>
          %add3A_307 = arith.addf %add3A_296, %mul3A_306 : vector<16xf32>
          %scan3A_308 = arith.constant 4 : i32
          %scan3A_309 = arith.addi %scan3A_266, %scan3A_308 : i32
          %add3A_310 = vector.broadcast %scan3A_309 : i32 to vector<16xi32>
          %add3A_311 = arith.addi %iota3A, %add3A_310 : vector<16xi32>
          %and3A_312 = arith.constant 127 : i32
          %and3A_313 = vector.broadcast %and3A_312 : i32 to vector<16xi32>
          %and3A_314 = arith.andi %add3A_311, %and3A_313 : vector<16xi32>
          %gather3A_315 = tpu.vector_load_idx %arg14[%add3A_201, %and3A_314] : memref<128x128xf32, #tpu.memory_space<vmem>>[vector<16xi32>, vector<16xi32>], vector<16xf32>,
          %gather3A_316 = tpu.vector_load_idx %arg17[%add3A_201, %and3A_314] : memref<128x128xf32, #tpu.memory_space<vmem>>[vector<16xi32>, vector<16xi32>], vector<16xf32>,
          %mul3A_317 = arith.mulf %gather3A_315, %gather3A_316 : vector<16xf32>
          %add3A_318 = arith.addf %add3A_307, %mul3A_317 : vector<16xf32>
          %scan3A_319 = arith.constant 5 : i32
          %scan3A_320 = arith.addi %scan3A_266, %scan3A_319 : i32
          %add3A_321 = vector.broadcast %scan3A_320 : i32 to vector<16xi32>
          %add3A_322 = arith.addi %iota3A, %add3A_321 : vector<16xi32>
          %and3A_323 = arith.constant 127 : i32
          %and3A_324 = vector.broadcast %and3A_323 : i32 to vector<16xi32>
          %and3A_325 = arith.andi %add3A_322, %and3A_324 : vector<16xi32>
          %gather3A_326 = tpu.vector_load_idx %arg14[%add3A_201, %and3A_325] : memref<128x128xf32, #tpu.memory_space<vmem>>[vector<16xi32>, vector<16xi32>], vector<16xf32>,
          %gather3A_327 = tpu.vector_load_idx %arg17[%add3A_201, %and3A_325] : memref<128x128xf32, #tpu.memory_space<vmem>>[vector<16xi32>, vector<16xi32>], vector<16xf32>,
          %mul3A_328 = arith.mulf %gather3A_326, %gather3A_327 : vector<16xf32>
          %add3A_329 = arith.addf %add3A_318, %mul3A_328 : vector<16xf32>
          %scan3A_330 = arith.constant 6 : i32
          %scan3A_331 = arith.addi %scan3A_266, %scan3A_330 : i32
          %add3A_332 = vector.broadcast %scan3A_331 : i32 to vector<16xi32>
          %add3A_333 = arith.addi %iota3A, %add3A_332 : vector<16xi32>
          %and3A_334 = arith.constant 127 : i32
          %and3A_335 = vector.broadcast %and3A_334 : i32 to vector<16xi32>
          %and3A_336 = arith.andi %add3A_333, %and3A_335 : vector<16xi32>
          %gather3A_337 = tpu.vector_load_idx %arg14[%add3A_201, %and3A_336] : memref<128x128xf32, #tpu.memory_space<vmem>>[vector<16xi32>, vector<16xi32>], vector<16xf32>,
          %gather3A_338 = tpu.vector_load_idx %arg17[%add3A_201, %and3A_336] : memref<128x128xf32, #tpu.memory_space<vmem>>[vector<16xi32>, vector<16xi32>], vector<16xf32>,
          %mul3A_339 = arith.mulf %gather3A_337, %gather3A_338 : vector<16xf32>
          %add3A_340 = arith.addf %add3A_329, %mul3A_339 : vector<16xf32>
          %scan3A_341 = arith.constant 7 : i32
          %scan3A_342 = arith.addi %scan3A_266, %scan3A_341 : i32
          %add3A_343 = vector.broadcast %scan3A_342 : i32 to vector<16xi32>
          %add3A_344 = arith.addi %iota3A, %add3A_343 : vector<16xi32>
          %and3A_345 = arith.constant 127 : i32
          %and3A_346 = vector.broadcast %and3A_345 : i32 to vector<16xi32>
          %and3A_347 = arith.andi %add3A_344, %and3A_346 : vector<16xi32>
          %gather3A_348 = tpu.vector_load_idx %arg14[%add3A_201, %and3A_347] : memref<128x128xf32, #tpu.memory_space<vmem>>[vector<16xi32>, vector<16xi32>], vector<16xf32>,
          %gather3A_349 = tpu.vector_load_idx %arg17[%add3A_201, %and3A_347] : memref<128x128xf32, #tpu.memory_space<vmem>>[vector<16xi32>, vector<16xi32>], vector<16xf32>,
          %mul3A_350 = arith.mulf %gather3A_348, %gather3A_349 : vector<16xf32>
          %add3A_351 = arith.addf %add3A_340, %mul3A_350 : vector<16xf32>
          scf.yield %add3A_351 : vector<16xf32>
        }
        %scan3A_209 = arith.constant 128 : i32
        %swap3A_210 = arith.constant 48 : index
        %swap3A_211 = tpu.vector_load %arg19[%swap3A_210] {strides = array<i32>} : memref<128xf32, #tpu.memory_space<vmem>>, vector<16xf32>,
        tpu.vector_store %arg19[%swap3A_210], %scan3A_208 {strides = array<i32>} : memref<128xf32, #tpu.memory_space<vmem>>, vector<16xf32>,
        %add3A_212 = arith.constant 64 : i32
        %add3A_213 = vector.broadcast %add3A_212 : i32 to vector<16xi32>
        %add3A_214 = arith.addi %iota3A, %add3A_213 : vector<16xi32>
        %broadcast_in_dim3A_215 = arith.constant 0.000000e+00 : f32
        %broadcast_in_dim3A_216 = vector.broadcast %broadcast_in_dim3A_215 : f32 to vector<16xf32>
        %scan3A_217 = arith.constant 0 : i32
        %scan3A_218 = arith.constant 128 : i32
        %scan3A_219 = arith.addi %scan3A_217, %scan3A_218 : i32
        %scan3A_220 = arith.constant 8 : i32
        %scan3A_221 = scf.for %scan3A_266 = %scan3A_217 to %scan3A_219 step %scan3A_220 iter_args(%scan3A_267 = %broadcast_in_dim3A_216) -> (vector<16xf32>)  : i32 {
          %add3A_268 = vector.broadcast %scan3A_266 : i32 to vector<16xi32>
          %add3A_269 = arith.addi %iota3A, %add3A_268 : vector<16xi32>
          %and3A = arith.constant 127 : i32
          %and3A_270 = vector.broadcast %and3A : i32 to vector<16xi32>
          %and3A_271 = arith.andi %add3A_269, %and3A_270 : vector<16xi32>
          %gather3A = tpu.vector_load_idx %arg14[%add3A_214, %and3A_271] : memref<128x128xf32, #tpu.memory_space<vmem>>[vector<16xi32>, vector<16xi32>], vector<16xf32>,
          %gather3A_272 = tpu.vector_load_idx %arg17[%add3A_214, %and3A_271] : memref<128x128xf32, #tpu.memory_space<vmem>>[vector<16xi32>, vector<16xi32>], vector<16xf32>,
          %mul3A_273 = arith.mulf %gather3A, %gather3A_272 : vector<16xf32>
          %add3A_274 = arith.addf %scan3A_267, %mul3A_273 : vector<16xf32>
          %scan3A_275 = arith.constant 1 : i32
          %scan3A_276 = arith.addi %scan3A_266, %scan3A_275 : i32
          %add3A_277 = vector.broadcast %scan3A_276 : i32 to vector<16xi32>
          %add3A_278 = arith.addi %iota3A, %add3A_277 : vector<16xi32>
          %and3A_279 = arith.constant 127 : i32
          %and3A_280 = vector.broadcast %and3A_279 : i32 to vector<16xi32>
          %and3A_281 = arith.andi %add3A_278, %and3A_280 : vector<16xi32>
          %gather3A_282 = tpu.vector_load_idx %arg14[%add3A_214, %and3A_281] : memref<128x128xf32, #tpu.memory_space<vmem>>[vector<16xi32>, vector<16xi32>], vector<16xf32>,
          %gather3A_283 = tpu.vector_load_idx %arg17[%add3A_214, %and3A_281] : memref<128x128xf32, #tpu.memory_space<vmem>>[vector<16xi32>, vector<16xi32>], vector<16xf32>,
          %mul3A_284 = arith.mulf %gather3A_282, %gather3A_283 : vector<16xf32>
          %add3A_285 = arith.addf %add3A_274, %mul3A_284 : vector<16xf32>
          %scan3A_286 = arith.constant 2 : i32
          %scan3A_287 = arith.addi %scan3A_266, %scan3A_286 : i32
          %add3A_288 = vector.broadcast %scan3A_287 : i32 to vector<16xi32>
          %add3A_289 = arith.addi %iota3A, %add3A_288 : vector<16xi32>
          %and3A_290 = arith.constant 127 : i32
          %and3A_291 = vector.broadcast %and3A_290 : i32 to vector<16xi32>
          %and3A_292 = arith.andi %add3A_289, %and3A_291 : vector<16xi32>
          %gather3A_293 = tpu.vector_load_idx %arg14[%add3A_214, %and3A_292] : memref<128x128xf32, #tpu.memory_space<vmem>>[vector<16xi32>, vector<16xi32>], vector<16xf32>,
          %gather3A_294 = tpu.vector_load_idx %arg17[%add3A_214, %and3A_292] : memref<128x128xf32, #tpu.memory_space<vmem>>[vector<16xi32>, vector<16xi32>], vector<16xf32>,
          %mul3A_295 = arith.mulf %gather3A_293, %gather3A_294 : vector<16xf32>
          %add3A_296 = arith.addf %add3A_285, %mul3A_295 : vector<16xf32>
          %scan3A_297 = arith.constant 3 : i32
          %scan3A_298 = arith.addi %scan3A_266, %scan3A_297 : i32
          %add3A_299 = vector.broadcast %scan3A_298 : i32 to vector<16xi32>
          %add3A_300 = arith.addi %iota3A, %add3A_299 : vector<16xi32>
          %and3A_301 = arith.constant 127 : i32
          %and3A_302 = vector.broadcast %and3A_301 : i32 to vector<16xi32>
          %and3A_303 = arith.andi %add3A_300, %and3A_302 : vector<16xi32>
          %gather3A_304 = tpu.vector_load_idx %arg14[%add3A_214, %and3A_303] : memref<128x128xf32, #tpu.memory_space<vmem>>[vector<16xi32>, vector<16xi32>], vector<16xf32>,
          %gather3A_305 = tpu.vector_load_idx %arg17[%add3A_214, %and3A_303] : memref<128x128xf32, #tpu.memory_space<vmem>>[vector<16xi32>, vector<16xi32>], vector<16xf32>,
          %mul3A_306 = arith.mulf %gather3A_304, %gather3A_305 : vector<16xf32>
          %add3A_307 = arith.addf %add3A_296, %mul3A_306 : vector<16xf32>
          %scan3A_308 = arith.constant 4 : i32
          %scan3A_309 = arith.addi %scan3A_266, %scan3A_308 : i32
          %add3A_310 = vector.broadcast %scan3A_309 : i32 to vector<16xi32>
          %add3A_311 = arith.addi %iota3A, %add3A_310 : vector<16xi32>
          %and3A_312 = arith.constant 127 : i32
          %and3A_313 = vector.broadcast %and3A_312 : i32 to vector<16xi32>
          %and3A_314 = arith.andi %add3A_311, %and3A_313 : vector<16xi32>
          %gather3A_315 = tpu.vector_load_idx %arg14[%add3A_214, %and3A_314] : memref<128x128xf32, #tpu.memory_space<vmem>>[vector<16xi32>, vector<16xi32>], vector<16xf32>,
          %gather3A_316 = tpu.vector_load_idx %arg17[%add3A_214, %and3A_314] : memref<128x128xf32, #tpu.memory_space<vmem>>[vector<16xi32>, vector<16xi32>], vector<16xf32>,
          %mul3A_317 = arith.mulf %gather3A_315, %gather3A_316 : vector<16xf32>
          %add3A_318 = arith.addf %add3A_307, %mul3A_317 : vector<16xf32>
          %scan3A_319 = arith.constant 5 : i32
          %scan3A_320 = arith.addi %scan3A_266, %scan3A_319 : i32
          %add3A_321 = vector.broadcast %scan3A_320 : i32 to vector<16xi32>
          %add3A_322 = arith.addi %iota3A, %add3A_321 : vector<16xi32>
          %and3A_323 = arith.constant 127 : i32
          %and3A_324 = vector.broadcast %and3A_323 : i32 to vector<16xi32>
          %and3A_325 = arith.andi %add3A_322, %and3A_324 : vector<16xi32>
          %gather3A_326 = tpu.vector_load_idx %arg14[%add3A_214, %and3A_325] : memref<128x128xf32, #tpu.memory_space<vmem>>[vector<16xi32>, vector<16xi32>], vector<16xf32>,
          %gather3A_327 = tpu.vector_load_idx %arg17[%add3A_214, %and3A_325] : memref<128x128xf32, #tpu.memory_space<vmem>>[vector<16xi32>, vector<16xi32>], vector<16xf32>,
          %mul3A_328 = arith.mulf %gather3A_326, %gather3A_327 : vector<16xf32>
          %add3A_329 = arith.addf %add3A_318, %mul3A_328 : vector<16xf32>
          %scan3A_330 = arith.constant 6 : i32
          %scan3A_331 = arith.addi %scan3A_266, %scan3A_330 : i32
          %add3A_332 = vector.broadcast %scan3A_331 : i32 to vector<16xi32>
          %add3A_333 = arith.addi %iota3A, %add3A_332 : vector<16xi32>
          %and3A_334 = arith.constant 127 : i32
          %and3A_335 = vector.broadcast %and3A_334 : i32 to vector<16xi32>
          %and3A_336 = arith.andi %add3A_333, %and3A_335 : vector<16xi32>
          %gather3A_337 = tpu.vector_load_idx %arg14[%add3A_214, %and3A_336] : memref<128x128xf32, #tpu.memory_space<vmem>>[vector<16xi32>, vector<16xi32>], vector<16xf32>,
          %gather3A_338 = tpu.vector_load_idx %arg17[%add3A_214, %and3A_336] : memref<128x128xf32, #tpu.memory_space<vmem>>[vector<16xi32>, vector<16xi32>], vector<16xf32>,
          %mul3A_339 = arith.mulf %gather3A_337, %gather3A_338 : vector<16xf32>
          %add3A_340 = arith.addf %add3A_329, %mul3A_339 : vector<16xf32>
          %scan3A_341 = arith.constant 7 : i32
          %scan3A_342 = arith.addi %scan3A_266, %scan3A_341 : i32
          %add3A_343 = vector.broadcast %scan3A_342 : i32 to vector<16xi32>
          %add3A_344 = arith.addi %iota3A, %add3A_343 : vector<16xi32>
          %and3A_345 = arith.constant 127 : i32
          %and3A_346 = vector.broadcast %and3A_345 : i32 to vector<16xi32>
          %and3A_347 = arith.andi %add3A_344, %and3A_346 : vector<16xi32>
          %gather3A_348 = tpu.vector_load_idx %arg14[%add3A_214, %and3A_347] : memref<128x128xf32, #tpu.memory_space<vmem>>[vector<16xi32>, vector<16xi32>], vector<16xf32>,
          %gather3A_349 = tpu.vector_load_idx %arg17[%add3A_214, %and3A_347] : memref<128x128xf32, #tpu.memory_space<vmem>>[vector<16xi32>, vector<16xi32>], vector<16xf32>,
          %mul3A_350 = arith.mulf %gather3A_348, %gather3A_349 : vector<16xf32>
          %add3A_351 = arith.addf %add3A_340, %mul3A_350 : vector<16xf32>
          scf.yield %add3A_351 : vector<16xf32>
        }
        %scan3A_222 = arith.constant 128 : i32
        %swap3A_223 = arith.constant 64 : index
        %swap3A_224 = tpu.vector_load %arg19[%swap3A_223] {strides = array<i32>} : memref<128xf32, #tpu.memory_space<vmem>>, vector<16xf32>,
        tpu.vector_store %arg19[%swap3A_223], %scan3A_221 {strides = array<i32>} : memref<128xf32, #tpu.memory_space<vmem>>, vector<16xf32>,
        %add3A_225 = arith.constant 80 : i32
        %add3A_226 = vector.broadcast %add3A_225 : i32 to vector<16xi32>
        %add3A_227 = arith.addi %iota3A, %add3A_226 : vector<16xi32>
        %broadcast_in_dim3A_228 = arith.constant 0.000000e+00 : f32
        %broadcast_in_dim3A_229 = vector.broadcast %broadcast_in_dim3A_228 : f32 to vector<16xf32>
        %scan3A_230 = arith.constant 0 : i32
        %scan3A_231 = arith.constant 128 : i32
        %scan3A_232 = arith.addi %scan3A_230, %scan3A_231 : i32
        %scan3A_233 = arith.constant 8 : i32
        %scan3A_234 = scf.for %scan3A_266 = %scan3A_230 to %scan3A_232 step %scan3A_233 iter_args(%scan3A_267 = %broadcast_in_dim3A_229) -> (vector<16xf32>)  : i32 {
          %add3A_268 = vector.broadcast %scan3A_266 : i32 to vector<16xi32>
          %add3A_269 = arith.addi %iota3A, %add3A_268 : vector<16xi32>
          %and3A = arith.constant 127 : i32
          %and3A_270 = vector.broadcast %and3A : i32 to vector<16xi32>
          %and3A_271 = arith.andi %add3A_269, %and3A_270 : vector<16xi32>
          %gather3A = tpu.vector_load_idx %arg14[%add3A_227, %and3A_271] : memref<128x128xf32, #tpu.memory_space<vmem>>[vector<16xi32>, vector<16xi32>], vector<16xf32>,
          %gather3A_272 = tpu.vector_load_idx %arg17[%add3A_227, %and3A_271] : memref<128x128xf32, #tpu.memory_space<vmem>>[vector<16xi32>, vector<16xi32>], vector<16xf32>,
          %mul3A_273 = arith.mulf %gather3A, %gather3A_272 : vector<16xf32>
          %add3A_274 = arith.addf %scan3A_267, %mul3A_273 : vector<16xf32>
          %scan3A_275 = arith.constant 1 : i32
          %scan3A_276 = arith.addi %scan3A_266, %scan3A_275 : i32
          %add3A_277 = vector.broadcast %scan3A_276 : i32 to vector<16xi32>
          %add3A_278 = arith.addi %iota3A, %add3A_277 : vector<16xi32>
          %and3A_279 = arith.constant 127 : i32
          %and3A_280 = vector.broadcast %and3A_279 : i32 to vector<16xi32>
          %and3A_281 = arith.andi %add3A_278, %and3A_280 : vector<16xi32>
          %gather3A_282 = tpu.vector_load_idx %arg14[%add3A_227, %and3A_281] : memref<128x128xf32, #tpu.memory_space<vmem>>[vector<16xi32>, vector<16xi32>], vector<16xf32>,
          %gather3A_283 = tpu.vector_load_idx %arg17[%add3A_227, %and3A_281] : memref<128x128xf32, #tpu.memory_space<vmem>>[vector<16xi32>, vector<16xi32>], vector<16xf32>,
          %mul3A_284 = arith.mulf %gather3A_282, %gather3A_283 : vector<16xf32>
          %add3A_285 = arith.addf %add3A_274, %mul3A_284 : vector<16xf32>
          %scan3A_286 = arith.constant 2 : i32
          %scan3A_287 = arith.addi %scan3A_266, %scan3A_286 : i32
          %add3A_288 = vector.broadcast %scan3A_287 : i32 to vector<16xi32>
          %add3A_289 = arith.addi %iota3A, %add3A_288 : vector<16xi32>
          %and3A_290 = arith.constant 127 : i32
          %and3A_291 = vector.broadcast %and3A_290 : i32 to vector<16xi32>
          %and3A_292 = arith.andi %add3A_289, %and3A_291 : vector<16xi32>
          %gather3A_293 = tpu.vector_load_idx %arg14[%add3A_227, %and3A_292] : memref<128x128xf32, #tpu.memory_space<vmem>>[vector<16xi32>, vector<16xi32>], vector<16xf32>,
          %gather3A_294 = tpu.vector_load_idx %arg17[%add3A_227, %and3A_292] : memref<128x128xf32, #tpu.memory_space<vmem>>[vector<16xi32>, vector<16xi32>], vector<16xf32>,
          %mul3A_295 = arith.mulf %gather3A_293, %gather3A_294 : vector<16xf32>
          %add3A_296 = arith.addf %add3A_285, %mul3A_295 : vector<16xf32>
          %scan3A_297 = arith.constant 3 : i32
          %scan3A_298 = arith.addi %scan3A_266, %scan3A_297 : i32
          %add3A_299 = vector.broadcast %scan3A_298 : i32 to vector<16xi32>
          %add3A_300 = arith.addi %iota3A, %add3A_299 : vector<16xi32>
          %and3A_301 = arith.constant 127 : i32
          %and3A_302 = vector.broadcast %and3A_301 : i32 to vector<16xi32>
          %and3A_303 = arith.andi %add3A_300, %and3A_302 : vector<16xi32>
          %gather3A_304 = tpu.vector_load_idx %arg14[%add3A_227, %and3A_303] : memref<128x128xf32, #tpu.memory_space<vmem>>[vector<16xi32>, vector<16xi32>], vector<16xf32>,
          %gather3A_305 = tpu.vector_load_idx %arg17[%add3A_227, %and3A_303] : memref<128x128xf32, #tpu.memory_space<vmem>>[vector<16xi32>, vector<16xi32>], vector<16xf32>,
          %mul3A_306 = arith.mulf %gather3A_304, %gather3A_305 : vector<16xf32>
          %add3A_307 = arith.addf %add3A_296, %mul3A_306 : vector<16xf32>
          %scan3A_308 = arith.constant 4 : i32
          %scan3A_309 = arith.addi %scan3A_266, %scan3A_308 : i32
          %add3A_310 = vector.broadcast %scan3A_309 : i32 to vector<16xi32>
          %add3A_311 = arith.addi %iota3A, %add3A_310 : vector<16xi32>
          %and3A_312 = arith.constant 127 : i32
          %and3A_313 = vector.broadcast %and3A_312 : i32 to vector<16xi32>
          %and3A_314 = arith.andi %add3A_311, %and3A_313 : vector<16xi32>
          %gather3A_315 = tpu.vector_load_idx %arg14[%add3A_227, %and3A_314] : memref<128x128xf32, #tpu.memory_space<vmem>>[vector<16xi32>, vector<16xi32>], vector<16xf32>,
          %gather3A_316 = tpu.vector_load_idx %arg17[%add3A_227, %and3A_314] : memref<128x128xf32, #tpu.memory_space<vmem>>[vector<16xi32>, vector<16xi32>], vector<16xf32>,
          %mul3A_317 = arith.mulf %gather3A_315, %gather3A_316 : vector<16xf32>
          %add3A_318 = arith.addf %add3A_307, %mul3A_317 : vector<16xf32>
          %scan3A_319 = arith.constant 5 : i32
          %scan3A_320 = arith.addi %scan3A_266, %scan3A_319 : i32
          %add3A_321 = vector.broadcast %scan3A_320 : i32 to vector<16xi32>
          %add3A_322 = arith.addi %iota3A, %add3A_321 : vector<16xi32>
          %and3A_323 = arith.constant 127 : i32
          %and3A_324 = vector.broadcast %and3A_323 : i32 to vector<16xi32>
          %and3A_325 = arith.andi %add3A_322, %and3A_324 : vector<16xi32>
          %gather3A_326 = tpu.vector_load_idx %arg14[%add3A_227, %and3A_325] : memref<128x128xf32, #tpu.memory_space<vmem>>[vector<16xi32>, vector<16xi32>], vector<16xf32>,
          %gather3A_327 = tpu.vector_load_idx %arg17[%add3A_227, %and3A_325] : memref<128x128xf32, #tpu.memory_space<vmem>>[vector<16xi32>, vector<16xi32>], vector<16xf32>,
          %mul3A_328 = arith.mulf %gather3A_326, %gather3A_327 : vector<16xf32>
          %add3A_329 = arith.addf %add3A_318, %mul3A_328 : vector<16xf32>
          %scan3A_330 = arith.constant 6 : i32
          %scan3A_331 = arith.addi %scan3A_266, %scan3A_330 : i32
          %add3A_332 = vector.broadcast %scan3A_331 : i32 to vector<16xi32>
          %add3A_333 = arith.addi %iota3A, %add3A_332 : vector<16xi32>
          %and3A_334 = arith.constant 127 : i32
          %and3A_335 = vector.broadcast %and3A_334 : i32 to vector<16xi32>
          %and3A_336 = arith.andi %add3A_333, %and3A_335 : vector<16xi32>
          %gather3A_337 = tpu.vector_load_idx %arg14[%add3A_227, %and3A_336] : memref<128x128xf32, #tpu.memory_space<vmem>>[vector<16xi32>, vector<16xi32>], vector<16xf32>,
          %gather3A_338 = tpu.vector_load_idx %arg17[%add3A_227, %and3A_336] : memref<128x128xf32, #tpu.memory_space<vmem>>[vector<16xi32>, vector<16xi32>], vector<16xf32>,
          %mul3A_339 = arith.mulf %gather3A_337, %gather3A_338 : vector<16xf32>
          %add3A_340 = arith.addf %add3A_329, %mul3A_339 : vector<16xf32>
          %scan3A_341 = arith.constant 7 : i32
          %scan3A_342 = arith.addi %scan3A_266, %scan3A_341 : i32
          %add3A_343 = vector.broadcast %scan3A_342 : i32 to vector<16xi32>
          %add3A_344 = arith.addi %iota3A, %add3A_343 : vector<16xi32>
          %and3A_345 = arith.constant 127 : i32
          %and3A_346 = vector.broadcast %and3A_345 : i32 to vector<16xi32>
          %and3A_347 = arith.andi %add3A_344, %and3A_346 : vector<16xi32>
          %gather3A_348 = tpu.vector_load_idx %arg14[%add3A_227, %and3A_347] : memref<128x128xf32, #tpu.memory_space<vmem>>[vector<16xi32>, vector<16xi32>], vector<16xf32>,
          %gather3A_349 = tpu.vector_load_idx %arg17[%add3A_227, %and3A_347] : memref<128x128xf32, #tpu.memory_space<vmem>>[vector<16xi32>, vector<16xi32>], vector<16xf32>,
          %mul3A_350 = arith.mulf %gather3A_348, %gather3A_349 : vector<16xf32>
          %add3A_351 = arith.addf %add3A_340, %mul3A_350 : vector<16xf32>
          scf.yield %add3A_351 : vector<16xf32>
        }
        %scan3A_235 = arith.constant 128 : i32
        %swap3A_236 = arith.constant 80 : index
        %swap3A_237 = tpu.vector_load %arg19[%swap3A_236] {strides = array<i32>} : memref<128xf32, #tpu.memory_space<vmem>>, vector<16xf32>,
        tpu.vector_store %arg19[%swap3A_236], %scan3A_234 {strides = array<i32>} : memref<128xf32, #tpu.memory_space<vmem>>, vector<16xf32>,
        %add3A_238 = arith.constant 96 : i32
        %add3A_239 = vector.broadcast %add3A_238 : i32 to vector<16xi32>
        %add3A_240 = arith.addi %iota3A, %add3A_239 : vector<16xi32>
        %broadcast_in_dim3A_241 = arith.constant 0.000000e+00 : f32
        %broadcast_in_dim3A_242 = vector.broadcast %broadcast_in_dim3A_241 : f32 to vector<16xf32>
        %scan3A_243 = arith.constant 0 : i32
        %scan3A_244 = arith.constant 128 : i32
        %scan3A_245 = arith.addi %scan3A_243, %scan3A_244 : i32
        %scan3A_246 = arith.constant 8 : i32
        %scan3A_247 = scf.for %scan3A_266 = %scan3A_243 to %scan3A_245 step %scan3A_246 iter_args(%scan3A_267 = %broadcast_in_dim3A_242) -> (vector<16xf32>)  : i32 {
          %add3A_268 = vector.broadcast %scan3A_266 : i32 to vector<16xi32>
          %add3A_269 = arith.addi %iota3A, %add3A_268 : vector<16xi32>
          %and3A = arith.constant 127 : i32
          %and3A_270 = vector.broadcast %and3A : i32 to vector<16xi32>
          %and3A_271 = arith.andi %add3A_269, %and3A_270 : vector<16xi32>
          %gather3A = tpu.vector_load_idx %arg14[%add3A_240, %and3A_271] : memref<128x128xf32, #tpu.memory_space<vmem>>[vector<16xi32>, vector<16xi32>], vector<16xf32>,
          %gather3A_272 = tpu.vector_load_idx %arg17[%add3A_240, %and3A_271] : memref<128x128xf32, #tpu.memory_space<vmem>>[vector<16xi32>, vector<16xi32>], vector<16xf32>,
          %mul3A_273 = arith.mulf %gather3A, %gather3A_272 : vector<16xf32>
          %add3A_274 = arith.addf %scan3A_267, %mul3A_273 : vector<16xf32>
          %scan3A_275 = arith.constant 1 : i32
          %scan3A_276 = arith.addi %scan3A_266, %scan3A_275 : i32
          %add3A_277 = vector.broadcast %scan3A_276 : i32 to vector<16xi32>
          %add3A_278 = arith.addi %iota3A, %add3A_277 : vector<16xi32>
          %and3A_279 = arith.constant 127 : i32
          %and3A_280 = vector.broadcast %and3A_279 : i32 to vector<16xi32>
          %and3A_281 = arith.andi %add3A_278, %and3A_280 : vector<16xi32>
          %gather3A_282 = tpu.vector_load_idx %arg14[%add3A_240, %and3A_281] : memref<128x128xf32, #tpu.memory_space<vmem>>[vector<16xi32>, vector<16xi32>], vector<16xf32>,
          %gather3A_283 = tpu.vector_load_idx %arg17[%add3A_240, %and3A_281] : memref<128x128xf32, #tpu.memory_space<vmem>>[vector<16xi32>, vector<16xi32>], vector<16xf32>,
          %mul3A_284 = arith.mulf %gather3A_282, %gather3A_283 : vector<16xf32>
          %add3A_285 = arith.addf %add3A_274, %mul3A_284 : vector<16xf32>
          %scan3A_286 = arith.constant 2 : i32
          %scan3A_287 = arith.addi %scan3A_266, %scan3A_286 : i32
          %add3A_288 = vector.broadcast %scan3A_287 : i32 to vector<16xi32>
          %add3A_289 = arith.addi %iota3A, %add3A_288 : vector<16xi32>
          %and3A_290 = arith.constant 127 : i32
          %and3A_291 = vector.broadcast %and3A_290 : i32 to vector<16xi32>
          %and3A_292 = arith.andi %add3A_289, %and3A_291 : vector<16xi32>
          %gather3A_293 = tpu.vector_load_idx %arg14[%add3A_240, %and3A_292] : memref<128x128xf32, #tpu.memory_space<vmem>>[vector<16xi32>, vector<16xi32>], vector<16xf32>,
          %gather3A_294 = tpu.vector_load_idx %arg17[%add3A_240, %and3A_292] : memref<128x128xf32, #tpu.memory_space<vmem>>[vector<16xi32>, vector<16xi32>], vector<16xf32>,
          %mul3A_295 = arith.mulf %gather3A_293, %gather3A_294 : vector<16xf32>
          %add3A_296 = arith.addf %add3A_285, %mul3A_295 : vector<16xf32>
          %scan3A_297 = arith.constant 3 : i32
          %scan3A_298 = arith.addi %scan3A_266, %scan3A_297 : i32
          %add3A_299 = vector.broadcast %scan3A_298 : i32 to vector<16xi32>
          %add3A_300 = arith.addi %iota3A, %add3A_299 : vector<16xi32>
          %and3A_301 = arith.constant 127 : i32
          %and3A_302 = vector.broadcast %and3A_301 : i32 to vector<16xi32>
          %and3A_303 = arith.andi %add3A_300, %and3A_302 : vector<16xi32>
          %gather3A_304 = tpu.vector_load_idx %arg14[%add3A_240, %and3A_303] : memref<128x128xf32, #tpu.memory_space<vmem>>[vector<16xi32>, vector<16xi32>], vector<16xf32>,
          %gather3A_305 = tpu.vector_load_idx %arg17[%add3A_240, %and3A_303] : memref<128x128xf32, #tpu.memory_space<vmem>>[vector<16xi32>, vector<16xi32>], vector<16xf32>,
          %mul3A_306 = arith.mulf %gather3A_304, %gather3A_305 : vector<16xf32>
          %add3A_307 = arith.addf %add3A_296, %mul3A_306 : vector<16xf32>
          %scan3A_308 = arith.constant 4 : i32
          %scan3A_309 = arith.addi %scan3A_266, %scan3A_308 : i32
          %add3A_310 = vector.broadcast %scan3A_309 : i32 to vector<16xi32>
          %add3A_311 = arith.addi %iota3A, %add3A_310 : vector<16xi32>
          %and3A_312 = arith.constant 127 : i32
          %and3A_313 = vector.broadcast %and3A_312 : i32 to vector<16xi32>
          %and3A_314 = arith.andi %add3A_311, %and3A_313 : vector<16xi32>
          %gather3A_315 = tpu.vector_load_idx %arg14[%add3A_240, %and3A_314] : memref<128x128xf32, #tpu.memory_space<vmem>>[vector<16xi32>, vector<16xi32>], vector<16xf32>,
          %gather3A_316 = tpu.vector_load_idx %arg17[%add3A_240, %and3A_314] : memref<128x128xf32, #tpu.memory_space<vmem>>[vector<16xi32>, vector<16xi32>], vector<16xf32>,
          %mul3A_317 = arith.mulf %gather3A_315, %gather3A_316 : vector<16xf32>
          %add3A_318 = arith.addf %add3A_307, %mul3A_317 : vector<16xf32>
          %scan3A_319 = arith.constant 5 : i32
          %scan3A_320 = arith.addi %scan3A_266, %scan3A_319 : i32
          %add3A_321 = vector.broadcast %scan3A_320 : i32 to vector<16xi32>
          %add3A_322 = arith.addi %iota3A, %add3A_321 : vector<16xi32>
          %and3A_323 = arith.constant 127 : i32
          %and3A_324 = vector.broadcast %and3A_323 : i32 to vector<16xi32>
          %and3A_325 = arith.andi %add3A_322, %and3A_324 : vector<16xi32>
          %gather3A_326 = tpu.vector_load_idx %arg14[%add3A_240, %and3A_325] : memref<128x128xf32, #tpu.memory_space<vmem>>[vector<16xi32>, vector<16xi32>], vector<16xf32>,
          %gather3A_327 = tpu.vector_load_idx %arg17[%add3A_240, %and3A_325] : memref<128x128xf32, #tpu.memory_space<vmem>>[vector<16xi32>, vector<16xi32>], vector<16xf32>,
          %mul3A_328 = arith.mulf %gather3A_326, %gather3A_327 : vector<16xf32>
          %add3A_329 = arith.addf %add3A_318, %mul3A_328 : vector<16xf32>
          %scan3A_330 = arith.constant 6 : i32
          %scan3A_331 = arith.addi %scan3A_266, %scan3A_330 : i32
          %add3A_332 = vector.broadcast %scan3A_331 : i32 to vector<16xi32>
          %add3A_333 = arith.addi %iota3A, %add3A_332 : vector<16xi32>
          %and3A_334 = arith.constant 127 : i32
          %and3A_335 = vector.broadcast %and3A_334 : i32 to vector<16xi32>
          %and3A_336 = arith.andi %add3A_333, %and3A_335 : vector<16xi32>
          %gather3A_337 = tpu.vector_load_idx %arg14[%add3A_240, %and3A_336] : memref<128x128xf32, #tpu.memory_space<vmem>>[vector<16xi32>, vector<16xi32>], vector<16xf32>,
          %gather3A_338 = tpu.vector_load_idx %arg17[%add3A_240, %and3A_336] : memref<128x128xf32, #tpu.memory_space<vmem>>[vector<16xi32>, vector<16xi32>], vector<16xf32>,
          %mul3A_339 = arith.mulf %gather3A_337, %gather3A_338 : vector<16xf32>
          %add3A_340 = arith.addf %add3A_329, %mul3A_339 : vector<16xf32>
          %scan3A_341 = arith.constant 7 : i32
          %scan3A_342 = arith.addi %scan3A_266, %scan3A_341 : i32
          %add3A_343 = vector.broadcast %scan3A_342 : i32 to vector<16xi32>
          %add3A_344 = arith.addi %iota3A, %add3A_343 : vector<16xi32>
          %and3A_345 = arith.constant 127 : i32
          %and3A_346 = vector.broadcast %and3A_345 : i32 to vector<16xi32>
          %and3A_347 = arith.andi %add3A_344, %and3A_346 : vector<16xi32>
          %gather3A_348 = tpu.vector_load_idx %arg14[%add3A_240, %and3A_347] : memref<128x128xf32, #tpu.memory_space<vmem>>[vector<16xi32>, vector<16xi32>], vector<16xf32>,
          %gather3A_349 = tpu.vector_load_idx %arg17[%add3A_240, %and3A_347] : memref<128x128xf32, #tpu.memory_space<vmem>>[vector<16xi32>, vector<16xi32>], vector<16xf32>,
          %mul3A_350 = arith.mulf %gather3A_348, %gather3A_349 : vector<16xf32>
          %add3A_351 = arith.addf %add3A_340, %mul3A_350 : vector<16xf32>
          scf.yield %add3A_351 : vector<16xf32>
        }
        %scan3A_248 = arith.constant 128 : i32
        %swap3A_249 = arith.constant 96 : index
        %swap3A_250 = tpu.vector_load %arg19[%swap3A_249] {strides = array<i32>} : memref<128xf32, #tpu.memory_space<vmem>>, vector<16xf32>,
        tpu.vector_store %arg19[%swap3A_249], %scan3A_247 {strides = array<i32>} : memref<128xf32, #tpu.memory_space<vmem>>, vector<16xf32>,
        %add3A_251 = arith.constant 112 : i32
        %add3A_252 = vector.broadcast %add3A_251 : i32 to vector<16xi32>
        %add3A_253 = arith.addi %iota3A, %add3A_252 : vector<16xi32>
        %broadcast_in_dim3A_254 = arith.constant 0.000000e+00 : f32
        %broadcast_in_dim3A_255 = vector.broadcast %broadcast_in_dim3A_254 : f32 to vector<16xf32>
        %scan3A_256 = arith.constant 0 : i32
        %scan3A_257 = arith.constant 128 : i32
        %scan3A_258 = arith.addi %scan3A_256, %scan3A_257 : i32
        %scan3A_259 = arith.constant 8 : i32
        %scan3A_260 = scf.for %scan3A_266 = %scan3A_256 to %scan3A_258 step %scan3A_259 iter_args(%scan3A_267 = %broadcast_in_dim3A_255) -> (vector<16xf32>)  : i32 {
          %add3A_268 = vector.broadcast %scan3A_266 : i32 to vector<16xi32>
          %add3A_269 = arith.addi %iota3A, %add3A_268 : vector<16xi32>
          %and3A = arith.constant 127 : i32
          %and3A_270 = vector.broadcast %and3A : i32 to vector<16xi32>
          %and3A_271 = arith.andi %add3A_269, %and3A_270 : vector<16xi32>
          %gather3A = tpu.vector_load_idx %arg14[%add3A_253, %and3A_271] : memref<128x128xf32, #tpu.memory_space<vmem>>[vector<16xi32>, vector<16xi32>], vector<16xf32>,
          %gather3A_272 = tpu.vector_load_idx %arg17[%add3A_253, %and3A_271] : memref<128x128xf32, #tpu.memory_space<vmem>>[vector<16xi32>, vector<16xi32>], vector<16xf32>,
          %mul3A_273 = arith.mulf %gather3A, %gather3A_272 : vector<16xf32>
          %add3A_274 = arith.addf %scan3A_267, %mul3A_273 : vector<16xf32>
          %scan3A_275 = arith.constant 1 : i32
          %scan3A_276 = arith.addi %scan3A_266, %scan3A_275 : i32
          %add3A_277 = vector.broadcast %scan3A_276 : i32 to vector<16xi32>
          %add3A_278 = arith.addi %iota3A, %add3A_277 : vector<16xi32>
          %and3A_279 = arith.constant 127 : i32
          %and3A_280 = vector.broadcast %and3A_279 : i32 to vector<16xi32>
          %and3A_281 = arith.andi %add3A_278, %and3A_280 : vector<16xi32>
          %gather3A_282 = tpu.vector_load_idx %arg14[%add3A_253, %and3A_281] : memref<128x128xf32, #tpu.memory_space<vmem>>[vector<16xi32>, vector<16xi32>], vector<16xf32>,
          %gather3A_283 = tpu.vector_load_idx %arg17[%add3A_253, %and3A_281] : memref<128x128xf32, #tpu.memory_space<vmem>>[vector<16xi32>, vector<16xi32>], vector<16xf32>,
          %mul3A_284 = arith.mulf %gather3A_282, %gather3A_283 : vector<16xf32>
          %add3A_285 = arith.addf %add3A_274, %mul3A_284 : vector<16xf32>
          %scan3A_286 = arith.constant 2 : i32
          %scan3A_287 = arith.addi %scan3A_266, %scan3A_286 : i32
          %add3A_288 = vector.broadcast %scan3A_287 : i32 to vector<16xi32>
          %add3A_289 = arith.addi %iota3A, %add3A_288 : vector<16xi32>
          %and3A_290 = arith.constant 127 : i32
          %and3A_291 = vector.broadcast %and3A_290 : i32 to vector<16xi32>
          %and3A_292 = arith.andi %add3A_289, %and3A_291 : vector<16xi32>
          %gather3A_293 = tpu.vector_load_idx %arg14[%add3A_253, %and3A_292] : memref<128x128xf32, #tpu.memory_space<vmem>>[vector<16xi32>, vector<16xi32>], vector<16xf32>,
          %gather3A_294 = tpu.vector_load_idx %arg17[%add3A_253, %and3A_292] : memref<128x128xf32, #tpu.memory_space<vmem>>[vector<16xi32>, vector<16xi32>], vector<16xf32>,
          %mul3A_295 = arith.mulf %gather3A_293, %gather3A_294 : vector<16xf32>
          %add3A_296 = arith.addf %add3A_285, %mul3A_295 : vector<16xf32>
          %scan3A_297 = arith.constant 3 : i32
          %scan3A_298 = arith.addi %scan3A_266, %scan3A_297 : i32
          %add3A_299 = vector.broadcast %scan3A_298 : i32 to vector<16xi32>
          %add3A_300 = arith.addi %iota3A, %add3A_299 : vector<16xi32>
          %and3A_301 = arith.constant 127 : i32
          %and3A_302 = vector.broadcast %and3A_301 : i32 to vector<16xi32>
          %and3A_303 = arith.andi %add3A_300, %and3A_302 : vector<16xi32>
          %gather3A_304 = tpu.vector_load_idx %arg14[%add3A_253, %and3A_303] : memref<128x128xf32, #tpu.memory_space<vmem>>[vector<16xi32>, vector<16xi32>], vector<16xf32>,
          %gather3A_305 = tpu.vector_load_idx %arg17[%add3A_253, %and3A_303] : memref<128x128xf32, #tpu.memory_space<vmem>>[vector<16xi32>, vector<16xi32>], vector<16xf32>,
          %mul3A_306 = arith.mulf %gather3A_304, %gather3A_305 : vector<16xf32>
          %add3A_307 = arith.addf %add3A_296, %mul3A_306 : vector<16xf32>
          %scan3A_308 = arith.constant 4 : i32
          %scan3A_309 = arith.addi %scan3A_266, %scan3A_308 : i32
          %add3A_310 = vector.broadcast %scan3A_309 : i32 to vector<16xi32>
          %add3A_311 = arith.addi %iota3A, %add3A_310 : vector<16xi32>
          %and3A_312 = arith.constant 127 : i32
          %and3A_313 = vector.broadcast %and3A_312 : i32 to vector<16xi32>
          %and3A_314 = arith.andi %add3A_311, %and3A_313 : vector<16xi32>
          %gather3A_315 = tpu.vector_load_idx %arg14[%add3A_253, %and3A_314] : memref<128x128xf32, #tpu.memory_space<vmem>>[vector<16xi32>, vector<16xi32>], vector<16xf32>,
          %gather3A_316 = tpu.vector_load_idx %arg17[%add3A_253, %and3A_314] : memref<128x128xf32, #tpu.memory_space<vmem>>[vector<16xi32>, vector<16xi32>], vector<16xf32>,
          %mul3A_317 = arith.mulf %gather3A_315, %gather3A_316 : vector<16xf32>
          %add3A_318 = arith.addf %add3A_307, %mul3A_317 : vector<16xf32>
          %scan3A_319 = arith.constant 5 : i32
          %scan3A_320 = arith.addi %scan3A_266, %scan3A_319 : i32
          %add3A_321 = vector.broadcast %scan3A_320 : i32 to vector<16xi32>
          %add3A_322 = arith.addi %iota3A, %add3A_321 : vector<16xi32>
          %and3A_323 = arith.constant 127 : i32
          %and3A_324 = vector.broadcast %and3A_323 : i32 to vector<16xi32>
          %and3A_325 = arith.andi %add3A_322, %and3A_324 : vector<16xi32>
          %gather3A_326 = tpu.vector_load_idx %arg14[%add3A_253, %and3A_325] : memref<128x128xf32, #tpu.memory_space<vmem>>[vector<16xi32>, vector<16xi32>], vector<16xf32>,
          %gather3A_327 = tpu.vector_load_idx %arg17[%add3A_253, %and3A_325] : memref<128x128xf32, #tpu.memory_space<vmem>>[vector<16xi32>, vector<16xi32>], vector<16xf32>,
          %mul3A_328 = arith.mulf %gather3A_326, %gather3A_327 : vector<16xf32>
          %add3A_329 = arith.addf %add3A_318, %mul3A_328 : vector<16xf32>
          %scan3A_330 = arith.constant 6 : i32
          %scan3A_331 = arith.addi %scan3A_266, %scan3A_330 : i32
          %add3A_332 = vector.broadcast %scan3A_331 : i32 to vector<16xi32>
          %add3A_333 = arith.addi %iota3A, %add3A_332 : vector<16xi32>
          %and3A_334 = arith.constant 127 : i32
          %and3A_335 = vector.broadcast %and3A_334 : i32 to vector<16xi32>
          %and3A_336 = arith.andi %add3A_333, %and3A_335 : vector<16xi32>
          %gather3A_337 = tpu.vector_load_idx %arg14[%add3A_253, %and3A_336] : memref<128x128xf32, #tpu.memory_space<vmem>>[vector<16xi32>, vector<16xi32>], vector<16xf32>,
          %gather3A_338 = tpu.vector_load_idx %arg17[%add3A_253, %and3A_336] : memref<128x128xf32, #tpu.memory_space<vmem>>[vector<16xi32>, vector<16xi32>], vector<16xf32>,
          %mul3A_339 = arith.mulf %gather3A_337, %gather3A_338 : vector<16xf32>
          %add3A_340 = arith.addf %add3A_329, %mul3A_339 : vector<16xf32>
          %scan3A_341 = arith.constant 7 : i32
          %scan3A_342 = arith.addi %scan3A_266, %scan3A_341 : i32
          %add3A_343 = vector.broadcast %scan3A_342 : i32 to vector<16xi32>
          %add3A_344 = arith.addi %iota3A, %add3A_343 : vector<16xi32>
          %and3A_345 = arith.constant 127 : i32
          %and3A_346 = vector.broadcast %and3A_345 : i32 to vector<16xi32>
          %and3A_347 = arith.andi %add3A_344, %and3A_346 : vector<16xi32>
          %gather3A_348 = tpu.vector_load_idx %arg14[%add3A_253, %and3A_347] : memref<128x128xf32, #tpu.memory_space<vmem>>[vector<16xi32>, vector<16xi32>], vector<16xf32>,
          %gather3A_349 = tpu.vector_load_idx %arg17[%add3A_253, %and3A_347] : memref<128x128xf32, #tpu.memory_space<vmem>>[vector<16xi32>, vector<16xi32>], vector<16xf32>,
          %mul3A_350 = arith.mulf %gather3A_348, %gather3A_349 : vector<16xf32>
          %add3A_351 = arith.addf %add3A_340, %mul3A_350 : vector<16xf32>
          scf.yield %add3A_351 : vector<16xf32>
        }
        %scan3A_261 = arith.constant 128 : i32
        %swap3A_262 = arith.constant 112 : index
        %swap3A_263 = tpu.vector_load %arg19[%swap3A_262] {strides = array<i32>} : memref<128xf32, #tpu.memory_space<vmem>>, vector<16xf32>,
        tpu.vector_store %arg19[%swap3A_262], %scan3A_260 {strides = array<i32>} : memref<128xf32, #tpu.memory_space<vmem>>, vector<16xf32>,
        %mul3A_264 = arith.constant 128 : i32
        %mul3A_265 = arith.muli %add3A_108, %mul3A_264 : i32
        "tpu.region"() ({
          %run_scoped3A = tpu.sem_alloc : memref<!tpu.dma_semaphore, #tpu.memory_space<semaphore_mem>>
          %dma_start3A = tpu.memref_slice %arg6[%mul3A_265] : memref<320000xf32, #tpu.memory_space<hbm>> -> memref<128xf32, #tpu.memory_space<hbm>>
          %dma_start3A_266 = tpu.memref_slice %arg6[%mul3A_265] : memref<320000xf32, #tpu.memory_space<hbm>> -> memref<128xf32, #tpu.memory_space<hbm>>
          tpu.enqueue_dma source(%arg19 : memref<128xf32, #tpu.memory_space<vmem>>) target(%dma_start3A_266 : memref<128xf32, #tpu.memory_space<hbm>>) target_semaphore(%run_scoped3A : memref<!tpu.dma_semaphore, #tpu.memory_space<semaphore_mem>>)
          %dma_wait3A = tpu.memref_slice %arg6[%mul3A_265] : memref<320000xf32, #tpu.memory_space<hbm>> -> memref<128xf32, #tpu.memory_space<hbm>>
          %dma_wait3A_267 = tpu.memref_slice %arg6[%mul3A_265] : memref<320000xf32, #tpu.memory_space<hbm>> -> memref<128xf32, #tpu.memory_space<hbm>>
          tpu.wait_dma2 semaphore(%run_scoped3A : memref<!tpu.dma_semaphore, #tpu.memory_space<semaphore_mem>>) src(%arg19 : memref<128xf32, #tpu.memory_space<vmem>>) dst(%dma_wait3A_267 : memref<128xf32, #tpu.memory_space<hbm>>)
          tpu.yield
        }) : () -> ()
      } else {
      }
      %add3A_114 = arith.constant 3 : i32
      %add3A_115 = arith.addi %add3A_87, %add3A_114 : i32
      %mul3A_116 = arith.constant 32 : i32
      %mul3A_117 = arith.muli %add3A_115, %mul3A_116 : i32
      %add3A_118 = arith.addi %add3A, %mul3A_117 : i32
      %lt3A_119 = arith.constant 2500 : i32
      %lt3A_120 = arith.cmpi slt, %add3A_118, %lt3A_119 : i32
      %convert_element_type3A_121 = arith.extui %lt3A_120 : i1 to i32
      %cond3A_122 = arith.constant 0 : i32
      %cond3A_123 = arith.cmpi ne, %convert_element_type3A_121, %cond3A_122 : i32
      scf.if %cond3A_123 {
        %mul3A_162 = arith.constant 128 : i32
        %mul3A_163 = arith.muli %add3A_118, %mul3A_162 : i32
        %dma_wait3A = tpu.memref_slice %arg4[%mul3A_163] : memref<320000xi32, #tpu.memory_space<hbm>> -> memref<128xi32, #tpu.memory_space<hbm>>
        %dma_wait3A_164 = tpu.memref_slice %arg4[%mul3A_163] : memref<320000xi32, #tpu.memory_space<hbm>> -> memref<128xi32, #tpu.memory_space<hbm>>
        tpu.wait_dma2 semaphore(%arg27 : memref<!tpu.dma_semaphore, #tpu.memory_space<semaphore_mem>>) src(%dma_wait3A_164 : memref<128xi32, #tpu.memory_space<hbm>>) dst(%arg8 : memref<128xi32, #tpu.memory_space<vmem>>)
        %dma_wait3A_165 = tpu.memref_slice %arg5[%mul3A_163] : memref<320000xi32, #tpu.memory_space<hbm>> -> memref<128xi32, #tpu.memory_space<hbm>>
        %dma_wait3A_166 = tpu.memref_slice %arg5[%mul3A_163] : memref<320000xi32, #tpu.memory_space<hbm>> -> memref<128xi32, #tpu.memory_space<hbm>>
        tpu.wait_dma2 semaphore(%arg30 : memref<!tpu.dma_semaphore, #tpu.memory_space<semaphore_mem>>) src(%dma_wait3A_166 : memref<128xi32, #tpu.memory_space<hbm>>) dst(%arg11 : memref<128xi32, #tpu.memory_space<vmem>>)
        %dma_start3A = arith.constant 0 : i32
        %dma_start3A_167 = arith.constant 0 : i32
        %dma_start3A_168 = tpu.memref_slice %arg2[%dma_start3A, %dma_start3A_167] : memref<10000x128xf32, #tpu.memory_space<hbm>> -> memref<10000x128xf32, #tpu.memory_space<hbm>>
        tpu.enqueue_indirect_dma source(%dma_start3A_168 : memref<10000x128xf32, #tpu.memory_space<hbm>>) target(%arg14 : memref<128x128xf32, #tpu.memory_space<vmem>>) offsets(%arg8 : memref<128xi32, #tpu.memory_space<vmem>>) semaphore(%arg21 : memref<!tpu.dma_semaphore, #tpu.memory_space<semaphore_mem>>)
        %dma_start3A_169 = arith.constant 0 : i32
        %dma_start3A_170 = arith.constant 0 : i32
        %dma_start3A_171 = tpu.memref_slice %arg3[%dma_start3A_169, %dma_start3A_170] : memref<10000x128xf32, #tpu.memory_space<hbm>> -> memref<10000x128xf32, #tpu.memory_space<hbm>>
        tpu.enqueue_indirect_dma source(%dma_start3A_171 : memref<10000x128xf32, #tpu.memory_space<hbm>>) target(%arg17 : memref<128x128xf32, #tpu.memory_space<vmem>>) offsets(%arg11 : memref<128xi32, #tpu.memory_space<vmem>>) semaphore(%arg24 : memref<!tpu.dma_semaphore, #tpu.memory_space<semaphore_mem>>)
      } else {
      }
      %add3A_124 = arith.constant 2 : i32
      %add3A_125 = arith.addi %mul3A_47, %add3A_124 : i32
      %mul3A_126 = arith.constant 32 : i32
      %mul3A_127 = arith.muli %add3A_125, %mul3A_126 : i32
      %add3A_128 = arith.addi %add3A, %mul3A_127 : i32
      %lt3A_129 = arith.constant 2500 : i32
      %lt3A_130 = arith.cmpi slt, %add3A_128, %lt3A_129 : i32
      %convert_element_type3A_131 = arith.extui %lt3A_130 : i1 to i32
      %cond3A_132 = arith.constant 0 : i32
      %cond3A_133 = arith.cmpi ne, %convert_element_type3A_131, %cond3A_132 : i32
      scf.if %cond3A_133 {
        %dma_wait3A = arith.constant 0 : i32
        %dma_wait3A_162 = arith.constant 0 : i32
        %dma_wait3A_163 = tpu.memref_slice %arg2[%dma_wait3A, %dma_wait3A_162] : memref<10000x128xf32, #tpu.memory_space<hbm>> -> memref<10000x128xf32, #tpu.memory_space<hbm>>
        tpu.wait_indirect_dma semaphore(%arg22 : memref<!tpu.dma_semaphore, #tpu.memory_space<semaphore_mem>>) src(%dma_wait3A_163 : memref<10000x128xf32, #tpu.memory_space<hbm>>) dst(%arg15 : memref<128x128xf32, #tpu.memory_space<vmem>>)
        %dma_wait3A_164 = arith.constant 0 : i32
        %dma_wait3A_165 = arith.constant 0 : i32
        %dma_wait3A_166 = tpu.memref_slice %arg3[%dma_wait3A_164, %dma_wait3A_165] : memref<10000x128xf32, #tpu.memory_space<hbm>> -> memref<10000x128xf32, #tpu.memory_space<hbm>>
        tpu.wait_indirect_dma semaphore(%arg25 : memref<!tpu.dma_semaphore, #tpu.memory_space<semaphore_mem>>) src(%dma_wait3A_166 : memref<10000x128xf32, #tpu.memory_space<hbm>>) dst(%arg18 : memref<128x128xf32, #tpu.memory_space<vmem>>)
      } else {
      }
      %add3A_134 = arith.constant 3 : i32
      %add3A_135 = arith.addi %add3A_125, %add3A_134 : i32
      %mul3A_136 = arith.constant 32 : i32
      %mul3A_137 = arith.muli %add3A_135, %mul3A_136 : i32
      %add3A_138 = arith.addi %add3A, %mul3A_137 : i32
      %lt3A_139 = arith.constant 2500 : i32
      %lt3A_140 = arith.cmpi slt, %add3A_138, %lt3A_139 : i32
      %convert_element_type3A_141 = arith.extui %lt3A_140 : i1 to i32
      %cond3A_142 = arith.constant 0 : i32
      %cond3A_143 = arith.cmpi ne, %convert_element_type3A_141, %cond3A_142 : i32
      scf.if %cond3A_143 {
        %mul3A_162 = arith.constant 128 : i32
        %mul3A_163 = arith.muli %add3A_138, %mul3A_162 : i32
        %dma_start3A = tpu.memref_slice %arg4[%mul3A_163] : memref<320000xi32, #tpu.memory_space<hbm>> -> memref<128xi32, #tpu.memory_space<hbm>>
        %dma_start3A_164 = tpu.memref_slice %arg4[%mul3A_163] : memref<320000xi32, #tpu.memory_space<hbm>> -> memref<128xi32, #tpu.memory_space<hbm>>
        tpu.enqueue_dma source(%dma_start3A_164 : memref<128xi32, #tpu.memory_space<hbm>>) target(%arg9 : memref<128xi32, #tpu.memory_space<vmem>>) target_semaphore(%arg28 : memref<!tpu.dma_semaphore, #tpu.memory_space<semaphore_mem>>)
        %dma_start3A_165 = tpu.memref_slice %arg5[%mul3A_163] : memref<320000xi32, #tpu.memory_space<hbm>> -> memref<128xi32, #tpu.memory_space<hbm>>
        %dma_start3A_166 = tpu.memref_slice %arg5[%mul3A_163] : memref<320000xi32, #tpu.memory_space<hbm>> -> memref<128xi32, #tpu.memory_space<hbm>>
        tpu.enqueue_dma source(%dma_start3A_166 : memref<128xi32, #tpu.memory_space<hbm>>) target(%arg12 : memref<128xi32, #tpu.memory_space<vmem>>) target_semaphore(%arg31 : memref<!tpu.dma_semaphore, #tpu.memory_space<semaphore_mem>>)
      } else {
      }
      %mul3A_144 = arith.constant 32 : i32
      %mul3A_145 = arith.muli %add3A_125, %mul3A_144 : i32
      %add3A_146 = arith.addi %add3A, %mul3A_145 : i32
      %lt3A_147 = arith.constant 2500 : i32
      %lt3A_148 = arith.cmpi slt, %add3A_146, %lt3A_147 : i32
      %convert_element_type3A_149 = arith.extui %lt3A_148 : i1 to i32
      %cond3A_150 = arith.constant 0 : i32
      %cond3A_151 = arith.cmpi ne, %convert_element_type3A_149, %cond3A_150 : i32
      scf.if %cond3A_151 {
        %iota3A = tpu.iota {dimensions = array<i32: 0>} : vector<16xi32>
        %add3A_162 = arith.constant 0 : i32
        %add3A_163 = vector.broadcast %add3A_162 : i32 to vector<16xi32>
        %add3A_164 = arith.addi %iota3A, %add3A_163 : vector<16xi32>
        %broadcast_in_dim3A = arith.constant 0.000000e+00 : f32
        %broadcast_in_dim3A_165 = vector.broadcast %broadcast_in_dim3A : f32 to vector<16xf32>
        %scan3A_166 = arith.constant 0 : i32
        %scan3A_167 = arith.constant 128 : i32
        %scan3A_168 = arith.addi %scan3A_166, %scan3A_167 : i32
        %scan3A_169 = arith.constant 8 : i32
        %scan3A_170 = scf.for %scan3A_266 = %scan3A_166 to %scan3A_168 step %scan3A_169 iter_args(%scan3A_267 = %broadcast_in_dim3A_165) -> (vector<16xf32>)  : i32 {
          %add3A_268 = vector.broadcast %scan3A_266 : i32 to vector<16xi32>
          %add3A_269 = arith.addi %iota3A, %add3A_268 : vector<16xi32>
          %and3A = arith.constant 127 : i32
          %and3A_270 = vector.broadcast %and3A : i32 to vector<16xi32>
          %and3A_271 = arith.andi %add3A_269, %and3A_270 : vector<16xi32>
          %gather3A = tpu.vector_load_idx %arg15[%add3A_164, %and3A_271] : memref<128x128xf32, #tpu.memory_space<vmem>>[vector<16xi32>, vector<16xi32>], vector<16xf32>,
          %gather3A_272 = tpu.vector_load_idx %arg18[%add3A_164, %and3A_271] : memref<128x128xf32, #tpu.memory_space<vmem>>[vector<16xi32>, vector<16xi32>], vector<16xf32>,
          %mul3A_273 = arith.mulf %gather3A, %gather3A_272 : vector<16xf32>
          %add3A_274 = arith.addf %scan3A_267, %mul3A_273 : vector<16xf32>
          %scan3A_275 = arith.constant 1 : i32
          %scan3A_276 = arith.addi %scan3A_266, %scan3A_275 : i32
          %add3A_277 = vector.broadcast %scan3A_276 : i32 to vector<16xi32>
          %add3A_278 = arith.addi %iota3A, %add3A_277 : vector<16xi32>
          %and3A_279 = arith.constant 127 : i32
          %and3A_280 = vector.broadcast %and3A_279 : i32 to vector<16xi32>
          %and3A_281 = arith.andi %add3A_278, %and3A_280 : vector<16xi32>
          %gather3A_282 = tpu.vector_load_idx %arg15[%add3A_164, %and3A_281] : memref<128x128xf32, #tpu.memory_space<vmem>>[vector<16xi32>, vector<16xi32>], vector<16xf32>,
          %gather3A_283 = tpu.vector_load_idx %arg18[%add3A_164, %and3A_281] : memref<128x128xf32, #tpu.memory_space<vmem>>[vector<16xi32>, vector<16xi32>], vector<16xf32>,
          %mul3A_284 = arith.mulf %gather3A_282, %gather3A_283 : vector<16xf32>
          %add3A_285 = arith.addf %add3A_274, %mul3A_284 : vector<16xf32>
          %scan3A_286 = arith.constant 2 : i32
          %scan3A_287 = arith.addi %scan3A_266, %scan3A_286 : i32
          %add3A_288 = vector.broadcast %scan3A_287 : i32 to vector<16xi32>
          %add3A_289 = arith.addi %iota3A, %add3A_288 : vector<16xi32>
          %and3A_290 = arith.constant 127 : i32
          %and3A_291 = vector.broadcast %and3A_290 : i32 to vector<16xi32>
          %and3A_292 = arith.andi %add3A_289, %and3A_291 : vector<16xi32>
          %gather3A_293 = tpu.vector_load_idx %arg15[%add3A_164, %and3A_292] : memref<128x128xf32, #tpu.memory_space<vmem>>[vector<16xi32>, vector<16xi32>], vector<16xf32>,
          %gather3A_294 = tpu.vector_load_idx %arg18[%add3A_164, %and3A_292] : memref<128x128xf32, #tpu.memory_space<vmem>>[vector<16xi32>, vector<16xi32>], vector<16xf32>,
          %mul3A_295 = arith.mulf %gather3A_293, %gather3A_294 : vector<16xf32>
          %add3A_296 = arith.addf %add3A_285, %mul3A_295 : vector<16xf32>
          %scan3A_297 = arith.constant 3 : i32
          %scan3A_298 = arith.addi %scan3A_266, %scan3A_297 : i32
          %add3A_299 = vector.broadcast %scan3A_298 : i32 to vector<16xi32>
          %add3A_300 = arith.addi %iota3A, %add3A_299 : vector<16xi32>
          %and3A_301 = arith.constant 127 : i32
          %and3A_302 = vector.broadcast %and3A_301 : i32 to vector<16xi32>
          %and3A_303 = arith.andi %add3A_300, %and3A_302 : vector<16xi32>
          %gather3A_304 = tpu.vector_load_idx %arg15[%add3A_164, %and3A_303] : memref<128x128xf32, #tpu.memory_space<vmem>>[vector<16xi32>, vector<16xi32>], vector<16xf32>,
          %gather3A_305 = tpu.vector_load_idx %arg18[%add3A_164, %and3A_303] : memref<128x128xf32, #tpu.memory_space<vmem>>[vector<16xi32>, vector<16xi32>], vector<16xf32>,
          %mul3A_306 = arith.mulf %gather3A_304, %gather3A_305 : vector<16xf32>
          %add3A_307 = arith.addf %add3A_296, %mul3A_306 : vector<16xf32>
          %scan3A_308 = arith.constant 4 : i32
          %scan3A_309 = arith.addi %scan3A_266, %scan3A_308 : i32
          %add3A_310 = vector.broadcast %scan3A_309 : i32 to vector<16xi32>
          %add3A_311 = arith.addi %iota3A, %add3A_310 : vector<16xi32>
          %and3A_312 = arith.constant 127 : i32
          %and3A_313 = vector.broadcast %and3A_312 : i32 to vector<16xi32>
          %and3A_314 = arith.andi %add3A_311, %and3A_313 : vector<16xi32>
          %gather3A_315 = tpu.vector_load_idx %arg15[%add3A_164, %and3A_314] : memref<128x128xf32, #tpu.memory_space<vmem>>[vector<16xi32>, vector<16xi32>], vector<16xf32>,
          %gather3A_316 = tpu.vector_load_idx %arg18[%add3A_164, %and3A_314] : memref<128x128xf32, #tpu.memory_space<vmem>>[vector<16xi32>, vector<16xi32>], vector<16xf32>,
          %mul3A_317 = arith.mulf %gather3A_315, %gather3A_316 : vector<16xf32>
          %add3A_318 = arith.addf %add3A_307, %mul3A_317 : vector<16xf32>
          %scan3A_319 = arith.constant 5 : i32
          %scan3A_320 = arith.addi %scan3A_266, %scan3A_319 : i32
          %add3A_321 = vector.broadcast %scan3A_320 : i32 to vector<16xi32>
          %add3A_322 = arith.addi %iota3A, %add3A_321 : vector<16xi32>
          %and3A_323 = arith.constant 127 : i32
          %and3A_324 = vector.broadcast %and3A_323 : i32 to vector<16xi32>
          %and3A_325 = arith.andi %add3A_322, %and3A_324 : vector<16xi32>
          %gather3A_326 = tpu.vector_load_idx %arg15[%add3A_164, %and3A_325] : memref<128x128xf32, #tpu.memory_space<vmem>>[vector<16xi32>, vector<16xi32>], vector<16xf32>,
          %gather3A_327 = tpu.vector_load_idx %arg18[%add3A_164, %and3A_325] : memref<128x128xf32, #tpu.memory_space<vmem>>[vector<16xi32>, vector<16xi32>], vector<16xf32>,
          %mul3A_328 = arith.mulf %gather3A_326, %gather3A_327 : vector<16xf32>
          %add3A_329 = arith.addf %add3A_318, %mul3A_328 : vector<16xf32>
          %scan3A_330 = arith.constant 6 : i32
          %scan3A_331 = arith.addi %scan3A_266, %scan3A_330 : i32
          %add3A_332 = vector.broadcast %scan3A_331 : i32 to vector<16xi32>
          %add3A_333 = arith.addi %iota3A, %add3A_332 : vector<16xi32>
          %and3A_334 = arith.constant 127 : i32
          %and3A_335 = vector.broadcast %and3A_334 : i32 to vector<16xi32>
          %and3A_336 = arith.andi %add3A_333, %and3A_335 : vector<16xi32>
          %gather3A_337 = tpu.vector_load_idx %arg15[%add3A_164, %and3A_336] : memref<128x128xf32, #tpu.memory_space<vmem>>[vector<16xi32>, vector<16xi32>], vector<16xf32>,
          %gather3A_338 = tpu.vector_load_idx %arg18[%add3A_164, %and3A_336] : memref<128x128xf32, #tpu.memory_space<vmem>>[vector<16xi32>, vector<16xi32>], vector<16xf32>,
          %mul3A_339 = arith.mulf %gather3A_337, %gather3A_338 : vector<16xf32>
          %add3A_340 = arith.addf %add3A_329, %mul3A_339 : vector<16xf32>
          %scan3A_341 = arith.constant 7 : i32
          %scan3A_342 = arith.addi %scan3A_266, %scan3A_341 : i32
          %add3A_343 = vector.broadcast %scan3A_342 : i32 to vector<16xi32>
          %add3A_344 = arith.addi %iota3A, %add3A_343 : vector<16xi32>
          %and3A_345 = arith.constant 127 : i32
          %and3A_346 = vector.broadcast %and3A_345 : i32 to vector<16xi32>
          %and3A_347 = arith.andi %add3A_344, %and3A_346 : vector<16xi32>
          %gather3A_348 = tpu.vector_load_idx %arg15[%add3A_164, %and3A_347] : memref<128x128xf32, #tpu.memory_space<vmem>>[vector<16xi32>, vector<16xi32>], vector<16xf32>,
          %gather3A_349 = tpu.vector_load_idx %arg18[%add3A_164, %and3A_347] : memref<128x128xf32, #tpu.memory_space<vmem>>[vector<16xi32>, vector<16xi32>], vector<16xf32>,
          %mul3A_350 = arith.mulf %gather3A_348, %gather3A_349 : vector<16xf32>
          %add3A_351 = arith.addf %add3A_340, %mul3A_350 : vector<16xf32>
          scf.yield %add3A_351 : vector<16xf32>
        }
        %scan3A_171 = arith.constant 128 : i32
        %swap3A = arith.constant 0 : index
        %swap3A_172 = tpu.vector_load %arg19[%swap3A] {strides = array<i32>} : memref<128xf32, #tpu.memory_space<vmem>>, vector<16xf32>,
        tpu.vector_store %arg19[%swap3A], %scan3A_170 {strides = array<i32>} : memref<128xf32, #tpu.memory_space<vmem>>, vector<16xf32>,
        %add3A_173 = arith.constant 16 : i32
        %add3A_174 = vector.broadcast %add3A_173 : i32 to vector<16xi32>
        %add3A_175 = arith.addi %iota3A, %add3A_174 : vector<16xi32>
        %broadcast_in_dim3A_176 = arith.constant 0.000000e+00 : f32
        %broadcast_in_dim3A_177 = vector.broadcast %broadcast_in_dim3A_176 : f32 to vector<16xf32>
        %scan3A_178 = arith.constant 0 : i32
        %scan3A_179 = arith.constant 128 : i32
        %scan3A_180 = arith.addi %scan3A_178, %scan3A_179 : i32
        %scan3A_181 = arith.constant 8 : i32
        %scan3A_182 = scf.for %scan3A_266 = %scan3A_178 to %scan3A_180 step %scan3A_181 iter_args(%scan3A_267 = %broadcast_in_dim3A_177) -> (vector<16xf32>)  : i32 {
          %add3A_268 = vector.broadcast %scan3A_266 : i32 to vector<16xi32>
          %add3A_269 = arith.addi %iota3A, %add3A_268 : vector<16xi32>
          %and3A = arith.constant 127 : i32
          %and3A_270 = vector.broadcast %and3A : i32 to vector<16xi32>
          %and3A_271 = arith.andi %add3A_269, %and3A_270 : vector<16xi32>
          %gather3A = tpu.vector_load_idx %arg15[%add3A_175, %and3A_271] : memref<128x128xf32, #tpu.memory_space<vmem>>[vector<16xi32>, vector<16xi32>], vector<16xf32>,
          %gather3A_272 = tpu.vector_load_idx %arg18[%add3A_175, %and3A_271] : memref<128x128xf32, #tpu.memory_space<vmem>>[vector<16xi32>, vector<16xi32>], vector<16xf32>,
          %mul3A_273 = arith.mulf %gather3A, %gather3A_272 : vector<16xf32>
          %add3A_274 = arith.addf %scan3A_267, %mul3A_273 : vector<16xf32>
          %scan3A_275 = arith.constant 1 : i32
          %scan3A_276 = arith.addi %scan3A_266, %scan3A_275 : i32
          %add3A_277 = vector.broadcast %scan3A_276 : i32 to vector<16xi32>
          %add3A_278 = arith.addi %iota3A, %add3A_277 : vector<16xi32>
          %and3A_279 = arith.constant 127 : i32
          %and3A_280 = vector.broadcast %and3A_279 : i32 to vector<16xi32>
          %and3A_281 = arith.andi %add3A_278, %and3A_280 : vector<16xi32>
          %gather3A_282 = tpu.vector_load_idx %arg15[%add3A_175, %and3A_281] : memref<128x128xf32, #tpu.memory_space<vmem>>[vector<16xi32>, vector<16xi32>], vector<16xf32>,
          %gather3A_283 = tpu.vector_load_idx %arg18[%add3A_175, %and3A_281] : memref<128x128xf32, #tpu.memory_space<vmem>>[vector<16xi32>, vector<16xi32>], vector<16xf32>,
          %mul3A_284 = arith.mulf %gather3A_282, %gather3A_283 : vector<16xf32>
          %add3A_285 = arith.addf %add3A_274, %mul3A_284 : vector<16xf32>
          %scan3A_286 = arith.constant 2 : i32
          %scan3A_287 = arith.addi %scan3A_266, %scan3A_286 : i32
          %add3A_288 = vector.broadcast %scan3A_287 : i32 to vector<16xi32>
          %add3A_289 = arith.addi %iota3A, %add3A_288 : vector<16xi32>
          %and3A_290 = arith.constant 127 : i32
          %and3A_291 = vector.broadcast %and3A_290 : i32 to vector<16xi32>
          %and3A_292 = arith.andi %add3A_289, %and3A_291 : vector<16xi32>
          %gather3A_293 = tpu.vector_load_idx %arg15[%add3A_175, %and3A_292] : memref<128x128xf32, #tpu.memory_space<vmem>>[vector<16xi32>, vector<16xi32>], vector<16xf32>,
          %gather3A_294 = tpu.vector_load_idx %arg18[%add3A_175, %and3A_292] : memref<128x128xf32, #tpu.memory_space<vmem>>[vector<16xi32>, vector<16xi32>], vector<16xf32>,
          %mul3A_295 = arith.mulf %gather3A_293, %gather3A_294 : vector<16xf32>
          %add3A_296 = arith.addf %add3A_285, %mul3A_295 : vector<16xf32>
          %scan3A_297 = arith.constant 3 : i32
          %scan3A_298 = arith.addi %scan3A_266, %scan3A_297 : i32
          %add3A_299 = vector.broadcast %scan3A_298 : i32 to vector<16xi32>
          %add3A_300 = arith.addi %iota3A, %add3A_299 : vector<16xi32>
          %and3A_301 = arith.constant 127 : i32
          %and3A_302 = vector.broadcast %and3A_301 : i32 to vector<16xi32>
          %and3A_303 = arith.andi %add3A_300, %and3A_302 : vector<16xi32>
          %gather3A_304 = tpu.vector_load_idx %arg15[%add3A_175, %and3A_303] : memref<128x128xf32, #tpu.memory_space<vmem>>[vector<16xi32>, vector<16xi32>], vector<16xf32>,
          %gather3A_305 = tpu.vector_load_idx %arg18[%add3A_175, %and3A_303] : memref<128x128xf32, #tpu.memory_space<vmem>>[vector<16xi32>, vector<16xi32>], vector<16xf32>,
          %mul3A_306 = arith.mulf %gather3A_304, %gather3A_305 : vector<16xf32>
          %add3A_307 = arith.addf %add3A_296, %mul3A_306 : vector<16xf32>
          %scan3A_308 = arith.constant 4 : i32
          %scan3A_309 = arith.addi %scan3A_266, %scan3A_308 : i32
          %add3A_310 = vector.broadcast %scan3A_309 : i32 to vector<16xi32>
          %add3A_311 = arith.addi %iota3A, %add3A_310 : vector<16xi32>
          %and3A_312 = arith.constant 127 : i32
          %and3A_313 = vector.broadcast %and3A_312 : i32 to vector<16xi32>
          %and3A_314 = arith.andi %add3A_311, %and3A_313 : vector<16xi32>
          %gather3A_315 = tpu.vector_load_idx %arg15[%add3A_175, %and3A_314] : memref<128x128xf32, #tpu.memory_space<vmem>>[vector<16xi32>, vector<16xi32>], vector<16xf32>,
          %gather3A_316 = tpu.vector_load_idx %arg18[%add3A_175, %and3A_314] : memref<128x128xf32, #tpu.memory_space<vmem>>[vector<16xi32>, vector<16xi32>], vector<16xf32>,
          %mul3A_317 = arith.mulf %gather3A_315, %gather3A_316 : vector<16xf32>
          %add3A_318 = arith.addf %add3A_307, %mul3A_317 : vector<16xf32>
          %scan3A_319 = arith.constant 5 : i32
          %scan3A_320 = arith.addi %scan3A_266, %scan3A_319 : i32
          %add3A_321 = vector.broadcast %scan3A_320 : i32 to vector<16xi32>
          %add3A_322 = arith.addi %iota3A, %add3A_321 : vector<16xi32>
          %and3A_323 = arith.constant 127 : i32
          %and3A_324 = vector.broadcast %and3A_323 : i32 to vector<16xi32>
          %and3A_325 = arith.andi %add3A_322, %and3A_324 : vector<16xi32>
          %gather3A_326 = tpu.vector_load_idx %arg15[%add3A_175, %and3A_325] : memref<128x128xf32, #tpu.memory_space<vmem>>[vector<16xi32>, vector<16xi32>], vector<16xf32>,
          %gather3A_327 = tpu.vector_load_idx %arg18[%add3A_175, %and3A_325] : memref<128x128xf32, #tpu.memory_space<vmem>>[vector<16xi32>, vector<16xi32>], vector<16xf32>,
          %mul3A_328 = arith.mulf %gather3A_326, %gather3A_327 : vector<16xf32>
          %add3A_329 = arith.addf %add3A_318, %mul3A_328 : vector<16xf32>
          %scan3A_330 = arith.constant 6 : i32
          %scan3A_331 = arith.addi %scan3A_266, %scan3A_330 : i32
          %add3A_332 = vector.broadcast %scan3A_331 : i32 to vector<16xi32>
          %add3A_333 = arith.addi %iota3A, %add3A_332 : vector<16xi32>
          %and3A_334 = arith.constant 127 : i32
          %and3A_335 = vector.broadcast %and3A_334 : i32 to vector<16xi32>
          %and3A_336 = arith.andi %add3A_333, %and3A_335 : vector<16xi32>
          %gather3A_337 = tpu.vector_load_idx %arg15[%add3A_175, %and3A_336] : memref<128x128xf32, #tpu.memory_space<vmem>>[vector<16xi32>, vector<16xi32>], vector<16xf32>,
          %gather3A_338 = tpu.vector_load_idx %arg18[%add3A_175, %and3A_336] : memref<128x128xf32, #tpu.memory_space<vmem>>[vector<16xi32>, vector<16xi32>], vector<16xf32>,
          %mul3A_339 = arith.mulf %gather3A_337, %gather3A_338 : vector<16xf32>
          %add3A_340 = arith.addf %add3A_329, %mul3A_339 : vector<16xf32>
          %scan3A_341 = arith.constant 7 : i32
          %scan3A_342 = arith.addi %scan3A_266, %scan3A_341 : i32
          %add3A_343 = vector.broadcast %scan3A_342 : i32 to vector<16xi32>
          %add3A_344 = arith.addi %iota3A, %add3A_343 : vector<16xi32>
          %and3A_345 = arith.constant 127 : i32
          %and3A_346 = vector.broadcast %and3A_345 : i32 to vector<16xi32>
          %and3A_347 = arith.andi %add3A_344, %and3A_346 : vector<16xi32>
          %gather3A_348 = tpu.vector_load_idx %arg15[%add3A_175, %and3A_347] : memref<128x128xf32, #tpu.memory_space<vmem>>[vector<16xi32>, vector<16xi32>], vector<16xf32>,
          %gather3A_349 = tpu.vector_load_idx %arg18[%add3A_175, %and3A_347] : memref<128x128xf32, #tpu.memory_space<vmem>>[vector<16xi32>, vector<16xi32>], vector<16xf32>,
          %mul3A_350 = arith.mulf %gather3A_348, %gather3A_349 : vector<16xf32>
          %add3A_351 = arith.addf %add3A_340, %mul3A_350 : vector<16xf32>
          scf.yield %add3A_351 : vector<16xf32>
        }
        %scan3A_183 = arith.constant 128 : i32
        %swap3A_184 = arith.constant 16 : index
        %swap3A_185 = tpu.vector_load %arg19[%swap3A_184] {strides = array<i32>} : memref<128xf32, #tpu.memory_space<vmem>>, vector<16xf32>,
        tpu.vector_store %arg19[%swap3A_184], %scan3A_182 {strides = array<i32>} : memref<128xf32, #tpu.memory_space<vmem>>, vector<16xf32>,
        %add3A_186 = arith.constant 32 : i32
        %add3A_187 = vector.broadcast %add3A_186 : i32 to vector<16xi32>
        %add3A_188 = arith.addi %iota3A, %add3A_187 : vector<16xi32>
        %broadcast_in_dim3A_189 = arith.constant 0.000000e+00 : f32
        %broadcast_in_dim3A_190 = vector.broadcast %broadcast_in_dim3A_189 : f32 to vector<16xf32>
        %scan3A_191 = arith.constant 0 : i32
        %scan3A_192 = arith.constant 128 : i32
        %scan3A_193 = arith.addi %scan3A_191, %scan3A_192 : i32
        %scan3A_194 = arith.constant 8 : i32
        %scan3A_195 = scf.for %scan3A_266 = %scan3A_191 to %scan3A_193 step %scan3A_194 iter_args(%scan3A_267 = %broadcast_in_dim3A_190) -> (vector<16xf32>)  : i32 {
          %add3A_268 = vector.broadcast %scan3A_266 : i32 to vector<16xi32>
          %add3A_269 = arith.addi %iota3A, %add3A_268 : vector<16xi32>
          %and3A = arith.constant 127 : i32
          %and3A_270 = vector.broadcast %and3A : i32 to vector<16xi32>
          %and3A_271 = arith.andi %add3A_269, %and3A_270 : vector<16xi32>
          %gather3A = tpu.vector_load_idx %arg15[%add3A_188, %and3A_271] : memref<128x128xf32, #tpu.memory_space<vmem>>[vector<16xi32>, vector<16xi32>], vector<16xf32>,
          %gather3A_272 = tpu.vector_load_idx %arg18[%add3A_188, %and3A_271] : memref<128x128xf32, #tpu.memory_space<vmem>>[vector<16xi32>, vector<16xi32>], vector<16xf32>,
          %mul3A_273 = arith.mulf %gather3A, %gather3A_272 : vector<16xf32>
          %add3A_274 = arith.addf %scan3A_267, %mul3A_273 : vector<16xf32>
          %scan3A_275 = arith.constant 1 : i32
          %scan3A_276 = arith.addi %scan3A_266, %scan3A_275 : i32
          %add3A_277 = vector.broadcast %scan3A_276 : i32 to vector<16xi32>
          %add3A_278 = arith.addi %iota3A, %add3A_277 : vector<16xi32>
          %and3A_279 = arith.constant 127 : i32
          %and3A_280 = vector.broadcast %and3A_279 : i32 to vector<16xi32>
          %and3A_281 = arith.andi %add3A_278, %and3A_280 : vector<16xi32>
          %gather3A_282 = tpu.vector_load_idx %arg15[%add3A_188, %and3A_281] : memref<128x128xf32, #tpu.memory_space<vmem>>[vector<16xi32>, vector<16xi32>], vector<16xf32>,
          %gather3A_283 = tpu.vector_load_idx %arg18[%add3A_188, %and3A_281] : memref<128x128xf32, #tpu.memory_space<vmem>>[vector<16xi32>, vector<16xi32>], vector<16xf32>,
          %mul3A_284 = arith.mulf %gather3A_282, %gather3A_283 : vector<16xf32>
          %add3A_285 = arith.addf %add3A_274, %mul3A_284 : vector<16xf32>
          %scan3A_286 = arith.constant 2 : i32
          %scan3A_287 = arith.addi %scan3A_266, %scan3A_286 : i32
          %add3A_288 = vector.broadcast %scan3A_287 : i32 to vector<16xi32>
          %add3A_289 = arith.addi %iota3A, %add3A_288 : vector<16xi32>
          %and3A_290 = arith.constant 127 : i32
          %and3A_291 = vector.broadcast %and3A_290 : i32 to vector<16xi32>
          %and3A_292 = arith.andi %add3A_289, %and3A_291 : vector<16xi32>
          %gather3A_293 = tpu.vector_load_idx %arg15[%add3A_188, %and3A_292] : memref<128x128xf32, #tpu.memory_space<vmem>>[vector<16xi32>, vector<16xi32>], vector<16xf32>,
          %gather3A_294 = tpu.vector_load_idx %arg18[%add3A_188, %and3A_292] : memref<128x128xf32, #tpu.memory_space<vmem>>[vector<16xi32>, vector<16xi32>], vector<16xf32>,
          %mul3A_295 = arith.mulf %gather3A_293, %gather3A_294 : vector<16xf32>
          %add3A_296 = arith.addf %add3A_285, %mul3A_295 : vector<16xf32>
          %scan3A_297 = arith.constant 3 : i32
          %scan3A_298 = arith.addi %scan3A_266, %scan3A_297 : i32
          %add3A_299 = vector.broadcast %scan3A_298 : i32 to vector<16xi32>
          %add3A_300 = arith.addi %iota3A, %add3A_299 : vector<16xi32>
          %and3A_301 = arith.constant 127 : i32
          %and3A_302 = vector.broadcast %and3A_301 : i32 to vector<16xi32>
          %and3A_303 = arith.andi %add3A_300, %and3A_302 : vector<16xi32>
          %gather3A_304 = tpu.vector_load_idx %arg15[%add3A_188, %and3A_303] : memref<128x128xf32, #tpu.memory_space<vmem>>[vector<16xi32>, vector<16xi32>], vector<16xf32>,
          %gather3A_305 = tpu.vector_load_idx %arg18[%add3A_188, %and3A_303] : memref<128x128xf32, #tpu.memory_space<vmem>>[vector<16xi32>, vector<16xi32>], vector<16xf32>,
          %mul3A_306 = arith.mulf %gather3A_304, %gather3A_305 : vector<16xf32>
          %add3A_307 = arith.addf %add3A_296, %mul3A_306 : vector<16xf32>
          %scan3A_308 = arith.constant 4 : i32
          %scan3A_309 = arith.addi %scan3A_266, %scan3A_308 : i32
          %add3A_310 = vector.broadcast %scan3A_309 : i32 to vector<16xi32>
          %add3A_311 = arith.addi %iota3A, %add3A_310 : vector<16xi32>
          %and3A_312 = arith.constant 127 : i32
          %and3A_313 = vector.broadcast %and3A_312 : i32 to vector<16xi32>
          %and3A_314 = arith.andi %add3A_311, %and3A_313 : vector<16xi32>
          %gather3A_315 = tpu.vector_load_idx %arg15[%add3A_188, %and3A_314] : memref<128x128xf32, #tpu.memory_space<vmem>>[vector<16xi32>, vector<16xi32>], vector<16xf32>,
          %gather3A_316 = tpu.vector_load_idx %arg18[%add3A_188, %and3A_314] : memref<128x128xf32, #tpu.memory_space<vmem>>[vector<16xi32>, vector<16xi32>], vector<16xf32>,
          %mul3A_317 = arith.mulf %gather3A_315, %gather3A_316 : vector<16xf32>
          %add3A_318 = arith.addf %add3A_307, %mul3A_317 : vector<16xf32>
          %scan3A_319 = arith.constant 5 : i32
          %scan3A_320 = arith.addi %scan3A_266, %scan3A_319 : i32
          %add3A_321 = vector.broadcast %scan3A_320 : i32 to vector<16xi32>
          %add3A_322 = arith.addi %iota3A, %add3A_321 : vector<16xi32>
          %and3A_323 = arith.constant 127 : i32
          %and3A_324 = vector.broadcast %and3A_323 : i32 to vector<16xi32>
          %and3A_325 = arith.andi %add3A_322, %and3A_324 : vector<16xi32>
          %gather3A_326 = tpu.vector_load_idx %arg15[%add3A_188, %and3A_325] : memref<128x128xf32, #tpu.memory_space<vmem>>[vector<16xi32>, vector<16xi32>], vector<16xf32>,
          %gather3A_327 = tpu.vector_load_idx %arg18[%add3A_188, %and3A_325] : memref<128x128xf32, #tpu.memory_space<vmem>>[vector<16xi32>, vector<16xi32>], vector<16xf32>,
          %mul3A_328 = arith.mulf %gather3A_326, %gather3A_327 : vector<16xf32>
          %add3A_329 = arith.addf %add3A_318, %mul3A_328 : vector<16xf32>
          %scan3A_330 = arith.constant 6 : i32
          %scan3A_331 = arith.addi %scan3A_266, %scan3A_330 : i32
          %add3A_332 = vector.broadcast %scan3A_331 : i32 to vector<16xi32>
          %add3A_333 = arith.addi %iota3A, %add3A_332 : vector<16xi32>
          %and3A_334 = arith.constant 127 : i32
          %and3A_335 = vector.broadcast %and3A_334 : i32 to vector<16xi32>
          %and3A_336 = arith.andi %add3A_333, %and3A_335 : vector<16xi32>
          %gather3A_337 = tpu.vector_load_idx %arg15[%add3A_188, %and3A_336] : memref<128x128xf32, #tpu.memory_space<vmem>>[vector<16xi32>, vector<16xi32>], vector<16xf32>,
          %gather3A_338 = tpu.vector_load_idx %arg18[%add3A_188, %and3A_336] : memref<128x128xf32, #tpu.memory_space<vmem>>[vector<16xi32>, vector<16xi32>], vector<16xf32>,
          %mul3A_339 = arith.mulf %gather3A_337, %gather3A_338 : vector<16xf32>
          %add3A_340 = arith.addf %add3A_329, %mul3A_339 : vector<16xf32>
          %scan3A_341 = arith.constant 7 : i32
          %scan3A_342 = arith.addi %scan3A_266, %scan3A_341 : i32
          %add3A_343 = vector.broadcast %scan3A_342 : i32 to vector<16xi32>
          %add3A_344 = arith.addi %iota3A, %add3A_343 : vector<16xi32>
          %and3A_345 = arith.constant 127 : i32
          %and3A_346 = vector.broadcast %and3A_345 : i32 to vector<16xi32>
          %and3A_347 = arith.andi %add3A_344, %and3A_346 : vector<16xi32>
          %gather3A_348 = tpu.vector_load_idx %arg15[%add3A_188, %and3A_347] : memref<128x128xf32, #tpu.memory_space<vmem>>[vector<16xi32>, vector<16xi32>], vector<16xf32>,
          %gather3A_349 = tpu.vector_load_idx %arg18[%add3A_188, %and3A_347] : memref<128x128xf32, #tpu.memory_space<vmem>>[vector<16xi32>, vector<16xi32>], vector<16xf32>,
          %mul3A_350 = arith.mulf %gather3A_348, %gather3A_349 : vector<16xf32>
          %add3A_351 = arith.addf %add3A_340, %mul3A_350 : vector<16xf32>
          scf.yield %add3A_351 : vector<16xf32>
        }
        %scan3A_196 = arith.constant 128 : i32
        %swap3A_197 = arith.constant 32 : index
        %swap3A_198 = tpu.vector_load %arg19[%swap3A_197] {strides = array<i32>} : memref<128xf32, #tpu.memory_space<vmem>>, vector<16xf32>,
        tpu.vector_store %arg19[%swap3A_197], %scan3A_195 {strides = array<i32>} : memref<128xf32, #tpu.memory_space<vmem>>, vector<16xf32>,
        %add3A_199 = arith.constant 48 : i32
        %add3A_200 = vector.broadcast %add3A_199 : i32 to vector<16xi32>
        %add3A_201 = arith.addi %iota3A, %add3A_200 : vector<16xi32>
        %broadcast_in_dim3A_202 = arith.constant 0.000000e+00 : f32
        %broadcast_in_dim3A_203 = vector.broadcast %broadcast_in_dim3A_202 : f32 to vector<16xf32>
        %scan3A_204 = arith.constant 0 : i32
        %scan3A_205 = arith.constant 128 : i32
        %scan3A_206 = arith.addi %scan3A_204, %scan3A_205 : i32
        %scan3A_207 = arith.constant 8 : i32
        %scan3A_208 = scf.for %scan3A_266 = %scan3A_204 to %scan3A_206 step %scan3A_207 iter_args(%scan3A_267 = %broadcast_in_dim3A_203) -> (vector<16xf32>)  : i32 {
          %add3A_268 = vector.broadcast %scan3A_266 : i32 to vector<16xi32>
          %add3A_269 = arith.addi %iota3A, %add3A_268 : vector<16xi32>
          %and3A = arith.constant 127 : i32
          %and3A_270 = vector.broadcast %and3A : i32 to vector<16xi32>
          %and3A_271 = arith.andi %add3A_269, %and3A_270 : vector<16xi32>
          %gather3A = tpu.vector_load_idx %arg15[%add3A_201, %and3A_271] : memref<128x128xf32, #tpu.memory_space<vmem>>[vector<16xi32>, vector<16xi32>], vector<16xf32>,
          %gather3A_272 = tpu.vector_load_idx %arg18[%add3A_201, %and3A_271] : memref<128x128xf32, #tpu.memory_space<vmem>>[vector<16xi32>, vector<16xi32>], vector<16xf32>,
          %mul3A_273 = arith.mulf %gather3A, %gather3A_272 : vector<16xf32>
          %add3A_274 = arith.addf %scan3A_267, %mul3A_273 : vector<16xf32>
          %scan3A_275 = arith.constant 1 : i32
          %scan3A_276 = arith.addi %scan3A_266, %scan3A_275 : i32
          %add3A_277 = vector.broadcast %scan3A_276 : i32 to vector<16xi32>
          %add3A_278 = arith.addi %iota3A, %add3A_277 : vector<16xi32>
          %and3A_279 = arith.constant 127 : i32
          %and3A_280 = vector.broadcast %and3A_279 : i32 to vector<16xi32>
          %and3A_281 = arith.andi %add3A_278, %and3A_280 : vector<16xi32>
          %gather3A_282 = tpu.vector_load_idx %arg15[%add3A_201, %and3A_281] : memref<128x128xf32, #tpu.memory_space<vmem>>[vector<16xi32>, vector<16xi32>], vector<16xf32>,
          %gather3A_283 = tpu.vector_load_idx %arg18[%add3A_201, %and3A_281] : memref<128x128xf32, #tpu.memory_space<vmem>>[vector<16xi32>, vector<16xi32>], vector<16xf32>,
          %mul3A_284 = arith.mulf %gather3A_282, %gather3A_283 : vector<16xf32>
          %add3A_285 = arith.addf %add3A_274, %mul3A_284 : vector<16xf32>
          %scan3A_286 = arith.constant 2 : i32
          %scan3A_287 = arith.addi %scan3A_266, %scan3A_286 : i32
          %add3A_288 = vector.broadcast %scan3A_287 : i32 to vector<16xi32>
          %add3A_289 = arith.addi %iota3A, %add3A_288 : vector<16xi32>
          %and3A_290 = arith.constant 127 : i32
          %and3A_291 = vector.broadcast %and3A_290 : i32 to vector<16xi32>
          %and3A_292 = arith.andi %add3A_289, %and3A_291 : vector<16xi32>
          %gather3A_293 = tpu.vector_load_idx %arg15[%add3A_201, %and3A_292] : memref<128x128xf32, #tpu.memory_space<vmem>>[vector<16xi32>, vector<16xi32>], vector<16xf32>,
          %gather3A_294 = tpu.vector_load_idx %arg18[%add3A_201, %and3A_292] : memref<128x128xf32, #tpu.memory_space<vmem>>[vector<16xi32>, vector<16xi32>], vector<16xf32>,
          %mul3A_295 = arith.mulf %gather3A_293, %gather3A_294 : vector<16xf32>
          %add3A_296 = arith.addf %add3A_285, %mul3A_295 : vector<16xf32>
          %scan3A_297 = arith.constant 3 : i32
          %scan3A_298 = arith.addi %scan3A_266, %scan3A_297 : i32
          %add3A_299 = vector.broadcast %scan3A_298 : i32 to vector<16xi32>
          %add3A_300 = arith.addi %iota3A, %add3A_299 : vector<16xi32>
          %and3A_301 = arith.constant 127 : i32
          %and3A_302 = vector.broadcast %and3A_301 : i32 to vector<16xi32>
          %and3A_303 = arith.andi %add3A_300, %and3A_302 : vector<16xi32>
          %gather3A_304 = tpu.vector_load_idx %arg15[%add3A_201, %and3A_303] : memref<128x128xf32, #tpu.memory_space<vmem>>[vector<16xi32>, vector<16xi32>], vector<16xf32>,
          %gather3A_305 = tpu.vector_load_idx %arg18[%add3A_201, %and3A_303] : memref<128x128xf32, #tpu.memory_space<vmem>>[vector<16xi32>, vector<16xi32>], vector<16xf32>,
          %mul3A_306 = arith.mulf %gather3A_304, %gather3A_305 : vector<16xf32>
          %add3A_307 = arith.addf %add3A_296, %mul3A_306 : vector<16xf32>
          %scan3A_308 = arith.constant 4 : i32
          %scan3A_309 = arith.addi %scan3A_266, %scan3A_308 : i32
          %add3A_310 = vector.broadcast %scan3A_309 : i32 to vector<16xi32>
          %add3A_311 = arith.addi %iota3A, %add3A_310 : vector<16xi32>
          %and3A_312 = arith.constant 127 : i32
          %and3A_313 = vector.broadcast %and3A_312 : i32 to vector<16xi32>
          %and3A_314 = arith.andi %add3A_311, %and3A_313 : vector<16xi32>
          %gather3A_315 = tpu.vector_load_idx %arg15[%add3A_201, %and3A_314] : memref<128x128xf32, #tpu.memory_space<vmem>>[vector<16xi32>, vector<16xi32>], vector<16xf32>,
          %gather3A_316 = tpu.vector_load_idx %arg18[%add3A_201, %and3A_314] : memref<128x128xf32, #tpu.memory_space<vmem>>[vector<16xi32>, vector<16xi32>], vector<16xf32>,
          %mul3A_317 = arith.mulf %gather3A_315, %gather3A_316 : vector<16xf32>
          %add3A_318 = arith.addf %add3A_307, %mul3A_317 : vector<16xf32>
          %scan3A_319 = arith.constant 5 : i32
          %scan3A_320 = arith.addi %scan3A_266, %scan3A_319 : i32
          %add3A_321 = vector.broadcast %scan3A_320 : i32 to vector<16xi32>
          %add3A_322 = arith.addi %iota3A, %add3A_321 : vector<16xi32>
          %and3A_323 = arith.constant 127 : i32
          %and3A_324 = vector.broadcast %and3A_323 : i32 to vector<16xi32>
          %and3A_325 = arith.andi %add3A_322, %and3A_324 : vector<16xi32>
          %gather3A_326 = tpu.vector_load_idx %arg15[%add3A_201, %and3A_325] : memref<128x128xf32, #tpu.memory_space<vmem>>[vector<16xi32>, vector<16xi32>], vector<16xf32>,
          %gather3A_327 = tpu.vector_load_idx %arg18[%add3A_201, %and3A_325] : memref<128x128xf32, #tpu.memory_space<vmem>>[vector<16xi32>, vector<16xi32>], vector<16xf32>,
          %mul3A_328 = arith.mulf %gather3A_326, %gather3A_327 : vector<16xf32>
          %add3A_329 = arith.addf %add3A_318, %mul3A_328 : vector<16xf32>
          %scan3A_330 = arith.constant 6 : i32
          %scan3A_331 = arith.addi %scan3A_266, %scan3A_330 : i32
          %add3A_332 = vector.broadcast %scan3A_331 : i32 to vector<16xi32>
          %add3A_333 = arith.addi %iota3A, %add3A_332 : vector<16xi32>
          %and3A_334 = arith.constant 127 : i32
          %and3A_335 = vector.broadcast %and3A_334 : i32 to vector<16xi32>
          %and3A_336 = arith.andi %add3A_333, %and3A_335 : vector<16xi32>
          %gather3A_337 = tpu.vector_load_idx %arg15[%add3A_201, %and3A_336] : memref<128x128xf32, #tpu.memory_space<vmem>>[vector<16xi32>, vector<16xi32>], vector<16xf32>,
          %gather3A_338 = tpu.vector_load_idx %arg18[%add3A_201, %and3A_336] : memref<128x128xf32, #tpu.memory_space<vmem>>[vector<16xi32>, vector<16xi32>], vector<16xf32>,
          %mul3A_339 = arith.mulf %gather3A_337, %gather3A_338 : vector<16xf32>
          %add3A_340 = arith.addf %add3A_329, %mul3A_339 : vector<16xf32>
          %scan3A_341 = arith.constant 7 : i32
          %scan3A_342 = arith.addi %scan3A_266, %scan3A_341 : i32
          %add3A_343 = vector.broadcast %scan3A_342 : i32 to vector<16xi32>
          %add3A_344 = arith.addi %iota3A, %add3A_343 : vector<16xi32>
          %and3A_345 = arith.constant 127 : i32
          %and3A_346 = vector.broadcast %and3A_345 : i32 to vector<16xi32>
          %and3A_347 = arith.andi %add3A_344, %and3A_346 : vector<16xi32>
          %gather3A_348 = tpu.vector_load_idx %arg15[%add3A_201, %and3A_347] : memref<128x128xf32, #tpu.memory_space<vmem>>[vector<16xi32>, vector<16xi32>], vector<16xf32>,
          %gather3A_349 = tpu.vector_load_idx %arg18[%add3A_201, %and3A_347] : memref<128x128xf32, #tpu.memory_space<vmem>>[vector<16xi32>, vector<16xi32>], vector<16xf32>,
          %mul3A_350 = arith.mulf %gather3A_348, %gather3A_349 : vector<16xf32>
          %add3A_351 = arith.addf %add3A_340, %mul3A_350 : vector<16xf32>
          scf.yield %add3A_351 : vector<16xf32>
        }
        %scan3A_209 = arith.constant 128 : i32
        %swap3A_210 = arith.constant 48 : index
        %swap3A_211 = tpu.vector_load %arg19[%swap3A_210] {strides = array<i32>} : memref<128xf32, #tpu.memory_space<vmem>>, vector<16xf32>,
        tpu.vector_store %arg19[%swap3A_210], %scan3A_208 {strides = array<i32>} : memref<128xf32, #tpu.memory_space<vmem>>, vector<16xf32>,
        %add3A_212 = arith.constant 64 : i32
        %add3A_213 = vector.broadcast %add3A_212 : i32 to vector<16xi32>
        %add3A_214 = arith.addi %iota3A, %add3A_213 : vector<16xi32>
        %broadcast_in_dim3A_215 = arith.constant 0.000000e+00 : f32
        %broadcast_in_dim3A_216 = vector.broadcast %broadcast_in_dim3A_215 : f32 to vector<16xf32>
        %scan3A_217 = arith.constant 0 : i32
        %scan3A_218 = arith.constant 128 : i32
        %scan3A_219 = arith.addi %scan3A_217, %scan3A_218 : i32
        %scan3A_220 = arith.constant 8 : i32
        %scan3A_221 = scf.for %scan3A_266 = %scan3A_217 to %scan3A_219 step %scan3A_220 iter_args(%scan3A_267 = %broadcast_in_dim3A_216) -> (vector<16xf32>)  : i32 {
          %add3A_268 = vector.broadcast %scan3A_266 : i32 to vector<16xi32>
          %add3A_269 = arith.addi %iota3A, %add3A_268 : vector<16xi32>
          %and3A = arith.constant 127 : i32
          %and3A_270 = vector.broadcast %and3A : i32 to vector<16xi32>
          %and3A_271 = arith.andi %add3A_269, %and3A_270 : vector<16xi32>
          %gather3A = tpu.vector_load_idx %arg15[%add3A_214, %and3A_271] : memref<128x128xf32, #tpu.memory_space<vmem>>[vector<16xi32>, vector<16xi32>], vector<16xf32>,
          %gather3A_272 = tpu.vector_load_idx %arg18[%add3A_214, %and3A_271] : memref<128x128xf32, #tpu.memory_space<vmem>>[vector<16xi32>, vector<16xi32>], vector<16xf32>,
          %mul3A_273 = arith.mulf %gather3A, %gather3A_272 : vector<16xf32>
          %add3A_274 = arith.addf %scan3A_267, %mul3A_273 : vector<16xf32>
          %scan3A_275 = arith.constant 1 : i32
          %scan3A_276 = arith.addi %scan3A_266, %scan3A_275 : i32
          %add3A_277 = vector.broadcast %scan3A_276 : i32 to vector<16xi32>
          %add3A_278 = arith.addi %iota3A, %add3A_277 : vector<16xi32>
          %and3A_279 = arith.constant 127 : i32
          %and3A_280 = vector.broadcast %and3A_279 : i32 to vector<16xi32>
          %and3A_281 = arith.andi %add3A_278, %and3A_280 : vector<16xi32>
          %gather3A_282 = tpu.vector_load_idx %arg15[%add3A_214, %and3A_281] : memref<128x128xf32, #tpu.memory_space<vmem>>[vector<16xi32>, vector<16xi32>], vector<16xf32>,
          %gather3A_283 = tpu.vector_load_idx %arg18[%add3A_214, %and3A_281] : memref<128x128xf32, #tpu.memory_space<vmem>>[vector<16xi32>, vector<16xi32>], vector<16xf32>,
          %mul3A_284 = arith.mulf %gather3A_282, %gather3A_283 : vector<16xf32>
          %add3A_285 = arith.addf %add3A_274, %mul3A_284 : vector<16xf32>
          %scan3A_286 = arith.constant 2 : i32
          %scan3A_287 = arith.addi %scan3A_266, %scan3A_286 : i32
          %add3A_288 = vector.broadcast %scan3A_287 : i32 to vector<16xi32>
          %add3A_289 = arith.addi %iota3A, %add3A_288 : vector<16xi32>
          %and3A_290 = arith.constant 127 : i32
          %and3A_291 = vector.broadcast %and3A_290 : i32 to vector<16xi32>
          %and3A_292 = arith.andi %add3A_289, %and3A_291 : vector<16xi32>
          %gather3A_293 = tpu.vector_load_idx %arg15[%add3A_214, %and3A_292] : memref<128x128xf32, #tpu.memory_space<vmem>>[vector<16xi32>, vector<16xi32>], vector<16xf32>,
          %gather3A_294 = tpu.vector_load_idx %arg18[%add3A_214, %and3A_292] : memref<128x128xf32, #tpu.memory_space<vmem>>[vector<16xi32>, vector<16xi32>], vector<16xf32>,
          %mul3A_295 = arith.mulf %gather3A_293, %gather3A_294 : vector<16xf32>
          %add3A_296 = arith.addf %add3A_285, %mul3A_295 : vector<16xf32>
          %scan3A_297 = arith.constant 3 : i32
          %scan3A_298 = arith.addi %scan3A_266, %scan3A_297 : i32
          %add3A_299 = vector.broadcast %scan3A_298 : i32 to vector<16xi32>
          %add3A_300 = arith.addi %iota3A, %add3A_299 : vector<16xi32>
          %and3A_301 = arith.constant 127 : i32
          %and3A_302 = vector.broadcast %and3A_301 : i32 to vector<16xi32>
          %and3A_303 = arith.andi %add3A_300, %and3A_302 : vector<16xi32>
          %gather3A_304 = tpu.vector_load_idx %arg15[%add3A_214, %and3A_303] : memref<128x128xf32, #tpu.memory_space<vmem>>[vector<16xi32>, vector<16xi32>], vector<16xf32>,
          %gather3A_305 = tpu.vector_load_idx %arg18[%add3A_214, %and3A_303] : memref<128x128xf32, #tpu.memory_space<vmem>>[vector<16xi32>, vector<16xi32>], vector<16xf32>,
          %mul3A_306 = arith.mulf %gather3A_304, %gather3A_305 : vector<16xf32>
          %add3A_307 = arith.addf %add3A_296, %mul3A_306 : vector<16xf32>
          %scan3A_308 = arith.constant 4 : i32
          %scan3A_309 = arith.addi %scan3A_266, %scan3A_308 : i32
          %add3A_310 = vector.broadcast %scan3A_309 : i32 to vector<16xi32>
          %add3A_311 = arith.addi %iota3A, %add3A_310 : vector<16xi32>
          %and3A_312 = arith.constant 127 : i32
          %and3A_313 = vector.broadcast %and3A_312 : i32 to vector<16xi32>
          %and3A_314 = arith.andi %add3A_311, %and3A_313 : vector<16xi32>
          %gather3A_315 = tpu.vector_load_idx %arg15[%add3A_214, %and3A_314] : memref<128x128xf32, #tpu.memory_space<vmem>>[vector<16xi32>, vector<16xi32>], vector<16xf32>,
          %gather3A_316 = tpu.vector_load_idx %arg18[%add3A_214, %and3A_314] : memref<128x128xf32, #tpu.memory_space<vmem>>[vector<16xi32>, vector<16xi32>], vector<16xf32>,
          %mul3A_317 = arith.mulf %gather3A_315, %gather3A_316 : vector<16xf32>
          %add3A_318 = arith.addf %add3A_307, %mul3A_317 : vector<16xf32>
          %scan3A_319 = arith.constant 5 : i32
          %scan3A_320 = arith.addi %scan3A_266, %scan3A_319 : i32
          %add3A_321 = vector.broadcast %scan3A_320 : i32 to vector<16xi32>
          %add3A_322 = arith.addi %iota3A, %add3A_321 : vector<16xi32>
          %and3A_323 = arith.constant 127 : i32
          %and3A_324 = vector.broadcast %and3A_323 : i32 to vector<16xi32>
          %and3A_325 = arith.andi %add3A_322, %and3A_324 : vector<16xi32>
          %gather3A_326 = tpu.vector_load_idx %arg15[%add3A_214, %and3A_325] : memref<128x128xf32, #tpu.memory_space<vmem>>[vector<16xi32>, vector<16xi32>], vector<16xf32>,
          %gather3A_327 = tpu.vector_load_idx %arg18[%add3A_214, %and3A_325] : memref<128x128xf32, #tpu.memory_space<vmem>>[vector<16xi32>, vector<16xi32>], vector<16xf32>,
          %mul3A_328 = arith.mulf %gather3A_326, %gather3A_327 : vector<16xf32>
          %add3A_329 = arith.addf %add3A_318, %mul3A_328 : vector<16xf32>
          %scan3A_330 = arith.constant 6 : i32
          %scan3A_331 = arith.addi %scan3A_266, %scan3A_330 : i32
          %add3A_332 = vector.broadcast %scan3A_331 : i32 to vector<16xi32>
          %add3A_333 = arith.addi %iota3A, %add3A_332 : vector<16xi32>
          %and3A_334 = arith.constant 127 : i32
          %and3A_335 = vector.broadcast %and3A_334 : i32 to vector<16xi32>
          %and3A_336 = arith.andi %add3A_333, %and3A_335 : vector<16xi32>
          %gather3A_337 = tpu.vector_load_idx %arg15[%add3A_214, %and3A_336] : memref<128x128xf32, #tpu.memory_space<vmem>>[vector<16xi32>, vector<16xi32>], vector<16xf32>,
          %gather3A_338 = tpu.vector_load_idx %arg18[%add3A_214, %and3A_336] : memref<128x128xf32, #tpu.memory_space<vmem>>[vector<16xi32>, vector<16xi32>], vector<16xf32>,
          %mul3A_339 = arith.mulf %gather3A_337, %gather3A_338 : vector<16xf32>
          %add3A_340 = arith.addf %add3A_329, %mul3A_339 : vector<16xf32>
          %scan3A_341 = arith.constant 7 : i32
          %scan3A_342 = arith.addi %scan3A_266, %scan3A_341 : i32
          %add3A_343 = vector.broadcast %scan3A_342 : i32 to vector<16xi32>
          %add3A_344 = arith.addi %iota3A, %add3A_343 : vector<16xi32>
          %and3A_345 = arith.constant 127 : i32
          %and3A_346 = vector.broadcast %and3A_345 : i32 to vector<16xi32>
          %and3A_347 = arith.andi %add3A_344, %and3A_346 : vector<16xi32>
          %gather3A_348 = tpu.vector_load_idx %arg15[%add3A_214, %and3A_347] : memref<128x128xf32, #tpu.memory_space<vmem>>[vector<16xi32>, vector<16xi32>], vector<16xf32>,
          %gather3A_349 = tpu.vector_load_idx %arg18[%add3A_214, %and3A_347] : memref<128x128xf32, #tpu.memory_space<vmem>>[vector<16xi32>, vector<16xi32>], vector<16xf32>,
          %mul3A_350 = arith.mulf %gather3A_348, %gather3A_349 : vector<16xf32>
          %add3A_351 = arith.addf %add3A_340, %mul3A_350 : vector<16xf32>
          scf.yield %add3A_351 : vector<16xf32>
        }
        %scan3A_222 = arith.constant 128 : i32
        %swap3A_223 = arith.constant 64 : index
        %swap3A_224 = tpu.vector_load %arg19[%swap3A_223] {strides = array<i32>} : memref<128xf32, #tpu.memory_space<vmem>>, vector<16xf32>,
        tpu.vector_store %arg19[%swap3A_223], %scan3A_221 {strides = array<i32>} : memref<128xf32, #tpu.memory_space<vmem>>, vector<16xf32>,
        %add3A_225 = arith.constant 80 : i32
        %add3A_226 = vector.broadcast %add3A_225 : i32 to vector<16xi32>
        %add3A_227 = arith.addi %iota3A, %add3A_226 : vector<16xi32>
        %broadcast_in_dim3A_228 = arith.constant 0.000000e+00 : f32
        %broadcast_in_dim3A_229 = vector.broadcast %broadcast_in_dim3A_228 : f32 to vector<16xf32>
        %scan3A_230 = arith.constant 0 : i32
        %scan3A_231 = arith.constant 128 : i32
        %scan3A_232 = arith.addi %scan3A_230, %scan3A_231 : i32
        %scan3A_233 = arith.constant 8 : i32
        %scan3A_234 = scf.for %scan3A_266 = %scan3A_230 to %scan3A_232 step %scan3A_233 iter_args(%scan3A_267 = %broadcast_in_dim3A_229) -> (vector<16xf32>)  : i32 {
          %add3A_268 = vector.broadcast %scan3A_266 : i32 to vector<16xi32>
          %add3A_269 = arith.addi %iota3A, %add3A_268 : vector<16xi32>
          %and3A = arith.constant 127 : i32
          %and3A_270 = vector.broadcast %and3A : i32 to vector<16xi32>
          %and3A_271 = arith.andi %add3A_269, %and3A_270 : vector<16xi32>
          %gather3A = tpu.vector_load_idx %arg15[%add3A_227, %and3A_271] : memref<128x128xf32, #tpu.memory_space<vmem>>[vector<16xi32>, vector<16xi32>], vector<16xf32>,
          %gather3A_272 = tpu.vector_load_idx %arg18[%add3A_227, %and3A_271] : memref<128x128xf32, #tpu.memory_space<vmem>>[vector<16xi32>, vector<16xi32>], vector<16xf32>,
          %mul3A_273 = arith.mulf %gather3A, %gather3A_272 : vector<16xf32>
          %add3A_274 = arith.addf %scan3A_267, %mul3A_273 : vector<16xf32>
          %scan3A_275 = arith.constant 1 : i32
          %scan3A_276 = arith.addi %scan3A_266, %scan3A_275 : i32
          %add3A_277 = vector.broadcast %scan3A_276 : i32 to vector<16xi32>
          %add3A_278 = arith.addi %iota3A, %add3A_277 : vector<16xi32>
          %and3A_279 = arith.constant 127 : i32
          %and3A_280 = vector.broadcast %and3A_279 : i32 to vector<16xi32>
          %and3A_281 = arith.andi %add3A_278, %and3A_280 : vector<16xi32>
          %gather3A_282 = tpu.vector_load_idx %arg15[%add3A_227, %and3A_281] : memref<128x128xf32, #tpu.memory_space<vmem>>[vector<16xi32>, vector<16xi32>], vector<16xf32>,
          %gather3A_283 = tpu.vector_load_idx %arg18[%add3A_227, %and3A_281] : memref<128x128xf32, #tpu.memory_space<vmem>>[vector<16xi32>, vector<16xi32>], vector<16xf32>,
          %mul3A_284 = arith.mulf %gather3A_282, %gather3A_283 : vector<16xf32>
          %add3A_285 = arith.addf %add3A_274, %mul3A_284 : vector<16xf32>
          %scan3A_286 = arith.constant 2 : i32
          %scan3A_287 = arith.addi %scan3A_266, %scan3A_286 : i32
          %add3A_288 = vector.broadcast %scan3A_287 : i32 to vector<16xi32>
          %add3A_289 = arith.addi %iota3A, %add3A_288 : vector<16xi32>
          %and3A_290 = arith.constant 127 : i32
          %and3A_291 = vector.broadcast %and3A_290 : i32 to vector<16xi32>
          %and3A_292 = arith.andi %add3A_289, %and3A_291 : vector<16xi32>
          %gather3A_293 = tpu.vector_load_idx %arg15[%add3A_227, %and3A_292] : memref<128x128xf32, #tpu.memory_space<vmem>>[vector<16xi32>, vector<16xi32>], vector<16xf32>,
          %gather3A_294 = tpu.vector_load_idx %arg18[%add3A_227, %and3A_292] : memref<128x128xf32, #tpu.memory_space<vmem>>[vector<16xi32>, vector<16xi32>], vector<16xf32>,
          %mul3A_295 = arith.mulf %gather3A_293, %gather3A_294 : vector<16xf32>
          %add3A_296 = arith.addf %add3A_285, %mul3A_295 : vector<16xf32>
          %scan3A_297 = arith.constant 3 : i32
          %scan3A_298 = arith.addi %scan3A_266, %scan3A_297 : i32
          %add3A_299 = vector.broadcast %scan3A_298 : i32 to vector<16xi32>
          %add3A_300 = arith.addi %iota3A, %add3A_299 : vector<16xi32>
          %and3A_301 = arith.constant 127 : i32
          %and3A_302 = vector.broadcast %and3A_301 : i32 to vector<16xi32>
          %and3A_303 = arith.andi %add3A_300, %and3A_302 : vector<16xi32>
          %gather3A_304 = tpu.vector_load_idx %arg15[%add3A_227, %and3A_303] : memref<128x128xf32, #tpu.memory_space<vmem>>[vector<16xi32>, vector<16xi32>], vector<16xf32>,
          %gather3A_305 = tpu.vector_load_idx %arg18[%add3A_227, %and3A_303] : memref<128x128xf32, #tpu.memory_space<vmem>>[vector<16xi32>, vector<16xi32>], vector<16xf32>,
          %mul3A_306 = arith.mulf %gather3A_304, %gather3A_305 : vector<16xf32>
          %add3A_307 = arith.addf %add3A_296, %mul3A_306 : vector<16xf32>
          %scan3A_308 = arith.constant 4 : i32
          %scan3A_309 = arith.addi %scan3A_266, %scan3A_308 : i32
          %add3A_310 = vector.broadcast %scan3A_309 : i32 to vector<16xi32>
          %add3A_311 = arith.addi %iota3A, %add3A_310 : vector<16xi32>
          %and3A_312 = arith.constant 127 : i32
          %and3A_313 = vector.broadcast %and3A_312 : i32 to vector<16xi32>
          %and3A_314 = arith.andi %add3A_311, %and3A_313 : vector<16xi32>
          %gather3A_315 = tpu.vector_load_idx %arg15[%add3A_227, %and3A_314] : memref<128x128xf32, #tpu.memory_space<vmem>>[vector<16xi32>, vector<16xi32>], vector<16xf32>,
          %gather3A_316 = tpu.vector_load_idx %arg18[%add3A_227, %and3A_314] : memref<128x128xf32, #tpu.memory_space<vmem>>[vector<16xi32>, vector<16xi32>], vector<16xf32>,
          %mul3A_317 = arith.mulf %gather3A_315, %gather3A_316 : vector<16xf32>
          %add3A_318 = arith.addf %add3A_307, %mul3A_317 : vector<16xf32>
          %scan3A_319 = arith.constant 5 : i32
          %scan3A_320 = arith.addi %scan3A_266, %scan3A_319 : i32
          %add3A_321 = vector.broadcast %scan3A_320 : i32 to vector<16xi32>
          %add3A_322 = arith.addi %iota3A, %add3A_321 : vector<16xi32>
          %and3A_323 = arith.constant 127 : i32
          %and3A_324 = vector.broadcast %and3A_323 : i32 to vector<16xi32>
          %and3A_325 = arith.andi %add3A_322, %and3A_324 : vector<16xi32>
          %gather3A_326 = tpu.vector_load_idx %arg15[%add3A_227, %and3A_325] : memref<128x128xf32, #tpu.memory_space<vmem>>[vector<16xi32>, vector<16xi32>], vector<16xf32>,
          %gather3A_327 = tpu.vector_load_idx %arg18[%add3A_227, %and3A_325] : memref<128x128xf32, #tpu.memory_space<vmem>>[vector<16xi32>, vector<16xi32>], vector<16xf32>,
          %mul3A_328 = arith.mulf %gather3A_326, %gather3A_327 : vector<16xf32>
          %add3A_329 = arith.addf %add3A_318, %mul3A_328 : vector<16xf32>
          %scan3A_330 = arith.constant 6 : i32
          %scan3A_331 = arith.addi %scan3A_266, %scan3A_330 : i32
          %add3A_332 = vector.broadcast %scan3A_331 : i32 to vector<16xi32>
          %add3A_333 = arith.addi %iota3A, %add3A_332 : vector<16xi32>
          %and3A_334 = arith.constant 127 : i32
          %and3A_335 = vector.broadcast %and3A_334 : i32 to vector<16xi32>
          %and3A_336 = arith.andi %add3A_333, %and3A_335 : vector<16xi32>
          %gather3A_337 = tpu.vector_load_idx %arg15[%add3A_227, %and3A_336] : memref<128x128xf32, #tpu.memory_space<vmem>>[vector<16xi32>, vector<16xi32>], vector<16xf32>,
          %gather3A_338 = tpu.vector_load_idx %arg18[%add3A_227, %and3A_336] : memref<128x128xf32, #tpu.memory_space<vmem>>[vector<16xi32>, vector<16xi32>], vector<16xf32>,
          %mul3A_339 = arith.mulf %gather3A_337, %gather3A_338 : vector<16xf32>
          %add3A_340 = arith.addf %add3A_329, %mul3A_339 : vector<16xf32>
          %scan3A_341 = arith.constant 7 : i32
          %scan3A_342 = arith.addi %scan3A_266, %scan3A_341 : i32
          %add3A_343 = vector.broadcast %scan3A_342 : i32 to vector<16xi32>
          %add3A_344 = arith.addi %iota3A, %add3A_343 : vector<16xi32>
          %and3A_345 = arith.constant 127 : i32
          %and3A_346 = vector.broadcast %and3A_345 : i32 to vector<16xi32>
          %and3A_347 = arith.andi %add3A_344, %and3A_346 : vector<16xi32>
          %gather3A_348 = tpu.vector_load_idx %arg15[%add3A_227, %and3A_347] : memref<128x128xf32, #tpu.memory_space<vmem>>[vector<16xi32>, vector<16xi32>], vector<16xf32>,
          %gather3A_349 = tpu.vector_load_idx %arg18[%add3A_227, %and3A_347] : memref<128x128xf32, #tpu.memory_space<vmem>>[vector<16xi32>, vector<16xi32>], vector<16xf32>,
          %mul3A_350 = arith.mulf %gather3A_348, %gather3A_349 : vector<16xf32>
          %add3A_351 = arith.addf %add3A_340, %mul3A_350 : vector<16xf32>
          scf.yield %add3A_351 : vector<16xf32>
        }
        %scan3A_235 = arith.constant 128 : i32
        %swap3A_236 = arith.constant 80 : index
        %swap3A_237 = tpu.vector_load %arg19[%swap3A_236] {strides = array<i32>} : memref<128xf32, #tpu.memory_space<vmem>>, vector<16xf32>,
        tpu.vector_store %arg19[%swap3A_236], %scan3A_234 {strides = array<i32>} : memref<128xf32, #tpu.memory_space<vmem>>, vector<16xf32>,
        %add3A_238 = arith.constant 96 : i32
        %add3A_239 = vector.broadcast %add3A_238 : i32 to vector<16xi32>
        %add3A_240 = arith.addi %iota3A, %add3A_239 : vector<16xi32>
        %broadcast_in_dim3A_241 = arith.constant 0.000000e+00 : f32
        %broadcast_in_dim3A_242 = vector.broadcast %broadcast_in_dim3A_241 : f32 to vector<16xf32>
        %scan3A_243 = arith.constant 0 : i32
        %scan3A_244 = arith.constant 128 : i32
        %scan3A_245 = arith.addi %scan3A_243, %scan3A_244 : i32
        %scan3A_246 = arith.constant 8 : i32
        %scan3A_247 = scf.for %scan3A_266 = %scan3A_243 to %scan3A_245 step %scan3A_246 iter_args(%scan3A_267 = %broadcast_in_dim3A_242) -> (vector<16xf32>)  : i32 {
          %add3A_268 = vector.broadcast %scan3A_266 : i32 to vector<16xi32>
          %add3A_269 = arith.addi %iota3A, %add3A_268 : vector<16xi32>
          %and3A = arith.constant 127 : i32
          %and3A_270 = vector.broadcast %and3A : i32 to vector<16xi32>
          %and3A_271 = arith.andi %add3A_269, %and3A_270 : vector<16xi32>
          %gather3A = tpu.vector_load_idx %arg15[%add3A_240, %and3A_271] : memref<128x128xf32, #tpu.memory_space<vmem>>[vector<16xi32>, vector<16xi32>], vector<16xf32>,
          %gather3A_272 = tpu.vector_load_idx %arg18[%add3A_240, %and3A_271] : memref<128x128xf32, #tpu.memory_space<vmem>>[vector<16xi32>, vector<16xi32>], vector<16xf32>,
          %mul3A_273 = arith.mulf %gather3A, %gather3A_272 : vector<16xf32>
          %add3A_274 = arith.addf %scan3A_267, %mul3A_273 : vector<16xf32>
          %scan3A_275 = arith.constant 1 : i32
          %scan3A_276 = arith.addi %scan3A_266, %scan3A_275 : i32
          %add3A_277 = vector.broadcast %scan3A_276 : i32 to vector<16xi32>
          %add3A_278 = arith.addi %iota3A, %add3A_277 : vector<16xi32>
          %and3A_279 = arith.constant 127 : i32
          %and3A_280 = vector.broadcast %and3A_279 : i32 to vector<16xi32>
          %and3A_281 = arith.andi %add3A_278, %and3A_280 : vector<16xi32>
          %gather3A_282 = tpu.vector_load_idx %arg15[%add3A_240, %and3A_281] : memref<128x128xf32, #tpu.memory_space<vmem>>[vector<16xi32>, vector<16xi32>], vector<16xf32>,
          %gather3A_283 = tpu.vector_load_idx %arg18[%add3A_240, %and3A_281] : memref<128x128xf32, #tpu.memory_space<vmem>>[vector<16xi32>, vector<16xi32>], vector<16xf32>,
          %mul3A_284 = arith.mulf %gather3A_282, %gather3A_283 : vector<16xf32>
          %add3A_285 = arith.addf %add3A_274, %mul3A_284 : vector<16xf32>
          %scan3A_286 = arith.constant 2 : i32
          %scan3A_287 = arith.addi %scan3A_266, %scan3A_286 : i32
          %add3A_288 = vector.broadcast %scan3A_287 : i32 to vector<16xi32>
          %add3A_289 = arith.addi %iota3A, %add3A_288 : vector<16xi32>
          %and3A_290 = arith.constant 127 : i32
          %and3A_291 = vector.broadcast %and3A_290 : i32 to vector<16xi32>
          %and3A_292 = arith.andi %add3A_289, %and3A_291 : vector<16xi32>
          %gather3A_293 = tpu.vector_load_idx %arg15[%add3A_240, %and3A_292] : memref<128x128xf32, #tpu.memory_space<vmem>>[vector<16xi32>, vector<16xi32>], vector<16xf32>,
          %gather3A_294 = tpu.vector_load_idx %arg18[%add3A_240, %and3A_292] : memref<128x128xf32, #tpu.memory_space<vmem>>[vector<16xi32>, vector<16xi32>], vector<16xf32>,
          %mul3A_295 = arith.mulf %gather3A_293, %gather3A_294 : vector<16xf32>
          %add3A_296 = arith.addf %add3A_285, %mul3A_295 : vector<16xf32>
          %scan3A_297 = arith.constant 3 : i32
          %scan3A_298 = arith.addi %scan3A_266, %scan3A_297 : i32
          %add3A_299 = vector.broadcast %scan3A_298 : i32 to vector<16xi32>
          %add3A_300 = arith.addi %iota3A, %add3A_299 : vector<16xi32>
          %and3A_301 = arith.constant 127 : i32
          %and3A_302 = vector.broadcast %and3A_301 : i32 to vector<16xi32>
          %and3A_303 = arith.andi %add3A_300, %and3A_302 : vector<16xi32>
          %gather3A_304 = tpu.vector_load_idx %arg15[%add3A_240, %and3A_303] : memref<128x128xf32, #tpu.memory_space<vmem>>[vector<16xi32>, vector<16xi32>], vector<16xf32>,
          %gather3A_305 = tpu.vector_load_idx %arg18[%add3A_240, %and3A_303] : memref<128x128xf32, #tpu.memory_space<vmem>>[vector<16xi32>, vector<16xi32>], vector<16xf32>,
          %mul3A_306 = arith.mulf %gather3A_304, %gather3A_305 : vector<16xf32>
          %add3A_307 = arith.addf %add3A_296, %mul3A_306 : vector<16xf32>
          %scan3A_308 = arith.constant 4 : i32
          %scan3A_309 = arith.addi %scan3A_266, %scan3A_308 : i32
          %add3A_310 = vector.broadcast %scan3A_309 : i32 to vector<16xi32>
          %add3A_311 = arith.addi %iota3A, %add3A_310 : vector<16xi32>
          %and3A_312 = arith.constant 127 : i32
          %and3A_313 = vector.broadcast %and3A_312 : i32 to vector<16xi32>
          %and3A_314 = arith.andi %add3A_311, %and3A_313 : vector<16xi32>
          %gather3A_315 = tpu.vector_load_idx %arg15[%add3A_240, %and3A_314] : memref<128x128xf32, #tpu.memory_space<vmem>>[vector<16xi32>, vector<16xi32>], vector<16xf32>,
          %gather3A_316 = tpu.vector_load_idx %arg18[%add3A_240, %and3A_314] : memref<128x128xf32, #tpu.memory_space<vmem>>[vector<16xi32>, vector<16xi32>], vector<16xf32>,
          %mul3A_317 = arith.mulf %gather3A_315, %gather3A_316 : vector<16xf32>
          %add3A_318 = arith.addf %add3A_307, %mul3A_317 : vector<16xf32>
          %scan3A_319 = arith.constant 5 : i32
          %scan3A_320 = arith.addi %scan3A_266, %scan3A_319 : i32
          %add3A_321 = vector.broadcast %scan3A_320 : i32 to vector<16xi32>
          %add3A_322 = arith.addi %iota3A, %add3A_321 : vector<16xi32>
          %and3A_323 = arith.constant 127 : i32
          %and3A_324 = vector.broadcast %and3A_323 : i32 to vector<16xi32>
          %and3A_325 = arith.andi %add3A_322, %and3A_324 : vector<16xi32>
          %gather3A_326 = tpu.vector_load_idx %arg15[%add3A_240, %and3A_325] : memref<128x128xf32, #tpu.memory_space<vmem>>[vector<16xi32>, vector<16xi32>], vector<16xf32>,
          %gather3A_327 = tpu.vector_load_idx %arg18[%add3A_240, %and3A_325] : memref<128x128xf32, #tpu.memory_space<vmem>>[vector<16xi32>, vector<16xi32>], vector<16xf32>,
          %mul3A_328 = arith.mulf %gather3A_326, %gather3A_327 : vector<16xf32>
          %add3A_329 = arith.addf %add3A_318, %mul3A_328 : vector<16xf32>
          %scan3A_330 = arith.constant 6 : i32
          %scan3A_331 = arith.addi %scan3A_266, %scan3A_330 : i32
          %add3A_332 = vector.broadcast %scan3A_331 : i32 to vector<16xi32>
          %add3A_333 = arith.addi %iota3A, %add3A_332 : vector<16xi32>
          %and3A_334 = arith.constant 127 : i32
          %and3A_335 = vector.broadcast %and3A_334 : i32 to vector<16xi32>
          %and3A_336 = arith.andi %add3A_333, %and3A_335 : vector<16xi32>
          %gather3A_337 = tpu.vector_load_idx %arg15[%add3A_240, %and3A_336] : memref<128x128xf32, #tpu.memory_space<vmem>>[vector<16xi32>, vector<16xi32>], vector<16xf32>,
          %gather3A_338 = tpu.vector_load_idx %arg18[%add3A_240, %and3A_336] : memref<128x128xf32, #tpu.memory_space<vmem>>[vector<16xi32>, vector<16xi32>], vector<16xf32>,
          %mul3A_339 = arith.mulf %gather3A_337, %gather3A_338 : vector<16xf32>
          %add3A_340 = arith.addf %add3A_329, %mul3A_339 : vector<16xf32>
          %scan3A_341 = arith.constant 7 : i32
          %scan3A_342 = arith.addi %scan3A_266, %scan3A_341 : i32
          %add3A_343 = vector.broadcast %scan3A_342 : i32 to vector<16xi32>
          %add3A_344 = arith.addi %iota3A, %add3A_343 : vector<16xi32>
          %and3A_345 = arith.constant 127 : i32
          %and3A_346 = vector.broadcast %and3A_345 : i32 to vector<16xi32>
          %and3A_347 = arith.andi %add3A_344, %and3A_346 : vector<16xi32>
          %gather3A_348 = tpu.vector_load_idx %arg15[%add3A_240, %and3A_347] : memref<128x128xf32, #tpu.memory_space<vmem>>[vector<16xi32>, vector<16xi32>], vector<16xf32>,
          %gather3A_349 = tpu.vector_load_idx %arg18[%add3A_240, %and3A_347] : memref<128x128xf32, #tpu.memory_space<vmem>>[vector<16xi32>, vector<16xi32>], vector<16xf32>,
          %mul3A_350 = arith.mulf %gather3A_348, %gather3A_349 : vector<16xf32>
          %add3A_351 = arith.addf %add3A_340, %mul3A_350 : vector<16xf32>
          scf.yield %add3A_351 : vector<16xf32>
        }
        %scan3A_248 = arith.constant 128 : i32
        %swap3A_249 = arith.constant 96 : index
        %swap3A_250 = tpu.vector_load %arg19[%swap3A_249] {strides = array<i32>} : memref<128xf32, #tpu.memory_space<vmem>>, vector<16xf32>,
        tpu.vector_store %arg19[%swap3A_249], %scan3A_247 {strides = array<i32>} : memref<128xf32, #tpu.memory_space<vmem>>, vector<16xf32>,
        %add3A_251 = arith.constant 112 : i32
        %add3A_252 = vector.broadcast %add3A_251 : i32 to vector<16xi32>
        %add3A_253 = arith.addi %iota3A, %add3A_252 : vector<16xi32>
        %broadcast_in_dim3A_254 = arith.constant 0.000000e+00 : f32
        %broadcast_in_dim3A_255 = vector.broadcast %broadcast_in_dim3A_254 : f32 to vector<16xf32>
        %scan3A_256 = arith.constant 0 : i32
        %scan3A_257 = arith.constant 128 : i32
        %scan3A_258 = arith.addi %scan3A_256, %scan3A_257 : i32
        %scan3A_259 = arith.constant 8 : i32
        %scan3A_260 = scf.for %scan3A_266 = %scan3A_256 to %scan3A_258 step %scan3A_259 iter_args(%scan3A_267 = %broadcast_in_dim3A_255) -> (vector<16xf32>)  : i32 {
          %add3A_268 = vector.broadcast %scan3A_266 : i32 to vector<16xi32>
          %add3A_269 = arith.addi %iota3A, %add3A_268 : vector<16xi32>
          %and3A = arith.constant 127 : i32
          %and3A_270 = vector.broadcast %and3A : i32 to vector<16xi32>
          %and3A_271 = arith.andi %add3A_269, %and3A_270 : vector<16xi32>
          %gather3A = tpu.vector_load_idx %arg15[%add3A_253, %and3A_271] : memref<128x128xf32, #tpu.memory_space<vmem>>[vector<16xi32>, vector<16xi32>], vector<16xf32>,
          %gather3A_272 = tpu.vector_load_idx %arg18[%add3A_253, %and3A_271] : memref<128x128xf32, #tpu.memory_space<vmem>>[vector<16xi32>, vector<16xi32>], vector<16xf32>,
          %mul3A_273 = arith.mulf %gather3A, %gather3A_272 : vector<16xf32>
          %add3A_274 = arith.addf %scan3A_267, %mul3A_273 : vector<16xf32>
          %scan3A_275 = arith.constant 1 : i32
          %scan3A_276 = arith.addi %scan3A_266, %scan3A_275 : i32
          %add3A_277 = vector.broadcast %scan3A_276 : i32 to vector<16xi32>
          %add3A_278 = arith.addi %iota3A, %add3A_277 : vector<16xi32>
          %and3A_279 = arith.constant 127 : i32
          %and3A_280 = vector.broadcast %and3A_279 : i32 to vector<16xi32>
          %and3A_281 = arith.andi %add3A_278, %and3A_280 : vector<16xi32>
          %gather3A_282 = tpu.vector_load_idx %arg15[%add3A_253, %and3A_281] : memref<128x128xf32, #tpu.memory_space<vmem>>[vector<16xi32>, vector<16xi32>], vector<16xf32>,
          %gather3A_283 = tpu.vector_load_idx %arg18[%add3A_253, %and3A_281] : memref<128x128xf32, #tpu.memory_space<vmem>>[vector<16xi32>, vector<16xi32>], vector<16xf32>,
          %mul3A_284 = arith.mulf %gather3A_282, %gather3A_283 : vector<16xf32>
          %add3A_285 = arith.addf %add3A_274, %mul3A_284 : vector<16xf32>
          %scan3A_286 = arith.constant 2 : i32
          %scan3A_287 = arith.addi %scan3A_266, %scan3A_286 : i32
          %add3A_288 = vector.broadcast %scan3A_287 : i32 to vector<16xi32>
          %add3A_289 = arith.addi %iota3A, %add3A_288 : vector<16xi32>
          %and3A_290 = arith.constant 127 : i32
          %and3A_291 = vector.broadcast %and3A_290 : i32 to vector<16xi32>
          %and3A_292 = arith.andi %add3A_289, %and3A_291 : vector<16xi32>
          %gather3A_293 = tpu.vector_load_idx %arg15[%add3A_253, %and3A_292] : memref<128x128xf32, #tpu.memory_space<vmem>>[vector<16xi32>, vector<16xi32>], vector<16xf32>,
          %gather3A_294 = tpu.vector_load_idx %arg18[%add3A_253, %and3A_292] : memref<128x128xf32, #tpu.memory_space<vmem>>[vector<16xi32>, vector<16xi32>], vector<16xf32>,
          %mul3A_295 = arith.mulf %gather3A_293, %gather3A_294 : vector<16xf32>
          %add3A_296 = arith.addf %add3A_285, %mul3A_295 : vector<16xf32>
          %scan3A_297 = arith.constant 3 : i32
          %scan3A_298 = arith.addi %scan3A_266, %scan3A_297 : i32
          %add3A_299 = vector.broadcast %scan3A_298 : i32 to vector<16xi32>
          %add3A_300 = arith.addi %iota3A, %add3A_299 : vector<16xi32>
          %and3A_301 = arith.constant 127 : i32
          %and3A_302 = vector.broadcast %and3A_301 : i32 to vector<16xi32>
          %and3A_303 = arith.andi %add3A_300, %and3A_302 : vector<16xi32>
          %gather3A_304 = tpu.vector_load_idx %arg15[%add3A_253, %and3A_303] : memref<128x128xf32, #tpu.memory_space<vmem>>[vector<16xi32>, vector<16xi32>], vector<16xf32>,
          %gather3A_305 = tpu.vector_load_idx %arg18[%add3A_253, %and3A_303] : memref<128x128xf32, #tpu.memory_space<vmem>>[vector<16xi32>, vector<16xi32>], vector<16xf32>,
          %mul3A_306 = arith.mulf %gather3A_304, %gather3A_305 : vector<16xf32>
          %add3A_307 = arith.addf %add3A_296, %mul3A_306 : vector<16xf32>
          %scan3A_308 = arith.constant 4 : i32
          %scan3A_309 = arith.addi %scan3A_266, %scan3A_308 : i32
          %add3A_310 = vector.broadcast %scan3A_309 : i32 to vector<16xi32>
          %add3A_311 = arith.addi %iota3A, %add3A_310 : vector<16xi32>
          %and3A_312 = arith.constant 127 : i32
          %and3A_313 = vector.broadcast %and3A_312 : i32 to vector<16xi32>
          %and3A_314 = arith.andi %add3A_311, %and3A_313 : vector<16xi32>
          %gather3A_315 = tpu.vector_load_idx %arg15[%add3A_253, %and3A_314] : memref<128x128xf32, #tpu.memory_space<vmem>>[vector<16xi32>, vector<16xi32>], vector<16xf32>,
          %gather3A_316 = tpu.vector_load_idx %arg18[%add3A_253, %and3A_314] : memref<128x128xf32, #tpu.memory_space<vmem>>[vector<16xi32>, vector<16xi32>], vector<16xf32>,
          %mul3A_317 = arith.mulf %gather3A_315, %gather3A_316 : vector<16xf32>
          %add3A_318 = arith.addf %add3A_307, %mul3A_317 : vector<16xf32>
          %scan3A_319 = arith.constant 5 : i32
          %scan3A_320 = arith.addi %scan3A_266, %scan3A_319 : i32
          %add3A_321 = vector.broadcast %scan3A_320 : i32 to vector<16xi32>
          %add3A_322 = arith.addi %iota3A, %add3A_321 : vector<16xi32>
          %and3A_323 = arith.constant 127 : i32
          %and3A_324 = vector.broadcast %and3A_323 : i32 to vector<16xi32>
          %and3A_325 = arith.andi %add3A_322, %and3A_324 : vector<16xi32>
          %gather3A_326 = tpu.vector_load_idx %arg15[%add3A_253, %and3A_325] : memref<128x128xf32, #tpu.memory_space<vmem>>[vector<16xi32>, vector<16xi32>], vector<16xf32>,
          %gather3A_327 = tpu.vector_load_idx %arg18[%add3A_253, %and3A_325] : memref<128x128xf32, #tpu.memory_space<vmem>>[vector<16xi32>, vector<16xi32>], vector<16xf32>,
          %mul3A_328 = arith.mulf %gather3A_326, %gather3A_327 : vector<16xf32>
          %add3A_329 = arith.addf %add3A_318, %mul3A_328 : vector<16xf32>
          %scan3A_330 = arith.constant 6 : i32
          %scan3A_331 = arith.addi %scan3A_266, %scan3A_330 : i32
          %add3A_332 = vector.broadcast %scan3A_331 : i32 to vector<16xi32>
          %add3A_333 = arith.addi %iota3A, %add3A_332 : vector<16xi32>
          %and3A_334 = arith.constant 127 : i32
          %and3A_335 = vector.broadcast %and3A_334 : i32 to vector<16xi32>
          %and3A_336 = arith.andi %add3A_333, %and3A_335 : vector<16xi32>
          %gather3A_337 = tpu.vector_load_idx %arg15[%add3A_253, %and3A_336] : memref<128x128xf32, #tpu.memory_space<vmem>>[vector<16xi32>, vector<16xi32>], vector<16xf32>,
          %gather3A_338 = tpu.vector_load_idx %arg18[%add3A_253, %and3A_336] : memref<128x128xf32, #tpu.memory_space<vmem>>[vector<16xi32>, vector<16xi32>], vector<16xf32>,
          %mul3A_339 = arith.mulf %gather3A_337, %gather3A_338 : vector<16xf32>
          %add3A_340 = arith.addf %add3A_329, %mul3A_339 : vector<16xf32>
          %scan3A_341 = arith.constant 7 : i32
          %scan3A_342 = arith.addi %scan3A_266, %scan3A_341 : i32
          %add3A_343 = vector.broadcast %scan3A_342 : i32 to vector<16xi32>
          %add3A_344 = arith.addi %iota3A, %add3A_343 : vector<16xi32>
          %and3A_345 = arith.constant 127 : i32
          %and3A_346 = vector.broadcast %and3A_345 : i32 to vector<16xi32>
          %and3A_347 = arith.andi %add3A_344, %and3A_346 : vector<16xi32>
          %gather3A_348 = tpu.vector_load_idx %arg15[%add3A_253, %and3A_347] : memref<128x128xf32, #tpu.memory_space<vmem>>[vector<16xi32>, vector<16xi32>], vector<16xf32>,
          %gather3A_349 = tpu.vector_load_idx %arg18[%add3A_253, %and3A_347] : memref<128x128xf32, #tpu.memory_space<vmem>>[vector<16xi32>, vector<16xi32>], vector<16xf32>,
          %mul3A_350 = arith.mulf %gather3A_348, %gather3A_349 : vector<16xf32>
          %add3A_351 = arith.addf %add3A_340, %mul3A_350 : vector<16xf32>
          scf.yield %add3A_351 : vector<16xf32>
        }
        %scan3A_261 = arith.constant 128 : i32
        %swap3A_262 = arith.constant 112 : index
        %swap3A_263 = tpu.vector_load %arg19[%swap3A_262] {strides = array<i32>} : memref<128xf32, #tpu.memory_space<vmem>>, vector<16xf32>,
        tpu.vector_store %arg19[%swap3A_262], %scan3A_260 {strides = array<i32>} : memref<128xf32, #tpu.memory_space<vmem>>, vector<16xf32>,
        %mul3A_264 = arith.constant 128 : i32
        %mul3A_265 = arith.muli %add3A_146, %mul3A_264 : i32
        "tpu.region"() ({
          %run_scoped3A = tpu.sem_alloc : memref<!tpu.dma_semaphore, #tpu.memory_space<semaphore_mem>>
          %dma_start3A = tpu.memref_slice %arg6[%mul3A_265] : memref<320000xf32, #tpu.memory_space<hbm>> -> memref<128xf32, #tpu.memory_space<hbm>>
          %dma_start3A_266 = tpu.memref_slice %arg6[%mul3A_265] : memref<320000xf32, #tpu.memory_space<hbm>> -> memref<128xf32, #tpu.memory_space<hbm>>
          tpu.enqueue_dma source(%arg19 : memref<128xf32, #tpu.memory_space<vmem>>) target(%dma_start3A_266 : memref<128xf32, #tpu.memory_space<hbm>>) target_semaphore(%run_scoped3A : memref<!tpu.dma_semaphore, #tpu.memory_space<semaphore_mem>>)
          %dma_wait3A = tpu.memref_slice %arg6[%mul3A_265] : memref<320000xf32, #tpu.memory_space<hbm>> -> memref<128xf32, #tpu.memory_space<hbm>>
          %dma_wait3A_267 = tpu.memref_slice %arg6[%mul3A_265] : memref<320000xf32, #tpu.memory_space<hbm>> -> memref<128xf32, #tpu.memory_space<hbm>>
          tpu.wait_dma2 semaphore(%run_scoped3A : memref<!tpu.dma_semaphore, #tpu.memory_space<semaphore_mem>>) src(%arg19 : memref<128xf32, #tpu.memory_space<vmem>>) dst(%dma_wait3A_267 : memref<128xf32, #tpu.memory_space<hbm>>)
          tpu.yield
        }) : () -> ()
      } else {
      }
      %add3A_152 = arith.constant 3 : i32
      %add3A_153 = arith.addi %add3A_125, %add3A_152 : i32
      %mul3A_154 = arith.constant 32 : i32
      %mul3A_155 = arith.muli %add3A_153, %mul3A_154 : i32
      %add3A_156 = arith.addi %add3A, %mul3A_155 : i32
      %lt3A_157 = arith.constant 2500 : i32
      %lt3A_158 = arith.cmpi slt, %add3A_156, %lt3A_157 : i32
      %convert_element_type3A_159 = arith.extui %lt3A_158 : i1 to i32
      %cond3A_160 = arith.constant 0 : i32
      %cond3A_161 = arith.cmpi ne, %convert_element_type3A_159, %cond3A_160 : i32
      scf.if %cond3A_161 {
        %mul3A_162 = arith.constant 128 : i32
        %mul3A_163 = arith.muli %add3A_156, %mul3A_162 : i32
        %dma_wait3A = tpu.memref_slice %arg4[%mul3A_163] : memref<320000xi32, #tpu.memory_space<hbm>> -> memref<128xi32, #tpu.memory_space<hbm>>
        %dma_wait3A_164 = tpu.memref_slice %arg4[%mul3A_163] : memref<320000xi32, #tpu.memory_space<hbm>> -> memref<128xi32, #tpu.memory_space<hbm>>
        tpu.wait_dma2 semaphore(%arg28 : memref<!tpu.dma_semaphore, #tpu.memory_space<semaphore_mem>>) src(%dma_wait3A_164 : memref<128xi32, #tpu.memory_space<hbm>>) dst(%arg9 : memref<128xi32, #tpu.memory_space<vmem>>)
        %dma_wait3A_165 = tpu.memref_slice %arg5[%mul3A_163] : memref<320000xi32, #tpu.memory_space<hbm>> -> memref<128xi32, #tpu.memory_space<hbm>>
        %dma_wait3A_166 = tpu.memref_slice %arg5[%mul3A_163] : memref<320000xi32, #tpu.memory_space<hbm>> -> memref<128xi32, #tpu.memory_space<hbm>>
        tpu.wait_dma2 semaphore(%arg31 : memref<!tpu.dma_semaphore, #tpu.memory_space<semaphore_mem>>) src(%dma_wait3A_166 : memref<128xi32, #tpu.memory_space<hbm>>) dst(%arg12 : memref<128xi32, #tpu.memory_space<vmem>>)
        %dma_start3A = arith.constant 0 : i32
        %dma_start3A_167 = arith.constant 0 : i32
        %dma_start3A_168 = tpu.memref_slice %arg2[%dma_start3A, %dma_start3A_167] : memref<10000x128xf32, #tpu.memory_space<hbm>> -> memref<10000x128xf32, #tpu.memory_space<hbm>>
        tpu.enqueue_indirect_dma source(%dma_start3A_168 : memref<10000x128xf32, #tpu.memory_space<hbm>>) target(%arg15 : memref<128x128xf32, #tpu.memory_space<vmem>>) offsets(%arg9 : memref<128xi32, #tpu.memory_space<vmem>>) semaphore(%arg22 : memref<!tpu.dma_semaphore, #tpu.memory_space<semaphore_mem>>)
        %dma_start3A_169 = arith.constant 0 : i32
        %dma_start3A_170 = arith.constant 0 : i32
        %dma_start3A_171 = tpu.memref_slice %arg3[%dma_start3A_169, %dma_start3A_170] : memref<10000x128xf32, #tpu.memory_space<hbm>> -> memref<10000x128xf32, #tpu.memory_space<hbm>>
        tpu.enqueue_indirect_dma source(%dma_start3A_171 : memref<10000x128xf32, #tpu.memory_space<hbm>>) target(%arg18 : memref<128x128xf32, #tpu.memory_space<vmem>>) offsets(%arg12 : memref<128xi32, #tpu.memory_space<vmem>>) semaphore(%arg25 : memref<!tpu.dma_semaphore, #tpu.memory_space<semaphore_mem>>)
      } else {
      }
    }
    %scan3A_44 = arith.constant 27 : i32
    return
  }
}

</mosaic_0001>

<sc_bundles>
// kernel: kernel.3.cloned.1.call-start
scs
__scs_entry_jumppad:
0x0: {  	(pc) =	sbr.rel $0x88, $3  }
0x1: {  	(tag) =	ssettag $0x0;
	lr =	simm.s32 $0x1  }
0x2: {  	[smem:$0x3F9E] =	sst lr;
	_ =	strace $0xD0000000  }
0x3: {  	_ = 	snop  }
0x4: {  	_ = 	snop  }
0x5: {  	_ = 	snop  }
0x6: {  	_ = 	snop  }
0x7: {  	_ = 	snop  }
__scs_overlays_trampoline_lowered:
0x8: {  	[smem:$0x3FAD] =	sst s0  }
0x9: {  	[smem:$0x3FAE] =	sst s1  }
0xa: {  	[smem:$0x3FAF] =	sst s2  }
0xb: {  	[smem:$0x3FB0] =	sst s3  }
0xc: {  	[smem:$0x3FB1] =	sst s4  }
0xd: {  	[smem:$0x3FB2] =	sst s5  }
0xe: {  	[smem:$0x3FB3] =	sst s6  }
0xf: {  	[smem:$0x3FB4] =	sst s7  }
0x10: {  	[smem:$0x3FB5] =	sst s8  }
0x11: {  	[smem:$0x3FB6] =	sst s9;
	s0 =	simm.s32 @!p0 $0x0  }
0x12: {  	s1 =	sld [smem:$0x3F9C];
	s0 =	simm.s32 @p0 $0x1  }
0x13: {  	[smem:$0x3FB7] =	sst s0;
	s0 =	simm.s32 @!p1 $0x0  }
0x14: {  	s2 =	sld [smem:$0x3F9B];
	s0 =	simm.s32 @p1 $0x1  }
0x15: {  	[smem:$0x3FB8] =	sst s0;
	s0 =	simm.s32 @!p2 $0x0  }
0x16: {  	s3 =	sld [smem:$0x3FDB];
	s0 =	simm.s32 @p2 $0x1  }
0x17: {  	s4 =	simm.s32 $0x1BF5;
	[smem:$0x3FBA] =	sst s0  }
0x18: {  	s0 =	sld [smem:$0x3F9D];
	_ =	swait.ge [sflag:s4], $0x0  }
0x19: {  	s7 =	sld [smem:$0x3F9E]  }
0x1a: {  	s8 =	sadd.s32 $0xFFFFE003, lr  }
0x1b: {  	s9 =	sadd.s32 $0xFFFFFEF7, lr;
	s5 =	simm.s32 $0xFFFFFFFF;
	p2 =	slt.u32 s8, $0xFFFFF086  }
0x1c: {  	p1 =	slt.u32 s9, $0xF7A;
	s5 =	simm.s32 @!p2 $0x0  }
0x1d: {  	s5 =	simm.s32 @p1 $0x1;
	p0 =	seq.s32 s7, s2  }
0x1e: {  	s7 =	smul.u32 @!p0 $0xF7A, s2;
	p2 =	seq.s32 @!p0 s5, $0x0  }
0x1f: {  	s9 =	smul.u32 $0xF7A, s1;
	s8 =	simm.s32 @!p0 $0x1BF5;
	p2 =	por !p2, p0  }
0x20: {  	[sflag:s8] =	ssyncset.s32 @!p0 $0xFFFFF086;
	s6 =	sadd.s32 @!p0 s3, s7;
	s7 =	simm.s32 @!p0 $0x108  }
0x21: {  	s3 =	sadd.s32 s3, s9;
	s6 =	sadd.s32 @!p0 $0x88, s6;
	s7 =	simm.s32 @p2 $0x1082  }
0x22: {  	[simem:s7], [sflag:s8] =	dma.local @!p0 [hbm:s6], $0xF7A  }
0x23: {  	s9 =	sor.u32 $0xD0000000, s2;
	s6 =	simm.s32 $0x108;
	_ =	swait.ge @!p0 [sflag:s8], $0x0  }
0x24: {  	s3 =	sadd.s32 $0x88, s3;
	s6 =	simm.s32 @!p1 $0x1082;
	[sflag:s4] =	ssyncset.s32 $0xFFFFF086  }
0x25: {  	[simem:s6], [sflag:s4] =	dma.local [hbm:s3], $0xF7A  }
0x26: {  	[smem:$0x3F9E] =	sst s1;
	(tag) =	ssettag s2;
	_ =	strace s9  }
0x27: {  	s1 =	sld [smem:$0x3FAE]  }
0x28: {  	s2 =	sld [smem:$0x3FAF]  }
0x29: {  	s4 =	sld [smem:$0x3FB1]  }
0x2a: {  	p0 =	seq.s32 s5, $0x0;
	s5 =	sld [smem:$0x3FB2]  }
0x2b: {  	s6 =	sld [smem:$0x3FB3]  }
0x2c: {  	s7 =	sld [smem:$0x3FB4]  }
0x2d: {  	s3 =	simm.s32 $0x108;
	s8 =	sld [smem:$0x3FB5]  }
0x2e: {  	s3 =	simm.s32 @!p0 $0x1082;
	s9 =	sld [smem:$0x3FB6]  }
0x2f: {  	lr =	sadd.s32 s0, s3;
	s0 =	sld [smem:$0x3FAD]  }
0x30: {  	s3 =	sld [smem:$0x3FB0]  }
0x31: {  	[smem:$0x3FB9] =	sst s10  }
0x32: {  	s10 =	sld [smem:$0x3FB7];
	_ =	sdelay $0x3  }
0x33: {  	p0 =	seq.s32 s10, $0x1;
	s10 =	sld [smem:$0x3FB9];
	_ =	sdelay $0x3  }
0x34: {  	[smem:$0x3FB9] =	sst s10  }
0x35: {  	s10 =	sld [smem:$0x3FB8];
	_ =	sdelay $0x3  }
0x36: {  	p1 =	seq.s32 s10, $0x1;
	s10 =	sld [smem:$0x3FB9];
	_ =	sdelay $0x3  }
0x37: {  	[smem:$0x3FB9] =	sst s10  }
0x38: {  	s10 =	sld [smem:$0x3FBA]  }
0x39: {  	_ = 	snop;
	(pc) =	sbr.ind lr, $3  }
0x3a: {  	_ = 	snop  }
0x3b: {  	_ = 	snop  }
0x3c: {  	p2 =	seq.s32 s10, $0x1;
	s10 =	sld [smem:$0x3FB9]  }
0x3d: {  	_ =	shalt  }
0x3e: {  	_ =	shalt  }
0x3f: {  	_ =	shalt  }
0x40: {  	_ =	shalt  }
0x41: {  	_ =	shalt  }
0x42: {  	_ =	shalt  }
0x43: {  	_ =	shalt  }
0x44: {  	_ =	shalt  }
0x45: {  	_ =	shalt  }
0x46: {  	_ =	shalt  }
0x47: {  	_ =	shalt  }
0x48: {  	_ =	shalt  }
0x49: {  	_ =	shalt  }
0x4a: {  	_ =	shalt  }
0x4b: {  	_ =	shalt  }
0x4c: {  	_ =	shalt  }
0x4d: {  	_ =	shalt  }
0x4e: {  	_ =	shalt  }
0x4f: {  	_ =	shalt  }
0x50: {  	_ =	shalt  }
0x51: {  	_ =	shalt  }
0x52: {  	_ =	shalt  }
0x53: {  	_ =	shalt  }
0x54: {  	_ =	shalt  }
0x55: {  	_ =	shalt  }
0x56: {  	_ =	shalt  }
0x57: {  	_ =	shalt  }
0x58: {  	_ =	shalt  }
0x59: {  	_ =	shalt  }
0x5a: {  	_ =	shalt  }
0x5b: {  	_ =	shalt  }
0x5c: {  	_ =	shalt  }
0x5d: {  	_ =	shalt  }
0x5e: {  	_ =	shalt  }
0x5f: {  	_ =	shalt  }
0x60: {  	_ =	shalt  }
0x61: {  	_ =	shalt  }
0x62: {  	_ =	shalt  }
0x63: {  	_ =	shalt  }
0x64: {  	_ =	shalt  }
0x65: {  	_ =	shalt  }
0x66: {  	_ =	shalt  }
0x67: {  	_ =	shalt  }
0x68: {  	_ =	shalt  }
0x69: {  	_ =	shalt  }
0x6a: {  	_ =	shalt  }
0x6b: {  	_ =	shalt  }
0x6c: {  	_ =	shalt  }
0x6d: {  	_ =	shalt  }
0x6e: {  	_ =	shalt  }
0x6f: {  	_ =	shalt  }
0x70: {  	_ =	shalt  }
0x71: {  	_ =	shalt  }
0x72: {  	_ =	shalt  }
0x73: {  	_ =	shalt  }
0x74: {  	_ =	shalt  }
0x75: {  	_ =	shalt  }
0x76: {  	_ =	shalt  }
0x77: {  	_ =	shalt  }
0x78: {  	_ =	shalt  }
0x79: {  	_ =	shalt  }
0x7a: {  	_ =	shalt  }
0x7b: {  	_ =	shalt  }
0x7c: {  	_ =	shalt  }
0x7d: {  	_ =	shalt  }
0x7e: {  	_ =	shalt  }
0x7f: {  	_ =	shalt  }
0x80: {  	_ =	shalt  }
0x81: {  	_ =	shalt  }
0x82: {  	_ =	shalt  }
0x83: {  	_ =	shalt  }
0x84: {  	_ =	shalt  }
0x85: {  	_ =	shalt  }
0x86: {  	_ =	shalt  }
0x87: {  	_ =	shalt  }
.Lfunc_end0:
.L_simem_size_0:
called_computation_lowered:
.L_overlay_start_0:
0x88: {  	s2 =	sld [smem:$0x3FD9]  }
0x89: {  	s3 =	sld [smem:$0x3FFE];
	_ =	sdelay $0x1  }
0x8a: {  	s1 =	srdreg.scid  }
0x8b: {  	s0 =	sand.u32 $0x1, s1  }
0x8c: {  	s17 =	sshll.u32 s0, $0xA;
	s2 =	sadd.s32 s3, s2  }
0x8d: {  	s2 =	sadd.s32 s2, s17  }
0x8e: {  	[smem:$0x3FC5] =	sst s2  }
0x8f: {  	_ = 	snop  }
0x90: {  	s2 =	sld [smem:$0x3FC9]  }
0x91: {  	s18 =	sld [smem:$0x3FC8]  }
0x92: {  	s4 =	sld [smem:$0x3FD0];
	(tm) =	ssettm $0x1  }
0x93: {  	s5 =	sld [smem:$0x3FFB];
	_ =	sdelay $0x3  }
0x94: {  	_ =	strace s5  }
0x95: {  	s5 =	sld [smem:$0x3FFC];
	_ =	sdelay $0x3  }
0x96: {  	_ =	strace s5  }
0x97: {  	s5 =	sld [smem:$0x3FFD];
	_ =	sdelay $0x3  }
0x98: {  	_ =	strace s5  }
0x99: {  	_ =	strace $0x8FFFFFFF  }
0x9a: {  	s19 =	sld [smem:$0x3FDB];
	_ =	sdelay $0x1  }
0x9b: {  	s6 =	simm.s32 $_scs_section_size  }
0x9c: {  	s7 =	simm.s32 $_size__tile_overlayer_lowered;
	s8 =	simm.s32 $_tile_overlayer_lowered  }
0x9d: {  	s22 =	simm.s32 $0x1BFF;
	s21 =	sshll.u32 s8, $0x1;
	s5 =	sadd.s32 s6, s19  }
0x9e: {  	s9 =	simm.s32 $0x0;
	s20 =	sshll.u32 s7, $0x1;
	s7 =	sadd.s32 s21, s5  }
0x9f: {  	[timem:s9], [sflag:s22] =	dma.local [hbm:s7], s20  }
0xa0: {  	_ =	swait.ge [sflag:s22], s20  }
0xa1: {  	s6 =	ssub.s32 $0x0, s20;
	[sflag:s22] =	ssyncset.done $0x0  }
0xa2: {  	[sflag:s22] =	ssyncadd.s32 s6;
	_ =	sdelay $0x1  }
0xa3: {  	s23 =	simm.s32 $0x1B8B  }
0xa4: {  	_ =	swait.ge [sflag:s23], $0x1  }
0xa5: {  	[sflag:s23] =	ssyncset.done $0x0  }
0xa6: {  	s25 =	simm.s32 $0x1B8E;
	s24 =	sld [smem:$0x3FFE];
	[sflag:s23] =	ssyncadd.s32 $0xFFFFFFFF  }
0xa7: {  	s26 =	simm.s32 $execute0_lowered;
	[smem:$0x3FD2] =	sst s25  }
0xa8: {  	s7 =	sshll.u32 s26, $0x1;
	_ =	strace $0x80000046;
	[dreg:$0x1] =	wrdreg $0xFFFFFFFF  }
0xa9: {  	s28 =	simm.s32 $_size_execute0_lowered;
	s5 =	sadd.s32 s5, s7;
	[dreg:$0x0] =	wrdreg $0x0  }
0xaa: {  	s7 =	sshll.u32 s28, $0x1;
	[dreg:$0x2] =	wrdreg s5  }
0xab: {  	[dreg:$0x3] =	wrdreg s7  }
0xac: {  	[dreg:$0x4] =	wrdreg $0xC0  }
0xad: {  	_ =	task [dreg:s9], $0x5FFFF  }
0xae: {  	[dreg:$0x1] =	wrdreg $0xFFFFFFFF  }
0xaf: {  	[dreg:$0x0] =	wrdreg $0x60  }
0xb0: {  	[dreg:$0x2] =	wrdreg s2  }
0xb1: {  	[dreg:$0x3] =	wrdreg s18  }
0xb2: {  	[dreg:$0x4] =	wrdreg s24  }
0xb3: {  	[dreg:$0x5] =	wrdreg s4  }
0xb4: {  	[dreg:$0x6] =	wrdreg $0x9  }
0xb5: {  	_ =	task.clear_ibuf [dreg:s9], $0x7FFFF;
	_ =	strace $0x90000046  }
0xb6: {  	s29 =	simm.s32 $0x9;
	_ =	strace $0x80000048  }
0xb7: {  	_ =	swait.ge [sflag:s29], $0x1  }
0xb8: {  	[sflag:s29] =	ssyncadd.s32 $0xFFFFFFFF  }
0xb9: {  	_ =	strace $0x90000048  }
0xba: {  	_ =	sfence  }
0xbb: {  	s30 =	sld [smem:$0x0];
	_ =	sdelay $0x2  }
0xbc: {  	s31 =	sshll.u32 s1, $0xD;
	s1 =	sshrl.u32 s1, $0x2  }
0xbd: {  	s3 =	sand.u32 $0x4000, s31;
	s1 =	sadd.s32 s1, s30  }
0xbe: {  	s0 =	sor.u32 s3, s0;
	s1 =	sshll.u32 s1, $0x11  }
0xbf: {  	s0 =	sor.u32 s1, s0  }
0xc0: {  	s0 =	sadd.s32 $0x8F2B, s0  }
0xc1: {  	[sflag:s0] =	ssyncadd.remote.s32 $0x1  }
0xc2: {  	_ =	sfence.sel $0xFFFF  }
0xc3: {  	[dreg:$0x0] =	wrdreg $0xFFFFFFFF;
	(pc) =	sbr.abs _section_cstart, $3  }
0xc4: {  	[dreg:$0x1] =	wrdreg $0xFFFFFFFF  }
0xc5: {  	_ =	task.clear_ibuf [dreg:s9], $0x2FFFF;
	_ =	strace $0x9FFFFFFF  }
0xc6: {  	(tm) =	ssettm $0x7FFFFFFF  }
0xc7: {  	_ =	shalt  }
tec
execute0_lowered:
.L_overlay_start_1:
0x0: {  	(tag) =	ssettag $0x1  }
0x1: {  	s1 =	rddreg [dreg:$0x0]  }
0x2: {  	s2 =	rddreg [dreg:$0x1]  }
0x3: {  	s4 =	rddreg [dreg:$0x2]  }
0x4: {  	s5 =	rddreg [dreg:$0x3];
	s0 =	srdreg.scid  }
0x5: {  	s3 =	stileid.u32;
	s6 =	simm.s32 $0x0;
	s22 =	simm.s32 $0x80  }
0x6: {  	s29 =	simm.s32 $0x300;
	s30 =	simm.s32 $0xC300;
	s21 =	simm.s32 $0x10300  }
0x7: {  	s11 =	simm.s32 $0xD;
	s12 =	simm.s32 $0x0;
	s0 =	sand.u32 $0x1, s0  }
0x8: {  	s3 =	sshll.u32 s3, $0x1;
	[smem:$0x7FF] =	sst s6;
	s8 =	sadd.s32 $0x9E00, s4  }
0x9: {  	s9 =	ssub.s32 $0x2, s0;
	s7 =	sor.u32 s0, s3;
	_ =	strace $0x80000047  }
0xa: {  	s24 =	sshrl.u32 s9, $0x1;
	s3 =	sshll.u32 s7, $0x4;
	s15 =	sor.u32 $0x60, s7  }
0xb: {  	s16 =	sor.u32 $0x20, s7;
	s17 =	sor.u32 $0x80, s7;
	s25 =	sadd.s32 s8, s3  }
0xc: {  	s26 =	sadd.s32 s4, s3;
	s28 =	sor.u32 $0x200, s3;
	[dreg:$0x5] =	wrdreg s25  }
0xd: {  	s0 =	ssub.s32 s9, s24;
	[dreg:$0x6] =	wrdreg s26;
	s10 =	sadd.s32 s8, s28  }
0xe: {  	s3 =	sor.u32 $0x400, s3;
	s9 =	sadd.s32 s4, s28;
	[dreg:$0x7] =	wrdreg s10  }
.Ltmp0:
0xf: {  	v0 =	vlaneseq.u32;
	s31 =	sadd.s32 s8, s3;
	[dreg:$0x8] =	wrdreg s9;
	(pc) =	sbr.rel .LBB2_1-.Ltmp0, $4  }
0x10: {  	v1 =	vmul.u32 $0x80, v0;
	s18 =	sor.u32 $0x40, s7;
	s3 =	sadd.s32 s4, s3;
	[dreg:$0x9] =	wrdreg s31  }
0x11: {  	s19 =	sor.u32 $0xA0, s7;
	s0 =	smax.u32 s0, $0x1;
	[dreg:$0xa] =	wrdreg s3  }
0x12: {  	v2 =	vor.u32 $0x800, v1;
	v3 =	vor.u32 $0x1000, v1;
	s24 =	simm.s32 $0xC;
	s25 =	simm.s32 $0x8300;
	[dreg:$0xb] =	wrdreg s0  }
0x13: {  	v4 =	vor.u32 $0x1800, v1;
	v5 =	vor.u32 $0x2000, v1;
	v6 =	vor.u32 $0x2800, v1;
	s3 =	simm.s32 $0x4300;
	s9 =	simm.s32 $0x14300;
	s10 =	simm.s32 $0x18300  }
.LBB2_57:
0x14: {  	s12 =	sadd.s32 $0x1, s12;
	s0 =	rddreg [dreg:$0xb]  }
0x15: {  	p0 =	sne.s32 s12, s0  }
.Ltmp1:
0x16: {  	_ = 	snop;
	(pc) =	sbr.rel @!p0 .LBB2_58-.Ltmp1, $1  }
0x17: {  	_ =	sdelay $0x3  }
.LBB2_1:
0x18: {  	s0 =	rddreg [dreg:$0x5]  }
0x19: {  	[tilespmem:s6], [sflag:$0x7] =	stream.linear.gather [hbm4b:s0+s6], $0x80, $0x38;
	[tilespmem:$0x18380] =	vst v63  }
0x1a: {  	s31 =	rddreg [dreg:$0x6];
	s13 =	simm.s32 $0x180  }
0x1b: {  	[tilespmem:s13], [sflag:$0xA] =	stream.linear.gather [hbm4b:s31+s6], $0x80, $0x38;
	[tilespmem:$0x18380] =	vst v63  }
0x1c: {  	s14 =	rddreg [dreg:$0x7]  }
0x1d: {  	[tilespmem:s22], [sflag:$0x8] =	stream.linear.gather [hbm4b:s14+s6], $0x80, $0x38;
	[tilespmem:$0x18380] =	vst v63  }
0x1e: {  	s20 =	rddreg [dreg:$0x8];
	s14 =	simm.s32 $0x200  }
0x1f: {  	[tilespmem:s14], [sflag:$0xB] =	stream.linear.gather [hbm4b:s20+s6], $0x80, $0x38;
	[tilespmem:$0x18380] =	vst v63  }
0x20: {  	s23 =	rddreg [dreg:$0x9];
	s20 =	simm.s32 $0x100  }
0x21: {  	[tilespmem:s20], [sflag:$0x9] =	stream.linear.gather [hbm4b:s23+s6], $0x80, $0x38;
	[tilespmem:$0x18380] =	vst v63  }
0x22: {  	s26 =	rddreg [dreg:$0xa];
	s28 =	simm.s32 $0x7;
	s23 =	simm.s32 $0x280  }
0x23: {  	[tilespmem:s23], [sflag:$0xC] =	stream.linear.gather [hbm4b:s26+s6], $0x80, $0x38;
	[tilespmem:$0x18380] =	vst v63  }
0x24: {  	_ =	swait.ge [sflag:s28], $0x80  }
0x25: {  	[sflag:s28] =	ssyncset.done $0x0  }
0x26: {  	s31 =	simm.s32 $0xA;
	[sflag:s28] =	ssyncadd.s32 $0xFFFFFF80  }
0x27: {  	_ =	swait.ge [sflag:s31], $0x80  }
0x28: {  	[sflag:s31] =	ssyncset.done $0x0  }
0x29: {  	[sflag:s31] =	ssyncadd.s32 $0xFFFFFF80  }
0x2a: {  	[tilespmem:s29], [sflag:$0x1] =	stream.indirect.gather [hbm4b:s1+s22], $0x80, s6, s22, $0xb8;
	[tilespmem:$0x18380] =	vst v63  }
0x2b: {  	s26 =	simm.s32 $0x8  }
0x2c: {  	[tilespmem:s30], [sflag:$0x4] =	stream.indirect.gather [hbm4b:s2+s22], $0x80, s13, s22, $0xb8;
	[tilespmem:$0x18380] =	vst v63  }
0x2d: {  	_ =	swait.ge [sflag:s26], $0x80  }
0x2e: {  	[sflag:s26] =	ssyncset.done $0x0  }
0x2f: {  	s28 =	simm.s32 $0xB;
	[sflag:s26] =	ssyncadd.s32 $0xFFFFFF80  }
0x30: {  	_ =	swait.ge [sflag:s28], $0x80  }
0x31: {  	[sflag:s28] =	ssyncset.done $0x0  }
0x32: {  	[sflag:s28] =	ssyncadd.s32 $0xFFFFFF80  }
0x33: {  	[tilespmem:s3], [sflag:$0x2] =	stream.indirect.gather [hbm4b:s1+s22], $0x80, s22, s22, $0xb8;
	[tilespmem:$0x18380] =	vst v63  }
0x34: {  	s31 =	simm.s32 $0x9  }
0x35: {  	[tilespmem:s21], [sflag:$0x5] =	stream.indirect.gather [hbm4b:s2+s22], $0x80, s14, s22, $0xb8;
	[tilespmem:$0x18380] =	vst v63  }
0x36: {  	_ =	swait.ge [sflag:s31], $0x80  }
0x37: {  	[sflag:s31] =	ssyncset.done $0x0  }
0x38: {  	[sflag:s31] =	ssyncadd.s32 $0xFFFFFF80  }
0x39: {  	_ =	swait.ge [sflag:s24], $0x80  }
.Ltmp2:
0x3a: {  	[sflag:s24] =	ssyncset.done $0x0;
	(pc) =	sbr.rel .LBB2_2-.Ltmp2, $4  }
0x3b: {  	[sflag:s24] =	ssyncadd.s32 $0xFFFFFF80  }
0x3c: {  	[tilespmem:s25], [sflag:$0x3] =	stream.indirect.gather [hbm4b:s1+s22], $0x80, s20, s22, $0xb8;
	[tilespmem:$0x18380] =	vst v63  }
0x3d: {  	s13 =	simm.s32 $0x0  }
0x3e: {  	[tilespmem:s9], [sflag:$0x6] =	stream.indirect.gather [hbm4b:s2+s22], $0x80, s23, s22, $0xb8;
	[tilespmem:$0x18380] =	vst v63  }
.LBB2_56:
0x3f: {  	s0 =	simm.s32 @!p0 $0x9  }
0x40: {  	_ =	swait.ge @!p0 [sflag:s0], $0x80  }
0x41: {  	[sflag:s0] =	ssyncset.done @!p0 $0x0  }
0x42: {  	[sflag:s0] =	ssyncadd.s32 @!p0 $0xFFFFFF80;
	s0 =	simm.s32 @!p0 $0xC  }
0x43: {  	_ =	swait.ge @!p0 [sflag:s0], $0x80  }
0x44: {  	[sflag:s0] =	ssyncset.done @!p0 $0x0  }
0x45: {  	s23 =	simm.s32 @!p0 $0x8300;
	[sflag:s0] =	ssyncadd.s32 @!p0 $0xFFFFFF80;
	s0 =	simm.s32 @!p0 $0x80  }
0x46: {  	[tilespmem:s23], [sflag:$0x3] =	stream.indirect.gather @!p0 [hbm4b:s1+s0], $0x80, s14, s0, $0xb8;
	[tilespmem:$0x18380] =	vst v63  }
0x47: {  	s13 =	sadd.s32 $0x1, s13;
	s14 =	simm.s32 @!p0 $0x14300  }
0x48: {  	[tilespmem:s14], [sflag:$0x6] =	stream.indirect.gather @!p0 [hbm4b:s2+s0], $0x80, s20, s0, $0xb8;
	[tilespmem:$0x18380] =	vst v63  }
0x49: {  	p0 =	sne.s32 s13, $0x1B  }
.Ltmp3:
0x4a: {  	_ = 	snop;
	(pc) =	sbr.rel @!p0 .LBB2_57-.Ltmp3, $1  }
0x4b: {  	_ =	sdelay $0x3  }
.LBB2_2:
0x4c: {  	s14 =	smul.u32 $0x60, s13;
	_ =	sdelay $0x1  }
0x4d: {  	s28 =	sor.u32 s7, s14  }
0x4e: {  	p1 =	sgt.u32 s28, $0x9C3  }
0x4f: {  	s0 =	simm.s32 @!p1 $0x1  }
0x50: {  	_ =	swait.ge @!p1 [sflag:s0], $0x4000  }
0x51: {  	[sflag:s0] =	ssyncset.done @!p1 $0x0  }
0x52: {  	s20 =	sadd.s32 s15, s14;
	[sflag:s0] =	ssyncadd.s32 @!p1 $0xFFFFC000;
	s0 =	simm.s32 @!p1 $0x4  }
0x53: {  	p0 =	sgt.u32 s20, $0x9C3;
	_ =	swait.ge @!p1 [sflag:s0], $0x4000  }
.Ltmp4:
0x54: {  	s26 =	sshll.u32 @!p0 s20, $0x4;
	[sflag:s0] =	ssyncset.done @!p1 $0x0;
	(pc) =	sbr.rel @p1 .LBB2_20-.Ltmp4, $4  }
0x55: {  	s20 =	simm.s32 @!p0 $0x0;
	[sflag:s0] =	ssyncadd.s32 @!p1 $0xFFFFC000;
	s0 =	sadd.s32 @!p0 s8, s26  }
0x56: {  	[tilespmem:s20], [sflag:$0x7] =	stream.linear.gather @!p0 [hbm4b:s0+s20], $0x80, $0x38;
	[tilespmem:$0x18380] =	vst v63  }
0x57: {  	s0 =	sadd.s32 @!p0 s4, s26;
	s26 =	simm.s32 @!p0 $0x180  }
0x58: {  	[tilespmem:s26], [sflag:$0xA] =	stream.linear.gather @!p0 [hbm4b:s0+s20], $0x80, $0x38;
	[tilespmem:$0x18380] =	vst v63  }
0x59: {  	s0 =	simm.s32 $0x0  }
0x5a: {  	v7 =	vadd.s32 s0, v0  }
0x5b: {  	s23 =	simm.s32 $0x1;
	v7 =	vand.u32 $0x7F, v7  }
0x5c: {  	v8 =	vadd.s32 s23, v0;
	v7 =	vor.u32 v1, v7  }
0x5d: {  	s23 =	simm.s32 $0x2;
	v8 =	vand.u32 $0x7F, v8  }
0x5e: {  	v9 =	vadd.s32 s23, v0;
	v8 =	vor.u32 v1, v8  }
0x5f: {  	s23 =	simm.s32 $0x3;
	v9 =	vand.u32 $0x7F, v9  }
0x60: {  	v10 =	vadd.s32 s23, v0;
	v9 =	vor.u32 v1, v9  }
0x61: {  	s23 =	simm.s32 $0x4;
	v10 =	vand.u32 $0x7F, v10;
	v13 =	vld.idx.msk [tilespmem:v7+s29+$0x0], $0xffff  }
0x62: {  	v11 =	vadd.s32 s23, v0;
	v10 =	vor.u32 v1, v10;
	v14 =	vld.idx.msk [tilespmem:v7+s30+$0x0], $0xffff  }
0x63: {  	s23 =	simm.s32 $0x5;
	v15 =	vld.idx.msk [tilespmem:v8+s29+$0x0], $0xffff;
	v7 =	vand.u32 $0x7F, v11  }
0x64: {  	v11 =	vadd.s32 s23, v0;
	v16 =	vld.idx.msk [tilespmem:v8+s30+$0x0], $0xffff;
	v19 =	vor.u32 v1, v7  }
0x65: {  	s23 =	simm.s32 $0x6;
	v7 =	vld.idx.msk [tilespmem:v9+s29+$0x0], $0xffff;
	v8 =	vand.u32 $0x7F, v11  }
0x66: {  	v12 =	vld.idx.msk [tilespmem:v9+s30+$0x0], $0xffff;
	v9 =	vadd.s32 s23, v0;
	v11 =	vor.u32 v1, v8  }
0x67: {  	s23 =	simm.s32 $0x7;
	v8 =	vld.idx.msk [tilespmem:v10+s29+$0x0], $0xffff;
	v9 =	vand.u32 $0x7F, v9  }
0x68: {  	s31 =	simm.s32 $0x8;
	v18 =	vmul.f32 v14, v13;
	v14 =	vld.idx.msk [tilespmem:v10+s30+$0x0], $0xffff;
	v10 =	vadd.s32 s23, v0;
	v13 =	vor.u32 v1, v9  }
0x69: {  	v17 =	vimm.f32 $0.0e+00;
	v20 =	vadd.s32 s31, v0;
	v9 =	vld.idx.msk [tilespmem:v19+s29+$0x0], $0xffff;
	v10 =	vand.u32 $0x7F, v10  }
0x6a: {  	s23 =	simm.s32 $0x9;
	v17 =	vadd.f32 v18, v17;
	v18 =	vmul.f32 v16, v15;
	v16 =	vld.idx.msk [tilespmem:v19+s30+$0x0], $0xffff;
	v15 =	vor.u32 v1, v10  }
0x6b: {  	s0 =	simm.s32 $0x10;
	v20 =	vand.u32 $0x7F, v20;
	v19 =	vadd.s32 s23, v0;
	v10 =	vld.idx.msk [tilespmem:v11+s29+$0x0], $0xffff  }
.LBB2_4:
0x6c: {  	p1 =	slt.u32 s0, $0x78;
	v20 =	vor.u32 v1, v20;
	s23 =	sadd.s32 $0x2, s31;
	v17 =	vadd.f32 v18, v17;
	v7 =	vmul.f32 v12, v7;
	v11 =	vld.idx.msk [tilespmem:v11+s30+$0x0], $0xffff  }
0x6d: {  	v12 =	vand.u32 $0x7F, v19;
	v18 =	vadd.s32 s23, v0;
	v19 =	vld.idx.msk [tilespmem:v13+s29+$0x0], $0xffff  }
0x6e: {  	v12 =	vor.u32 v1, v12;
	s23 =	sadd.s32 $0x3, s31;
	v8 =	vmul.f32 v14, v8;
	v7 =	vadd.f32 v7, v17;
	v13 =	vld.idx.msk [tilespmem:v13+s30+$0x0], $0xffff  }
0x6f: {  	v14 =	vand.u32 $0x7F, v18;
	v17 =	vadd.s32 s23, v0;
	v18 =	vld.idx.msk [tilespmem:v15+s29+$0x0], $0xffff  }
0x70: {  	s23 =	sadd.s32 $0x4, s31;
	v14 =	vor.u32 v1, v14;
	v7 =	vadd.f32 v8, v7;
	v8 =	vmul.f32 v16, v9;
	v9 =	vld.idx.msk [tilespmem:v15+s30+$0x0], $0xffff  }
0x71: {  	v16 =	vand.u32 $0x7F, v17;
	v17 =	vadd.s32 s23, v0;
	v15 =	vld.idx.msk [tilespmem:v20+s29+$0x0], $0xffff  }
0x72: {  	s23 =	sadd.s32 $0x5, s31;
	v16 =	vor.u32 v1, v16;
	v20 =	vld.idx.msk [tilespmem:v20+s30+$0x0], $0xffff;
	v7 =	vadd.f32 v8, v7;
	v8 =	vmul.f32 v11, v10  }
0x73: {  	v11 =	vand.u32 $0x7F, v17;
	v17 =	vadd.s32 s23, v0;
	v10 =	vld.idx.msk [tilespmem:v12+s29+$0x0], $0xffff  }
0x74: {  	s23 =	sadd.s32 $0x6, s31;
	v22 =	vor.u32 v1, v11;
	v13 =	vmul.f32 v13, v19;
	v21 =	vld.idx.msk [tilespmem:v12+s30+$0x0], $0xffff;
	v8 =	vadd.f32 v8, v7  }
0x75: {  	v11 =	vand.u32 $0x7F, v17;
	v17 =	vadd.s32 s23, v0;
	v7 =	vld.idx.msk [tilespmem:v14+s29+$0x0], $0xffff  }
0x76: {  	s23 =	sadd.s32 $0x7, s31;
	s31 =	smov.u32 s0;
	v11 =	vor.u32 v1, v11;
	v9 =	vmul.f32 v9, v18;
	v12 =	vld.idx.msk [tilespmem:v14+s30+$0x0], $0xffff;
	v19 =	vadd.f32 v13, v8  }
.Ltmp5:
0x77: {  	v13 =	vand.u32 $0x7F, v17;
	v17 =	vadd.s32 s23, v0;
	v8 =	vld.idx.msk [tilespmem:v16+s29+$0x0], $0xffff;
	(pc) =	sbr.rel @p1 .LBB2_4-.Ltmp5, $4  }
0x78: {  	v15 =	vmul.f32 v20, v15;
	v13 =	vor.u32 v1, v13;
	v14 =	vld.idx.msk [tilespmem:v16+s30+$0x0], $0xffff;
	v16 =	vadd.f32 v9, v19  }
0x79: {  	v20 =	vand.u32 $0x7F, v17;
	v19 =	vadd.s32 s0, v0;
	v9 =	vld.idx.msk [tilespmem:v22+s29+$0x0], $0xffff  }
0x7a: {  	s23 =	sadd.s32 $0x1, s0;
	v18 =	vmul.f32 v21, v10;
	v17 =	vadd.f32 v15, v16;
	v16 =	vld.idx.msk [tilespmem:v22+s30+$0x0], $0xffff;
	v15 =	vor.u32 v1, v20  }
0x7b: {  	s0 =	sadd.s32 $0x8, s0;
	v20 =	vand.u32 $0x7F, v19;
	v19 =	vadd.s32 s23, v0;
	v10 =	vld.idx.msk [tilespmem:v11+s29+$0x0], $0xffff  }
0x7c: {  	_ =	sdelay $0x2  }
0x7d: {  	v17 =	vadd.f32 v18, v17;
	v7 =	vmul.f32 v12, v7  }
0x7e: {  	v12 =	vor.u32 v1, v20;
	v11 =	vld.idx.msk [tilespmem:v11+s30+$0x0], $0xffff  }
0x7f: {  	s0 =	sadd.s32 $0x2, s31;
	v18 =	vand.u32 $0x7F, v19;
	v19 =	vld.idx.msk [tilespmem:v13+s29+$0x0], $0xffff;
	v8 =	vmul.f32 v14, v8;
	v7 =	vadd.f32 v7, v17  }
0x80: {  	v13 =	vld.idx.msk [tilespmem:v13+s30+$0x0], $0xffff;
	v14 =	vadd.s32 s0, v0;
	v17 =	vor.u32 v1, v18  }
0x81: {  	s23 =	sadd.s32 $0x3, s31;
	v14 =	vand.u32 $0x7F, v14;
	v18 =	vld.idx.msk [tilespmem:v15+s29+$0x0], $0xffff;
	v7 =	vadd.f32 v8, v7;
	v8 =	vmul.f32 v16, v9  }
0x82: {  	v15 =	vld.idx.msk [tilespmem:v15+s30+$0x0], $0xffff;
	v14 =	vor.u32 v1, v14;
	v9 =	vadd.s32 s23, v0  }
0x83: {  	s23 =	sadd.s32 $0x4, s31;
	v16 =	vld.idx.msk [tilespmem:v12+s29+$0x0], $0xffff;
	v9 =	vand.u32 $0x7F, v9;
	v7 =	vadd.f32 v8, v7;
	v8 =	vmul.f32 v11, v10  }
0x84: {  	v10 =	vadd.s32 s23, v0;
	v11 =	vld.idx.msk [tilespmem:v12+s30+$0x0], $0xffff;
	v9 =	vor.u32 v1, v9  }
0x85: {  	s23 =	sadd.s32 $0x5, s31;
	v12 =	vld.idx.msk [tilespmem:v17+s29+$0x0], $0xffff;
	v10 =	vand.u32 $0x7F, v10;
	v7 =	vadd.f32 v8, v7;
	v8 =	vmul.f32 v13, v19  }
0x86: {  	v17 =	vld.idx.msk [tilespmem:v17+s30+$0x0], $0xffff;
	v13 =	vadd.s32 s23, v0;
	v10 =	vor.u32 v1, v10  }
0x87: {  	s23 =	sadd.s32 $0x6, s31;
	v19 =	vld.idx.msk [tilespmem:v14+s29+$0x0], $0xffff;
	v13 =	vand.u32 $0x7F, v13;
	v7 =	vadd.f32 v8, v7;
	v8 =	vmul.f32 v15, v18  }
0x88: {  	v14 =	vld.idx.msk [tilespmem:v14+s30+$0x0], $0xffff;
	v15 =	vadd.s32 s23, v0;
	v13 =	vor.u32 v1, v13  }
0x89: {  	v18 =	vld.idx.msk [tilespmem:v9+s29+$0x0], $0xffff;
	v15 =	vand.u32 $0x7F, v15;
	v11 =	vmul.f32 v11, v16;
	v7 =	vadd.f32 v8, v7  }
0x8a: {  	s23 =	sadd.s32 $0x7, s31;
	v8 =	vld.idx.msk [tilespmem:v9+s30+$0x0], $0xffff;
	v9 =	vor.u32 v1, v15  }
0x8b: {  	v15 =	vadd.s32 s23, v0;
	v16 =	vld.idx.msk [tilespmem:v10+s29+$0x0], $0xffff;
	v7 =	vadd.f32 v11, v7;
	v11 =	vmul.f32 v17, v12  }
0x8c: {  	v10 =	vld.idx.msk [tilespmem:v10+s30+$0x0], $0xffff;
	v12 =	vand.u32 $0x7F, v15  }
0x8d: {  	v12 =	vor.u32 v1, v12;
	v15 =	vld.idx.msk [tilespmem:v13+s29+$0x0], $0xffff;
	v7 =	vadd.f32 v11, v7;
	v11 =	vmul.f32 v14, v19  }
0x8e: {  	v13 =	vld.idx.msk [tilespmem:v13+s30+$0x0], $0xffff  }
0x8f: {  	v14 =	vld.idx.msk [tilespmem:v9+s29+$0x0], $0xffff;
	v8 =	vmul.f32 v8, v18;
	v7 =	vadd.f32 v11, v7  }
0x90: {  	v9 =	vld.idx.msk [tilespmem:v9+s30+$0x0], $0xffff  }
0x91: {  	v7 =	vadd.f32 v8, v7;
	v8 =	vmul.f32 v10, v16  }
0x92: {  	v10 =	vld.idx.msk [tilespmem:v12+s29+$0x0], $0xffff  }
0x93: {  	v11 =	vld.idx.msk [tilespmem:v12+s30+$0x0], $0xffff;
	v7 =	vadd.f32 v8, v7;
	v8 =	vmul.f32 v13, v15;
	_ =	sdelay $0x1  }
0x94: {  	s23 =	simm.s32 $0x0;
	v7 =	vadd.f32 v8, v7;
	v8 =	vmul.f32 v9, v14  }
0x95: {  	v9 =	vadd.s32 s23, v0  }
0x96: {  	s23 =	simm.s32 $0x1;
	v7 =	vadd.f32 v8, v7;
	v8 =	vand.u32 $0x7F, v9  }
0x97: {  	v9 =	vmul.f32 v11, v10;
	v10 =	vadd.s32 s23, v0;
	v8 =	vor.u32 v2, v8  }
0x98: {  	s23 =	simm.s32 $0x2;
	v10 =	vand.u32 $0x7F, v10  }
0x99: {  	v7 =	vadd.f32 v9, v7;
	v9 =	vadd.s32 s23, v0;
	v10 =	vor.u32 v2, v10  }
0x9a: {  	s23 =	simm.s32 $0x3;
	v9 =	vand.u32 $0x7F, v9  }
0x9b: {  	[tilespmem:$0x18300] =	vst v7;
	v7 =	vadd.s32 s23, v0;
	v9 =	vor.u32 v2, v9  }
0x9c: {  	s23 =	simm.s32 $0x4;
	v7 =	vand.u32 $0x7F, v7;
	v13 =	vld.idx.msk [tilespmem:v8+s29+$0x0], $0xffff  }
0x9d: {  	v11 =	vadd.s32 s23, v0;
	v14 =	vld.idx.msk [tilespmem:v8+s30+$0x0], $0xffff;
	v15 =	vor.u32 v2, v7  }
0x9e: {  	s23 =	simm.s32 $0x5;
	v7 =	vand.u32 $0x7F, v11;
	v16 =	vld.idx.msk [tilespmem:v10+s29+$0x0], $0xffff  }
0x9f: {  	v8 =	vadd.s32 s23, v0;
	v10 =	vld.idx.msk [tilespmem:v10+s30+$0x0], $0xffff;
	v19 =	vor.u32 v2, v7  }
0xa0: {  	s23 =	simm.s32 $0x6;
	v8 =	vand.u32 $0x7F, v8;
	v7 =	vld.idx.msk [tilespmem:v9+s29+$0x0], $0xffff  }
0xa1: {  	v11 =	vor.u32 v2, v8;
	v12 =	vld.idx.msk [tilespmem:v9+s30+$0x0], $0xffff;
	v9 =	vadd.s32 s23, v0  }
0xa2: {  	s23 =	simm.s32 $0x7;
	v9 =	vand.u32 $0x7F, v9;
	v8 =	vld.idx.msk [tilespmem:v15+s29+$0x0], $0xffff  }
0xa3: {  	s31 =	simm.s32 $0x8;
	v18 =	vmul.f32 v14, v13;
	v14 =	vld.idx.msk [tilespmem:v15+s30+$0x0], $0xffff;
	v15 =	vadd.s32 s23, v0;
	v13 =	vor.u32 v2, v9  }
0xa4: {  	v20 =	vadd.s32 s31, v0;
	v17 =	vimm.f32 $0.0e+00;
	v9 =	vld.idx.msk [tilespmem:v19+s29+$0x0], $0xffff;
	v15 =	vand.u32 $0x7F, v15  }
0xa5: {  	s23 =	simm.s32 $0x9;
	v17 =	vadd.f32 v18, v17;
	v18 =	vmul.f32 v10, v16;
	v16 =	vld.idx.msk [tilespmem:v19+s30+$0x0], $0xffff;
	v15 =	vor.u32 v2, v15  }
0xa6: {  	s0 =	simm.s32 $0x10;
	v20 =	vand.u32 $0x7F, v20;
	v19 =	vadd.s32 s23, v0;
	v10 =	vld.idx.msk [tilespmem:v11+s29+$0x0], $0xffff  }
.LBB2_6:
0xa7: {  	p1 =	slt.u32 s0, $0x78;
	v20 =	vor.u32 v2, v20;
	s23 =	sadd.s32 $0x2, s31;
	v17 =	vadd.f32 v18, v17;
	v7 =	vmul.f32 v12, v7;
	v11 =	vld.idx.msk [tilespmem:v11+s30+$0x0], $0xffff  }
0xa8: {  	v12 =	vand.u32 $0x7F, v19;
	v18 =	vadd.s32 s23, v0;
	v19 =	vld.idx.msk [tilespmem:v13+s29+$0x0], $0xffff  }
0xa9: {  	v12 =	vor.u32 v2, v12;
	s23 =	sadd.s32 $0x3, s31;
	v8 =	vmul.f32 v14, v8;
	v7 =	vadd.f32 v7, v17;
	v13 =	vld.idx.msk [tilespmem:v13+s30+$0x0], $0xffff  }
0xaa: {  	v14 =	vand.u32 $0x7F, v18;
	v17 =	vadd.s32 s23, v0;
	v18 =	vld.idx.msk [tilespmem:v15+s29+$0x0], $0xffff  }
0xab: {  	s23 =	sadd.s32 $0x4, s31;
	v14 =	vor.u32 v2, v14;
	v7 =	vadd.f32 v8, v7;
	v8 =	vmul.f32 v16, v9;
	v9 =	vld.idx.msk [tilespmem:v15+s30+$0x0], $0xffff  }
0xac: {  	v16 =	vand.u32 $0x7F, v17;
	v17 =	vadd.s32 s23, v0;
	v15 =	vld.idx.msk [tilespmem:v20+s29+$0x0], $0xffff  }
0xad: {  	s23 =	sadd.s32 $0x5, s31;
	v16 =	vor.u32 v2, v16;
	v20 =	vld.idx.msk [tilespmem:v20+s30+$0x0], $0xffff;
	v7 =	vadd.f32 v8, v7;
	v8 =	vmul.f32 v11, v10  }
0xae: {  	v11 =	vand.u32 $0x7F, v17;
	v17 =	vadd.s32 s23, v0;
	v10 =	vld.idx.msk [tilespmem:v12+s29+$0x0], $0xffff  }
0xaf: {  	s23 =	sadd.s32 $0x6, s31;
	v22 =	vor.u32 v2, v11;
	v13 =	vmul.f32 v13, v19;
	v21 =	vld.idx.msk [tilespmem:v12+s30+$0x0], $0xffff;
	v8 =	vadd.f32 v8, v7  }
0xb0: {  	v11 =	vand.u32 $0x7F, v17;
	v17 =	vadd.s32 s23, v0;
	v7 =	vld.idx.msk [tilespmem:v14+s29+$0x0], $0xffff  }
0xb1: {  	s23 =	sadd.s32 $0x7, s31;
	s31 =	smov.u32 s0;
	v11 =	vor.u32 v2, v11;
	v9 =	vmul.f32 v9, v18;
	v12 =	vld.idx.msk [tilespmem:v14+s30+$0x0], $0xffff;
	v19 =	vadd.f32 v13, v8  }
.Ltmp6:
0xb2: {  	v13 =	vand.u32 $0x7F, v17;
	v17 =	vadd.s32 s23, v0;
	v8 =	vld.idx.msk [tilespmem:v16+s29+$0x0], $0xffff;
	(pc) =	sbr.rel @p1 .LBB2_6-.Ltmp6, $4  }
0xb3: {  	v15 =	vmul.f32 v20, v15;
	v13 =	vor.u32 v2, v13;
	v14 =	vld.idx.msk [tilespmem:v16+s30+$0x0], $0xffff;
	v16 =	vadd.f32 v9, v19  }
0xb4: {  	v20 =	vand.u32 $0x7F, v17;
	v19 =	vadd.s32 s0, v0;
	v9 =	vld.idx.msk [tilespmem:v22+s29+$0x0], $0xffff  }
0xb5: {  	s23 =	sadd.s32 $0x1, s0;
	v18 =	vmul.f32 v21, v10;
	v17 =	vadd.f32 v15, v16;
	v16 =	vld.idx.msk [tilespmem:v22+s30+$0x0], $0xffff;
	v15 =	vor.u32 v2, v20  }
0xb6: {  	s0 =	sadd.s32 $0x8, s0;
	v20 =	vand.u32 $0x7F, v19;
	v19 =	vadd.s32 s23, v0;
	v10 =	vld.idx.msk [tilespmem:v11+s29+$0x0], $0xffff  }
0xb7: {  	_ =	sdelay $0x2  }
0xb8: {  	v17 =	vadd.f32 v18, v17;
	v7 =	vmul.f32 v12, v7  }
0xb9: {  	v12 =	vor.u32 v2, v20;
	v11 =	vld.idx.msk [tilespmem:v11+s30+$0x0], $0xffff  }
0xba: {  	s0 =	sadd.s32 $0x2, s31;
	v18 =	vand.u32 $0x7F, v19;
	v19 =	vld.idx.msk [tilespmem:v13+s29+$0x0], $0xffff;
	v8 =	vmul.f32 v14, v8;
	v7 =	vadd.f32 v7, v17  }
0xbb: {  	v13 =	vld.idx.msk [tilespmem:v13+s30+$0x0], $0xffff;
	v14 =	vadd.s32 s0, v0;
	v17 =	vor.u32 v2, v18  }
0xbc: {  	s23 =	sadd.s32 $0x3, s31;
	v14 =	vand.u32 $0x7F, v14;
	v18 =	vld.idx.msk [tilespmem:v15+s29+$0x0], $0xffff;
	v7 =	vadd.f32 v8, v7;
	v8 =	vmul.f32 v16, v9  }
0xbd: {  	v15 =	vld.idx.msk [tilespmem:v15+s30+$0x0], $0xffff;
	v14 =	vor.u32 v2, v14;
	v9 =	vadd.s32 s23, v0  }
0xbe: {  	s23 =	sadd.s32 $0x4, s31;
	v16 =	vld.idx.msk [tilespmem:v12+s29+$0x0], $0xffff;
	v9 =	vand.u32 $0x7F, v9;
	v7 =	vadd.f32 v8, v7;
	v8 =	vmul.f32 v11, v10  }
0xbf: {  	v10 =	vadd.s32 s23, v0;
	v11 =	vld.idx.msk [tilespmem:v12+s30+$0x0], $0xffff;
	v9 =	vor.u32 v2, v9  }
0xc0: {  	s23 =	sadd.s32 $0x5, s31;
	v12 =	vld.idx.msk [tilespmem:v17+s29+$0x0], $0xffff;
	v10 =	vand.u32 $0x7F, v10;
	v7 =	vadd.f32 v8, v7;
	v8 =	vmul.f32 v13, v19  }
0xc1: {  	v17 =	vld.idx.msk [tilespmem:v17+s30+$0x0], $0xffff;
	v13 =	vadd.s32 s23, v0;
	v10 =	vor.u32 v2, v10  }
0xc2: {  	s23 =	sadd.s32 $0x6, s31;
	v19 =	vld.idx.msk [tilespmem:v14+s29+$0x0], $0xffff;
	v13 =	vand.u32 $0x7F, v13;
	v7 =	vadd.f32 v8, v7;
	v8 =	vmul.f32 v15, v18  }
0xc3: {  	v14 =	vld.idx.msk [tilespmem:v14+s30+$0x0], $0xffff;
	v15 =	vadd.s32 s23, v0;
	v13 =	vor.u32 v2, v13  }
0xc4: {  	v18 =	vld.idx.msk [tilespmem:v9+s29+$0x0], $0xffff;
	v15 =	vand.u32 $0x7F, v15;
	v11 =	vmul.f32 v11, v16;
	v7 =	vadd.f32 v8, v7  }
0xc5: {  	s23 =	sadd.s32 $0x7, s31;
	v8 =	vld.idx.msk [tilespmem:v9+s30+$0x0], $0xffff;
	v9 =	vor.u32 v2, v15  }
0xc6: {  	v15 =	vadd.s32 s23, v0;
	v16 =	vld.idx.msk [tilespmem:v10+s29+$0x0], $0xffff;
	v7 =	vadd.f32 v11, v7;
	v11 =	vmul.f32 v17, v12  }
0xc7: {  	v10 =	vld.idx.msk [tilespmem:v10+s30+$0x0], $0xffff;
	v12 =	vand.u32 $0x7F, v15  }
0xc8: {  	v12 =	vor.u32 v2, v12;
	v15 =	vld.idx.msk [tilespmem:v13+s29+$0x0], $0xffff;
	v7 =	vadd.f32 v11, v7;
	v11 =	vmul.f32 v14, v19  }
0xc9: {  	v13 =	vld.idx.msk [tilespmem:v13+s30+$0x0], $0xffff  }
0xca: {  	v14 =	vld.idx.msk [tilespmem:v9+s29+$0x0], $0xffff;
	v8 =	vmul.f32 v8, v18;
	v7 =	vadd.f32 v11, v7  }
0xcb: {  	v9 =	vld.idx.msk [tilespmem:v9+s30+$0x0], $0xffff  }
0xcc: {  	v7 =	vadd.f32 v8, v7;
	v8 =	vmul.f32 v10, v16  }
0xcd: {  	v10 =	vld.idx.msk [tilespmem:v12+s29+$0x0], $0xffff  }
0xce: {  	v11 =	vld.idx.msk [tilespmem:v12+s30+$0x0], $0xffff;
	v7 =	vadd.f32 v8, v7;
	v8 =	vmul.f32 v13, v15;
	_ =	sdelay $0x1  }
0xcf: {  	s23 =	simm.s32 $0x0;
	v7 =	vadd.f32 v8, v7;
	v8 =	vmul.f32 v9, v14  }
0xd0: {  	v9 =	vadd.s32 s23, v0  }
0xd1: {  	s23 =	simm.s32 $0x1;
	v7 =	vadd.f32 v8, v7;
	v8 =	vand.u32 $0x7F, v9  }
0xd2: {  	v9 =	vmul.f32 v11, v10;
	v10 =	vadd.s32 s23, v0;
	v8 =	vor.u32 v3, v8  }
0xd3: {  	s23 =	simm.s32 $0x2;
	v10 =	vand.u32 $0x7F, v10  }
0xd4: {  	v7 =	vadd.f32 v9, v7;
	v9 =	vadd.s32 s23, v0;
	v10 =	vor.u32 v3, v10  }
0xd5: {  	s23 =	simm.s32 $0x3;
	v9 =	vand.u32 $0x7F, v9  }
0xd6: {  	[tilespmem:$0x18310] =	vst v7;
	v7 =	vadd.s32 s23, v0;
	v9 =	vor.u32 v3, v9  }
0xd7: {  	s23 =	simm.s32 $0x4;
	v7 =	vand.u32 $0x7F, v7;
	v13 =	vld.idx.msk [tilespmem:v8+s29+$0x0], $0xffff  }
0xd8: {  	v11 =	vadd.s32 s23, v0;
	v14 =	vld.idx.msk [tilespmem:v8+s30+$0x0], $0xffff;
	v15 =	vor.u32 v3, v7  }
0xd9: {  	s23 =	simm.s32 $0x5;
	v7 =	vand.u32 $0x7F, v11;
	v16 =	vld.idx.msk [tilespmem:v10+s29+$0x0], $0xffff  }
0xda: {  	v8 =	vadd.s32 s23, v0;
	v10 =	vld.idx.msk [tilespmem:v10+s30+$0x0], $0xffff;
	v19 =	vor.u32 v3, v7  }
0xdb: {  	s23 =	simm.s32 $0x6;
	v8 =	vand.u32 $0x7F, v8;
	v7 =	vld.idx.msk [tilespmem:v9+s29+$0x0], $0xffff  }
0xdc: {  	v11 =	vor.u32 v3, v8;
	v12 =	vld.idx.msk [tilespmem:v9+s30+$0x0], $0xffff;
	v9 =	vadd.s32 s23, v0  }
0xdd: {  	s23 =	simm.s32 $0x7;
	v9 =	vand.u32 $0x7F, v9;
	v8 =	vld.idx.msk [tilespmem:v15+s29+$0x0], $0xffff  }
0xde: {  	s31 =	simm.s32 $0x8;
	v18 =	vmul.f32 v14, v13;
	v14 =	vld.idx.msk [tilespmem:v15+s30+$0x0], $0xffff;
	v15 =	vadd.s32 s23, v0;
	v13 =	vor.u32 v3, v9  }
0xdf: {  	v20 =	vadd.s32 s31, v0;
	v17 =	vimm.f32 $0.0e+00;
	v9 =	vld.idx.msk [tilespmem:v19+s29+$0x0], $0xffff;
	v15 =	vand.u32 $0x7F, v15  }
0xe0: {  	s23 =	simm.s32 $0x9;
	v17 =	vadd.f32 v18, v17;
	v18 =	vmul.f32 v10, v16;
	v16 =	vld.idx.msk [tilespmem:v19+s30+$0x0], $0xffff;
	v15 =	vor.u32 v3, v15  }
0xe1: {  	s0 =	simm.s32 $0x10;
	v20 =	vand.u32 $0x7F, v20;
	v19 =	vadd.s32 s23, v0;
	v10 =	vld.idx.msk [tilespmem:v11+s29+$0x0], $0xffff  }
.LBB2_8:
0xe2: {  	p1 =	slt.u32 s0, $0x78;
	v20 =	vor.u32 v3, v20;
	s23 =	sadd.s32 $0x2, s31;
	v17 =	vadd.f32 v18, v17;
	v7 =	vmul.f32 v12, v7;
	v11 =	vld.idx.msk [tilespmem:v11+s30+$0x0], $0xffff  }
0xe3: {  	v12 =	vand.u32 $0x7F, v19;
	v18 =	vadd.s32 s23, v0;
	v19 =	vld.idx.msk [tilespmem:v13+s29+$0x0], $0xffff  }
0xe4: {  	v12 =	vor.u32 v3, v12;
	s23 =	sadd.s32 $0x3, s31;
	v8 =	vmul.f32 v14, v8;
	v7 =	vadd.f32 v7, v17;
	v13 =	vld.idx.msk [tilespmem:v13+s30+$0x0], $0xffff  }
0xe5: {  	v14 =	vand.u32 $0x7F, v18;
	v17 =	vadd.s32 s23, v0;
	v18 =	vld.idx.msk [tilespmem:v15+s29+$0x0], $0xffff  }
0xe6: {  	s23 =	sadd.s32 $0x4, s31;
	v14 =	vor.u32 v3, v14;
	v7 =	vadd.f32 v8, v7;
	v8 =	vmul.f32 v16, v9;
	v9 =	vld.idx.msk [tilespmem:v15+s30+$0x0], $0xffff  }
0xe7: {  	v16 =	vand.u32 $0x7F, v17;
	v17 =	vadd.s32 s23, v0;
	v15 =	vld.idx.msk [tilespmem:v20+s29+$0x0], $0xffff  }
0xe8: {  	s23 =	sadd.s32 $0x5, s31;
	v16 =	vor.u32 v3, v16;
	v20 =	vld.idx.msk [tilespmem:v20+s30+$0x0], $0xffff;
	v7 =	vadd.f32 v8, v7;
	v8 =	vmul.f32 v11, v10  }
0xe9: {  	v11 =	vand.u32 $0x7F, v17;
	v17 =	vadd.s32 s23, v0;
	v10 =	vld.idx.msk [tilespmem:v12+s29+$0x0], $0xffff  }
0xea: {  	s23 =	sadd.s32 $0x6, s31;
	v22 =	vor.u32 v3, v11;
	v13 =	vmul.f32 v13, v19;
	v21 =	vld.idx.msk [tilespmem:v12+s30+$0x0], $0xffff;
	v8 =	vadd.f32 v8, v7  }
0xeb: {  	v11 =	vand.u32 $0x7F, v17;
	v17 =	vadd.s32 s23, v0;
	v7 =	vld.idx.msk [tilespmem:v14+s29+$0x0], $0xffff  }
0xec: {  	s23 =	sadd.s32 $0x7, s31;
	s31 =	smov.u32 s0;
	v11 =	vor.u32 v3, v11;
	v9 =	vmul.f32 v9, v18;
	v12 =	vld.idx.msk [tilespmem:v14+s30+$0x0], $0xffff;
	v19 =	vadd.f32 v13, v8  }
.Ltmp7:
0xed: {  	v13 =	vand.u32 $0x7F, v17;
	v17 =	vadd.s32 s23, v0;
	v8 =	vld.idx.msk [tilespmem:v16+s29+$0x0], $0xffff;
	(pc) =	sbr.rel @p1 .LBB2_8-.Ltmp7, $4  }
0xee: {  	v15 =	vmul.f32 v20, v15;
	v13 =	vor.u32 v3, v13;
	v14 =	vld.idx.msk [tilespmem:v16+s30+$0x0], $0xffff;
	v16 =	vadd.f32 v9, v19  }
0xef: {  	v20 =	vand.u32 $0x7F, v17;
	v19 =	vadd.s32 s0, v0;
	v9 =	vld.idx.msk [tilespmem:v22+s29+$0x0], $0xffff  }
0xf0: {  	s23 =	sadd.s32 $0x1, s0;
	v18 =	vmul.f32 v21, v10;
	v17 =	vadd.f32 v15, v16;
	v16 =	vld.idx.msk [tilespmem:v22+s30+$0x0], $0xffff;
	v15 =	vor.u32 v3, v20  }
0xf1: {  	s0 =	sadd.s32 $0x8, s0;
	v20 =	vand.u32 $0x7F, v19;
	v19 =	vadd.s32 s23, v0;
	v10 =	vld.idx.msk [tilespmem:v11+s29+$0x0], $0xffff  }
0xf2: {  	_ =	sdelay $0x2  }
0xf3: {  	v17 =	vadd.f32 v18, v17;
	v7 =	vmul.f32 v12, v7  }
0xf4: {  	v12 =	vor.u32 v3, v20;
	v11 =	vld.idx.msk [tilespmem:v11+s30+$0x0], $0xffff  }
0xf5: {  	s0 =	sadd.s32 $0x2, s31;
	v18 =	vand.u32 $0x7F, v19;
	v19 =	vld.idx.msk [tilespmem:v13+s29+$0x0], $0xffff;
	v8 =	vmul.f32 v14, v8;
	v7 =	vadd.f32 v7, v17  }
0xf6: {  	v13 =	vld.idx.msk [tilespmem:v13+s30+$0x0], $0xffff;
	v14 =	vadd.s32 s0, v0;
	v17 =	vor.u32 v3, v18  }
0xf7: {  	s23 =	sadd.s32 $0x3, s31;
	v14 =	vand.u32 $0x7F, v14;
	v18 =	vld.idx.msk [tilespmem:v15+s29+$0x0], $0xffff;
	v7 =	vadd.f32 v8, v7;
	v8 =	vmul.f32 v16, v9  }
0xf8: {  	v15 =	vld.idx.msk [tilespmem:v15+s30+$0x0], $0xffff;
	v14 =	vor.u32 v3, v14;
	v9 =	vadd.s32 s23, v0  }
0xf9: {  	s23 =	sadd.s32 $0x4, s31;
	v16 =	vld.idx.msk [tilespmem:v12+s29+$0x0], $0xffff;
	v9 =	vand.u32 $0x7F, v9;
	v7 =	vadd.f32 v8, v7;
	v8 =	vmul.f32 v11, v10  }
0xfa: {  	v10 =	vadd.s32 s23, v0;
	v11 =	vld.idx.msk [tilespmem:v12+s30+$0x0], $0xffff;
	v9 =	vor.u32 v3, v9  }
0xfb: {  	s23 =	sadd.s32 $0x5, s31;
	v12 =	vld.idx.msk [tilespmem:v17+s29+$0x0], $0xffff;
	v10 =	vand.u32 $0x7F, v10;
	v7 =	vadd.f32 v8, v7;
	v8 =	vmul.f32 v13, v19  }
0xfc: {  	v17 =	vld.idx.msk [tilespmem:v17+s30+$0x0], $0xffff;
	v13 =	vadd.s32 s23, v0;
	v10 =	vor.u32 v3, v10  }
0xfd: {  	s23 =	sadd.s32 $0x6, s31;
	v19 =	vld.idx.msk [tilespmem:v14+s29+$0x0], $0xffff;
	v13 =	vand.u32 $0x7F, v13;
	v7 =	vadd.f32 v8, v7;
	v8 =	vmul.f32 v15, v18  }
0xfe: {  	v14 =	vld.idx.msk [tilespmem:v14+s30+$0x0], $0xffff;
	v15 =	vadd.s32 s23, v0;
	v13 =	vor.u32 v3, v13  }
0xff: {  	v18 =	vld.idx.msk [tilespmem:v9+s29+$0x0], $0xffff;
	v15 =	vand.u32 $0x7F, v15;
	v11 =	vmul.f32 v11, v16;
	v7 =	vadd.f32 v8, v7  }
0x100: {  	s23 =	sadd.s32 $0x7, s31;
	v8 =	vld.idx.msk [tilespmem:v9+s30+$0x0], $0xffff;
	v9 =	vor.u32 v3, v15  }
0x101: {  	v15 =	vadd.s32 s23, v0;
	v16 =	vld.idx.msk [tilespmem:v10+s29+$0x0], $0xffff;
	v7 =	vadd.f32 v11, v7;
	v11 =	vmul.f32 v17, v12  }
0x102: {  	v10 =	vld.idx.msk [tilespmem:v10+s30+$0x0], $0xffff;
	v12 =	vand.u32 $0x7F, v15  }
0x103: {  	v12 =	vor.u32 v3, v12;
	v15 =	vld.idx.msk [tilespmem:v13+s29+$0x0], $0xffff;
	v7 =	vadd.f32 v11, v7;
	v11 =	vmul.f32 v14, v19  }
0x104: {  	v13 =	vld.idx.msk [tilespmem:v13+s30+$0x0], $0xffff  }
0x105: {  	v14 =	vld.idx.msk [tilespmem:v9+s29+$0x0], $0xffff;
	v8 =	vmul.f32 v8, v18;
	v7 =	vadd.f32 v11, v7  }
0x106: {  	v9 =	vld.idx.msk [tilespmem:v9+s30+$0x0], $0xffff  }
0x107: {  	v7 =	vadd.f32 v8, v7;
	v8 =	vmul.f32 v10, v16  }
0x108: {  	v10 =	vld.idx.msk [tilespmem:v12+s29+$0x0], $0xffff  }
0x109: {  	v11 =	vld.idx.msk [tilespmem:v12+s30+$0x0], $0xffff;
	v7 =	vadd.f32 v8, v7;
	v8 =	vmul.f32 v13, v15;
	_ =	sdelay $0x1  }
0x10a: {  	s23 =	simm.s32 $0x0;
	v7 =	vadd.f32 v8, v7;
	v8 =	vmul.f32 v9, v14  }
0x10b: {  	v9 =	vadd.s32 s23, v0  }
0x10c: {  	s23 =	simm.s32 $0x1;
	v7 =	vadd.f32 v8, v7;
	v8 =	vand.u32 $0x7F, v9  }
0x10d: {  	v9 =	vmul.f32 v11, v10;
	v10 =	vadd.s32 s23, v0;
	v8 =	vor.u32 v4, v8  }
0x10e: {  	s23 =	simm.s32 $0x2;
	v10 =	vand.u32 $0x7F, v10  }
0x10f: {  	v7 =	vadd.f32 v9, v7;
	v9 =	vadd.s32 s23, v0;
	v10 =	vor.u32 v4, v10  }
0x110: {  	s23 =	simm.s32 $0x3;
	v9 =	vand.u32 $0x7F, v9  }
0x111: {  	[tilespmem:$0x18320] =	vst v7;
	v7 =	vadd.s32 s23, v0;
	v9 =	vor.u32 v4, v9  }
0x112: {  	s23 =	simm.s32 $0x4;
	v7 =	vand.u32 $0x7F, v7;
	v13 =	vld.idx.msk [tilespmem:v8+s29+$0x0], $0xffff  }
0x113: {  	v11 =	vadd.s32 s23, v0;
	v14 =	vld.idx.msk [tilespmem:v8+s30+$0x0], $0xffff;
	v15 =	vor.u32 v4, v7  }
0x114: {  	s23 =	simm.s32 $0x5;
	v7 =	vand.u32 $0x7F, v11;
	v16 =	vld.idx.msk [tilespmem:v10+s29+$0x0], $0xffff  }
0x115: {  	v8 =	vadd.s32 s23, v0;
	v10 =	vld.idx.msk [tilespmem:v10+s30+$0x0], $0xffff;
	v19 =	vor.u32 v4, v7  }
0x116: {  	s23 =	simm.s32 $0x6;
	v8 =	vand.u32 $0x7F, v8;
	v7 =	vld.idx.msk [tilespmem:v9+s29+$0x0], $0xffff  }
0x117: {  	v11 =	vor.u32 v4, v8;
	v12 =	vld.idx.msk [tilespmem:v9+s30+$0x0], $0xffff;
	v9 =	vadd.s32 s23, v0  }
0x118: {  	s23 =	simm.s32 $0x7;
	v9 =	vand.u32 $0x7F, v9;
	v8 =	vld.idx.msk [tilespmem:v15+s29+$0x0], $0xffff  }
0x119: {  	s31 =	simm.s32 $0x8;
	v18 =	vmul.f32 v14, v13;
	v14 =	vld.idx.msk [tilespmem:v15+s30+$0x0], $0xffff;
	v15 =	vadd.s32 s23, v0;
	v13 =	vor.u32 v4, v9  }
0x11a: {  	v20 =	vadd.s32 s31, v0;
	v17 =	vimm.f32 $0.0e+00;
	v9 =	vld.idx.msk [tilespmem:v19+s29+$0x0], $0xffff;
	v15 =	vand.u32 $0x7F, v15  }
0x11b: {  	s23 =	simm.s32 $0x9;
	v17 =	vadd.f32 v18, v17;
	v18 =	vmul.f32 v10, v16;
	v16 =	vld.idx.msk [tilespmem:v19+s30+$0x0], $0xffff;
	v15 =	vor.u32 v4, v15  }
0x11c: {  	s0 =	simm.s32 $0x10;
	v20 =	vand.u32 $0x7F, v20;
	v19 =	vadd.s32 s23, v0;
	v10 =	vld.idx.msk [tilespmem:v11+s29+$0x0], $0xffff  }
.LBB2_10:
0x11d: {  	p1 =	slt.u32 s0, $0x78;
	v20 =	vor.u32 v4, v20;
	s23 =	sadd.s32 $0x2, s31;
	v17 =	vadd.f32 v18, v17;
	v7 =	vmul.f32 v12, v7;
	v11 =	vld.idx.msk [tilespmem:v11+s30+$0x0], $0xffff  }
0x11e: {  	v12 =	vand.u32 $0x7F, v19;
	v18 =	vadd.s32 s23, v0;
	v19 =	vld.idx.msk [tilespmem:v13+s29+$0x0], $0xffff  }
0x11f: {  	v12 =	vor.u32 v4, v12;
	s23 =	sadd.s32 $0x3, s31;
	v8 =	vmul.f32 v14, v8;
	v7 =	vadd.f32 v7, v17;
	v13 =	vld.idx.msk [tilespmem:v13+s30+$0x0], $0xffff  }
0x120: {  	v14 =	vand.u32 $0x7F, v18;
	v17 =	vadd.s32 s23, v0;
	v18 =	vld.idx.msk [tilespmem:v15+s29+$0x0], $0xffff  }
0x121: {  	s23 =	sadd.s32 $0x4, s31;
	v14 =	vor.u32 v4, v14;
	v7 =	vadd.f32 v8, v7;
	v8 =	vmul.f32 v16, v9;
	v9 =	vld.idx.msk [tilespmem:v15+s30+$0x0], $0xffff  }
0x122: {  	v16 =	vand.u32 $0x7F, v17;
	v17 =	vadd.s32 s23, v0;
	v15 =	vld.idx.msk [tilespmem:v20+s29+$0x0], $0xffff  }
0x123: {  	s23 =	sadd.s32 $0x5, s31;
	v16 =	vor.u32 v4, v16;
	v20 =	vld.idx.msk [tilespmem:v20+s30+$0x0], $0xffff;
	v7 =	vadd.f32 v8, v7;
	v8 =	vmul.f32 v11, v10  }
0x124: {  	v11 =	vand.u32 $0x7F, v17;
	v17 =	vadd.s32 s23, v0;
	v10 =	vld.idx.msk [tilespmem:v12+s29+$0x0], $0xffff  }
0x125: {  	s23 =	sadd.s32 $0x6, s31;
	v22 =	vor.u32 v4, v11;
	v13 =	vmul.f32 v13, v19;
	v21 =	vld.idx.msk [tilespmem:v12+s30+$0x0], $0xffff;
	v8 =	vadd.f32 v8, v7  }
0x126: {  	v11 =	vand.u32 $0x7F, v17;
	v17 =	vadd.s32 s23, v0;
	v7 =	vld.idx.msk [tilespmem:v14+s29+$0x0], $0xffff  }
0x127: {  	s23 =	sadd.s32 $0x7, s31;
	s31 =	smov.u32 s0;
	v11 =	vor.u32 v4, v11;
	v9 =	vmul.f32 v9, v18;
	v12 =	vld.idx.msk [tilespmem:v14+s30+$0x0], $0xffff;
	v19 =	vadd.f32 v13, v8  }
.Ltmp8:
0x128: {  	v13 =	vand.u32 $0x7F, v17;
	v17 =	vadd.s32 s23, v0;
	v8 =	vld.idx.msk [tilespmem:v16+s29+$0x0], $0xffff;
	(pc) =	sbr.rel @p1 .LBB2_10-.Ltmp8, $4  }
0x129: {  	v15 =	vmul.f32 v20, v15;
	v13 =	vor.u32 v4, v13;
	v14 =	vld.idx.msk [tilespmem:v16+s30+$0x0], $0xffff;
	v16 =	vadd.f32 v9, v19  }
0x12a: {  	v20 =	vand.u32 $0x7F, v17;
	v19 =	vadd.s32 s0, v0;
	v9 =	vld.idx.msk [tilespmem:v22+s29+$0x0], $0xffff  }
0x12b: {  	s23 =	sadd.s32 $0x1, s0;
	v18 =	vmul.f32 v21, v10;
	v17 =	vadd.f32 v15, v16;
	v16 =	vld.idx.msk [tilespmem:v22+s30+$0x0], $0xffff;
	v15 =	vor.u32 v4, v20  }
0x12c: {  	s0 =	sadd.s32 $0x8, s0;
	v20 =	vand.u32 $0x7F, v19;
	v19 =	vadd.s32 s23, v0;
	v10 =	vld.idx.msk [tilespmem:v11+s29+$0x0], $0xffff  }
0x12d: {  	_ =	sdelay $0x2  }
0x12e: {  	v17 =	vadd.f32 v18, v17;
	v7 =	vmul.f32 v12, v7  }
0x12f: {  	v12 =	vor.u32 v4, v20;
	v11 =	vld.idx.msk [tilespmem:v11+s30+$0x0], $0xffff  }
0x130: {  	s0 =	sadd.s32 $0x2, s31;
	v18 =	vand.u32 $0x7F, v19;
	v19 =	vld.idx.msk [tilespmem:v13+s29+$0x0], $0xffff;
	v8 =	vmul.f32 v14, v8;
	v7 =	vadd.f32 v7, v17  }
0x131: {  	v13 =	vld.idx.msk [tilespmem:v13+s30+$0x0], $0xffff;
	v14 =	vadd.s32 s0, v0;
	v17 =	vor.u32 v4, v18  }
0x132: {  	s23 =	sadd.s32 $0x3, s31;
	v14 =	vand.u32 $0x7F, v14;
	v18 =	vld.idx.msk [tilespmem:v15+s29+$0x0], $0xffff;
	v7 =	vadd.f32 v8, v7;
	v8 =	vmul.f32 v16, v9  }
0x133: {  	v15 =	vld.idx.msk [tilespmem:v15+s30+$0x0], $0xffff;
	v14 =	vor.u32 v4, v14;
	v9 =	vadd.s32 s23, v0  }
0x134: {  	s23 =	sadd.s32 $0x4, s31;
	v16 =	vld.idx.msk [tilespmem:v12+s29+$0x0], $0xffff;
	v9 =	vand.u32 $0x7F, v9;
	v7 =	vadd.f32 v8, v7;
	v8 =	vmul.f32 v11, v10  }
0x135: {  	v10 =	vadd.s32 s23, v0;
	v11 =	vld.idx.msk [tilespmem:v12+s30+$0x0], $0xffff;
	v9 =	vor.u32 v4, v9  }
0x136: {  	s23 =	sadd.s32 $0x5, s31;
	v12 =	vld.idx.msk [tilespmem:v17+s29+$0x0], $0xffff;
	v10 =	vand.u32 $0x7F, v10;
	v7 =	vadd.f32 v8, v7;
	v8 =	vmul.f32 v13, v19  }
0x137: {  	v17 =	vld.idx.msk [tilespmem:v17+s30+$0x0], $0xffff;
	v13 =	vadd.s32 s23, v0;
	v10 =	vor.u32 v4, v10  }
0x138: {  	s23 =	sadd.s32 $0x6, s31;
	v19 =	vld.idx.msk [tilespmem:v14+s29+$0x0], $0xffff;
	v13 =	vand.u32 $0x7F, v13;
	v7 =	vadd.f32 v8, v7;
	v8 =	vmul.f32 v15, v18  }
0x139: {  	v14 =	vld.idx.msk [tilespmem:v14+s30+$0x0], $0xffff;
	v15 =	vadd.s32 s23, v0;
	v13 =	vor.u32 v4, v13  }
0x13a: {  	v18 =	vld.idx.msk [tilespmem:v9+s29+$0x0], $0xffff;
	v15 =	vand.u32 $0x7F, v15;
	v11 =	vmul.f32 v11, v16;
	v7 =	vadd.f32 v8, v7  }
0x13b: {  	s23 =	sadd.s32 $0x7, s31;
	v8 =	vld.idx.msk [tilespmem:v9+s30+$0x0], $0xffff;
	v9 =	vor.u32 v4, v15  }
0x13c: {  	v15 =	vadd.s32 s23, v0;
	v16 =	vld.idx.msk [tilespmem:v10+s29+$0x0], $0xffff;
	v7 =	vadd.f32 v11, v7;
	v11 =	vmul.f32 v17, v12  }
0x13d: {  	v10 =	vld.idx.msk [tilespmem:v10+s30+$0x0], $0xffff;
	v12 =	vand.u32 $0x7F, v15  }
0x13e: {  	v12 =	vor.u32 v4, v12;
	v15 =	vld.idx.msk [tilespmem:v13+s29+$0x0], $0xffff;
	v7 =	vadd.f32 v11, v7;
	v11 =	vmul.f32 v14, v19  }
0x13f: {  	v13 =	vld.idx.msk [tilespmem:v13+s30+$0x0], $0xffff  }
0x140: {  	v14 =	vld.idx.msk [tilespmem:v9+s29+$0x0], $0xffff;
	v8 =	vmul.f32 v8, v18;
	v7 =	vadd.f32 v11, v7  }
0x141: {  	v9 =	vld.idx.msk [tilespmem:v9+s30+$0x0], $0xffff  }
0x142: {  	v7 =	vadd.f32 v8, v7;
	v8 =	vmul.f32 v10, v16  }
0x143: {  	v10 =	vld.idx.msk [tilespmem:v12+s29+$0x0], $0xffff  }
0x144: {  	v11 =	vld.idx.msk [tilespmem:v12+s30+$0x0], $0xffff;
	v7 =	vadd.f32 v8, v7;
	v8 =	vmul.f32 v13, v15;
	_ =	sdelay $0x1  }
0x145: {  	s23 =	simm.s32 $0x0;
	v7 =	vadd.f32 v8, v7;
	v8 =	vmul.f32 v9, v14  }
0x146: {  	v9 =	vadd.s32 s23, v0  }
0x147: {  	s23 =	simm.s32 $0x1;
	v7 =	vadd.f32 v8, v7;
	v8 =	vand.u32 $0x7F, v9  }
0x148: {  	v9 =	vmul.f32 v11, v10;
	v10 =	vadd.s32 s23, v0;
	v8 =	vor.u32 v5, v8  }
0x149: {  	s23 =	simm.s32 $0x2;
	v10 =	vand.u32 $0x7F, v10  }
0x14a: {  	v7 =	vadd.f32 v9, v7;
	v9 =	vadd.s32 s23, v0;
	v10 =	vor.u32 v5, v10  }
0x14b: {  	s23 =	simm.s32 $0x3;
	v9 =	vand.u32 $0x7F, v9  }
0x14c: {  	[tilespmem:$0x18330] =	vst v7;
	v7 =	vadd.s32 s23, v0;
	v9 =	vor.u32 v5, v9  }
0x14d: {  	s23 =	simm.s32 $0x4;
	v7 =	vand.u32 $0x7F, v7;
	v13 =	vld.idx.msk [tilespmem:v8+s29+$0x0], $0xffff  }
0x14e: {  	v11 =	vadd.s32 s23, v0;
	v14 =	vld.idx.msk [tilespmem:v8+s30+$0x0], $0xffff;
	v15 =	vor.u32 v5, v7  }
0x14f: {  	s23 =	simm.s32 $0x5;
	v7 =	vand.u32 $0x7F, v11;
	v16 =	vld.idx.msk [tilespmem:v10+s29+$0x0], $0xffff  }
0x150: {  	v8 =	vadd.s32 s23, v0;
	v10 =	vld.idx.msk [tilespmem:v10+s30+$0x0], $0xffff;
	v19 =	vor.u32 v5, v7  }
0x151: {  	s23 =	simm.s32 $0x6;
	v8 =	vand.u32 $0x7F, v8;
	v7 =	vld.idx.msk [tilespmem:v9+s29+$0x0], $0xffff  }
0x152: {  	v11 =	vor.u32 v5, v8;
	v12 =	vld.idx.msk [tilespmem:v9+s30+$0x0], $0xffff;
	v9 =	vadd.s32 s23, v0  }
0x153: {  	s23 =	simm.s32 $0x7;
	v9 =	vand.u32 $0x7F, v9;
	v8 =	vld.idx.msk [tilespmem:v15+s29+$0x0], $0xffff  }
0x154: {  	s31 =	simm.s32 $0x8;
	v18 =	vmul.f32 v14, v13;
	v14 =	vld.idx.msk [tilespmem:v15+s30+$0x0], $0xffff;
	v15 =	vadd.s32 s23, v0;
	v13 =	vor.u32 v5, v9  }
0x155: {  	v20 =	vadd.s32 s31, v0;
	v17 =	vimm.f32 $0.0e+00;
	v9 =	vld.idx.msk [tilespmem:v19+s29+$0x0], $0xffff;
	v15 =	vand.u32 $0x7F, v15  }
0x156: {  	s23 =	simm.s32 $0x9;
	v17 =	vadd.f32 v18, v17;
	v18 =	vmul.f32 v10, v16;
	v16 =	vld.idx.msk [tilespmem:v19+s30+$0x0], $0xffff;
	v15 =	vor.u32 v5, v15  }
0x157: {  	s0 =	simm.s32 $0x10;
	v20 =	vand.u32 $0x7F, v20;
	v19 =	vadd.s32 s23, v0;
	v10 =	vld.idx.msk [tilespmem:v11+s29+$0x0], $0xffff  }
.LBB2_12:
0x158: {  	p1 =	slt.u32 s0, $0x78;
	v20 =	vor.u32 v5, v20;
	s23 =	sadd.s32 $0x2, s31;
	v17 =	vadd.f32 v18, v17;
	v7 =	vmul.f32 v12, v7;
	v11 =	vld.idx.msk [tilespmem:v11+s30+$0x0], $0xffff  }
0x159: {  	v12 =	vand.u32 $0x7F, v19;
	v18 =	vadd.s32 s23, v0;
	v19 =	vld.idx.msk [tilespmem:v13+s29+$0x0], $0xffff  }
0x15a: {  	v12 =	vor.u32 v5, v12;
	s23 =	sadd.s32 $0x3, s31;
	v8 =	vmul.f32 v14, v8;
	v7 =	vadd.f32 v7, v17;
	v13 =	vld.idx.msk [tilespmem:v13+s30+$0x0], $0xffff  }
0x15b: {  	v14 =	vand.u32 $0x7F, v18;
	v17 =	vadd.s32 s23, v0;
	v18 =	vld.idx.msk [tilespmem:v15+s29+$0x0], $0xffff  }
0x15c: {  	s23 =	sadd.s32 $0x4, s31;
	v14 =	vor.u32 v5, v14;
	v7 =	vadd.f32 v8, v7;
	v8 =	vmul.f32 v16, v9;
	v9 =	vld.idx.msk [tilespmem:v15+s30+$0x0], $0xffff  }
0x15d: {  	v16 =	vand.u32 $0x7F, v17;
	v17 =	vadd.s32 s23, v0;
	v15 =	vld.idx.msk [tilespmem:v20+s29+$0x0], $0xffff  }
0x15e: {  	s23 =	sadd.s32 $0x5, s31;
	v16 =	vor.u32 v5, v16;
	v20 =	vld.idx.msk [tilespmem:v20+s30+$0x0], $0xffff;
	v7 =	vadd.f32 v8, v7;
	v8 =	vmul.f32 v11, v10  }
0x15f: {  	v11 =	vand.u32 $0x7F, v17;
	v17 =	vadd.s32 s23, v0;
	v10 =	vld.idx.msk [tilespmem:v12+s29+$0x0], $0xffff  }
0x160: {  	s23 =	sadd.s32 $0x6, s31;
	v22 =	vor.u32 v5, v11;
	v13 =	vmul.f32 v13, v19;
	v21 =	vld.idx.msk [tilespmem:v12+s30+$0x0], $0xffff;
	v8 =	vadd.f32 v8, v7  }
0x161: {  	v11 =	vand.u32 $0x7F, v17;
	v17 =	vadd.s32 s23, v0;
	v7 =	vld.idx.msk [tilespmem:v14+s29+$0x0], $0xffff  }
0x162: {  	s23 =	sadd.s32 $0x7, s31;
	s31 =	smov.u32 s0;
	v11 =	vor.u32 v5, v11;
	v9 =	vmul.f32 v9, v18;
	v12 =	vld.idx.msk [tilespmem:v14+s30+$0x0], $0xffff;
	v19 =	vadd.f32 v13, v8  }
.Ltmp9:
0x163: {  	v13 =	vand.u32 $0x7F, v17;
	v17 =	vadd.s32 s23, v0;
	v8 =	vld.idx.msk [tilespmem:v16+s29+$0x0], $0xffff;
	(pc) =	sbr.rel @p1 .LBB2_12-.Ltmp9, $4  }
0x164: {  	v15 =	vmul.f32 v20, v15;
	v13 =	vor.u32 v5, v13;
	v14 =	vld.idx.msk [tilespmem:v16+s30+$0x0], $0xffff;
	v16 =	vadd.f32 v9, v19  }
0x165: {  	v20 =	vand.u32 $0x7F, v17;
	v19 =	vadd.s32 s0, v0;
	v9 =	vld.idx.msk [tilespmem:v22+s29+$0x0], $0xffff  }
0x166: {  	s23 =	sadd.s32 $0x1, s0;
	v18 =	vmul.f32 v21, v10;
	v17 =	vadd.f32 v15, v16;
	v16 =	vld.idx.msk [tilespmem:v22+s30+$0x0], $0xffff;
	v15 =	vor.u32 v5, v20  }
0x167: {  	s0 =	sadd.s32 $0x8, s0;
	v20 =	vand.u32 $0x7F, v19;
	v19 =	vadd.s32 s23, v0;
	v10 =	vld.idx.msk [tilespmem:v11+s29+$0x0], $0xffff  }
0x168: {  	_ =	sdelay $0x2  }
0x169: {  	v17 =	vadd.f32 v18, v17;
	v7 =	vmul.f32 v12, v7  }
0x16a: {  	v12 =	vor.u32 v5, v20;
	v11 =	vld.idx.msk [tilespmem:v11+s30+$0x0], $0xffff  }
0x16b: {  	s0 =	sadd.s32 $0x2, s31;
	v18 =	vand.u32 $0x7F, v19;
	v19 =	vld.idx.msk [tilespmem:v13+s29+$0x0], $0xffff;
	v8 =	vmul.f32 v14, v8;
	v7 =	vadd.f32 v7, v17  }
0x16c: {  	v13 =	vld.idx.msk [tilespmem:v13+s30+$0x0], $0xffff;
	v14 =	vadd.s32 s0, v0;
	v17 =	vor.u32 v5, v18  }
0x16d: {  	s23 =	sadd.s32 $0x3, s31;
	v14 =	vand.u32 $0x7F, v14;
	v18 =	vld.idx.msk [tilespmem:v15+s29+$0x0], $0xffff;
	v7 =	vadd.f32 v8, v7;
	v8 =	vmul.f32 v16, v9  }
0x16e: {  	v15 =	vld.idx.msk [tilespmem:v15+s30+$0x0], $0xffff;
	v14 =	vor.u32 v5, v14;
	v9 =	vadd.s32 s23, v0  }
0x16f: {  	s23 =	sadd.s32 $0x4, s31;
	v16 =	vld.idx.msk [tilespmem:v12+s29+$0x0], $0xffff;
	v9 =	vand.u32 $0x7F, v9;
	v7 =	vadd.f32 v8, v7;
	v8 =	vmul.f32 v11, v10  }
0x170: {  	v10 =	vadd.s32 s23, v0;
	v11 =	vld.idx.msk [tilespmem:v12+s30+$0x0], $0xffff;
	v9 =	vor.u32 v5, v9  }
0x171: {  	s23 =	sadd.s32 $0x5, s31;
	v12 =	vld.idx.msk [tilespmem:v17+s29+$0x0], $0xffff;
	v10 =	vand.u32 $0x7F, v10;
	v7 =	vadd.f32 v8, v7;
	v8 =	vmul.f32 v13, v19  }
0x172: {  	v17 =	vld.idx.msk [tilespmem:v17+s30+$0x0], $0xffff;
	v13 =	vadd.s32 s23, v0;
	v10 =	vor.u32 v5, v10  }
0x173: {  	s23 =	sadd.s32 $0x6, s31;
	v19 =	vld.idx.msk [tilespmem:v14+s29+$0x0], $0xffff;
	v13 =	vand.u32 $0x7F, v13;
	v7 =	vadd.f32 v8, v7;
	v8 =	vmul.f32 v15, v18  }
0x174: {  	v14 =	vld.idx.msk [tilespmem:v14+s30+$0x0], $0xffff;
	v15 =	vadd.s32 s23, v0;
	v13 =	vor.u32 v5, v13  }
0x175: {  	v18 =	vld.idx.msk [tilespmem:v9+s29+$0x0], $0xffff;
	v15 =	vand.u32 $0x7F, v15;
	v11 =	vmul.f32 v11, v16;
	v7 =	vadd.f32 v8, v7  }
0x176: {  	s23 =	sadd.s32 $0x7, s31;
	v8 =	vld.idx.msk [tilespmem:v9+s30+$0x0], $0xffff;
	v9 =	vor.u32 v5, v15  }
0x177: {  	v15 =	vadd.s32 s23, v0;
	v16 =	vld.idx.msk [tilespmem:v10+s29+$0x0], $0xffff;
	v7 =	vadd.f32 v11, v7;
	v11 =	vmul.f32 v17, v12  }
0x178: {  	v10 =	vld.idx.msk [tilespmem:v10+s30+$0x0], $0xffff;
	v12 =	vand.u32 $0x7F, v15  }
0x179: {  	v12 =	vor.u32 v5, v12;
	v15 =	vld.idx.msk [tilespmem:v13+s29+$0x0], $0xffff;
	v7 =	vadd.f32 v11, v7;
	v11 =	vmul.f32 v14, v19  }
0x17a: {  	v13 =	vld.idx.msk [tilespmem:v13+s30+$0x0], $0xffff  }
0x17b: {  	v14 =	vld.idx.msk [tilespmem:v9+s29+$0x0], $0xffff;
	v8 =	vmul.f32 v8, v18;
	v7 =	vadd.f32 v11, v7  }
0x17c: {  	v9 =	vld.idx.msk [tilespmem:v9+s30+$0x0], $0xffff  }
0x17d: {  	v7 =	vadd.f32 v8, v7;
	v8 =	vmul.f32 v10, v16  }
0x17e: {  	v10 =	vld.idx.msk [tilespmem:v12+s29+$0x0], $0xffff  }
0x17f: {  	v11 =	vld.idx.msk [tilespmem:v12+s30+$0x0], $0xffff;
	v7 =	vadd.f32 v8, v7;
	v8 =	vmul.f32 v13, v15;
	_ =	sdelay $0x1  }
0x180: {  	s23 =	simm.s32 $0x0;
	v7 =	vadd.f32 v8, v7;
	v8 =	vmul.f32 v9, v14  }
0x181: {  	v9 =	vadd.s32 s23, v0  }
0x182: {  	s23 =	simm.s32 $0x1;
	v7 =	vadd.f32 v8, v7;
	v8 =	vand.u32 $0x7F, v9  }
0x183: {  	v9 =	vmul.f32 v11, v10;
	v10 =	vadd.s32 s23, v0;
	v8 =	vor.u32 v6, v8  }
0x184: {  	s23 =	simm.s32 $0x2;
	v10 =	vand.u32 $0x7F, v10  }
0x185: {  	v7 =	vadd.f32 v9, v7;
	v9 =	vadd.s32 s23, v0;
	v10 =	vor.u32 v6, v10  }
0x186: {  	s23 =	simm.s32 $0x3;
	v9 =	vand.u32 $0x7F, v9  }
0x187: {  	[tilespmem:$0x18340] =	vst v7;
	v7 =	vadd.s32 s23, v0;
	v9 =	vor.u32 v6, v9  }
0x188: {  	s23 =	simm.s32 $0x4;
	v7 =	vand.u32 $0x7F, v7;
	v13 =	vld.idx.msk [tilespmem:v8+s29+$0x0], $0xffff  }
0x189: {  	v11 =	vadd.s32 s23, v0;
	v14 =	vld.idx.msk [tilespmem:v8+s30+$0x0], $0xffff;
	v15 =	vor.u32 v6, v7  }
0x18a: {  	s23 =	simm.s32 $0x5;
	v7 =	vand.u32 $0x7F, v11;
	v16 =	vld.idx.msk [tilespmem:v10+s29+$0x0], $0xffff  }
0x18b: {  	v8 =	vadd.s32 s23, v0;
	v10 =	vld.idx.msk [tilespmem:v10+s30+$0x0], $0xffff;
	v19 =	vor.u32 v6, v7  }
0x18c: {  	s23 =	simm.s32 $0x6;
	v8 =	vand.u32 $0x7F, v8;
	v7 =	vld.idx.msk [tilespmem:v9+s29+$0x0], $0xffff  }
0x18d: {  	v11 =	vor.u32 v6, v8;
	v12 =	vld.idx.msk [tilespmem:v9+s30+$0x0], $0xffff;
	v9 =	vadd.s32 s23, v0  }
0x18e: {  	s23 =	simm.s32 $0x7;
	v9 =	vand.u32 $0x7F, v9;
	v8 =	vld.idx.msk [tilespmem:v15+s29+$0x0], $0xffff  }
0x18f: {  	s31 =	simm.s32 $0x8;
	v18 =	vmul.f32 v14, v13;
	v14 =	vld.idx.msk [tilespmem:v15+s30+$0x0], $0xffff;
	v15 =	vadd.s32 s23, v0;
	v13 =	vor.u32 v6, v9  }
0x190: {  	v20 =	vadd.s32 s31, v0;
	v17 =	vimm.f32 $0.0e+00;
	v9 =	vld.idx.msk [tilespmem:v19+s29+$0x0], $0xffff;
	v15 =	vand.u32 $0x7F, v15  }
0x191: {  	s23 =	simm.s32 $0x9;
	v17 =	vadd.f32 v18, v17;
	v18 =	vmul.f32 v10, v16;
	v16 =	vld.idx.msk [tilespmem:v19+s30+$0x0], $0xffff;
	v15 =	vor.u32 v6, v15  }
0x192: {  	s0 =	simm.s32 $0x10;
	v20 =	vand.u32 $0x7F, v20;
	v19 =	vadd.s32 s23, v0;
	v10 =	vld.idx.msk [tilespmem:v11+s29+$0x0], $0xffff  }
.LBB2_14:
0x193: {  	p1 =	slt.u32 s0, $0x78;
	v20 =	vor.u32 v6, v20;
	s23 =	sadd.s32 $0x2, s31;
	v17 =	vadd.f32 v18, v17;
	v7 =	vmul.f32 v12, v7;
	v11 =	vld.idx.msk [tilespmem:v11+s30+$0x0], $0xffff  }
0x194: {  	v12 =	vand.u32 $0x7F, v19;
	v18 =	vadd.s32 s23, v0;
	v19 =	vld.idx.msk [tilespmem:v13+s29+$0x0], $0xffff  }
0x195: {  	v12 =	vor.u32 v6, v12;
	s23 =	sadd.s32 $0x3, s31;
	v8 =	vmul.f32 v14, v8;
	v7 =	vadd.f32 v7, v17;
	v13 =	vld.idx.msk [tilespmem:v13+s30+$0x0], $0xffff  }
0x196: {  	v14 =	vand.u32 $0x7F, v18;
	v17 =	vadd.s32 s23, v0;
	v18 =	vld.idx.msk [tilespmem:v15+s29+$0x0], $0xffff  }
0x197: {  	s23 =	sadd.s32 $0x4, s31;
	v14 =	vor.u32 v6, v14;
	v7 =	vadd.f32 v8, v7;
	v8 =	vmul.f32 v16, v9;
	v9 =	vld.idx.msk [tilespmem:v15+s30+$0x0], $0xffff  }
0x198: {  	v16 =	vand.u32 $0x7F, v17;
	v17 =	vadd.s32 s23, v0;
	v15 =	vld.idx.msk [tilespmem:v20+s29+$0x0], $0xffff  }
0x199: {  	s23 =	sadd.s32 $0x5, s31;
	v16 =	vor.u32 v6, v16;
	v20 =	vld.idx.msk [tilespmem:v20+s30+$0x0], $0xffff;
	v7 =	vadd.f32 v8, v7;
	v8 =	vmul.f32 v11, v10  }
0x19a: {  	v11 =	vand.u32 $0x7F, v17;
	v17 =	vadd.s32 s23, v0;
	v10 =	vld.idx.msk [tilespmem:v12+s29+$0x0], $0xffff  }
0x19b: {  	s23 =	sadd.s32 $0x6, s31;
	v22 =	vor.u32 v6, v11;
	v13 =	vmul.f32 v13, v19;
	v21 =	vld.idx.msk [tilespmem:v12+s30+$0x0], $0xffff;
	v8 =	vadd.f32 v8, v7  }
0x19c: {  	v11 =	vand.u32 $0x7F, v17;
	v17 =	vadd.s32 s23, v0;
	v7 =	vld.idx.msk [tilespmem:v14+s29+$0x0], $0xffff  }
0x19d: {  	s23 =	sadd.s32 $0x7, s31;
	s31 =	smov.u32 s0;
	v11 =	vor.u32 v6, v11;
	v9 =	vmul.f32 v9, v18;
	v12 =	vld.idx.msk [tilespmem:v14+s30+$0x0], $0xffff;
	v19 =	vadd.f32 v13, v8  }
.Ltmp10:
0x19e: {  	v13 =	vand.u32 $0x7F, v17;
	v17 =	vadd.s32 s23, v0;
	v8 =	vld.idx.msk [tilespmem:v16+s29+$0x0], $0xffff;
	(pc) =	sbr.rel @p1 .LBB2_14-.Ltmp10, $4  }
0x19f: {  	v15 =	vmul.f32 v20, v15;
	v13 =	vor.u32 v6, v13;
	v14 =	vld.idx.msk [tilespmem:v16+s30+$0x0], $0xffff;
	v16 =	vadd.f32 v9, v19  }
0x1a0: {  	v20 =	vand.u32 $0x7F, v17;
	v19 =	vadd.s32 s0, v0;
	v9 =	vld.idx.msk [tilespmem:v22+s29+$0x0], $0xffff  }
0x1a1: {  	s23 =	sadd.s32 $0x1, s0;
	v18 =	vmul.f32 v21, v10;
	v17 =	vadd.f32 v15, v16;
	v16 =	vld.idx.msk [tilespmem:v22+s30+$0x0], $0xffff;
	v15 =	vor.u32 v6, v20  }
0x1a2: {  	s0 =	sadd.s32 $0x8, s0;
	v20 =	vand.u32 $0x7F, v19;
	v19 =	vadd.s32 s23, v0;
	v10 =	vld.idx.msk [tilespmem:v11+s29+$0x0], $0xffff  }
0x1a3: {  	_ =	sdelay $0x2  }
0x1a4: {  	v17 =	vadd.f32 v18, v17;
	v7 =	vmul.f32 v12, v7  }
0x1a5: {  	v12 =	vor.u32 v6, v20;
	v11 =	vld.idx.msk [tilespmem:v11+s30+$0x0], $0xffff  }
0x1a6: {  	s0 =	sadd.s32 $0x2, s31;
	v18 =	vand.u32 $0x7F, v19;
	v19 =	vld.idx.msk [tilespmem:v13+s29+$0x0], $0xffff;
	v8 =	vmul.f32 v14, v8;
	v7 =	vadd.f32 v7, v17  }
0x1a7: {  	v13 =	vld.idx.msk [tilespmem:v13+s30+$0x0], $0xffff;
	v14 =	vadd.s32 s0, v0;
	v17 =	vor.u32 v6, v18  }
0x1a8: {  	s23 =	sadd.s32 $0x3, s31;
	v14 =	vand.u32 $0x7F, v14;
	v18 =	vld.idx.msk [tilespmem:v15+s29+$0x0], $0xffff;
	v7 =	vadd.f32 v8, v7;
	v8 =	vmul.f32 v16, v9  }
0x1a9: {  	v15 =	vld.idx.msk [tilespmem:v15+s30+$0x0], $0xffff;
	v14 =	vor.u32 v6, v14;
	v9 =	vadd.s32 s23, v0  }
0x1aa: {  	s23 =	sadd.s32 $0x4, s31;
	v16 =	vld.idx.msk [tilespmem:v12+s29+$0x0], $0xffff;
	v9 =	vand.u32 $0x7F, v9;
	v7 =	vadd.f32 v8, v7;
	v8 =	vmul.f32 v11, v10  }
0x1ab: {  	v10 =	vadd.s32 s23, v0;
	v11 =	vld.idx.msk [tilespmem:v12+s30+$0x0], $0xffff;
	v9 =	vor.u32 v6, v9  }
0x1ac: {  	s23 =	sadd.s32 $0x5, s31;
	v12 =	vld.idx.msk [tilespmem:v17+s29+$0x0], $0xffff;
	v10 =	vand.u32 $0x7F, v10;
	v7 =	vadd.f32 v8, v7;
	v8 =	vmul.f32 v13, v19  }
0x1ad: {  	v17 =	vld.idx.msk [tilespmem:v17+s30+$0x0], $0xffff;
	v13 =	vadd.s32 s23, v0;
	v10 =	vor.u32 v6, v10  }
0x1ae: {  	s23 =	sadd.s32 $0x6, s31;
	v19 =	vld.idx.msk [tilespmem:v14+s29+$0x0], $0xffff;
	v13 =	vand.u32 $0x7F, v13;
	v7 =	vadd.f32 v8, v7;
	v8 =	vmul.f32 v15, v18  }
0x1af: {  	v14 =	vld.idx.msk [tilespmem:v14+s30+$0x0], $0xffff;
	v15 =	vadd.s32 s23, v0;
	v13 =	vor.u32 v6, v13  }
0x1b0: {  	v18 =	vld.idx.msk [tilespmem:v9+s29+$0x0], $0xffff;
	v15 =	vand.u32 $0x7F, v15;
	v11 =	vmul.f32 v11, v16;
	v7 =	vadd.f32 v8, v7  }
0x1b1: {  	s23 =	sadd.s32 $0x7, s31;
	v8 =	vld.idx.msk [tilespmem:v9+s30+$0x0], $0xffff;
	v9 =	vor.u32 v6, v15  }
0x1b2: {  	v15 =	vadd.s32 s23, v0;
	v16 =	vld.idx.msk [tilespmem:v10+s29+$0x0], $0xffff;
	v7 =	vadd.f32 v11, v7;
	v11 =	vmul.f32 v17, v12  }
0x1b3: {  	v10 =	vld.idx.msk [tilespmem:v10+s30+$0x0], $0xffff;
	v12 =	vand.u32 $0x7F, v15  }
0x1b4: {  	v12 =	vor.u32 v6, v12;
	v15 =	vld.idx.msk [tilespmem:v13+s29+$0x0], $0xffff;
	v7 =	vadd.f32 v11, v7;
	v11 =	vmul.f32 v14, v19  }
0x1b5: {  	v13 =	vld.idx.msk [tilespmem:v13+s30+$0x0], $0xffff  }
0x1b6: {  	v14 =	vld.idx.msk [tilespmem:v9+s29+$0x0], $0xffff;
	v8 =	vmul.f32 v8, v18;
	v7 =	vadd.f32 v11, v7  }
0x1b7: {  	v9 =	vld.idx.msk [tilespmem:v9+s30+$0x0], $0xffff  }
0x1b8: {  	v7 =	vadd.f32 v8, v7;
	v8 =	vmul.f32 v10, v16  }
0x1b9: {  	v10 =	vld.idx.msk [tilespmem:v12+s29+$0x0], $0xffff  }
0x1ba: {  	v11 =	vld.idx.msk [tilespmem:v12+s30+$0x0], $0xffff;
	v7 =	vadd.f32 v8, v7;
	v8 =	vmul.f32 v13, v15;
	_ =	sdelay $0x1  }
0x1bb: {  	s23 =	simm.s32 $0x0;
	v7 =	vadd.f32 v8, v7;
	v8 =	vmul.f32 v9, v14  }
0x1bc: {  	v9 =	vadd.s32 s23, v0  }
0x1bd: {  	s23 =	simm.s32 $0x1;
	v9 =	vand.u32 $0x7F, v9;
	v8 =	vadd.f32 v8, v7;
	v7 =	vor.u32 $0x3000, v1  }
0x1be: {  	v10 =	vmul.f32 v11, v10;
	v11 =	vadd.s32 s23, v0;
	v9 =	vor.u32 v7, v9  }
0x1bf: {  	s23 =	simm.s32 $0x2;
	v11 =	vand.u32 $0x7F, v11  }
0x1c0: {  	v11 =	vor.u32 v7, v11;
	v8 =	vadd.f32 v10, v8;
	v10 =	vadd.s32 s23, v0  }
0x1c1: {  	s23 =	simm.s32 $0x3;
	v10 =	vand.u32 $0x7F, v10  }
0x1c2: {  	[tilespmem:$0x18350] =	vst v8;
	v8 =	vadd.s32 s23, v0;
	v10 =	vor.u32 v7, v10  }
0x1c3: {  	s23 =	simm.s32 $0x4;
	v8 =	vand.u32 $0x7F, v8;
	v14 =	vld.idx.msk [tilespmem:v9+s29+$0x0], $0xffff  }
0x1c4: {  	v12 =	vadd.s32 s23, v0;
	v15 =	vld.idx.msk [tilespmem:v9+s30+$0x0], $0xffff;
	v16 =	vor.u32 v7, v8  }
0x1c5: {  	s23 =	simm.s32 $0x5;
	v17 =	vld.idx.msk [tilespmem:v11+s29+$0x0], $0xffff;
	v8 =	vand.u32 $0x7F, v12  }
0x1c6: {  	v9 =	vadd.s32 s23, v0;
	v11 =	vld.idx.msk [tilespmem:v11+s30+$0x0], $0xffff;
	v20 =	vor.u32 v7, v8  }
0x1c7: {  	s23 =	simm.s32 $0x6;
	v9 =	vand.u32 $0x7F, v9;
	v8 =	vld.idx.msk [tilespmem:v10+s29+$0x0], $0xffff  }
0x1c8: {  	v12 =	vor.u32 v7, v9;
	v13 =	vld.idx.msk [tilespmem:v10+s30+$0x0], $0xffff;
	v10 =	vadd.s32 s23, v0  }
0x1c9: {  	s23 =	simm.s32 $0x7;
	v10 =	vand.u32 $0x7F, v10;
	v9 =	vld.idx.msk [tilespmem:v16+s29+$0x0], $0xffff  }
0x1ca: {  	s31 =	simm.s32 $0x8;
	v19 =	vmul.f32 v15, v14;
	v15 =	vld.idx.msk [tilespmem:v16+s30+$0x0], $0xffff;
	v16 =	vadd.s32 s23, v0;
	v14 =	vor.u32 v7, v10  }
0x1cb: {  	v21 =	vadd.s32 s31, v0;
	v18 =	vimm.f32 $0.0e+00;
	v10 =	vld.idx.msk [tilespmem:v20+s29+$0x0], $0xffff;
	v16 =	vand.u32 $0x7F, v16  }
0x1cc: {  	s23 =	simm.s32 $0x9;
	v18 =	vadd.f32 v19, v18;
	v19 =	vmul.f32 v11, v17;
	v17 =	vld.idx.msk [tilespmem:v20+s30+$0x0], $0xffff;
	v16 =	vor.u32 v7, v16  }
0x1cd: {  	s0 =	simm.s32 $0x10;
	v21 =	vand.u32 $0x7F, v21;
	v20 =	vadd.s32 s23, v0;
	v11 =	vld.idx.msk [tilespmem:v12+s29+$0x0], $0xffff  }
.LBB2_16:
0x1ce: {  	p1 =	slt.u32 s0, $0x78;
	v21 =	vor.u32 v7, v21;
	s23 =	sadd.s32 $0x2, s31;
	v18 =	vadd.f32 v19, v18;
	v8 =	vmul.f32 v13, v8;
	v12 =	vld.idx.msk [tilespmem:v12+s30+$0x0], $0xffff  }
0x1cf: {  	v13 =	vand.u32 $0x7F, v20;
	v19 =	vadd.s32 s23, v0;
	v20 =	vld.idx.msk [tilespmem:v14+s29+$0x0], $0xffff  }
0x1d0: {  	v13 =	vor.u32 v7, v13;
	s23 =	sadd.s32 $0x3, s31;
	v9 =	vmul.f32 v15, v9;
	v8 =	vadd.f32 v8, v18;
	v14 =	vld.idx.msk [tilespmem:v14+s30+$0x0], $0xffff  }
0x1d1: {  	v15 =	vand.u32 $0x7F, v19;
	v18 =	vadd.s32 s23, v0;
	v19 =	vld.idx.msk [tilespmem:v16+s29+$0x0], $0xffff  }
0x1d2: {  	s23 =	sadd.s32 $0x4, s31;
	v15 =	vor.u32 v7, v15;
	v8 =	vadd.f32 v9, v8;
	v9 =	vmul.f32 v17, v10;
	v10 =	vld.idx.msk [tilespmem:v16+s30+$0x0], $0xffff  }
0x1d3: {  	v17 =	vand.u32 $0x7F, v18;
	v18 =	vadd.s32 s23, v0;
	v16 =	vld.idx.msk [tilespmem:v21+s29+$0x0], $0xffff  }
0x1d4: {  	s23 =	sadd.s32 $0x5, s31;
	v17 =	vor.u32 v7, v17;
	v21 =	vld.idx.msk [tilespmem:v21+s30+$0x0], $0xffff;
	v8 =	vadd.f32 v9, v8;
	v9 =	vmul.f32 v12, v11  }
0x1d5: {  	v12 =	vand.u32 $0x7F, v18;
	v18 =	vadd.s32 s23, v0;
	v11 =	vld.idx.msk [tilespmem:v13+s29+$0x0], $0xffff  }
0x1d6: {  	s23 =	sadd.s32 $0x6, s31;
	v23 =	vor.u32 v7, v12;
	v14 =	vmul.f32 v14, v20;
	v22 =	vld.idx.msk [tilespmem:v13+s30+$0x0], $0xffff;
	v9 =	vadd.f32 v9, v8  }
0x1d7: {  	v12 =	vand.u32 $0x7F, v18;
	v18 =	vadd.s32 s23, v0;
	v8 =	vld.idx.msk [tilespmem:v15+s29+$0x0], $0xffff  }
0x1d8: {  	s23 =	sadd.s32 $0x7, s31;
	s31 =	smov.u32 s0;
	v12 =	vor.u32 v7, v12;
	v10 =	vmul.f32 v10, v19;
	v13 =	vld.idx.msk [tilespmem:v15+s30+$0x0], $0xffff;
	v20 =	vadd.f32 v14, v9  }
.Ltmp11:
0x1d9: {  	v14 =	vand.u32 $0x7F, v18;
	v18 =	vadd.s32 s23, v0;
	v9 =	vld.idx.msk [tilespmem:v17+s29+$0x0], $0xffff;
	(pc) =	sbr.rel @p1 .LBB2_16-.Ltmp11, $4  }
0x1da: {  	v16 =	vmul.f32 v21, v16;
	v14 =	vor.u32 v7, v14;
	v15 =	vld.idx.msk [tilespmem:v17+s30+$0x0], $0xffff;
	v17 =	vadd.f32 v10, v20  }
0x1db: {  	v21 =	vand.u32 $0x7F, v18;
	v20 =	vadd.s32 s0, v0;
	v10 =	vld.idx.msk [tilespmem:v23+s29+$0x0], $0xffff  }
0x1dc: {  	s23 =	sadd.s32 $0x1, s0;
	v19 =	vmul.f32 v22, v11;
	v18 =	vadd.f32 v16, v17;
	v17 =	vld.idx.msk [tilespmem:v23+s30+$0x0], $0xffff;
	v16 =	vor.u32 v7, v21  }
0x1dd: {  	s0 =	sadd.s32 $0x8, s0;
	v21 =	vand.u32 $0x7F, v20;
	v20 =	vadd.s32 s23, v0;
	v11 =	vld.idx.msk [tilespmem:v12+s29+$0x0], $0xffff  }
0x1de: {  	_ =	sdelay $0x2  }
0x1df: {  	v18 =	vadd.f32 v19, v18;
	v8 =	vmul.f32 v13, v8  }
0x1e0: {  	v13 =	vor.u32 v7, v21;
	v12 =	vld.idx.msk [tilespmem:v12+s30+$0x0], $0xffff  }
0x1e1: {  	s0 =	sadd.s32 $0x2, s31;
	v19 =	vand.u32 $0x7F, v20;
	v20 =	vld.idx.msk [tilespmem:v14+s29+$0x0], $0xffff;
	v9 =	vmul.f32 v15, v9;
	v8 =	vadd.f32 v8, v18  }
0x1e2: {  	v14 =	vld.idx.msk [tilespmem:v14+s30+$0x0], $0xffff;
	v15 =	vadd.s32 s0, v0;
	v18 =	vor.u32 v7, v19  }
0x1e3: {  	s23 =	sadd.s32 $0x3, s31;
	v15 =	vand.u32 $0x7F, v15;
	v19 =	vld.idx.msk [tilespmem:v16+s29+$0x0], $0xffff;
	v8 =	vadd.f32 v9, v8;
	v9 =	vmul.f32 v17, v10  }
0x1e4: {  	v16 =	vld.idx.msk [tilespmem:v16+s30+$0x0], $0xffff;
	v15 =	vor.u32 v7, v15;
	v10 =	vadd.s32 s23, v0  }
0x1e5: {  	s23 =	sadd.s32 $0x4, s31;
	v17 =	vld.idx.msk [tilespmem:v13+s29+$0x0], $0xffff;
	v10 =	vand.u32 $0x7F, v10;
	v8 =	vadd.f32 v9, v8;
	v9 =	vmul.f32 v12, v11  }
0x1e6: {  	v11 =	vadd.s32 s23, v0;
	v12 =	vld.idx.msk [tilespmem:v13+s30+$0x0], $0xffff;
	v10 =	vor.u32 v7, v10  }
0x1e7: {  	s23 =	sadd.s32 $0x5, s31;
	v13 =	vld.idx.msk [tilespmem:v18+s29+$0x0], $0xffff;
	v11 =	vand.u32 $0x7F, v11;
	v8 =	vadd.f32 v9, v8;
	v9 =	vmul.f32 v14, v20  }
0x1e8: {  	v18 =	vld.idx.msk [tilespmem:v18+s30+$0x0], $0xffff;
	v14 =	vadd.s32 s23, v0;
	v11 =	vor.u32 v7, v11  }
0x1e9: {  	s23 =	sadd.s32 $0x6, s31;
	v20 =	vld.idx.msk [tilespmem:v15+s29+$0x0], $0xffff;
	v14 =	vand.u32 $0x7F, v14;
	v8 =	vadd.f32 v9, v8;
	v9 =	vmul.f32 v16, v19  }
0x1ea: {  	v15 =	vld.idx.msk [tilespmem:v15+s30+$0x0], $0xffff;
	v16 =	vadd.s32 s23, v0;
	v14 =	vor.u32 v7, v14  }
0x1eb: {  	v19 =	vld.idx.msk [tilespmem:v10+s29+$0x0], $0xffff;
	v16 =	vand.u32 $0x7F, v16;
	v12 =	vmul.f32 v12, v17;
	v8 =	vadd.f32 v9, v8  }
0x1ec: {  	s23 =	sadd.s32 $0x7, s31;
	v9 =	vld.idx.msk [tilespmem:v10+s30+$0x0], $0xffff;
	v10 =	vor.u32 v7, v16  }
0x1ed: {  	v16 =	vadd.s32 s23, v0;
	v17 =	vld.idx.msk [tilespmem:v11+s29+$0x0], $0xffff;
	v8 =	vadd.f32 v12, v8;
	v12 =	vmul.f32 v18, v13  }
0x1ee: {  	v11 =	vld.idx.msk [tilespmem:v11+s30+$0x0], $0xffff;
	v13 =	vand.u32 $0x7F, v16  }
0x1ef: {  	v7 =	vor.u32 v7, v13;
	v13 =	vld.idx.msk [tilespmem:v14+s29+$0x0], $0xffff;
	v8 =	vadd.f32 v12, v8;
	v12 =	vmul.f32 v15, v20  }
0x1f0: {  	v14 =	vld.idx.msk [tilespmem:v14+s30+$0x0], $0xffff  }
0x1f1: {  	v15 =	vld.idx.msk [tilespmem:v10+s29+$0x0], $0xffff;
	v9 =	vmul.f32 v9, v19;
	v8 =	vadd.f32 v12, v8  }
0x1f2: {  	v10 =	vld.idx.msk [tilespmem:v10+s30+$0x0], $0xffff  }
0x1f3: {  	v8 =	vadd.f32 v9, v8;
	v9 =	vmul.f32 v11, v17  }
0x1f4: {  	v11 =	vld.idx.msk [tilespmem:v7+s29+$0x0], $0xffff  }
0x1f5: {  	v12 =	vld.idx.msk [tilespmem:v7+s30+$0x0], $0xffff;
	v7 =	vadd.f32 v9, v8;
	v8 =	vmul.f32 v14, v13;
	_ =	sdelay $0x1  }
0x1f6: {  	s23 =	simm.s32 $0x0;
	v7 =	vadd.f32 v8, v7;
	v8 =	vmul.f32 v10, v15  }
0x1f7: {  	v9 =	vadd.s32 s23, v0  }
0x1f8: {  	s23 =	simm.s32 $0x1;
	v9 =	vand.u32 $0x7F, v9;
	v8 =	vadd.f32 v8, v7;
	v7 =	vor.u32 $0x3800, v1  }
0x1f9: {  	v10 =	vmul.f32 v12, v11;
	v11 =	vadd.s32 s23, v0;
	v9 =	vor.u32 v7, v9  }
0x1fa: {  	s23 =	simm.s32 $0x2;
	v11 =	vand.u32 $0x7F, v11  }
0x1fb: {  	v11 =	vor.u32 v7, v11;
	v8 =	vadd.f32 v10, v8;
	v10 =	vadd.s32 s23, v0  }
0x1fc: {  	s23 =	simm.s32 $0x3;
	v10 =	vand.u32 $0x7F, v10  }
0x1fd: {  	[tilespmem:$0x18360] =	vst v8;
	v8 =	vadd.s32 s23, v0;
	v10 =	vor.u32 v7, v10  }
0x1fe: {  	s23 =	simm.s32 $0x4;
	v8 =	vand.u32 $0x7F, v8;
	v14 =	vld.idx.msk [tilespmem:v9+s29+$0x0], $0xffff  }
0x1ff: {  	v12 =	vadd.s32 s23, v0;
	v15 =	vld.idx.msk [tilespmem:v9+s30+$0x0], $0xffff;
	v16 =	vor.u32 v7, v8  }
0x200: {  	s23 =	simm.s32 $0x5;
	v17 =	vld.idx.msk [tilespmem:v11+s29+$0x0], $0xffff;
	v8 =	vand.u32 $0x7F, v12  }
0x201: {  	v9 =	vadd.s32 s23, v0;
	v11 =	vld.idx.msk [tilespmem:v11+s30+$0x0], $0xffff;
	v20 =	vor.u32 v7, v8  }
0x202: {  	s23 =	simm.s32 $0x6;
	v9 =	vand.u32 $0x7F, v9;
	v8 =	vld.idx.msk [tilespmem:v10+s29+$0x0], $0xffff  }
0x203: {  	v12 =	vor.u32 v7, v9;
	v13 =	vld.idx.msk [tilespmem:v10+s30+$0x0], $0xffff;
	v10 =	vadd.s32 s23, v0  }
0x204: {  	s23 =	simm.s32 $0x7;
	v10 =	vand.u32 $0x7F, v10;
	v9 =	vld.idx.msk [tilespmem:v16+s29+$0x0], $0xffff  }
0x205: {  	s31 =	simm.s32 $0x8;
	v19 =	vmul.f32 v15, v14;
	v15 =	vld.idx.msk [tilespmem:v16+s30+$0x0], $0xffff;
	v16 =	vadd.s32 s23, v0;
	v14 =	vor.u32 v7, v10  }
0x206: {  	v21 =	vadd.s32 s31, v0;
	v18 =	vimm.f32 $0.0e+00;
	v10 =	vld.idx.msk [tilespmem:v20+s29+$0x0], $0xffff;
	v16 =	vand.u32 $0x7F, v16  }
0x207: {  	s23 =	simm.s32 $0x9;
	v18 =	vadd.f32 v19, v18;
	v19 =	vmul.f32 v11, v17;
	v17 =	vld.idx.msk [tilespmem:v20+s30+$0x0], $0xffff;
	v16 =	vor.u32 v7, v16  }
0x208: {  	s0 =	simm.s32 $0x10;
	v21 =	vand.u32 $0x7F, v21;
	v20 =	vadd.s32 s23, v0;
	v11 =	vld.idx.msk [tilespmem:v12+s29+$0x0], $0xffff  }
.LBB2_18:
0x209: {  	p1 =	slt.u32 s0, $0x78;
	v21 =	vor.u32 v7, v21;
	s23 =	sadd.s32 $0x2, s31;
	v18 =	vadd.f32 v19, v18;
	v8 =	vmul.f32 v13, v8;
	v12 =	vld.idx.msk [tilespmem:v12+s30+$0x0], $0xffff  }
0x20a: {  	v13 =	vand.u32 $0x7F, v20;
	v19 =	vadd.s32 s23, v0;
	v20 =	vld.idx.msk [tilespmem:v14+s29+$0x0], $0xffff  }
0x20b: {  	v13 =	vor.u32 v7, v13;
	s23 =	sadd.s32 $0x3, s31;
	v9 =	vmul.f32 v15, v9;
	v8 =	vadd.f32 v8, v18;
	v14 =	vld.idx.msk [tilespmem:v14+s30+$0x0], $0xffff  }
0x20c: {  	v15 =	vand.u32 $0x7F, v19;
	v18 =	vadd.s32 s23, v0;
	v19 =	vld.idx.msk [tilespmem:v16+s29+$0x0], $0xffff  }
0x20d: {  	s23 =	sadd.s32 $0x4, s31;
	v15 =	vor.u32 v7, v15;
	v8 =	vadd.f32 v9, v8;
	v9 =	vmul.f32 v17, v10;
	v10 =	vld.idx.msk [tilespmem:v16+s30+$0x0], $0xffff  }
0x20e: {  	v17 =	vand.u32 $0x7F, v18;
	v18 =	vadd.s32 s23, v0;
	v16 =	vld.idx.msk [tilespmem:v21+s29+$0x0], $0xffff  }
0x20f: {  	s23 =	sadd.s32 $0x5, s31;
	v17 =	vor.u32 v7, v17;
	v21 =	vld.idx.msk [tilespmem:v21+s30+$0x0], $0xffff;
	v8 =	vadd.f32 v9, v8;
	v9 =	vmul.f32 v12, v11  }
0x210: {  	v12 =	vand.u32 $0x7F, v18;
	v18 =	vadd.s32 s23, v0;
	v11 =	vld.idx.msk [tilespmem:v13+s29+$0x0], $0xffff  }
0x211: {  	s23 =	sadd.s32 $0x6, s31;
	v23 =	vor.u32 v7, v12;
	v14 =	vmul.f32 v14, v20;
	v22 =	vld.idx.msk [tilespmem:v13+s30+$0x0], $0xffff;
	v9 =	vadd.f32 v9, v8  }
0x212: {  	v12 =	vand.u32 $0x7F, v18;
	v18 =	vadd.s32 s23, v0;
	v8 =	vld.idx.msk [tilespmem:v15+s29+$0x0], $0xffff  }
0x213: {  	s23 =	sadd.s32 $0x7, s31;
	s31 =	smov.u32 s0;
	v12 =	vor.u32 v7, v12;
	v10 =	vmul.f32 v10, v19;
	v13 =	vld.idx.msk [tilespmem:v15+s30+$0x0], $0xffff;
	v20 =	vadd.f32 v14, v9  }
.Ltmp12:
0x214: {  	v14 =	vand.u32 $0x7F, v18;
	v18 =	vadd.s32 s23, v0;
	v9 =	vld.idx.msk [tilespmem:v17+s29+$0x0], $0xffff;
	(pc) =	sbr.rel @p1 .LBB2_18-.Ltmp12, $4  }
0x215: {  	v16 =	vmul.f32 v21, v16;
	v14 =	vor.u32 v7, v14;
	v15 =	vld.idx.msk [tilespmem:v17+s30+$0x0], $0xffff;
	v17 =	vadd.f32 v10, v20  }
0x216: {  	v21 =	vand.u32 $0x7F, v18;
	v20 =	vadd.s32 s0, v0;
	v10 =	vld.idx.msk [tilespmem:v23+s29+$0x0], $0xffff  }
0x217: {  	s23 =	sadd.s32 $0x1, s0;
	v19 =	vmul.f32 v22, v11;
	v18 =	vadd.f32 v16, v17;
	v17 =	vld.idx.msk [tilespmem:v23+s30+$0x0], $0xffff;
	v16 =	vor.u32 v7, v21  }
0x218: {  	s0 =	sadd.s32 $0x8, s0;
	v21 =	vand.u32 $0x7F, v20;
	v20 =	vadd.s32 s23, v0;
	v11 =	vld.idx.msk [tilespmem:v12+s29+$0x0], $0xffff  }
0x219: {  	_ =	sdelay $0x2  }
0x21a: {  	v18 =	vadd.f32 v19, v18;
	v8 =	vmul.f32 v13, v8  }
0x21b: {  	v32 =	vor.u32 v7, v21;
	v12 =	vld.idx.msk [tilespmem:v12+s30+$0x0], $0xffff  }
0x21c: {  	s0 =	sadd.s32 $0x2, s31;
	v33 =	vand.u32 $0x7F, v20;
	v34 =	vld.idx.msk [tilespmem:v14+s29+$0x0], $0xffff;
	v9 =	vmul.f32 v15, v9;
	v8 =	vadd.f32 v8, v18  }
0x21d: {  	v37 =	vld.idx.msk [tilespmem:v14+s30+$0x0], $0xffff;
	v35 =	vadd.s32 s0, v0;
	v36 =	vor.u32 v7, v33  }
0x21e: {  	s23 =	sadd.s32 $0x3, s31;
	v38 =	vld.idx.msk [tilespmem:v16+s29+$0x0], $0xffff;
	v15 =	vand.u32 $0x7F, v35;
	v39 =	vmul.f32 v17, v10;
	v8 =	vadd.f32 v9, v8  }
0x21f: {  	v41 =	vld.idx.msk [tilespmem:v16+s30+$0x0], $0xffff;
	v40 =	vadd.s32 s23, v0;
	v15 =	vor.u32 v7, v15  }
0x220: {  	s23 =	sadd.s32 $0x4, s31;
	v10 =	vand.u32 $0x7F, v40;
	v42 =	vld.idx.msk [tilespmem:v32+s29+$0x0], $0xffff;
	v43 =	vmul.f32 v12, v11;
	v8 =	vadd.f32 v39, v8  }
0x221: {  	v44 =	vadd.s32 s23, v0;
	v10 =	vor.u32 v7, v10;
	v45 =	vld.idx.msk [tilespmem:v32+s30+$0x0], $0xffff  }
0x222: {  	s23 =	sadd.s32 $0x5, s31;
	v11 =	vand.u32 $0x7F, v44;
	v47 =	vmul.f32 v37, v34;
	v46 =	vld.idx.msk [tilespmem:v36+s29+$0x0], $0xffff;
	v8 =	vadd.f32 v43, v8  }
0x223: {  	v48 =	vadd.s32 s23, v0;
	v18 =	vld.idx.msk [tilespmem:v36+s30+$0x0], $0xffff;
	v11 =	vor.u32 v7, v11  }
0x224: {  	s23 =	sadd.s32 $0x6, s31;
	v14 =	vand.u32 $0x7F, v48;
	v50 =	vmul.f32 v41, v38;
	v49 =	vld.idx.msk [tilespmem:v15+s29+$0x0], $0xffff;
	v8 =	vadd.f32 v47, v8  }
0x225: {  	v51 =	vadd.s32 s23, v0;
	v14 =	vor.u32 v7, v14;
	v15 =	vld.idx.msk [tilespmem:v15+s30+$0x0], $0xffff  }
0x226: {  	s23 =	sadd.s32 $0x7, s31;
	v16 =	vand.u32 $0x7F, v51;
	v52 =	vld.idx.msk [tilespmem:v10+s29+$0x0], $0xffff;
	v12 =	vmul.f32 v45, v42;
	v8 =	vadd.f32 v50, v8  }
0x227: {  	v53 =	vadd.s32 s23, v0;
	v16 =	vor.u32 v7, v16;
	v10 =	vld.idx.msk [tilespmem:v10+s30+$0x0], $0xffff  }
0x228: {  	v9 =	vand.u32 $0x7F, v53;
	v54 =	vld.idx.msk [tilespmem:v11+s29+$0x0], $0xffff;
	v55 =	vmul.f32 v18, v46;
	v8 =	vadd.f32 v12, v8  }
0x229: {  	v7 =	vor.u32 v7, v9;
	v11 =	vld.idx.msk [tilespmem:v11+s30+$0x0], $0xffff  }
0x22a: {  	v56 =	vld.idx.msk [tilespmem:v14+s29+$0x0], $0xffff;
	v57 =	vmul.f32 v15, v49;
	v8 =	vadd.f32 v55, v8  }
0x22b: {  	v58 =	vld.idx.msk [tilespmem:v14+s30+$0x0], $0xffff  }
0x22c: {  	v59 =	vld.idx.msk [tilespmem:v16+s29+$0x0], $0xffff;
	v10 =	vmul.f32 v10, v52;
	v8 =	vadd.f32 v57, v8  }
0x22d: {  	v60 =	vld.idx.msk [tilespmem:v16+s30+$0x0], $0xffff  }
0x22e: {  	v61 =	vld.idx.msk [tilespmem:v7+s29+$0x0], $0xffff;
	v62 =	vmul.f32 v11, v54;
	v8 =	vadd.f32 v10, v8  }
0x22f: {  	v7 =	vld.idx.msk [tilespmem:v7+s30+$0x0], $0xffff  }
0x230: {  	v9 =	vmul.f32 v58, v56;
	v8 =	vadd.f32 v62, v8;
	_ =	sdelay $0x1  }
0x231: {  	v63 =	vmul.f32 v60, v59;
	v8 =	vadd.f32 v9, v8;
	_ =	sdelay $0x1  }
0x232: {  	v7 =	vmul.f32 v7, v61;
	v8 =	vadd.f32 v63, v8;
	_ =	sdelay $0x1  }
0x233: {  	v7 =	vadd.f32 v7, v8  }
0x234: {  	s31 =	sshll.u32 s28, $0x4  }
0x235: {  	s0 =	sadd.s32 s5, s31;
	[tilespmem:$0x18370] =	vst v7  }
0x236: {  	[hbm4b:s0+s6] =	stream.linear.scatter [tilespmem:s10], [sflag:$0xD], $0x80, $0x38;
	[tilespmem:$0x18380] =	vst v63  }
0x237: {  	_ =	swait.ge [sflag:s11], $0x80  }
0x238: {  	[sflag:s11] =	ssyncset.done $0x0  }
0x239: {  	[sflag:s11] =	ssyncadd.s32 $0xFFFFFF80  }
.LBB2_20:
0x23a: {  	s0 =	simm.s32 @!p0 $0x7  }
0x23b: {  	_ =	swait.ge @!p0 [sflag:s0], $0x80  }
0x23c: {  	[sflag:s0] =	ssyncset.done @!p0 $0x0  }
0x23d: {  	[sflag:s0] =	ssyncadd.s32 @!p0 $0xFFFFFF80;
	s0 =	simm.s32 @!p0 $0xA  }
0x23e: {  	_ =	swait.ge @!p0 [sflag:s0], $0x80  }
0x23f: {  	s23 =	simm.s32 @!p0 $0x300;
	[sflag:s0] =	ssyncset.done @!p0 $0x0  }
0x240: {  	s28 =	sadd.s32 s16, s14;
	[sflag:s0] =	ssyncadd.s32 @!p0 $0xFFFFFF80;
	s0 =	simm.s32 @!p0 $0x80  }
0x241: {  	[tilespmem:s23], [sflag:$0x1] =	stream.indirect.gather @!p0 [hbm4b:s1+s0], $0x80, s20, s0, $0xb8;
	[tilespmem:$0x18380] =	vst v63  }
0x242: {  	p1 =	sgt.u32 s28, $0x9C3;
	s20 =	simm.s32 @!p0 $0xC300  }
0x243: {  	[tilespmem:s20], [sflag:$0x4] =	stream.indirect.gather @!p0 [hbm4b:s2+s0], $0x80, s26, s0, $0xb8;
	[tilespmem:$0x18380] =	vst v63  }
0x244: {  	s0 =	simm.s32 @!p1 $0x2  }
0x245: {  	_ =	swait.ge @!p1 [sflag:s0], $0x4000  }
0x246: {  	[sflag:s0] =	ssyncset.done @!p1 $0x0  }
0x247: {  	[sflag:s0] =	ssyncadd.s32 @!p1 $0xFFFFC000;
	s0 =	simm.s32 @!p1 $0x5  }
0x248: {  	s20 =	sadd.s32 s17, s14;
	_ =	swait.ge @!p1 [sflag:s0], $0x4000  }
0x249: {  	p0 =	sgt.u32 s20, $0x9C3;
	[sflag:s0] =	ssyncset.done @!p1 $0x0  }
.Ltmp13:
0x24a: {  	[sflag:s0] =	ssyncadd.s32 @!p1 $0xFFFFC000;
	s0 =	sshll.u32 @!p0 s20, $0x4;
	(pc) =	sbr.rel @p1 .LBB2_38-.Ltmp13, $4  }
0x24b: {  	s31 =	simm.s32 @!p0 $0x0;
	s20 =	simm.s32 @!p0 $0x80;
	s23 =	sadd.s32 @!p0 s8, s0  }
0x24c: {  	[tilespmem:s20], [sflag:$0x8] =	stream.linear.gather @!p0 [hbm4b:s23+s31], $0x80, $0x38;
	[tilespmem:$0x18380] =	vst v63  }
0x24d: {  	s26 =	simm.s32 @!p0 $0x200;
	s0 =	sadd.s32 @!p0 s4, s0  }
0x24e: {  	[tilespmem:s26], [sflag:$0xB] =	stream.linear.gather @!p0 [hbm4b:s0+s31], $0x80, $0x38;
	[tilespmem:$0x18380] =	vst v63  }
0x24f: {  	s0 =	simm.s32 $0x0  }
0x250: {  	v7 =	vadd.s32 s0, v0  }
0x251: {  	s23 =	simm.s32 $0x1;
	v7 =	vand.u32 $0x7F, v7  }
0x252: {  	v8 =	vadd.s32 s23, v0;
	v7 =	vor.u32 v1, v7  }
0x253: {  	s23 =	simm.s32 $0x2;
	v8 =	vand.u32 $0x7F, v8  }
0x254: {  	v9 =	vadd.s32 s23, v0;
	v8 =	vor.u32 v1, v8  }
0x255: {  	s23 =	simm.s32 $0x3;
	v9 =	vand.u32 $0x7F, v9  }
0x256: {  	v10 =	vadd.s32 s23, v0;
	v9 =	vor.u32 v1, v9  }
0x257: {  	s23 =	simm.s32 $0x4;
	v10 =	vand.u32 $0x7F, v10;
	v13 =	vld.idx.msk [tilespmem:v7+s3+$0x0], $0xffff  }
0x258: {  	v11 =	vadd.s32 s23, v0;
	v10 =	vor.u32 v1, v10;
	v14 =	vld.idx.msk [tilespmem:v7+s21+$0x0], $0xffff  }
0x259: {  	s23 =	simm.s32 $0x5;
	v15 =	vld.idx.msk [tilespmem:v8+s3+$0x0], $0xffff;
	v7 =	vand.u32 $0x7F, v11  }
0x25a: {  	v11 =	vadd.s32 s23, v0;
	v16 =	vld.idx.msk [tilespmem:v8+s21+$0x0], $0xffff;
	v19 =	vor.u32 v1, v7  }
0x25b: {  	s23 =	simm.s32 $0x6;
	v7 =	vld.idx.msk [tilespmem:v9+s3+$0x0], $0xffff;
	v8 =	vand.u32 $0x7F, v11  }
0x25c: {  	v12 =	vld.idx.msk [tilespmem:v9+s21+$0x0], $0xffff;
	v9 =	vadd.s32 s23, v0;
	v11 =	vor.u32 v1, v8  }
0x25d: {  	s23 =	simm.s32 $0x7;
	v8 =	vld.idx.msk [tilespmem:v10+s3+$0x0], $0xffff;
	v9 =	vand.u32 $0x7F, v9  }
0x25e: {  	s31 =	simm.s32 $0x8;
	v18 =	vmul.f32 v14, v13;
	v14 =	vld.idx.msk [tilespmem:v10+s21+$0x0], $0xffff;
	v10 =	vadd.s32 s23, v0;
	v13 =	vor.u32 v1, v9  }
0x25f: {  	v17 =	vimm.f32 $0.0e+00;
	v20 =	vadd.s32 s31, v0;
	v9 =	vld.idx.msk [tilespmem:v19+s3+$0x0], $0xffff;
	v10 =	vand.u32 $0x7F, v10  }
0x260: {  	s23 =	simm.s32 $0x9;
	v17 =	vadd.f32 v18, v17;
	v18 =	vmul.f32 v16, v15;
	v16 =	vld.idx.msk [tilespmem:v19+s21+$0x0], $0xffff;
	v15 =	vor.u32 v1, v10  }
0x261: {  	s0 =	simm.s32 $0x10;
	v20 =	vand.u32 $0x7F, v20;
	v19 =	vadd.s32 s23, v0;
	v10 =	vld.idx.msk [tilespmem:v11+s3+$0x0], $0xffff  }
.LBB2_22:
0x262: {  	p1 =	slt.u32 s0, $0x78;
	v20 =	vor.u32 v1, v20;
	s23 =	sadd.s32 $0x2, s31;
	v17 =	vadd.f32 v18, v17;
	v7 =	vmul.f32 v12, v7;
	v11 =	vld.idx.msk [tilespmem:v11+s21+$0x0], $0xffff  }
0x263: {  	v12 =	vand.u32 $0x7F, v19;
	v18 =	vadd.s32 s23, v0;
	v19 =	vld.idx.msk [tilespmem:v13+s3+$0x0], $0xffff  }
0x264: {  	v12 =	vor.u32 v1, v12;
	s23 =	sadd.s32 $0x3, s31;
	v8 =	vmul.f32 v14, v8;
	v7 =	vadd.f32 v7, v17;
	v13 =	vld.idx.msk [tilespmem:v13+s21+$0x0], $0xffff  }
0x265: {  	v14 =	vand.u32 $0x7F, v18;
	v17 =	vadd.s32 s23, v0;
	v18 =	vld.idx.msk [tilespmem:v15+s3+$0x0], $0xffff  }
0x266: {  	s23 =	sadd.s32 $0x4, s31;
	v14 =	vor.u32 v1, v14;
	v7 =	vadd.f32 v8, v7;
	v8 =	vmul.f32 v16, v9;
	v9 =	vld.idx.msk [tilespmem:v15+s21+$0x0], $0xffff  }
0x267: {  	v16 =	vand.u32 $0x7F, v17;
	v17 =	vadd.s32 s23, v0;
	v15 =	vld.idx.msk [tilespmem:v20+s3+$0x0], $0xffff  }
0x268: {  	s23 =	sadd.s32 $0x5, s31;
	v16 =	vor.u32 v1, v16;
	v20 =	vld.idx.msk [tilespmem:v20+s21+$0x0], $0xffff;
	v7 =	vadd.f32 v8, v7;
	v8 =	vmul.f32 v11, v10  }
0x269: {  	v11 =	vand.u32 $0x7F, v17;
	v17 =	vadd.s32 s23, v0;
	v10 =	vld.idx.msk [tilespmem:v12+s3+$0x0], $0xffff  }
0x26a: {  	s23 =	sadd.s32 $0x6, s31;
	v22 =	vor.u32 v1, v11;
	v13 =	vmul.f32 v13, v19;
	v21 =	vld.idx.msk [tilespmem:v12+s21+$0x0], $0xffff;
	v8 =	vadd.f32 v8, v7  }
0x26b: {  	v11 =	vand.u32 $0x7F, v17;
	v17 =	vadd.s32 s23, v0;
	v7 =	vld.idx.msk [tilespmem:v14+s3+$0x0], $0xffff  }
0x26c: {  	s23 =	sadd.s32 $0x7, s31;
	s31 =	smov.u32 s0;
	v11 =	vor.u32 v1, v11;
	v9 =	vmul.f32 v9, v18;
	v12 =	vld.idx.msk [tilespmem:v14+s21+$0x0], $0xffff;
	v19 =	vadd.f32 v13, v8  }
.Ltmp14:
0x26d: {  	v13 =	vand.u32 $0x7F, v17;
	v17 =	vadd.s32 s23, v0;
	v8 =	vld.idx.msk [tilespmem:v16+s3+$0x0], $0xffff;
	(pc) =	sbr.rel @p1 .LBB2_22-.Ltmp14, $4  }
0x26e: {  	v15 =	vmul.f32 v20, v15;
	v13 =	vor.u32 v1, v13;
	v14 =	vld.idx.msk [tilespmem:v16+s21+$0x0], $0xffff;
	v16 =	vadd.f32 v9, v19  }
0x26f: {  	v20 =	vand.u32 $0x7F, v17;
	v19 =	vadd.s32 s0, v0;
	v9 =	vld.idx.msk [tilespmem:v22+s3+$0x0], $0xffff  }
0x270: {  	s23 =	sadd.s32 $0x1, s0;
	v18 =	vmul.f32 v21, v10;
	v17 =	vadd.f32 v15, v16;
	v16 =	vld.idx.msk [tilespmem:v22+s21+$0x0], $0xffff;
	v15 =	vor.u32 v1, v20  }
0x271: {  	s0 =	sadd.s32 $0x8, s0;
	v20 =	vand.u32 $0x7F, v19;
	v19 =	vadd.s32 s23, v0;
	v10 =	vld.idx.msk [tilespmem:v11+s3+$0x0], $0xffff  }
0x272: {  	_ =	sdelay $0x2  }
0x273: {  	v17 =	vadd.f32 v18, v17;
	v7 =	vmul.f32 v12, v7  }
0x274: {  	v12 =	vor.u32 v1, v20;
	v11 =	vld.idx.msk [tilespmem:v11+s21+$0x0], $0xffff  }
0x275: {  	s0 =	sadd.s32 $0x2, s31;
	v18 =	vand.u32 $0x7F, v19;
	v19 =	vld.idx.msk [tilespmem:v13+s3+$0x0], $0xffff;
	v8 =	vmul.f32 v14, v8;
	v7 =	vadd.f32 v7, v17  }
0x276: {  	v13 =	vld.idx.msk [tilespmem:v13+s21+$0x0], $0xffff;
	v14 =	vadd.s32 s0, v0;
	v17 =	vor.u32 v1, v18  }
0x277: {  	s23 =	sadd.s32 $0x3, s31;
	v14 =	vand.u32 $0x7F, v14;
	v18 =	vld.idx.msk [tilespmem:v15+s3+$0x0], $0xffff;
	v7 =	vadd.f32 v8, v7;
	v8 =	vmul.f32 v16, v9  }
0x278: {  	v15 =	vld.idx.msk [tilespmem:v15+s21+$0x0], $0xffff;
	v14 =	vor.u32 v1, v14;
	v9 =	vadd.s32 s23, v0  }
0x279: {  	s23 =	sadd.s32 $0x4, s31;
	v16 =	vld.idx.msk [tilespmem:v12+s3+$0x0], $0xffff;
	v9 =	vand.u32 $0x7F, v9;
	v7 =	vadd.f32 v8, v7;
	v8 =	vmul.f32 v11, v10  }
0x27a: {  	v10 =	vadd.s32 s23, v0;
	v11 =	vld.idx.msk [tilespmem:v12+s21+$0x0], $0xffff;
	v9 =	vor.u32 v1, v9  }
0x27b: {  	s23 =	sadd.s32 $0x5, s31;
	v12 =	vld.idx.msk [tilespmem:v17+s3+$0x0], $0xffff;
	v10 =	vand.u32 $0x7F, v10;
	v7 =	vadd.f32 v8, v7;
	v8 =	vmul.f32 v13, v19  }
0x27c: {  	v17 =	vld.idx.msk [tilespmem:v17+s21+$0x0], $0xffff;
	v13 =	vadd.s32 s23, v0;
	v10 =	vor.u32 v1, v10  }
0x27d: {  	s23 =	sadd.s32 $0x6, s31;
	v19 =	vld.idx.msk [tilespmem:v14+s3+$0x0], $0xffff;
	v13 =	vand.u32 $0x7F, v13;
	v7 =	vadd.f32 v8, v7;
	v8 =	vmul.f32 v15, v18  }
0x27e: {  	v14 =	vld.idx.msk [tilespmem:v14+s21+$0x0], $0xffff;
	v15 =	vadd.s32 s23, v0;
	v13 =	vor.u32 v1, v13  }
0x27f: {  	v18 =	vld.idx.msk [tilespmem:v9+s3+$0x0], $0xffff;
	v15 =	vand.u32 $0x7F, v15;
	v11 =	vmul.f32 v11, v16;
	v7 =	vadd.f32 v8, v7  }
0x280: {  	s23 =	sadd.s32 $0x7, s31;
	v8 =	vld.idx.msk [tilespmem:v9+s21+$0x0], $0xffff;
	v9 =	vor.u32 v1, v15  }
0x281: {  	v15 =	vadd.s32 s23, v0;
	v16 =	vld.idx.msk [tilespmem:v10+s3+$0x0], $0xffff;
	v7 =	vadd.f32 v11, v7;
	v11 =	vmul.f32 v17, v12  }
0x282: {  	v10 =	vld.idx.msk [tilespmem:v10+s21+$0x0], $0xffff;
	v12 =	vand.u32 $0x7F, v15  }
0x283: {  	v12 =	vor.u32 v1, v12;
	v15 =	vld.idx.msk [tilespmem:v13+s3+$0x0], $0xffff;
	v7 =	vadd.f32 v11, v7;
	v11 =	vmul.f32 v14, v19  }
0x284: {  	v13 =	vld.idx.msk [tilespmem:v13+s21+$0x0], $0xffff  }
0x285: {  	v14 =	vld.idx.msk [tilespmem:v9+s3+$0x0], $0xffff;
	v8 =	vmul.f32 v8, v18;
	v7 =	vadd.f32 v11, v7  }
0x286: {  	v9 =	vld.idx.msk [tilespmem:v9+s21+$0x0], $0xffff  }
0x287: {  	v7 =	vadd.f32 v8, v7;
	v8 =	vmul.f32 v10, v16  }
0x288: {  	v10 =	vld.idx.msk [tilespmem:v12+s3+$0x0], $0xffff  }
0x289: {  	v11 =	vld.idx.msk [tilespmem:v12+s21+$0x0], $0xffff;
	v7 =	vadd.f32 v8, v7;
	v8 =	vmul.f32 v13, v15;
	_ =	sdelay $0x1  }
0x28a: {  	s23 =	simm.s32 $0x0;
	v7 =	vadd.f32 v8, v7;
	v8 =	vmul.f32 v9, v14  }
0x28b: {  	v9 =	vadd.s32 s23, v0  }
0x28c: {  	s23 =	simm.s32 $0x1;
	v7 =	vadd.f32 v8, v7;
	v8 =	vand.u32 $0x7F, v9  }
0x28d: {  	v9 =	vmul.f32 v11, v10;
	v10 =	vadd.s32 s23, v0;
	v8 =	vor.u32 v2, v8  }
0x28e: {  	s23 =	simm.s32 $0x2;
	v10 =	vand.u32 $0x7F, v10  }
0x28f: {  	v7 =	vadd.f32 v9, v7;
	v9 =	vadd.s32 s23, v0;
	v10 =	vor.u32 v2, v10  }
0x290: {  	s23 =	simm.s32 $0x3;
	v9 =	vand.u32 $0x7F, v9  }
0x291: {  	[tilespmem:$0x18300] =	vst v7;
	v7 =	vadd.s32 s23, v0;
	v9 =	vor.u32 v2, v9  }
0x292: {  	s23 =	simm.s32 $0x4;
	v7 =	vand.u32 $0x7F, v7;
	v13 =	vld.idx.msk [tilespmem:v8+s3+$0x0], $0xffff  }
0x293: {  	v11 =	vadd.s32 s23, v0;
	v14 =	vld.idx.msk [tilespmem:v8+s21+$0x0], $0xffff;
	v15 =	vor.u32 v2, v7  }
0x294: {  	s23 =	simm.s32 $0x5;
	v7 =	vand.u32 $0x7F, v11;
	v16 =	vld.idx.msk [tilespmem:v10+s3+$0x0], $0xffff  }
0x295: {  	v8 =	vadd.s32 s23, v0;
	v10 =	vld.idx.msk [tilespmem:v10+s21+$0x0], $0xffff;
	v19 =	vor.u32 v2, v7  }
0x296: {  	s23 =	simm.s32 $0x6;
	v8 =	vand.u32 $0x7F, v8;
	v7 =	vld.idx.msk [tilespmem:v9+s3+$0x0], $0xffff  }
0x297: {  	v11 =	vor.u32 v2, v8;
	v12 =	vld.idx.msk [tilespmem:v9+s21+$0x0], $0xffff;
	v9 =	vadd.s32 s23, v0  }
0x298: {  	s23 =	simm.s32 $0x7;
	v9 =	vand.u32 $0x7F, v9;
	v8 =	vld.idx.msk [tilespmem:v15+s3+$0x0], $0xffff  }
0x299: {  	s31 =	simm.s32 $0x8;
	v18 =	vmul.f32 v14, v13;
	v14 =	vld.idx.msk [tilespmem:v15+s21+$0x0], $0xffff;
	v15 =	vadd.s32 s23, v0;
	v13 =	vor.u32 v2, v9  }
0x29a: {  	v20 =	vadd.s32 s31, v0;
	v17 =	vimm.f32 $0.0e+00;
	v9 =	vld.idx.msk [tilespmem:v19+s3+$0x0], $0xffff;
	v15 =	vand.u32 $0x7F, v15  }
0x29b: {  	s23 =	simm.s32 $0x9;
	v17 =	vadd.f32 v18, v17;
	v18 =	vmul.f32 v10, v16;
	v16 =	vld.idx.msk [tilespmem:v19+s21+$0x0], $0xffff;
	v15 =	vor.u32 v2, v15  }
0x29c: {  	s0 =	simm.s32 $0x10;
	v20 =	vand.u32 $0x7F, v20;
	v19 =	vadd.s32 s23, v0;
	v10 =	vld.idx.msk [tilespmem:v11+s3+$0x0], $0xffff  }
.LBB2_24:
0x29d: {  	p1 =	slt.u32 s0, $0x78;
	v20 =	vor.u32 v2, v20;
	s23 =	sadd.s32 $0x2, s31;
	v17 =	vadd.f32 v18, v17;
	v7 =	vmul.f32 v12, v7;
	v11 =	vld.idx.msk [tilespmem:v11+s21+$0x0], $0xffff  }
0x29e: {  	v12 =	vand.u32 $0x7F, v19;
	v18 =	vadd.s32 s23, v0;
	v19 =	vld.idx.msk [tilespmem:v13+s3+$0x0], $0xffff  }
0x29f: {  	v12 =	vor.u32 v2, v12;
	s23 =	sadd.s32 $0x3, s31;
	v8 =	vmul.f32 v14, v8;
	v7 =	vadd.f32 v7, v17;
	v13 =	vld.idx.msk [tilespmem:v13+s21+$0x0], $0xffff  }
0x2a0: {  	v14 =	vand.u32 $0x7F, v18;
	v17 =	vadd.s32 s23, v0;
	v18 =	vld.idx.msk [tilespmem:v15+s3+$0x0], $0xffff  }
0x2a1: {  	s23 =	sadd.s32 $0x4, s31;
	v14 =	vor.u32 v2, v14;
	v7 =	vadd.f32 v8, v7;
	v8 =	vmul.f32 v16, v9;
	v9 =	vld.idx.msk [tilespmem:v15+s21+$0x0], $0xffff  }
0x2a2: {  	v16 =	vand.u32 $0x7F, v17;
	v17 =	vadd.s32 s23, v0;
	v15 =	vld.idx.msk [tilespmem:v20+s3+$0x0], $0xffff  }
0x2a3: {  	s23 =	sadd.s32 $0x5, s31;
	v16 =	vor.u32 v2, v16;
	v20 =	vld.idx.msk [tilespmem:v20+s21+$0x0], $0xffff;
	v7 =	vadd.f32 v8, v7;
	v8 =	vmul.f32 v11, v10  }
0x2a4: {  	v11 =	vand.u32 $0x7F, v17;
	v17 =	vadd.s32 s23, v0;
	v10 =	vld.idx.msk [tilespmem:v12+s3+$0x0], $0xffff  }
0x2a5: {  	s23 =	sadd.s32 $0x6, s31;
	v22 =	vor.u32 v2, v11;
	v13 =	vmul.f32 v13, v19;
	v21 =	vld.idx.msk [tilespmem:v12+s21+$0x0], $0xffff;
	v8 =	vadd.f32 v8, v7  }
0x2a6: {  	v11 =	vand.u32 $0x7F, v17;
	v17 =	vadd.s32 s23, v0;
	v7 =	vld.idx.msk [tilespmem:v14+s3+$0x0], $0xffff  }
0x2a7: {  	s23 =	sadd.s32 $0x7, s31;
	s31 =	smov.u32 s0;
	v11 =	vor.u32 v2, v11;
	v9 =	vmul.f32 v9, v18;
	v12 =	vld.idx.msk [tilespmem:v14+s21+$0x0], $0xffff;
	v19 =	vadd.f32 v13, v8  }
.Ltmp15:
0x2a8: {  	v13 =	vand.u32 $0x7F, v17;
	v17 =	vadd.s32 s23, v0;
	v8 =	vld.idx.msk [tilespmem:v16+s3+$0x0], $0xffff;
	(pc) =	sbr.rel @p1 .LBB2_24-.Ltmp15, $4  }
0x2a9: {  	v15 =	vmul.f32 v20, v15;
	v13 =	vor.u32 v2, v13;
	v14 =	vld.idx.msk [tilespmem:v16+s21+$0x0], $0xffff;
	v16 =	vadd.f32 v9, v19  }
0x2aa: {  	v20 =	vand.u32 $0x7F, v17;
	v19 =	vadd.s32 s0, v0;
	v9 =	vld.idx.msk [tilespmem:v22+s3+$0x0], $0xffff  }
0x2ab: {  	s23 =	sadd.s32 $0x1, s0;
	v18 =	vmul.f32 v21, v10;
	v17 =	vadd.f32 v15, v16;
	v16 =	vld.idx.msk [tilespmem:v22+s21+$0x0], $0xffff;
	v15 =	vor.u32 v2, v20  }
0x2ac: {  	s0 =	sadd.s32 $0x8, s0;
	v20 =	vand.u32 $0x7F, v19;
	v19 =	vadd.s32 s23, v0;
	v10 =	vld.idx.msk [tilespmem:v11+s3+$0x0], $0xffff  }
0x2ad: {  	_ =	sdelay $0x2  }
0x2ae: {  	v17 =	vadd.f32 v18, v17;
	v7 =	vmul.f32 v12, v7  }
0x2af: {  	v12 =	vor.u32 v2, v20;
	v11 =	vld.idx.msk [tilespmem:v11+s21+$0x0], $0xffff  }
0x2b0: {  	s0 =	sadd.s32 $0x2, s31;
	v18 =	vand.u32 $0x7F, v19;
	v19 =	vld.idx.msk [tilespmem:v13+s3+$0x0], $0xffff;
	v8 =	vmul.f32 v14, v8;
	v7 =	vadd.f32 v7, v17  }
0x2b1: {  	v13 =	vld.idx.msk [tilespmem:v13+s21+$0x0], $0xffff;
	v14 =	vadd.s32 s0, v0;
	v17 =	vor.u32 v2, v18  }
0x2b2: {  	s23 =	sadd.s32 $0x3, s31;
	v14 =	vand.u32 $0x7F, v14;
	v18 =	vld.idx.msk [tilespmem:v15+s3+$0x0], $0xffff;
	v7 =	vadd.f32 v8, v7;
	v8 =	vmul.f32 v16, v9  }
0x2b3: {  	v15 =	vld.idx.msk [tilespmem:v15+s21+$0x0], $0xffff;
	v14 =	vor.u32 v2, v14;
	v9 =	vadd.s32 s23, v0  }
0x2b4: {  	s23 =	sadd.s32 $0x4, s31;
	v16 =	vld.idx.msk [tilespmem:v12+s3+$0x0], $0xffff;
	v9 =	vand.u32 $0x7F, v9;
	v7 =	vadd.f32 v8, v7;
	v8 =	vmul.f32 v11, v10  }
0x2b5: {  	v10 =	vadd.s32 s23, v0;
	v11 =	vld.idx.msk [tilespmem:v12+s21+$0x0], $0xffff;
	v9 =	vor.u32 v2, v9  }
0x2b6: {  	s23 =	sadd.s32 $0x5, s31;
	v12 =	vld.idx.msk [tilespmem:v17+s3+$0x0], $0xffff;
	v10 =	vand.u32 $0x7F, v10;
	v7 =	vadd.f32 v8, v7;
	v8 =	vmul.f32 v13, v19  }
0x2b7: {  	v17 =	vld.idx.msk [tilespmem:v17+s21+$0x0], $0xffff;
	v13 =	vadd.s32 s23, v0;
	v10 =	vor.u32 v2, v10  }
0x2b8: {  	s23 =	sadd.s32 $0x6, s31;
	v19 =	vld.idx.msk [tilespmem:v14+s3+$0x0], $0xffff;
	v13 =	vand.u32 $0x7F, v13;
	v7 =	vadd.f32 v8, v7;
	v8 =	vmul.f32 v15, v18  }
0x2b9: {  	v14 =	vld.idx.msk [tilespmem:v14+s21+$0x0], $0xffff;
	v15 =	vadd.s32 s23, v0;
	v13 =	vor.u32 v2, v13  }
0x2ba: {  	v18 =	vld.idx.msk [tilespmem:v9+s3+$0x0], $0xffff;
	v15 =	vand.u32 $0x7F, v15;
	v11 =	vmul.f32 v11, v16;
	v7 =	vadd.f32 v8, v7  }
0x2bb: {  	s23 =	sadd.s32 $0x7, s31;
	v8 =	vld.idx.msk [tilespmem:v9+s21+$0x0], $0xffff;
	v9 =	vor.u32 v2, v15  }
0x2bc: {  	v15 =	vadd.s32 s23, v0;
	v16 =	vld.idx.msk [tilespmem:v10+s3+$0x0], $0xffff;
	v7 =	vadd.f32 v11, v7;
	v11 =	vmul.f32 v17, v12  }
0x2bd: {  	v10 =	vld.idx.msk [tilespmem:v10+s21+$0x0], $0xffff;
	v12 =	vand.u32 $0x7F, v15  }
0x2be: {  	v12 =	vor.u32 v2, v12;
	v15 =	vld.idx.msk [tilespmem:v13+s3+$0x0], $0xffff;
	v7 =	vadd.f32 v11, v7;
	v11 =	vmul.f32 v14, v19  }
0x2bf: {  	v13 =	vld.idx.msk [tilespmem:v13+s21+$0x0], $0xffff  }
0x2c0: {  	v14 =	vld.idx.msk [tilespmem:v9+s3+$0x0], $0xffff;
	v8 =	vmul.f32 v8, v18;
	v7 =	vadd.f32 v11, v7  }
0x2c1: {  	v9 =	vld.idx.msk [tilespmem:v9+s21+$0x0], $0xffff  }
0x2c2: {  	v7 =	vadd.f32 v8, v7;
	v8 =	vmul.f32 v10, v16  }
0x2c3: {  	v10 =	vld.idx.msk [tilespmem:v12+s3+$0x0], $0xffff  }
0x2c4: {  	v11 =	vld.idx.msk [tilespmem:v12+s21+$0x0], $0xffff;
	v7 =	vadd.f32 v8, v7;
	v8 =	vmul.f32 v13, v15;
	_ =	sdelay $0x1  }
0x2c5: {  	s23 =	simm.s32 $0x0;
	v7 =	vadd.f32 v8, v7;
	v8 =	vmul.f32 v9, v14  }
0x2c6: {  	v9 =	vadd.s32 s23, v0  }
0x2c7: {  	s23 =	simm.s32 $0x1;
	v7 =	vadd.f32 v8, v7;
	v8 =	vand.u32 $0x7F, v9  }
0x2c8: {  	v9 =	vmul.f32 v11, v10;
	v10 =	vadd.s32 s23, v0;
	v8 =	vor.u32 v3, v8  }
0x2c9: {  	s23 =	simm.s32 $0x2;
	v10 =	vand.u32 $0x7F, v10  }
0x2ca: {  	v7 =	vadd.f32 v9, v7;
	v9 =	vadd.s32 s23, v0;
	v10 =	vor.u32 v3, v10  }
0x2cb: {  	s23 =	simm.s32 $0x3;
	v9 =	vand.u32 $0x7F, v9  }
0x2cc: {  	[tilespmem:$0x18310] =	vst v7;
	v7 =	vadd.s32 s23, v0;
	v9 =	vor.u32 v3, v9  }
0x2cd: {  	s23 =	simm.s32 $0x4;
	v7 =	vand.u32 $0x7F, v7;
	v13 =	vld.idx.msk [tilespmem:v8+s3+$0x0], $0xffff  }
0x2ce: {  	v11 =	vadd.s32 s23, v0;
	v14 =	vld.idx.msk [tilespmem:v8+s21+$0x0], $0xffff;
	v15 =	vor.u32 v3, v7  }
0x2cf: {  	s23 =	simm.s32 $0x5;
	v7 =	vand.u32 $0x7F, v11;
	v16 =	vld.idx.msk [tilespmem:v10+s3+$0x0], $0xffff  }
0x2d0: {  	v8 =	vadd.s32 s23, v0;
	v10 =	vld.idx.msk [tilespmem:v10+s21+$0x0], $0xffff;
	v19 =	vor.u32 v3, v7  }
0x2d1: {  	s23 =	simm.s32 $0x6;
	v8 =	vand.u32 $0x7F, v8;
	v7 =	vld.idx.msk [tilespmem:v9+s3+$0x0], $0xffff  }
0x2d2: {  	v11 =	vor.u32 v3, v8;
	v12 =	vld.idx.msk [tilespmem:v9+s21+$0x0], $0xffff;
	v9 =	vadd.s32 s23, v0  }
0x2d3: {  	s23 =	simm.s32 $0x7;
	v9 =	vand.u32 $0x7F, v9;
	v8 =	vld.idx.msk [tilespmem:v15+s3+$0x0], $0xffff  }
0x2d4: {  	s31 =	simm.s32 $0x8;
	v18 =	vmul.f32 v14, v13;
	v14 =	vld.idx.msk [tilespmem:v15+s21+$0x0], $0xffff;
	v15 =	vadd.s32 s23, v0;
	v13 =	vor.u32 v3, v9  }
0x2d5: {  	v20 =	vadd.s32 s31, v0;
	v17 =	vimm.f32 $0.0e+00;
	v9 =	vld.idx.msk [tilespmem:v19+s3+$0x0], $0xffff;
	v15 =	vand.u32 $0x7F, v15  }
0x2d6: {  	s23 =	simm.s32 $0x9;
	v17 =	vadd.f32 v18, v17;
	v18 =	vmul.f32 v10, v16;
	v16 =	vld.idx.msk [tilespmem:v19+s21+$0x0], $0xffff;
	v15 =	vor.u32 v3, v15  }
0x2d7: {  	s0 =	simm.s32 $0x10;
	v20 =	vand.u32 $0x7F, v20;
	v19 =	vadd.s32 s23, v0;
	v10 =	vld.idx.msk [tilespmem:v11+s3+$0x0], $0xffff  }
.LBB2_26:
0x2d8: {  	p1 =	slt.u32 s0, $0x78;
	v20 =	vor.u32 v3, v20;
	s23 =	sadd.s32 $0x2, s31;
	v17 =	vadd.f32 v18, v17;
	v7 =	vmul.f32 v12, v7;
	v11 =	vld.idx.msk [tilespmem:v11+s21+$0x0], $0xffff  }
0x2d9: {  	v12 =	vand.u32 $0x7F, v19;
	v18 =	vadd.s32 s23, v0;
	v19 =	vld.idx.msk [tilespmem:v13+s3+$0x0], $0xffff  }
0x2da: {  	v12 =	vor.u32 v3, v12;
	s23 =	sadd.s32 $0x3, s31;
	v8 =	vmul.f32 v14, v8;
	v7 =	vadd.f32 v7, v17;
	v13 =	vld.idx.msk [tilespmem:v13+s21+$0x0], $0xffff  }
0x2db: {  	v14 =	vand.u32 $0x7F, v18;
	v17 =	vadd.s32 s23, v0;
	v18 =	vld.idx.msk [tilespmem:v15+s3+$0x0], $0xffff  }
0x2dc: {  	s23 =	sadd.s32 $0x4, s31;
	v14 =	vor.u32 v3, v14;
	v7 =	vadd.f32 v8, v7;
	v8 =	vmul.f32 v16, v9;
	v9 =	vld.idx.msk [tilespmem:v15+s21+$0x0], $0xffff  }
0x2dd: {  	v16 =	vand.u32 $0x7F, v17;
	v17 =	vadd.s32 s23, v0;
	v15 =	vld.idx.msk [tilespmem:v20+s3+$0x0], $0xffff  }
0x2de: {  	s23 =	sadd.s32 $0x5, s31;
	v16 =	vor.u32 v3, v16;
	v20 =	vld.idx.msk [tilespmem:v20+s21+$0x0], $0xffff;
	v7 =	vadd.f32 v8, v7;
	v8 =	vmul.f32 v11, v10  }
0x2df: {  	v11 =	vand.u32 $0x7F, v17;
	v17 =	vadd.s32 s23, v0;
	v10 =	vld.idx.msk [tilespmem:v12+s3+$0x0], $0xffff  }
0x2e0: {  	s23 =	sadd.s32 $0x6, s31;
	v22 =	vor.u32 v3, v11;
	v13 =	vmul.f32 v13, v19;
	v21 =	vld.idx.msk [tilespmem:v12+s21+$0x0], $0xffff;
	v8 =	vadd.f32 v8, v7  }
0x2e1: {  	v11 =	vand.u32 $0x7F, v17;
	v17 =	vadd.s32 s23, v0;
	v7 =	vld.idx.msk [tilespmem:v14+s3+$0x0], $0xffff  }
0x2e2: {  	s23 =	sadd.s32 $0x7, s31;
	s31 =	smov.u32 s0;
	v11 =	vor.u32 v3, v11;
	v9 =	vmul.f32 v9, v18;
	v12 =	vld.idx.msk [tilespmem:v14+s21+$0x0], $0xffff;
	v19 =	vadd.f32 v13, v8  }
.Ltmp16:
0x2e3: {  	v13 =	vand.u32 $0x7F, v17;
	v17 =	vadd.s32 s23, v0;
	v8 =	vld.idx.msk [tilespmem:v16+s3+$0x0], $0xffff;
	(pc) =	sbr.rel @p1 .LBB2_26-.Ltmp16, $4  }
0x2e4: {  	v15 =	vmul.f32 v20, v15;
	v13 =	vor.u32 v3, v13;
	v14 =	vld.idx.msk [tilespmem:v16+s21+$0x0], $0xffff;
	v16 =	vadd.f32 v9, v19  }
0x2e5: {  	v20 =	vand.u32 $0x7F, v17;
	v19 =	vadd.s32 s0, v0;
	v9 =	vld.idx.msk [tilespmem:v22+s3+$0x0], $0xffff  }
0x2e6: {  	s23 =	sadd.s32 $0x1, s0;
	v18 =	vmul.f32 v21, v10;
	v17 =	vadd.f32 v15, v16;
	v16 =	vld.idx.msk [tilespmem:v22+s21+$0x0], $0xffff;
	v15 =	vor.u32 v3, v20  }
0x2e7: {  	s0 =	sadd.s32 $0x8, s0;
	v20 =	vand.u32 $0x7F, v19;
	v19 =	vadd.s32 s23, v0;
	v10 =	vld.idx.msk [tilespmem:v11+s3+$0x0], $0xffff  }
0x2e8: {  	_ =	sdelay $0x2  }
0x2e9: {  	v17 =	vadd.f32 v18, v17;
	v7 =	vmul.f32 v12, v7  }
0x2ea: {  	v12 =	vor.u32 v3, v20;
	v11 =	vld.idx.msk [tilespmem:v11+s21+$0x0], $0xffff  }
0x2eb: {  	s0 =	sadd.s32 $0x2, s31;
	v18 =	vand.u32 $0x7F, v19;
	v19 =	vld.idx.msk [tilespmem:v13+s3+$0x0], $0xffff;
	v8 =	vmul.f32 v14, v8;
	v7 =	vadd.f32 v7, v17  }
0x2ec: {  	v13 =	vld.idx.msk [tilespmem:v13+s21+$0x0], $0xffff;
	v14 =	vadd.s32 s0, v0;
	v17 =	vor.u32 v3, v18  }
0x2ed: {  	s23 =	sadd.s32 $0x3, s31;
	v14 =	vand.u32 $0x7F, v14;
	v18 =	vld.idx.msk [tilespmem:v15+s3+$0x0], $0xffff;
	v7 =	vadd.f32 v8, v7;
	v8 =	vmul.f32 v16, v9  }
0x2ee: {  	v15 =	vld.idx.msk [tilespmem:v15+s21+$0x0], $0xffff;
	v14 =	vor.u32 v3, v14;
	v9 =	vadd.s32 s23, v0  }
0x2ef: {  	s23 =	sadd.s32 $0x4, s31;
	v16 =	vld.idx.msk [tilespmem:v12+s3+$0x0], $0xffff;
	v9 =	vand.u32 $0x7F, v9;
	v7 =	vadd.f32 v8, v7;
	v8 =	vmul.f32 v11, v10  }
0x2f0: {  	v10 =	vadd.s32 s23, v0;
	v11 =	vld.idx.msk [tilespmem:v12+s21+$0x0], $0xffff;
	v9 =	vor.u32 v3, v9  }
0x2f1: {  	s23 =	sadd.s32 $0x5, s31;
	v12 =	vld.idx.msk [tilespmem:v17+s3+$0x0], $0xffff;
	v10 =	vand.u32 $0x7F, v10;
	v7 =	vadd.f32 v8, v7;
	v8 =	vmul.f32 v13, v19  }
0x2f2: {  	v17 =	vld.idx.msk [tilespmem:v17+s21+$0x0], $0xffff;
	v13 =	vadd.s32 s23, v0;
	v10 =	vor.u32 v3, v10  }
0x2f3: {  	s23 =	sadd.s32 $0x6, s31;
	v19 =	vld.idx.msk [tilespmem:v14+s3+$0x0], $0xffff;
	v13 =	vand.u32 $0x7F, v13;
	v7 =	vadd.f32 v8, v7;
	v8 =	vmul.f32 v15, v18  }
0x2f4: {  	v14 =	vld.idx.msk [tilespmem:v14+s21+$0x0], $0xffff;
	v15 =	vadd.s32 s23, v0;
	v13 =	vor.u32 v3, v13  }
0x2f5: {  	v18 =	vld.idx.msk [tilespmem:v9+s3+$0x0], $0xffff;
	v15 =	vand.u32 $0x7F, v15;
	v11 =	vmul.f32 v11, v16;
	v7 =	vadd.f32 v8, v7  }
0x2f6: {  	s23 =	sadd.s32 $0x7, s31;
	v8 =	vld.idx.msk [tilespmem:v9+s21+$0x0], $0xffff;
	v9 =	vor.u32 v3, v15  }
0x2f7: {  	v15 =	vadd.s32 s23, v0;
	v16 =	vld.idx.msk [tilespmem:v10+s3+$0x0], $0xffff;
	v7 =	vadd.f32 v11, v7;
	v11 =	vmul.f32 v17, v12  }
0x2f8: {  	v10 =	vld.idx.msk [tilespmem:v10+s21+$0x0], $0xffff;
	v12 =	vand.u32 $0x7F, v15  }
0x2f9: {  	v12 =	vor.u32 v3, v12;
	v15 =	vld.idx.msk [tilespmem:v13+s3+$0x0], $0xffff;
	v7 =	vadd.f32 v11, v7;
	v11 =	vmul.f32 v14, v19  }
0x2fa: {  	v13 =	vld.idx.msk [tilespmem:v13+s21+$0x0], $0xffff  }
0x2fb: {  	v14 =	vld.idx.msk [tilespmem:v9+s3+$0x0], $0xffff;
	v8 =	vmul.f32 v8, v18;
	v7 =	vadd.f32 v11, v7  }
0x2fc: {  	v9 =	vld.idx.msk [tilespmem:v9+s21+$0x0], $0xffff  }
0x2fd: {  	v7 =	vadd.f32 v8, v7;
	v8 =	vmul.f32 v10, v16  }
0x2fe: {  	v10 =	vld.idx.msk [tilespmem:v12+s3+$0x0], $0xffff  }
0x2ff: {  	v11 =	vld.idx.msk [tilespmem:v12+s21+$0x0], $0xffff;
	v7 =	vadd.f32 v8, v7;
	v8 =	vmul.f32 v13, v15;
	_ =	sdelay $0x1  }
0x300: {  	s23 =	simm.s32 $0x0;
	v7 =	vadd.f32 v8, v7;
	v8 =	vmul.f32 v9, v14  }
0x301: {  	v9 =	vadd.s32 s23, v0  }
0x302: {  	s23 =	simm.s32 $0x1;
	v7 =	vadd.f32 v8, v7;
	v8 =	vand.u32 $0x7F, v9  }
0x303: {  	v9 =	vmul.f32 v11, v10;
	v10 =	vadd.s32 s23, v0;
	v8 =	vor.u32 v4, v8  }
0x304: {  	s23 =	simm.s32 $0x2;
	v10 =	vand.u32 $0x7F, v10  }
0x305: {  	v7 =	vadd.f32 v9, v7;
	v9 =	vadd.s32 s23, v0;
	v10 =	vor.u32 v4, v10  }
0x306: {  	s23 =	simm.s32 $0x3;
	v9 =	vand.u32 $0x7F, v9  }
0x307: {  	[tilespmem:$0x18320] =	vst v7;
	v7 =	vadd.s32 s23, v0;
	v9 =	vor.u32 v4, v9  }
0x308: {  	s23 =	simm.s32 $0x4;
	v7 =	vand.u32 $0x7F, v7;
	v13 =	vld.idx.msk [tilespmem:v8+s3+$0x0], $0xffff  }
0x309: {  	v11 =	vadd.s32 s23, v0;
	v14 =	vld.idx.msk [tilespmem:v8+s21+$0x0], $0xffff;
	v15 =	vor.u32 v4, v7  }
0x30a: {  	s23 =	simm.s32 $0x5;
	v7 =	vand.u32 $0x7F, v11;
	v16 =	vld.idx.msk [tilespmem:v10+s3+$0x0], $0xffff  }
0x30b: {  	v8 =	vadd.s32 s23, v0;
	v10 =	vld.idx.msk [tilespmem:v10+s21+$0x0], $0xffff;
	v19 =	vor.u32 v4, v7  }
0x30c: {  	s23 =	simm.s32 $0x6;
	v8 =	vand.u32 $0x7F, v8;
	v7 =	vld.idx.msk [tilespmem:v9+s3+$0x0], $0xffff  }
0x30d: {  	v11 =	vor.u32 v4, v8;
	v12 =	vld.idx.msk [tilespmem:v9+s21+$0x0], $0xffff;
	v9 =	vadd.s32 s23, v0  }
0x30e: {  	s23 =	simm.s32 $0x7;
	v9 =	vand.u32 $0x7F, v9;
	v8 =	vld.idx.msk [tilespmem:v15+s3+$0x0], $0xffff  }
0x30f: {  	s31 =	simm.s32 $0x8;
	v18 =	vmul.f32 v14, v13;
	v14 =	vld.idx.msk [tilespmem:v15+s21+$0x0], $0xffff;
	v15 =	vadd.s32 s23, v0;
	v13 =	vor.u32 v4, v9  }
0x310: {  	v20 =	vadd.s32 s31, v0;
	v17 =	vimm.f32 $0.0e+00;
	v9 =	vld.idx.msk [tilespmem:v19+s3+$0x0], $0xffff;
	v15 =	vand.u32 $0x7F, v15  }
0x311: {  	s23 =	simm.s32 $0x9;
	v17 =	vadd.f32 v18, v17;
	v18 =	vmul.f32 v10, v16;
	v16 =	vld.idx.msk [tilespmem:v19+s21+$0x0], $0xffff;
	v15 =	vor.u32 v4, v15  }
0x312: {  	s0 =	simm.s32 $0x10;
	v20 =	vand.u32 $0x7F, v20;
	v19 =	vadd.s32 s23, v0;
	v10 =	vld.idx.msk [tilespmem:v11+s3+$0x0], $0xffff  }
.LBB2_28:
0x313: {  	p1 =	slt.u32 s0, $0x78;
	v20 =	vor.u32 v4, v20;
	s23 =	sadd.s32 $0x2, s31;
	v17 =	vadd.f32 v18, v17;
	v7 =	vmul.f32 v12, v7;
	v11 =	vld.idx.msk [tilespmem:v11+s21+$0x0], $0xffff  }
0x314: {  	v12 =	vand.u32 $0x7F, v19;
	v18 =	vadd.s32 s23, v0;
	v19 =	vld.idx.msk [tilespmem:v13+s3+$0x0], $0xffff  }
0x315: {  	v12 =	vor.u32 v4, v12;
	s23 =	sadd.s32 $0x3, s31;
	v8 =	vmul.f32 v14, v8;
	v7 =	vadd.f32 v7, v17;
	v13 =	vld.idx.msk [tilespmem:v13+s21+$0x0], $0xffff  }
0x316: {  	v14 =	vand.u32 $0x7F, v18;
	v17 =	vadd.s32 s23, v0;
	v18 =	vld.idx.msk [tilespmem:v15+s3+$0x0], $0xffff  }
0x317: {  	s23 =	sadd.s32 $0x4, s31;
	v14 =	vor.u32 v4, v14;
	v7 =	vadd.f32 v8, v7;
	v8 =	vmul.f32 v16, v9;
	v9 =	vld.idx.msk [tilespmem:v15+s21+$0x0], $0xffff  }
0x318: {  	v16 =	vand.u32 $0x7F, v17;
	v17 =	vadd.s32 s23, v0;
	v15 =	vld.idx.msk [tilespmem:v20+s3+$0x0], $0xffff  }
0x319: {  	s23 =	sadd.s32 $0x5, s31;
	v16 =	vor.u32 v4, v16;
	v20 =	vld.idx.msk [tilespmem:v20+s21+$0x0], $0xffff;
	v7 =	vadd.f32 v8, v7;
	v8 =	vmul.f32 v11, v10  }
0x31a: {  	v11 =	vand.u32 $0x7F, v17;
	v17 =	vadd.s32 s23, v0;
	v10 =	vld.idx.msk [tilespmem:v12+s3+$0x0], $0xffff  }
0x31b: {  	s23 =	sadd.s32 $0x6, s31;
	v22 =	vor.u32 v4, v11;
	v13 =	vmul.f32 v13, v19;
	v21 =	vld.idx.msk [tilespmem:v12+s21+$0x0], $0xffff;
	v8 =	vadd.f32 v8, v7  }
0x31c: {  	v11 =	vand.u32 $0x7F, v17;
	v17 =	vadd.s32 s23, v0;
	v7 =	vld.idx.msk [tilespmem:v14+s3+$0x0], $0xffff  }
0x31d: {  	s23 =	sadd.s32 $0x7, s31;
	s31 =	smov.u32 s0;
	v11 =	vor.u32 v4, v11;
	v9 =	vmul.f32 v9, v18;
	v12 =	vld.idx.msk [tilespmem:v14+s21+$0x0], $0xffff;
	v19 =	vadd.f32 v13, v8  }
.Ltmp17:
0x31e: {  	v13 =	vand.u32 $0x7F, v17;
	v17 =	vadd.s32 s23, v0;
	v8 =	vld.idx.msk [tilespmem:v16+s3+$0x0], $0xffff;
	(pc) =	sbr.rel @p1 .LBB2_28-.Ltmp17, $4  }
0x31f: {  	v15 =	vmul.f32 v20, v15;
	v13 =	vor.u32 v4, v13;
	v14 =	vld.idx.msk [tilespmem:v16+s21+$0x0], $0xffff;
	v16 =	vadd.f32 v9, v19  }
0x320: {  	v20 =	vand.u32 $0x7F, v17;
	v19 =	vadd.s32 s0, v0;
	v9 =	vld.idx.msk [tilespmem:v22+s3+$0x0], $0xffff  }
0x321: {  	s23 =	sadd.s32 $0x1, s0;
	v18 =	vmul.f32 v21, v10;
	v17 =	vadd.f32 v15, v16;
	v16 =	vld.idx.msk [tilespmem:v22+s21+$0x0], $0xffff;
	v15 =	vor.u32 v4, v20  }
0x322: {  	s0 =	sadd.s32 $0x8, s0;
	v20 =	vand.u32 $0x7F, v19;
	v19 =	vadd.s32 s23, v0;
	v10 =	vld.idx.msk [tilespmem:v11+s3+$0x0], $0xffff  }
0x323: {  	_ =	sdelay $0x2  }
0x324: {  	v17 =	vadd.f32 v18, v17;
	v7 =	vmul.f32 v12, v7  }
0x325: {  	v12 =	vor.u32 v4, v20;
	v11 =	vld.idx.msk [tilespmem:v11+s21+$0x0], $0xffff  }
0x326: {  	s0 =	sadd.s32 $0x2, s31;
	v18 =	vand.u32 $0x7F, v19;
	v19 =	vld.idx.msk [tilespmem:v13+s3+$0x0], $0xffff;
	v8 =	vmul.f32 v14, v8;
	v7 =	vadd.f32 v7, v17  }
0x327: {  	v13 =	vld.idx.msk [tilespmem:v13+s21+$0x0], $0xffff;
	v14 =	vadd.s32 s0, v0;
	v17 =	vor.u32 v4, v18  }
0x328: {  	s23 =	sadd.s32 $0x3, s31;
	v14 =	vand.u32 $0x7F, v14;
	v18 =	vld.idx.msk [tilespmem:v15+s3+$0x0], $0xffff;
	v7 =	vadd.f32 v8, v7;
	v8 =	vmul.f32 v16, v9  }
0x329: {  	v15 =	vld.idx.msk [tilespmem:v15+s21+$0x0], $0xffff;
	v14 =	vor.u32 v4, v14;
	v9 =	vadd.s32 s23, v0  }
0x32a: {  	s23 =	sadd.s32 $0x4, s31;
	v16 =	vld.idx.msk [tilespmem:v12+s3+$0x0], $0xffff;
	v9 =	vand.u32 $0x7F, v9;
	v7 =	vadd.f32 v8, v7;
	v8 =	vmul.f32 v11, v10  }
0x32b: {  	v10 =	vadd.s32 s23, v0;
	v11 =	vld.idx.msk [tilespmem:v12+s21+$0x0], $0xffff;
	v9 =	vor.u32 v4, v9  }
0x32c: {  	s23 =	sadd.s32 $0x5, s31;
	v12 =	vld.idx.msk [tilespmem:v17+s3+$0x0], $0xffff;
	v10 =	vand.u32 $0x7F, v10;
	v7 =	vadd.f32 v8, v7;
	v8 =	vmul.f32 v13, v19  }
0x32d: {  	v17 =	vld.idx.msk [tilespmem:v17+s21+$0x0], $0xffff;
	v13 =	vadd.s32 s23, v0;
	v10 =	vor.u32 v4, v10  }
0x32e: {  	s23 =	sadd.s32 $0x6, s31;
	v19 =	vld.idx.msk [tilespmem:v14+s3+$0x0], $0xffff;
	v13 =	vand.u32 $0x7F, v13;
	v7 =	vadd.f32 v8, v7;
	v8 =	vmul.f32 v15, v18  }
0x32f: {  	v14 =	vld.idx.msk [tilespmem:v14+s21+$0x0], $0xffff;
	v15 =	vadd.s32 s23, v0;
	v13 =	vor.u32 v4, v13  }
0x330: {  	v18 =	vld.idx.msk [tilespmem:v9+s3+$0x0], $0xffff;
	v15 =	vand.u32 $0x7F, v15;
	v11 =	vmul.f32 v11, v16;
	v7 =	vadd.f32 v8, v7  }
0x331: {  	s23 =	sadd.s32 $0x7, s31;
	v8 =	vld.idx.msk [tilespmem:v9+s21+$0x0], $0xffff;
	v9 =	vor.u32 v4, v15  }
0x332: {  	v15 =	vadd.s32 s23, v0;
	v16 =	vld.idx.msk [tilespmem:v10+s3+$0x0], $0xffff;
	v7 =	vadd.f32 v11, v7;
	v11 =	vmul.f32 v17, v12  }
0x333: {  	v10 =	vld.idx.msk [tilespmem:v10+s21+$0x0], $0xffff;
	v12 =	vand.u32 $0x7F, v15  }
0x334: {  	v12 =	vor.u32 v4, v12;
	v15 =	vld.idx.msk [tilespmem:v13+s3+$0x0], $0xffff;
	v7 =	vadd.f32 v11, v7;
	v11 =	vmul.f32 v14, v19  }
0x335: {  	v13 =	vld.idx.msk [tilespmem:v13+s21+$0x0], $0xffff  }
0x336: {  	v14 =	vld.idx.msk [tilespmem:v9+s3+$0x0], $0xffff;
	v8 =	vmul.f32 v8, v18;
	v7 =	vadd.f32 v11, v7  }
0x337: {  	v9 =	vld.idx.msk [tilespmem:v9+s21+$0x0], $0xffff  }
0x338: {  	v7 =	vadd.f32 v8, v7;
	v8 =	vmul.f32 v10, v16  }
0x339: {  	v10 =	vld.idx.msk [tilespmem:v12+s3+$0x0], $0xffff  }
0x33a: {  	v11 =	vld.idx.msk [tilespmem:v12+s21+$0x0], $0xffff;
	v7 =	vadd.f32 v8, v7;
	v8 =	vmul.f32 v13, v15;
	_ =	sdelay $0x1  }
0x33b: {  	s23 =	simm.s32 $0x0;
	v7 =	vadd.f32 v8, v7;
	v8 =	vmul.f32 v9, v14  }
0x33c: {  	v9 =	vadd.s32 s23, v0  }
0x33d: {  	s23 =	simm.s32 $0x1;
	v7 =	vadd.f32 v8, v7;
	v8 =	vand.u32 $0x7F, v9  }
0x33e: {  	v9 =	vmul.f32 v11, v10;
	v10 =	vadd.s32 s23, v0;
	v8 =	vor.u32 v5, v8  }
0x33f: {  	s23 =	simm.s32 $0x2;
	v10 =	vand.u32 $0x7F, v10  }
0x340: {  	v7 =	vadd.f32 v9, v7;
	v9 =	vadd.s32 s23, v0;
	v10 =	vor.u32 v5, v10  }
0x341: {  	s23 =	simm.s32 $0x3;
	v9 =	vand.u32 $0x7F, v9  }
0x342: {  	[tilespmem:$0x18330] =	vst v7;
	v7 =	vadd.s32 s23, v0;
	v9 =	vor.u32 v5, v9  }
0x343: {  	s23 =	simm.s32 $0x4;
	v7 =	vand.u32 $0x7F, v7;
	v13 =	vld.idx.msk [tilespmem:v8+s3+$0x0], $0xffff  }
0x344: {  	v11 =	vadd.s32 s23, v0;
	v14 =	vld.idx.msk [tilespmem:v8+s21+$0x0], $0xffff;
	v15 =	vor.u32 v5, v7  }
0x345: {  	s23 =	simm.s32 $0x5;
	v7 =	vand.u32 $0x7F, v11;
	v16 =	vld.idx.msk [tilespmem:v10+s3+$0x0], $0xffff  }
0x346: {  	v8 =	vadd.s32 s23, v0;
	v10 =	vld.idx.msk [tilespmem:v10+s21+$0x0], $0xffff;
	v19 =	vor.u32 v5, v7  }
0x347: {  	s23 =	simm.s32 $0x6;
	v8 =	vand.u32 $0x7F, v8;
	v7 =	vld.idx.msk [tilespmem:v9+s3+$0x0], $0xffff  }
0x348: {  	v11 =	vor.u32 v5, v8;
	v12 =	vld.idx.msk [tilespmem:v9+s21+$0x0], $0xffff;
	v9 =	vadd.s32 s23, v0  }
0x349: {  	s23 =	simm.s32 $0x7;
	v9 =	vand.u32 $0x7F, v9;
	v8 =	vld.idx.msk [tilespmem:v15+s3+$0x0], $0xffff  }
0x34a: {  	s31 =	simm.s32 $0x8;
	v18 =	vmul.f32 v14, v13;
	v14 =	vld.idx.msk [tilespmem:v15+s21+$0x0], $0xffff;
	v15 =	vadd.s32 s23, v0;
	v13 =	vor.u32 v5, v9  }
0x34b: {  	v20 =	vadd.s32 s31, v0;
	v17 =	vimm.f32 $0.0e+00;
	v9 =	vld.idx.msk [tilespmem:v19+s3+$0x0], $0xffff;
	v15 =	vand.u32 $0x7F, v15  }
0x34c: {  	s23 =	simm.s32 $0x9;
	v17 =	vadd.f32 v18, v17;
	v18 =	vmul.f32 v10, v16;
	v16 =	vld.idx.msk [tilespmem:v19+s21+$0x0], $0xffff;
	v15 =	vor.u32 v5, v15  }
0x34d: {  	s0 =	simm.s32 $0x10;
	v20 =	vand.u32 $0x7F, v20;
	v19 =	vadd.s32 s23, v0;
	v10 =	vld.idx.msk [tilespmem:v11+s3+$0x0], $0xffff  }
.LBB2_30:
0x34e: {  	p1 =	slt.u32 s0, $0x78;
	v20 =	vor.u32 v5, v20;
	s23 =	sadd.s32 $0x2, s31;
	v17 =	vadd.f32 v18, v17;
	v7 =	vmul.f32 v12, v7;
	v11 =	vld.idx.msk [tilespmem:v11+s21+$0x0], $0xffff  }
0x34f: {  	v12 =	vand.u32 $0x7F, v19;
	v18 =	vadd.s32 s23, v0;
	v19 =	vld.idx.msk [tilespmem:v13+s3+$0x0], $0xffff  }
0x350: {  	v12 =	vor.u32 v5, v12;
	s23 =	sadd.s32 $0x3, s31;
	v8 =	vmul.f32 v14, v8;
	v7 =	vadd.f32 v7, v17;
	v13 =	vld.idx.msk [tilespmem:v13+s21+$0x0], $0xffff  }
0x351: {  	v14 =	vand.u32 $0x7F, v18;
	v17 =	vadd.s32 s23, v0;
	v18 =	vld.idx.msk [tilespmem:v15+s3+$0x0], $0xffff  }
0x352: {  	s23 =	sadd.s32 $0x4, s31;
	v14 =	vor.u32 v5, v14;
	v7 =	vadd.f32 v8, v7;
	v8 =	vmul.f32 v16, v9;
	v9 =	vld.idx.msk [tilespmem:v15+s21+$0x0], $0xffff  }
0x353: {  	v16 =	vand.u32 $0x7F, v17;
	v17 =	vadd.s32 s23, v0;
	v15 =	vld.idx.msk [tilespmem:v20+s3+$0x0], $0xffff  }
0x354: {  	s23 =	sadd.s32 $0x5, s31;
	v16 =	vor.u32 v5, v16;
	v20 =	vld.idx.msk [tilespmem:v20+s21+$0x0], $0xffff;
	v7 =	vadd.f32 v8, v7;
	v8 =	vmul.f32 v11, v10  }
0x355: {  	v11 =	vand.u32 $0x7F, v17;
	v17 =	vadd.s32 s23, v0;
	v10 =	vld.idx.msk [tilespmem:v12+s3+$0x0], $0xffff  }
0x356: {  	s23 =	sadd.s32 $0x6, s31;
	v22 =	vor.u32 v5, v11;
	v13 =	vmul.f32 v13, v19;
	v21 =	vld.idx.msk [tilespmem:v12+s21+$0x0], $0xffff;
	v8 =	vadd.f32 v8, v7  }
0x357: {  	v11 =	vand.u32 $0x7F, v17;
	v17 =	vadd.s32 s23, v0;
	v7 =	vld.idx.msk [tilespmem:v14+s3+$0x0], $0xffff  }
0x358: {  	s23 =	sadd.s32 $0x7, s31;
	s31 =	smov.u32 s0;
	v11 =	vor.u32 v5, v11;
	v9 =	vmul.f32 v9, v18;
	v12 =	vld.idx.msk [tilespmem:v14+s21+$0x0], $0xffff;
	v19 =	vadd.f32 v13, v8  }
.Ltmp18:
0x359: {  	v13 =	vand.u32 $0x7F, v17;
	v17 =	vadd.s32 s23, v0;
	v8 =	vld.idx.msk [tilespmem:v16+s3+$0x0], $0xffff;
	(pc) =	sbr.rel @p1 .LBB2_30-.Ltmp18, $4  }
0x35a: {  	v15 =	vmul.f32 v20, v15;
	v13 =	vor.u32 v5, v13;
	v14 =	vld.idx.msk [tilespmem:v16+s21+$0x0], $0xffff;
	v16 =	vadd.f32 v9, v19  }
0x35b: {  	v20 =	vand.u32 $0x7F, v17;
	v19 =	vadd.s32 s0, v0;
	v9 =	vld.idx.msk [tilespmem:v22+s3+$0x0], $0xffff  }
0x35c: {  	s23 =	sadd.s32 $0x1, s0;
	v18 =	vmul.f32 v21, v10;
	v17 =	vadd.f32 v15, v16;
	v16 =	vld.idx.msk [tilespmem:v22+s21+$0x0], $0xffff;
	v15 =	vor.u32 v5, v20  }
0x35d: {  	s0 =	sadd.s32 $0x8, s0;
	v20 =	vand.u32 $0x7F, v19;
	v19 =	vadd.s32 s23, v0;
	v10 =	vld.idx.msk [tilespmem:v11+s3+$0x0], $0xffff  }
0x35e: {  	_ =	sdelay $0x2  }
0x35f: {  	v17 =	vadd.f32 v18, v17;
	v7 =	vmul.f32 v12, v7  }
0x360: {  	v12 =	vor.u32 v5, v20;
	v11 =	vld.idx.msk [tilespmem:v11+s21+$0x0], $0xffff  }
0x361: {  	s0 =	sadd.s32 $0x2, s31;
	v18 =	vand.u32 $0x7F, v19;
	v19 =	vld.idx.msk [tilespmem:v13+s3+$0x0], $0xffff;
	v8 =	vmul.f32 v14, v8;
	v7 =	vadd.f32 v7, v17  }
0x362: {  	v13 =	vld.idx.msk [tilespmem:v13+s21+$0x0], $0xffff;
	v14 =	vadd.s32 s0, v0;
	v17 =	vor.u32 v5, v18  }
0x363: {  	s23 =	sadd.s32 $0x3, s31;
	v14 =	vand.u32 $0x7F, v14;
	v18 =	vld.idx.msk [tilespmem:v15+s3+$0x0], $0xffff;
	v7 =	vadd.f32 v8, v7;
	v8 =	vmul.f32 v16, v9  }
0x364: {  	v15 =	vld.idx.msk [tilespmem:v15+s21+$0x0], $0xffff;
	v14 =	vor.u32 v5, v14;
	v9 =	vadd.s32 s23, v0  }
0x365: {  	s23 =	sadd.s32 $0x4, s31;
	v16 =	vld.idx.msk [tilespmem:v12+s3+$0x0], $0xffff;
	v9 =	vand.u32 $0x7F, v9;
	v7 =	vadd.f32 v8, v7;
	v8 =	vmul.f32 v11, v10  }
0x366: {  	v10 =	vadd.s32 s23, v0;
	v11 =	vld.idx.msk [tilespmem:v12+s21+$0x0], $0xffff;
	v9 =	vor.u32 v5, v9  }
0x367: {  	s23 =	sadd.s32 $0x5, s31;
	v12 =	vld.idx.msk [tilespmem:v17+s3+$0x0], $0xffff;
	v10 =	vand.u32 $0x7F, v10;
	v7 =	vadd.f32 v8, v7;
	v8 =	vmul.f32 v13, v19  }
0x368: {  	v17 =	vld.idx.msk [tilespmem:v17+s21+$0x0], $0xffff;
	v13 =	vadd.s32 s23, v0;
	v10 =	vor.u32 v5, v10  }
0x369: {  	s23 =	sadd.s32 $0x6, s31;
	v19 =	vld.idx.msk [tilespmem:v14+s3+$0x0], $0xffff;
	v13 =	vand.u32 $0x7F, v13;
	v7 =	vadd.f32 v8, v7;
	v8 =	vmul.f32 v15, v18  }
0x36a: {  	v14 =	vld.idx.msk [tilespmem:v14+s21+$0x0], $0xffff;
	v15 =	vadd.s32 s23, v0;
	v13 =	vor.u32 v5, v13  }
0x36b: {  	v18 =	vld.idx.msk [tilespmem:v9+s3+$0x0], $0xffff;
	v15 =	vand.u32 $0x7F, v15;
	v11 =	vmul.f32 v11, v16;
	v7 =	vadd.f32 v8, v7  }
0x36c: {  	s23 =	sadd.s32 $0x7, s31;
	v8 =	vld.idx.msk [tilespmem:v9+s21+$0x0], $0xffff;
	v9 =	vor.u32 v5, v15  }
0x36d: {  	v15 =	vadd.s32 s23, v0;
	v16 =	vld.idx.msk [tilespmem:v10+s3+$0x0], $0xffff;
	v7 =	vadd.f32 v11, v7;
	v11 =	vmul.f32 v17, v12  }
0x36e: {  	v10 =	vld.idx.msk [tilespmem:v10+s21+$0x0], $0xffff;
	v12 =	vand.u32 $0x7F, v15  }
0x36f: {  	v12 =	vor.u32 v5, v12;
	v15 =	vld.idx.msk [tilespmem:v13+s3+$0x0], $0xffff;
	v7 =	vadd.f32 v11, v7;
	v11 =	vmul.f32 v14, v19  }
0x370: {  	v13 =	vld.idx.msk [tilespmem:v13+s21+$0x0], $0xffff  }
0x371: {  	v14 =	vld.idx.msk [tilespmem:v9+s3+$0x0], $0xffff;
	v8 =	vmul.f32 v8, v18;
	v7 =	vadd.f32 v11, v7  }
0x372: {  	v9 =	vld.idx.msk [tilespmem:v9+s21+$0x0], $0xffff  }
0x373: {  	v7 =	vadd.f32 v8, v7;
	v8 =	vmul.f32 v10, v16  }
0x374: {  	v10 =	vld.idx.msk [tilespmem:v12+s3+$0x0], $0xffff  }
0x375: {  	v11 =	vld.idx.msk [tilespmem:v12+s21+$0x0], $0xffff;
	v7 =	vadd.f32 v8, v7;
	v8 =	vmul.f32 v13, v15;
	_ =	sdelay $0x1  }
0x376: {  	s23 =	simm.s32 $0x0;
	v7 =	vadd.f32 v8, v7;
	v8 =	vmul.f32 v9, v14  }
0x377: {  	v9 =	vadd.s32 s23, v0  }
0x378: {  	s23 =	simm.s32 $0x1;
	v7 =	vadd.f32 v8, v7;
	v8 =	vand.u32 $0x7F, v9  }
0x379: {  	v9 =	vmul.f32 v11, v10;
	v10 =	vadd.s32 s23, v0;
	v8 =	vor.u32 v6, v8  }
0x37a: {  	s23 =	simm.s32 $0x2;
	v10 =	vand.u32 $0x7F, v10  }
0x37b: {  	v7 =	vadd.f32 v9, v7;
	v9 =	vadd.s32 s23, v0;
	v10 =	vor.u32 v6, v10  }
0x37c: {  	s23 =	simm.s32 $0x3;
	v9 =	vand.u32 $0x7F, v9  }
0x37d: {  	[tilespmem:$0x18340] =	vst v7;
	v7 =	vadd.s32 s23, v0;
	v9 =	vor.u32 v6, v9  }
0x37e: {  	s23 =	simm.s32 $0x4;
	v7 =	vand.u32 $0x7F, v7;
	v13 =	vld.idx.msk [tilespmem:v8+s3+$0x0], $0xffff  }
0x37f: {  	v11 =	vadd.s32 s23, v0;
	v14 =	vld.idx.msk [tilespmem:v8+s21+$0x0], $0xffff;
	v15 =	vor.u32 v6, v7  }
0x380: {  	s23 =	simm.s32 $0x5;
	v7 =	vand.u32 $0x7F, v11;
	v16 =	vld.idx.msk [tilespmem:v10+s3+$0x0], $0xffff  }
0x381: {  	v8 =	vadd.s32 s23, v0;
	v10 =	vld.idx.msk [tilespmem:v10+s21+$0x0], $0xffff;
	v19 =	vor.u32 v6, v7  }
0x382: {  	s23 =	simm.s32 $0x6;
	v8 =	vand.u32 $0x7F, v8;
	v7 =	vld.idx.msk [tilespmem:v9+s3+$0x0], $0xffff  }
0x383: {  	v11 =	vor.u32 v6, v8;
	v12 =	vld.idx.msk [tilespmem:v9+s21+$0x0], $0xffff;
	v9 =	vadd.s32 s23, v0  }
0x384: {  	s23 =	simm.s32 $0x7;
	v9 =	vand.u32 $0x7F, v9;
	v8 =	vld.idx.msk [tilespmem:v15+s3+$0x0], $0xffff  }
0x385: {  	s31 =	simm.s32 $0x8;
	v18 =	vmul.f32 v14, v13;
	v14 =	vld.idx.msk [tilespmem:v15+s21+$0x0], $0xffff;
	v15 =	vadd.s32 s23, v0;
	v13 =	vor.u32 v6, v9  }
0x386: {  	v20 =	vadd.s32 s31, v0;
	v17 =	vimm.f32 $0.0e+00;
	v9 =	vld.idx.msk [tilespmem:v19+s3+$0x0], $0xffff;
	v15 =	vand.u32 $0x7F, v15  }
0x387: {  	s23 =	simm.s32 $0x9;
	v17 =	vadd.f32 v18, v17;
	v18 =	vmul.f32 v10, v16;
	v16 =	vld.idx.msk [tilespmem:v19+s21+$0x0], $0xffff;
	v15 =	vor.u32 v6, v15  }
0x388: {  	s0 =	simm.s32 $0x10;
	v20 =	vand.u32 $0x7F, v20;
	v19 =	vadd.s32 s23, v0;
	v10 =	vld.idx.msk [tilespmem:v11+s3+$0x0], $0xffff  }
.LBB2_32:
0x389: {  	p1 =	slt.u32 s0, $0x78;
	v20 =	vor.u32 v6, v20;
	s23 =	sadd.s32 $0x2, s31;
	v17 =	vadd.f32 v18, v17;
	v7 =	vmul.f32 v12, v7;
	v11 =	vld.idx.msk [tilespmem:v11+s21+$0x0], $0xffff  }
0x38a: {  	v12 =	vand.u32 $0x7F, v19;
	v18 =	vadd.s32 s23, v0;
	v19 =	vld.idx.msk [tilespmem:v13+s3+$0x0], $0xffff  }
0x38b: {  	v12 =	vor.u32 v6, v12;
	s23 =	sadd.s32 $0x3, s31;
	v8 =	vmul.f32 v14, v8;
	v7 =	vadd.f32 v7, v17;
	v13 =	vld.idx.msk [tilespmem:v13+s21+$0x0], $0xffff  }
0x38c: {  	v14 =	vand.u32 $0x7F, v18;
	v17 =	vadd.s32 s23, v0;
	v18 =	vld.idx.msk [tilespmem:v15+s3+$0x0], $0xffff  }
0x38d: {  	s23 =	sadd.s32 $0x4, s31;
	v14 =	vor.u32 v6, v14;
	v7 =	vadd.f32 v8, v7;
	v8 =	vmul.f32 v16, v9;
	v9 =	vld.idx.msk [tilespmem:v15+s21+$0x0], $0xffff  }
0x38e: {  	v16 =	vand.u32 $0x7F, v17;
	v17 =	vadd.s32 s23, v0;
	v15 =	vld.idx.msk [tilespmem:v20+s3+$0x0], $0xffff  }
0x38f: {  	s23 =	sadd.s32 $0x5, s31;
	v16 =	vor.u32 v6, v16;
	v20 =	vld.idx.msk [tilespmem:v20+s21+$0x0], $0xffff;
	v7 =	vadd.f32 v8, v7;
	v8 =	vmul.f32 v11, v10  }
0x390: {  	v11 =	vand.u32 $0x7F, v17;
	v17 =	vadd.s32 s23, v0;
	v10 =	vld.idx.msk [tilespmem:v12+s3+$0x0], $0xffff  }
0x391: {  	s23 =	sadd.s32 $0x6, s31;
	v22 =	vor.u32 v6, v11;
	v13 =	vmul.f32 v13, v19;
	v21 =	vld.idx.msk [tilespmem:v12+s21+$0x0], $0xffff;
	v8 =	vadd.f32 v8, v7  }
0x392: {  	v11 =	vand.u32 $0x7F, v17;
	v17 =	vadd.s32 s23, v0;
	v7 =	vld.idx.msk [tilespmem:v14+s3+$0x0], $0xffff  }
0x393: {  	s23 =	sadd.s32 $0x7, s31;
	s31 =	smov.u32 s0;
	v11 =	vor.u32 v6, v11;
	v9 =	vmul.f32 v9, v18;
	v12 =	vld.idx.msk [tilespmem:v14+s21+$0x0], $0xffff;
	v19 =	vadd.f32 v13, v8  }
.Ltmp19:
0x394: {  	v13 =	vand.u32 $0x7F, v17;
	v17 =	vadd.s32 s23, v0;
	v8 =	vld.idx.msk [tilespmem:v16+s3+$0x0], $0xffff;
	(pc) =	sbr.rel @p1 .LBB2_32-.Ltmp19, $4  }
0x395: {  	v15 =	vmul.f32 v20, v15;
	v13 =	vor.u32 v6, v13;
	v14 =	vld.idx.msk [tilespmem:v16+s21+$0x0], $0xffff;
	v16 =	vadd.f32 v9, v19  }
0x396: {  	v20 =	vand.u32 $0x7F, v17;
	v19 =	vadd.s32 s0, v0;
	v9 =	vld.idx.msk [tilespmem:v22+s3+$0x0], $0xffff  }
0x397: {  	s23 =	sadd.s32 $0x1, s0;
	v18 =	vmul.f32 v21, v10;
	v17 =	vadd.f32 v15, v16;
	v16 =	vld.idx.msk [tilespmem:v22+s21+$0x0], $0xffff;
	v15 =	vor.u32 v6, v20  }
0x398: {  	s0 =	sadd.s32 $0x8, s0;
	v20 =	vand.u32 $0x7F, v19;
	v19 =	vadd.s32 s23, v0;
	v10 =	vld.idx.msk [tilespmem:v11+s3+$0x0], $0xffff  }
0x399: {  	_ =	sdelay $0x2  }
0x39a: {  	v17 =	vadd.f32 v18, v17;
	v7 =	vmul.f32 v12, v7  }
0x39b: {  	v12 =	vor.u32 v6, v20;
	v11 =	vld.idx.msk [tilespmem:v11+s21+$0x0], $0xffff  }
0x39c: {  	s0 =	sadd.s32 $0x2, s31;
	v18 =	vand.u32 $0x7F, v19;
	v19 =	vld.idx.msk [tilespmem:v13+s3+$0x0], $0xffff;
	v8 =	vmul.f32 v14, v8;
	v7 =	vadd.f32 v7, v17  }
0x39d: {  	v13 =	vld.idx.msk [tilespmem:v13+s21+$0x0], $0xffff;
	v14 =	vadd.s32 s0, v0;
	v17 =	vor.u32 v6, v18  }
0x39e: {  	s23 =	sadd.s32 $0x3, s31;
	v14 =	vand.u32 $0x7F, v14;
	v18 =	vld.idx.msk [tilespmem:v15+s3+$0x0], $0xffff;
	v7 =	vadd.f32 v8, v7;
	v8 =	vmul.f32 v16, v9  }
0x39f: {  	v15 =	vld.idx.msk [tilespmem:v15+s21+$0x0], $0xffff;
	v14 =	vor.u32 v6, v14;
	v9 =	vadd.s32 s23, v0  }
0x3a0: {  	s23 =	sadd.s32 $0x4, s31;
	v16 =	vld.idx.msk [tilespmem:v12+s3+$0x0], $0xffff;
	v9 =	vand.u32 $0x7F, v9;
	v7 =	vadd.f32 v8, v7;
	v8 =	vmul.f32 v11, v10  }
0x3a1: {  	v10 =	vadd.s32 s23, v0;
	v11 =	vld.idx.msk [tilespmem:v12+s21+$0x0], $0xffff;
	v9 =	vor.u32 v6, v9  }
0x3a2: {  	s23 =	sadd.s32 $0x5, s31;
	v12 =	vld.idx.msk [tilespmem:v17+s3+$0x0], $0xffff;
	v10 =	vand.u32 $0x7F, v10;
	v7 =	vadd.f32 v8, v7;
	v8 =	vmul.f32 v13, v19  }
0x3a3: {  	v17 =	vld.idx.msk [tilespmem:v17+s21+$0x0], $0xffff;
	v13 =	vadd.s32 s23, v0;
	v10 =	vor.u32 v6, v10  }
0x3a4: {  	s23 =	sadd.s32 $0x6, s31;
	v19 =	vld.idx.msk [tilespmem:v14+s3+$0x0], $0xffff;
	v13 =	vand.u32 $0x7F, v13;
	v7 =	vadd.f32 v8, v7;
	v8 =	vmul.f32 v15, v18  }
0x3a5: {  	v14 =	vld.idx.msk [tilespmem:v14+s21+$0x0], $0xffff;
	v15 =	vadd.s32 s23, v0;
	v13 =	vor.u32 v6, v13  }
0x3a6: {  	v18 =	vld.idx.msk [tilespmem:v9+s3+$0x0], $0xffff;
	v15 =	vand.u32 $0x7F, v15;
	v11 =	vmul.f32 v11, v16;
	v7 =	vadd.f32 v8, v7  }
0x3a7: {  	s23 =	sadd.s32 $0x7, s31;
	v8 =	vld.idx.msk [tilespmem:v9+s21+$0x0], $0xffff;
	v9 =	vor.u32 v6, v15  }
0x3a8: {  	v15 =	vadd.s32 s23, v0;
	v16 =	vld.idx.msk [tilespmem:v10+s3+$0x0], $0xffff;
	v7 =	vadd.f32 v11, v7;
	v11 =	vmul.f32 v17, v12  }
0x3a9: {  	v10 =	vld.idx.msk [tilespmem:v10+s21+$0x0], $0xffff;
	v12 =	vand.u32 $0x7F, v15  }
0x3aa: {  	v12 =	vor.u32 v6, v12;
	v15 =	vld.idx.msk [tilespmem:v13+s3+$0x0], $0xffff;
	v7 =	vadd.f32 v11, v7;
	v11 =	vmul.f32 v14, v19  }
0x3ab: {  	v13 =	vld.idx.msk [tilespmem:v13+s21+$0x0], $0xffff  }
0x3ac: {  	v14 =	vld.idx.msk [tilespmem:v9+s3+$0x0], $0xffff;
	v8 =	vmul.f32 v8, v18;
	v7 =	vadd.f32 v11, v7  }
0x3ad: {  	v9 =	vld.idx.msk [tilespmem:v9+s21+$0x0], $0xffff  }
0x3ae: {  	v7 =	vadd.f32 v8, v7;
	v8 =	vmul.f32 v10, v16  }
0x3af: {  	v10 =	vld.idx.msk [tilespmem:v12+s3+$0x0], $0xffff  }
0x3b0: {  	v11 =	vld.idx.msk [tilespmem:v12+s21+$0x0], $0xffff;
	v7 =	vadd.f32 v8, v7;
	v8 =	vmul.f32 v13, v15;
	_ =	sdelay $0x1  }
0x3b1: {  	s23 =	simm.s32 $0x0;
	v7 =	vadd.f32 v8, v7;
	v8 =	vmul.f32 v9, v14  }
0x3b2: {  	v9 =	vadd.s32 s23, v0  }
0x3b3: {  	s23 =	simm.s32 $0x1;
	v9 =	vand.u32 $0x7F, v9;
	v8 =	vadd.f32 v8, v7;
	v7 =	vor.u32 $0x3000, v1  }
0x3b4: {  	v10 =	vmul.f32 v11, v10;
	v11 =	vadd.s32 s23, v0;
	v9 =	vor.u32 v7, v9  }
0x3b5: {  	s23 =	simm.s32 $0x2;
	v11 =	vand.u32 $0x7F, v11  }
0x3b6: {  	v11 =	vor.u32 v7, v11;
	v8 =	vadd.f32 v10, v8;
	v10 =	vadd.s32 s23, v0  }
0x3b7: {  	s23 =	simm.s32 $0x3;
	v10 =	vand.u32 $0x7F, v10  }
0x3b8: {  	[tilespmem:$0x18350] =	vst v8;
	v8 =	vadd.s32 s23, v0;
	v10 =	vor.u32 v7, v10  }
0x3b9: {  	s23 =	simm.s32 $0x4;
	v8 =	vand.u32 $0x7F, v8;
	v14 =	vld.idx.msk [tilespmem:v9+s3+$0x0], $0xffff  }
0x3ba: {  	v12 =	vadd.s32 s23, v0;
	v15 =	vld.idx.msk [tilespmem:v9+s21+$0x0], $0xffff;
	v16 =	vor.u32 v7, v8  }
0x3bb: {  	s23 =	simm.s32 $0x5;
	v17 =	vld.idx.msk [tilespmem:v11+s3+$0x0], $0xffff;
	v8 =	vand.u32 $0x7F, v12  }
0x3bc: {  	v9 =	vadd.s32 s23, v0;
	v11 =	vld.idx.msk [tilespmem:v11+s21+$0x0], $0xffff;
	v20 =	vor.u32 v7, v8  }
0x3bd: {  	s23 =	simm.s32 $0x6;
	v9 =	vand.u32 $0x7F, v9;
	v8 =	vld.idx.msk [tilespmem:v10+s3+$0x0], $0xffff  }
0x3be: {  	v12 =	vor.u32 v7, v9;
	v13 =	vld.idx.msk [tilespmem:v10+s21+$0x0], $0xffff;
	v10 =	vadd.s32 s23, v0  }
0x3bf: {  	s23 =	simm.s32 $0x7;
	v10 =	vand.u32 $0x7F, v10;
	v9 =	vld.idx.msk [tilespmem:v16+s3+$0x0], $0xffff  }
0x3c0: {  	s31 =	simm.s32 $0x8;
	v19 =	vmul.f32 v15, v14;
	v15 =	vld.idx.msk [tilespmem:v16+s21+$0x0], $0xffff;
	v16 =	vadd.s32 s23, v0;
	v14 =	vor.u32 v7, v10  }
0x3c1: {  	v21 =	vadd.s32 s31, v0;
	v18 =	vimm.f32 $0.0e+00;
	v10 =	vld.idx.msk [tilespmem:v20+s3+$0x0], $0xffff;
	v16 =	vand.u32 $0x7F, v16  }
0x3c2: {  	s23 =	simm.s32 $0x9;
	v18 =	vadd.f32 v19, v18;
	v19 =	vmul.f32 v11, v17;
	v17 =	vld.idx.msk [tilespmem:v20+s21+$0x0], $0xffff;
	v16 =	vor.u32 v7, v16  }
0x3c3: {  	s0 =	simm.s32 $0x10;
	v21 =	vand.u32 $0x7F, v21;
	v20 =	vadd.s32 s23, v0;
	v11 =	vld.idx.msk [tilespmem:v12+s3+$0x0], $0xffff  }
.LBB2_34:
0x3c4: {  	p1 =	slt.u32 s0, $0x78;
	v21 =	vor.u32 v7, v21;
	s23 =	sadd.s32 $0x2, s31;
	v18 =	vadd.f32 v19, v18;
	v8 =	vmul.f32 v13, v8;
	v12 =	vld.idx.msk [tilespmem:v12+s21+$0x0], $0xffff  }
0x3c5: {  	v13 =	vand.u32 $0x7F, v20;
	v19 =	vadd.s32 s23, v0;
	v20 =	vld.idx.msk [tilespmem:v14+s3+$0x0], $0xffff  }
0x3c6: {  	v13 =	vor.u32 v7, v13;
	s23 =	sadd.s32 $0x3, s31;
	v9 =	vmul.f32 v15, v9;
	v8 =	vadd.f32 v8, v18;
	v14 =	vld.idx.msk [tilespmem:v14+s21+$0x0], $0xffff  }
0x3c7: {  	v15 =	vand.u32 $0x7F, v19;
	v18 =	vadd.s32 s23, v0;
	v19 =	vld.idx.msk [tilespmem:v16+s3+$0x0], $0xffff  }
0x3c8: {  	s23 =	sadd.s32 $0x4, s31;
	v15 =	vor.u32 v7, v15;
	v8 =	vadd.f32 v9, v8;
	v9 =	vmul.f32 v17, v10;
	v10 =	vld.idx.msk [tilespmem:v16+s21+$0x0], $0xffff  }
0x3c9: {  	v17 =	vand.u32 $0x7F, v18;
	v18 =	vadd.s32 s23, v0;
	v16 =	vld.idx.msk [tilespmem:v21+s3+$0x0], $0xffff  }
0x3ca: {  	s23 =	sadd.s32 $0x5, s31;
	v17 =	vor.u32 v7, v17;
	v21 =	vld.idx.msk [tilespmem:v21+s21+$0x0], $0xffff;
	v8 =	vadd.f32 v9, v8;
	v9 =	vmul.f32 v12, v11  }
0x3cb: {  	v12 =	vand.u32 $0x7F, v18;
	v18 =	vadd.s32 s23, v0;
	v11 =	vld.idx.msk [tilespmem:v13+s3+$0x0], $0xffff  }
0x3cc: {  	s23 =	sadd.s32 $0x6, s31;
	v23 =	vor.u32 v7, v12;
	v14 =	vmul.f32 v14, v20;
	v22 =	vld.idx.msk [tilespmem:v13+s21+$0x0], $0xffff;
	v9 =	vadd.f32 v9, v8  }
0x3cd: {  	v12 =	vand.u32 $0x7F, v18;
	v18 =	vadd.s32 s23, v0;
	v8 =	vld.idx.msk [tilespmem:v15+s3+$0x0], $0xffff  }
0x3ce: {  	s23 =	sadd.s32 $0x7, s31;
	s31 =	smov.u32 s0;
	v12 =	vor.u32 v7, v12;
	v10 =	vmul.f32 v10, v19;
	v13 =	vld.idx.msk [tilespmem:v15+s21+$0x0], $0xffff;
	v20 =	vadd.f32 v14, v9  }
.Ltmp20:
0x3cf: {  	v14 =	vand.u32 $0x7F, v18;
	v18 =	vadd.s32 s23, v0;
	v9 =	vld.idx.msk [tilespmem:v17+s3+$0x0], $0xffff;
	(pc) =	sbr.rel @p1 .LBB2_34-.Ltmp20, $4  }
0x3d0: {  	v16 =	vmul.f32 v21, v16;
	v14 =	vor.u32 v7, v14;
	v15 =	vld.idx.msk [tilespmem:v17+s21+$0x0], $0xffff;
	v17 =	vadd.f32 v10, v20  }
0x3d1: {  	v21 =	vand.u32 $0x7F, v18;
	v20 =	vadd.s32 s0, v0;
	v10 =	vld.idx.msk [tilespmem:v23+s3+$0x0], $0xffff  }
0x3d2: {  	s23 =	sadd.s32 $0x1, s0;
	v19 =	vmul.f32 v22, v11;
	v18 =	vadd.f32 v16, v17;
	v17 =	vld.idx.msk [tilespmem:v23+s21+$0x0], $0xffff;
	v16 =	vor.u32 v7, v21  }
0x3d3: {  	s0 =	sadd.s32 $0x8, s0;
	v21 =	vand.u32 $0x7F, v20;
	v20 =	vadd.s32 s23, v0;
	v11 =	vld.idx.msk [tilespmem:v12+s3+$0x0], $0xffff  }
0x3d4: {  	_ =	sdelay $0x2  }
0x3d5: {  	v18 =	vadd.f32 v19, v18;
	v8 =	vmul.f32 v13, v8  }
0x3d6: {  	v13 =	vor.u32 v7, v21;
	v12 =	vld.idx.msk [tilespmem:v12+s21+$0x0], $0xffff  }
0x3d7: {  	s0 =	sadd.s32 $0x2, s31;
	v19 =	vand.u32 $0x7F, v20;
	v20 =	vld.idx.msk [tilespmem:v14+s3+$0x0], $0xffff;
	v9 =	vmul.f32 v15, v9;
	v8 =	vadd.f32 v8, v18  }
0x3d8: {  	v14 =	vld.idx.msk [tilespmem:v14+s21+$0x0], $0xffff;
	v15 =	vadd.s32 s0, v0;
	v18 =	vor.u32 v7, v19  }
0x3d9: {  	s23 =	sadd.s32 $0x3, s31;
	v15 =	vand.u32 $0x7F, v15;
	v19 =	vld.idx.msk [tilespmem:v16+s3+$0x0], $0xffff;
	v8 =	vadd.f32 v9, v8;
	v9 =	vmul.f32 v17, v10  }
0x3da: {  	v16 =	vld.idx.msk [tilespmem:v16+s21+$0x0], $0xffff;
	v15 =	vor.u32 v7, v15;
	v10 =	vadd.s32 s23, v0  }
0x3db: {  	s23 =	sadd.s32 $0x4, s31;
	v17 =	vld.idx.msk [tilespmem:v13+s3+$0x0], $0xffff;
	v10 =	vand.u32 $0x7F, v10;
	v8 =	vadd.f32 v9, v8;
	v9 =	vmul.f32 v12, v11  }
0x3dc: {  	v11 =	vadd.s32 s23, v0;
	v12 =	vld.idx.msk [tilespmem:v13+s21+$0x0], $0xffff;
	v10 =	vor.u32 v7, v10  }
0x3dd: {  	s23 =	sadd.s32 $0x5, s31;
	v13 =	vld.idx.msk [tilespmem:v18+s3+$0x0], $0xffff;
	v11 =	vand.u32 $0x7F, v11;
	v8 =	vadd.f32 v9, v8;
	v9 =	vmul.f32 v14, v20  }
0x3de: {  	v18 =	vld.idx.msk [tilespmem:v18+s21+$0x0], $0xffff;
	v14 =	vadd.s32 s23, v0;
	v11 =	vor.u32 v7, v11  }
0x3df: {  	s23 =	sadd.s32 $0x6, s31;
	v20 =	vld.idx.msk [tilespmem:v15+s3+$0x0], $0xffff;
	v14 =	vand.u32 $0x7F, v14;
	v8 =	vadd.f32 v9, v8;
	v9 =	vmul.f32 v16, v19  }
0x3e0: {  	v15 =	vld.idx.msk [tilespmem:v15+s21+$0x0], $0xffff;
	v16 =	vadd.s32 s23, v0;
	v14 =	vor.u32 v7, v14  }
0x3e1: {  	v19 =	vld.idx.msk [tilespmem:v10+s3+$0x0], $0xffff;
	v16 =	vand.u32 $0x7F, v16;
	v12 =	vmul.f32 v12, v17;
	v8 =	vadd.f32 v9, v8  }
0x3e2: {  	s23 =	sadd.s32 $0x7, s31;
	v9 =	vld.idx.msk [tilespmem:v10+s21+$0x0], $0xffff;
	v10 =	vor.u32 v7, v16  }
0x3e3: {  	v16 =	vadd.s32 s23, v0;
	v17 =	vld.idx.msk [tilespmem:v11+s3+$0x0], $0xffff;
	v8 =	vadd.f32 v12, v8;
	v12 =	vmul.f32 v18, v13  }
0x3e4: {  	v11 =	vld.idx.msk [tilespmem:v11+s21+$0x0], $0xffff;
	v13 =	vand.u32 $0x7F, v16  }
0x3e5: {  	v7 =	vor.u32 v7, v13;
	v13 =	vld.idx.msk [tilespmem:v14+s3+$0x0], $0xffff;
	v8 =	vadd.f32 v12, v8;
	v12 =	vmul.f32 v15, v20  }
0x3e6: {  	v14 =	vld.idx.msk [tilespmem:v14+s21+$0x0], $0xffff  }
0x3e7: {  	v15 =	vld.idx.msk [tilespmem:v10+s3+$0x0], $0xffff;
	v9 =	vmul.f32 v9, v19;
	v8 =	vadd.f32 v12, v8  }
0x3e8: {  	v10 =	vld.idx.msk [tilespmem:v10+s21+$0x0], $0xffff  }
0x3e9: {  	v8 =	vadd.f32 v9, v8;
	v9 =	vmul.f32 v11, v17  }
0x3ea: {  	v11 =	vld.idx.msk [tilespmem:v7+s3+$0x0], $0xffff  }
0x3eb: {  	v12 =	vld.idx.msk [tilespmem:v7+s21+$0x0], $0xffff;
	v7 =	vadd.f32 v9, v8;
	v8 =	vmul.f32 v14, v13;
	_ =	sdelay $0x1  }
0x3ec: {  	s23 =	simm.s32 $0x0;
	v7 =	vadd.f32 v8, v7;
	v8 =	vmul.f32 v10, v15  }
0x3ed: {  	v9 =	vadd.s32 s23, v0  }
0x3ee: {  	s23 =	simm.s32 $0x1;
	v9 =	vand.u32 $0x7F, v9;
	v8 =	vadd.f32 v8, v7;
	v7 =	vor.u32 $0x3800, v1  }
0x3ef: {  	v10 =	vmul.f32 v12, v11;
	v11 =	vadd.s32 s23, v0;
	v9 =	vor.u32 v7, v9  }
0x3f0: {  	s23 =	simm.s32 $0x2;
	v11 =	vand.u32 $0x7F, v11  }
0x3f1: {  	v11 =	vor.u32 v7, v11;
	v8 =	vadd.f32 v10, v8;
	v10 =	vadd.s32 s23, v0  }
0x3f2: {  	s23 =	simm.s32 $0x3;
	v10 =	vand.u32 $0x7F, v10  }
0x3f3: {  	[tilespmem:$0x18360] =	vst v8;
	v8 =	vadd.s32 s23, v0;
	v10 =	vor.u32 v7, v10  }
0x3f4: {  	s23 =	simm.s32 $0x4;
	v8 =	vand.u32 $0x7F, v8;
	v14 =	vld.idx.msk [tilespmem:v9+s3+$0x0], $0xffff  }
0x3f5: {  	v12 =	vadd.s32 s23, v0;
	v15 =	vld.idx.msk [tilespmem:v9+s21+$0x0], $0xffff;
	v16 =	vor.u32 v7, v8  }
0x3f6: {  	s23 =	simm.s32 $0x5;
	v17 =	vld.idx.msk [tilespmem:v11+s3+$0x0], $0xffff;
	v8 =	vand.u32 $0x7F, v12  }
0x3f7: {  	v9 =	vadd.s32 s23, v0;
	v11 =	vld.idx.msk [tilespmem:v11+s21+$0x0], $0xffff;
	v20 =	vor.u32 v7, v8  }
0x3f8: {  	s23 =	simm.s32 $0x6;
	v9 =	vand.u32 $0x7F, v9;
	v8 =	vld.idx.msk [tilespmem:v10+s3+$0x0], $0xffff  }
0x3f9: {  	v12 =	vor.u32 v7, v9;
	v13 =	vld.idx.msk [tilespmem:v10+s21+$0x0], $0xffff;
	v10 =	vadd.s32 s23, v0  }
0x3fa: {  	s23 =	simm.s32 $0x7;
	v10 =	vand.u32 $0x7F, v10;
	v9 =	vld.idx.msk [tilespmem:v16+s3+$0x0], $0xffff  }
0x3fb: {  	s31 =	simm.s32 $0x8;
	v19 =	vmul.f32 v15, v14;
	v15 =	vld.idx.msk [tilespmem:v16+s21+$0x0], $0xffff;
	v16 =	vadd.s32 s23, v0;
	v14 =	vor.u32 v7, v10  }
0x3fc: {  	v21 =	vadd.s32 s31, v0;
	v18 =	vimm.f32 $0.0e+00;
	v10 =	vld.idx.msk [tilespmem:v20+s3+$0x0], $0xffff;
	v16 =	vand.u32 $0x7F, v16  }
0x3fd: {  	s23 =	simm.s32 $0x9;
	v18 =	vadd.f32 v19, v18;
	v19 =	vmul.f32 v11, v17;
	v17 =	vld.idx.msk [tilespmem:v20+s21+$0x0], $0xffff;
	v16 =	vor.u32 v7, v16  }
0x3fe: {  	s0 =	simm.s32 $0x10;
	v21 =	vand.u32 $0x7F, v21;
	v20 =	vadd.s32 s23, v0;
	v11 =	vld.idx.msk [tilespmem:v12+s3+$0x0], $0xffff  }
.LBB2_36:
0x3ff: {  	p1 =	slt.u32 s0, $0x78;
	v21 =	vor.u32 v7, v21;
	s23 =	sadd.s32 $0x2, s31;
	v18 =	vadd.f32 v19, v18;
	v8 =	vmul.f32 v13, v8;
	v12 =	vld.idx.msk [tilespmem:v12+s21+$0x0], $0xffff  }
0x400: {  	v13 =	vand.u32 $0x7F, v20;
	v19 =	vadd.s32 s23, v0;
	v20 =	vld.idx.msk [tilespmem:v14+s3+$0x0], $0xffff  }
0x401: {  	v13 =	vor.u32 v7, v13;
	s23 =	sadd.s32 $0x3, s31;
	v9 =	vmul.f32 v15, v9;
	v8 =	vadd.f32 v8, v18;
	v14 =	vld.idx.msk [tilespmem:v14+s21+$0x0], $0xffff  }
0x402: {  	v15 =	vand.u32 $0x7F, v19;
	v18 =	vadd.s32 s23, v0;
	v19 =	vld.idx.msk [tilespmem:v16+s3+$0x0], $0xffff  }
0x403: {  	s23 =	sadd.s32 $0x4, s31;
	v15 =	vor.u32 v7, v15;
	v8 =	vadd.f32 v9, v8;
	v9 =	vmul.f32 v17, v10;
	v10 =	vld.idx.msk [tilespmem:v16+s21+$0x0], $0xffff  }
0x404: {  	v17 =	vand.u32 $0x7F, v18;
	v18 =	vadd.s32 s23, v0;
	v16 =	vld.idx.msk [tilespmem:v21+s3+$0x0], $0xffff  }
0x405: {  	s23 =	sadd.s32 $0x5, s31;
	v17 =	vor.u32 v7, v17;
	v21 =	vld.idx.msk [tilespmem:v21+s21+$0x0], $0xffff;
	v8 =	vadd.f32 v9, v8;
	v9 =	vmul.f32 v12, v11  }
0x406: {  	v12 =	vand.u32 $0x7F, v18;
	v18 =	vadd.s32 s23, v0;
	v11 =	vld.idx.msk [tilespmem:v13+s3+$0x0], $0xffff  }
0x407: {  	s23 =	sadd.s32 $0x6, s31;
	v23 =	vor.u32 v7, v12;
	v14 =	vmul.f32 v14, v20;
	v22 =	vld.idx.msk [tilespmem:v13+s21+$0x0], $0xffff;
	v9 =	vadd.f32 v9, v8  }
0x408: {  	v12 =	vand.u32 $0x7F, v18;
	v18 =	vadd.s32 s23, v0;
	v8 =	vld.idx.msk [tilespmem:v15+s3+$0x0], $0xffff  }
0x409: {  	s23 =	sadd.s32 $0x7, s31;
	s31 =	smov.u32 s0;
	v12 =	vor.u32 v7, v12;
	v10 =	vmul.f32 v10, v19;
	v13 =	vld.idx.msk [tilespmem:v15+s21+$0x0], $0xffff;
	v20 =	vadd.f32 v14, v9  }
.Ltmp21:
0x40a: {  	v14 =	vand.u32 $0x7F, v18;
	v18 =	vadd.s32 s23, v0;
	v9 =	vld.idx.msk [tilespmem:v17+s3+$0x0], $0xffff;
	(pc) =	sbr.rel @p1 .LBB2_36-.Ltmp21, $4  }
0x40b: {  	v16 =	vmul.f32 v21, v16;
	v14 =	vor.u32 v7, v14;
	v15 =	vld.idx.msk [tilespmem:v17+s21+$0x0], $0xffff;
	v17 =	vadd.f32 v10, v20  }
0x40c: {  	v21 =	vand.u32 $0x7F, v18;
	v20 =	vadd.s32 s0, v0;
	v10 =	vld.idx.msk [tilespmem:v23+s3+$0x0], $0xffff  }
0x40d: {  	s23 =	sadd.s32 $0x1, s0;
	v19 =	vmul.f32 v22, v11;
	v18 =	vadd.f32 v16, v17;
	v17 =	vld.idx.msk [tilespmem:v23+s21+$0x0], $0xffff;
	v16 =	vor.u32 v7, v21  }
0x40e: {  	s0 =	sadd.s32 $0x8, s0;
	v21 =	vand.u32 $0x7F, v20;
	v20 =	vadd.s32 s23, v0;
	v11 =	vld.idx.msk [tilespmem:v12+s3+$0x0], $0xffff  }
0x40f: {  	_ =	sdelay $0x2  }
0x410: {  	v18 =	vadd.f32 v19, v18;
	v8 =	vmul.f32 v13, v8  }
0x411: {  	v32 =	vor.u32 v7, v21;
	v12 =	vld.idx.msk [tilespmem:v12+s21+$0x0], $0xffff  }
0x412: {  	s0 =	sadd.s32 $0x2, s31;
	v33 =	vand.u32 $0x7F, v20;
	v34 =	vld.idx.msk [tilespmem:v14+s3+$0x0], $0xffff;
	v9 =	vmul.f32 v15, v9;
	v8 =	vadd.f32 v8, v18  }
0x413: {  	v37 =	vld.idx.msk [tilespmem:v14+s21+$0x0], $0xffff;
	v35 =	vadd.s32 s0, v0;
	v36 =	vor.u32 v7, v33  }
0x414: {  	s23 =	sadd.s32 $0x3, s31;
	v38 =	vld.idx.msk [tilespmem:v16+s3+$0x0], $0xffff;
	v15 =	vand.u32 $0x7F, v35;
	v39 =	vmul.f32 v17, v10;
	v8 =	vadd.f32 v9, v8  }
0x415: {  	v41 =	vld.idx.msk [tilespmem:v16+s21+$0x0], $0xffff;
	v40 =	vadd.s32 s23, v0;
	v15 =	vor.u32 v7, v15  }
0x416: {  	s23 =	sadd.s32 $0x4, s31;
	v10 =	vand.u32 $0x7F, v40;
	v42 =	vld.idx.msk [tilespmem:v32+s3+$0x0], $0xffff;
	v43 =	vmul.f32 v12, v11;
	v8 =	vadd.f32 v39, v8  }
0x417: {  	v44 =	vadd.s32 s23, v0;
	v10 =	vor.u32 v7, v10;
	v45 =	vld.idx.msk [tilespmem:v32+s21+$0x0], $0xffff  }
0x418: {  	s23 =	sadd.s32 $0x5, s31;
	v11 =	vand.u32 $0x7F, v44;
	v47 =	vmul.f32 v37, v34;
	v46 =	vld.idx.msk [tilespmem:v36+s3+$0x0], $0xffff;
	v8 =	vadd.f32 v43, v8  }
0x419: {  	v48 =	vadd.s32 s23, v0;
	v18 =	vld.idx.msk [tilespmem:v36+s21+$0x0], $0xffff;
	v11 =	vor.u32 v7, v11  }
0x41a: {  	s23 =	sadd.s32 $0x6, s31;
	v14 =	vand.u32 $0x7F, v48;
	v50 =	vmul.f32 v41, v38;
	v49 =	vld.idx.msk [tilespmem:v15+s3+$0x0], $0xffff;
	v8 =	vadd.f32 v47, v8  }
0x41b: {  	v51 =	vadd.s32 s23, v0;
	v14 =	vor.u32 v7, v14;
	v15 =	vld.idx.msk [tilespmem:v15+s21+$0x0], $0xffff  }
0x41c: {  	s23 =	sadd.s32 $0x7, s31;
	v16 =	vand.u32 $0x7F, v51;
	v52 =	vld.idx.msk [tilespmem:v10+s3+$0x0], $0xffff;
	v12 =	vmul.f32 v45, v42;
	v8 =	vadd.f32 v50, v8  }
0x41d: {  	v53 =	vadd.s32 s23, v0;
	v16 =	vor.u32 v7, v16;
	v10 =	vld.idx.msk [tilespmem:v10+s21+$0x0], $0xffff  }
0x41e: {  	v9 =	vand.u32 $0x7F, v53;
	v54 =	vld.idx.msk [tilespmem:v11+s3+$0x0], $0xffff;
	v55 =	vmul.f32 v18, v46;
	v8 =	vadd.f32 v12, v8  }
0x41f: {  	v7 =	vor.u32 v7, v9;
	v11 =	vld.idx.msk [tilespmem:v11+s21+$0x0], $0xffff  }
0x420: {  	v56 =	vld.idx.msk [tilespmem:v14+s3+$0x0], $0xffff;
	v57 =	vmul.f32 v15, v49;
	v8 =	vadd.f32 v55, v8  }
0x421: {  	v58 =	vld.idx.msk [tilespmem:v14+s21+$0x0], $0xffff  }
0x422: {  	v59 =	vld.idx.msk [tilespmem:v16+s3+$0x0], $0xffff;
	v10 =	vmul.f32 v10, v52;
	v8 =	vadd.f32 v57, v8  }
0x423: {  	v60 =	vld.idx.msk [tilespmem:v16+s21+$0x0], $0xffff  }
0x424: {  	v61 =	vld.idx.msk [tilespmem:v7+s3+$0x0], $0xffff;
	v62 =	vmul.f32 v11, v54;
	v8 =	vadd.f32 v10, v8  }
0x425: {  	v7 =	vld.idx.msk [tilespmem:v7+s21+$0x0], $0xffff  }
0x426: {  	v9 =	vmul.f32 v58, v56;
	v8 =	vadd.f32 v62, v8;
	_ =	sdelay $0x1  }
0x427: {  	v63 =	vmul.f32 v60, v59;
	v8 =	vadd.f32 v9, v8;
	_ =	sdelay $0x1  }
0x428: {  	v7 =	vmul.f32 v7, v61;
	v8 =	vadd.f32 v63, v8;
	_ =	sdelay $0x1  }
0x429: {  	v7 =	vadd.f32 v7, v8  }
0x42a: {  	s31 =	sshll.u32 s28, $0x4  }
0x42b: {  	s0 =	sadd.s32 s5, s31;
	[tilespmem:$0x18370] =	vst v7  }
0x42c: {  	[hbm4b:s0+s6] =	stream.linear.scatter [tilespmem:s10], [sflag:$0xD], $0x80, $0x38;
	[tilespmem:$0x18380] =	vst v63  }
0x42d: {  	_ =	swait.ge [sflag:s11], $0x80  }
0x42e: {  	[sflag:s11] =	ssyncset.done $0x0  }
0x42f: {  	[sflag:s11] =	ssyncadd.s32 $0xFFFFFF80  }
.LBB2_38:
0x430: {  	s0 =	simm.s32 @!p0 $0x8  }
0x431: {  	_ =	swait.ge @!p0 [sflag:s0], $0x80  }
0x432: {  	[sflag:s0] =	ssyncset.done @!p0 $0x0  }
0x433: {  	[sflag:s0] =	ssyncadd.s32 @!p0 $0xFFFFFF80;
	s0 =	simm.s32 @!p0 $0xB  }
0x434: {  	_ =	swait.ge @!p0 [sflag:s0], $0x80  }
0x435: {  	[sflag:s0] =	ssyncset.done @!p0 $0x0  }
0x436: {  	[sflag:s0] =	ssyncadd.s32 @!p0 $0xFFFFFF80;
	s0 =	simm.s32 @!p0 $0x4300  }
0x437: {  	[tilespmem:s0], [sflag:$0x2] =	stream.indirect.gather @!p0 [hbm4b:s1+s20], $0x80, s20, s20, $0xb8;
	[tilespmem:$0x18380] =	vst v63  }
0x438: {  	s0 =	simm.s32 @!p0 $0x10300  }
0x439: {  	[tilespmem:s0], [sflag:$0x5] =	stream.indirect.gather @!p0 [hbm4b:s2+s20], $0x80, s26, s20, $0xb8;
	[tilespmem:$0x18380] =	vst v63  }
0x43a: {  	s26 =	sadd.s32 s18, s14  }
0x43b: {  	p1 =	sgt.u32 s26, $0x9C3  }
0x43c: {  	s0 =	simm.s32 @!p1 $0x3  }
0x43d: {  	_ =	swait.ge @!p1 [sflag:s0], $0x4000  }
0x43e: {  	[sflag:s0] =	ssyncset.done @!p1 $0x0  }
0x43f: {  	[sflag:s0] =	ssyncadd.s32 @!p1 $0xFFFFC000;
	s0 =	simm.s32 @!p1 $0x6  }
0x440: {  	s14 =	sadd.s32 s19, s14;
	_ =	swait.ge @!p1 [sflag:s0], $0x4000  }
0x441: {  	p0 =	sgt.u32 s14, $0x9C3;
	[sflag:s0] =	ssyncset.done @!p1 $0x0  }
.Ltmp22:
0x442: {  	[sflag:s0] =	ssyncadd.s32 @!p1 $0xFFFFC000;
	s0 =	sshll.u32 @!p0 s14, $0x4;
	(pc) =	sbr.rel @p1 .LBB2_56-.Ltmp22, $4  }
0x443: {  	s23 =	simm.s32 @!p0 $0x0;
	s14 =	simm.s32 @!p0 $0x100;
	s20 =	sadd.s32 @!p0 s8, s0  }
0x444: {  	[tilespmem:s14], [sflag:$0x9] =	stream.linear.gather @!p0 [hbm4b:s20+s23], $0x80, $0x38;
	[tilespmem:$0x18380] =	vst v63  }
0x445: {  	s0 =	sadd.s32 @!p0 s4, s0;
	s20 =	simm.s32 @!p0 $0x280  }
0x446: {  	[tilespmem:s20], [sflag:$0xC] =	stream.linear.gather @!p0 [hbm4b:s0+s23], $0x80, $0x38;
	[tilespmem:$0x18380] =	vst v63  }
0x447: {  	s0 =	simm.s32 $0x0  }
0x448: {  	v7 =	vadd.s32 s0, v0  }
0x449: {  	s23 =	simm.s32 $0x1;
	v7 =	vand.u32 $0x7F, v7  }
0x44a: {  	v8 =	vadd.s32 s23, v0;
	v7 =	vor.u32 v1, v7  }
0x44b: {  	s31 =	simm.s32 $0x2;
	v8 =	vand.u32 $0x7F, v8  }
0x44c: {  	v9 =	vadd.s32 s31, v0;
	v8 =	vor.u32 v1, v8  }
0x44d: {  	s23 =	simm.s32 $0x3;
	v9 =	vand.u32 $0x7F, v9  }
0x44e: {  	v10 =	vadd.s32 s23, v0;
	v9 =	vor.u32 v1, v9  }
0x44f: {  	s31 =	simm.s32 $0x4;
	v10 =	vand.u32 $0x7F, v10;
	v13 =	vld.idx.msk [tilespmem:v7+s25+$0x0], $0xffff  }
0x450: {  	v11 =	vadd.s32 s31, v0;
	v10 =	vor.u32 v1, v10;
	v14 =	vld.idx.msk [tilespmem:v7+s9+$0x0], $0xffff  }
0x451: {  	s23 =	simm.s32 $0x5;
	v15 =	vld.idx.msk [tilespmem:v8+s25+$0x0], $0xffff;
	v7 =	vand.u32 $0x7F, v11  }
0x452: {  	v11 =	vadd.s32 s23, v0;
	v16 =	vld.idx.msk [tilespmem:v8+s9+$0x0], $0xffff;
	v19 =	vor.u32 v1, v7  }
0x453: {  	s31 =	simm.s32 $0x6;
	v12 =	vld.idx.msk [tilespmem:v9+s9+$0x0], $0xffff;
	v8 =	vand.u32 $0x7F, v11  }
0x454: {  	v7 =	vld.idx.msk [tilespmem:v9+s25+$0x0], $0xffff;
	v9 =	vadd.s32 s31, v0;
	v11 =	vor.u32 v1, v8  }
0x455: {  	s23 =	simm.s32 $0x7;
	v8 =	vld.idx.msk [tilespmem:v10+s25+$0x0], $0xffff;
	v9 =	vand.u32 $0x7F, v9  }
0x456: {  	s28 =	simm.s32 $0x8;
	v18 =	vmul.f32 v14, v13;
	v14 =	vld.idx.msk [tilespmem:v10+s9+$0x0], $0xffff;
	v10 =	vadd.s32 s23, v0;
	v13 =	vor.u32 v1, v9  }
0x457: {  	v17 =	vimm.f32 $0.0e+00;
	v20 =	vadd.s32 s28, v0;
	v9 =	vld.idx.msk [tilespmem:v19+s25+$0x0], $0xffff;
	v10 =	vand.u32 $0x7F, v10  }
0x458: {  	s31 =	simm.s32 $0x9;
	v17 =	vadd.f32 v18, v17;
	v18 =	vmul.f32 v16, v15;
	v16 =	vld.idx.msk [tilespmem:v19+s9+$0x0], $0xffff;
	v15 =	vor.u32 v1, v10  }
0x459: {  	s0 =	simm.s32 $0x10;
	v20 =	vand.u32 $0x7F, v20;
	v19 =	vadd.s32 s31, v0;
	v10 =	vld.idx.msk [tilespmem:v11+s25+$0x0], $0xffff  }
.LBB2_40:
0x45a: {  	p1 =	slt.u32 s0, $0x78;
	v20 =	vor.u32 v1, v20;
	s23 =	sadd.s32 $0x2, s28;
	v17 =	vadd.f32 v18, v17;
	v7 =	vmul.f32 v12, v7;
	v11 =	vld.idx.msk [tilespmem:v11+s9+$0x0], $0xffff  }
0x45b: {  	v12 =	vand.u32 $0x7F, v19;
	v18 =	vadd.s32 s23, v0;
	v19 =	vld.idx.msk [tilespmem:v13+s25+$0x0], $0xffff  }
0x45c: {  	v12 =	vor.u32 v1, v12;
	s23 =	sadd.s32 $0x3, s28;
	v8 =	vmul.f32 v14, v8;
	v7 =	vadd.f32 v7, v17;
	v13 =	vld.idx.msk [tilespmem:v13+s9+$0x0], $0xffff  }
0x45d: {  	v14 =	vand.u32 $0x7F, v18;
	v17 =	vadd.s32 s23, v0;
	v18 =	vld.idx.msk [tilespmem:v15+s25+$0x0], $0xffff  }
0x45e: {  	s23 =	sadd.s32 $0x4, s28;
	v14 =	vor.u32 v1, v14;
	v7 =	vadd.f32 v8, v7;
	v8 =	vmul.f32 v16, v9;
	v9 =	vld.idx.msk [tilespmem:v15+s9+$0x0], $0xffff  }
0x45f: {  	v16 =	vand.u32 $0x7F, v17;
	v17 =	vadd.s32 s23, v0;
	v15 =	vld.idx.msk [tilespmem:v20+s25+$0x0], $0xffff  }
0x460: {  	s23 =	sadd.s32 $0x5, s28;
	v16 =	vor.u32 v1, v16;
	v20 =	vld.idx.msk [tilespmem:v20+s9+$0x0], $0xffff;
	v7 =	vadd.f32 v8, v7;
	v8 =	vmul.f32 v11, v10  }
0x461: {  	v11 =	vand.u32 $0x7F, v17;
	v17 =	vadd.s32 s23, v0;
	v10 =	vld.idx.msk [tilespmem:v12+s25+$0x0], $0xffff  }
0x462: {  	s23 =	sadd.s32 $0x6, s28;
	v22 =	vor.u32 v1, v11;
	v13 =	vmul.f32 v13, v19;
	v21 =	vld.idx.msk [tilespmem:v12+s9+$0x0], $0xffff;
	v8 =	vadd.f32 v8, v7  }
0x463: {  	v11 =	vand.u32 $0x7F, v17;
	v17 =	vadd.s32 s23, v0;
	v7 =	vld.idx.msk [tilespmem:v14+s25+$0x0], $0xffff  }
0x464: {  	s23 =	sadd.s32 $0x7, s28;
	s28 =	smov.u32 s0;
	v11 =	vor.u32 v1, v11;
	v9 =	vmul.f32 v9, v18;
	v12 =	vld.idx.msk [tilespmem:v14+s9+$0x0], $0xffff;
	v19 =	vadd.f32 v13, v8  }
.Ltmp23:
0x465: {  	v13 =	vand.u32 $0x7F, v17;
	v17 =	vadd.s32 s23, v0;
	v8 =	vld.idx.msk [tilespmem:v16+s25+$0x0], $0xffff;
	(pc) =	sbr.rel @p1 .LBB2_40-.Ltmp23, $4  }
0x466: {  	v15 =	vmul.f32 v20, v15;
	v13 =	vor.u32 v1, v13;
	v14 =	vld.idx.msk [tilespmem:v16+s9+$0x0], $0xffff;
	v16 =	vadd.f32 v9, v19  }
0x467: {  	v20 =	vand.u32 $0x7F, v17;
	v19 =	vadd.s32 s0, v0;
	v9 =	vld.idx.msk [tilespmem:v22+s25+$0x0], $0xffff  }
0x468: {  	s23 =	sadd.s32 $0x1, s0;
	v18 =	vmul.f32 v21, v10;
	v17 =	vadd.f32 v15, v16;
	v16 =	vld.idx.msk [tilespmem:v22+s9+$0x0], $0xffff;
	v15 =	vor.u32 v1, v20  }
0x469: {  	s0 =	sadd.s32 $0x8, s0;
	v20 =	vand.u32 $0x7F, v19;
	v19 =	vadd.s32 s23, v0;
	v10 =	vld.idx.msk [tilespmem:v11+s25+$0x0], $0xffff  }
0x46a: {  	_ =	sdelay $0x2  }
0x46b: {  	v17 =	vadd.f32 v18, v17;
	v7 =	vmul.f32 v12, v7  }
0x46c: {  	v12 =	vor.u32 v1, v20;
	v11 =	vld.idx.msk [tilespmem:v11+s9+$0x0], $0xffff  }
0x46d: {  	s0 =	sadd.s32 $0x2, s28;
	v18 =	vand.u32 $0x7F, v19;
	v19 =	vld.idx.msk [tilespmem:v13+s25+$0x0], $0xffff;
	v8 =	vmul.f32 v14, v8;
	v7 =	vadd.f32 v7, v17  }
0x46e: {  	v13 =	vld.idx.msk [tilespmem:v13+s9+$0x0], $0xffff;
	v14 =	vadd.s32 s0, v0;
	v17 =	vor.u32 v1, v18  }
0x46f: {  	s23 =	sadd.s32 $0x3, s28;
	v14 =	vand.u32 $0x7F, v14;
	v18 =	vld.idx.msk [tilespmem:v15+s25+$0x0], $0xffff;
	v7 =	vadd.f32 v8, v7;
	v8 =	vmul.f32 v16, v9  }
0x470: {  	v15 =	vld.idx.msk [tilespmem:v15+s9+$0x0], $0xffff;
	v14 =	vor.u32 v1, v14;
	v9 =	vadd.s32 s23, v0  }
0x471: {  	s31 =	sadd.s32 $0x4, s28;
	v16 =	vld.idx.msk [tilespmem:v12+s25+$0x0], $0xffff;
	v9 =	vand.u32 $0x7F, v9;
	v7 =	vadd.f32 v8, v7;
	v8 =	vmul.f32 v11, v10  }
0x472: {  	v10 =	vadd.s32 s31, v0;
	v11 =	vld.idx.msk [tilespmem:v12+s9+$0x0], $0xffff;
	v9 =	vor.u32 v1, v9  }
0x473: {  	s23 =	sadd.s32 $0x5, s28;
	v12 =	vld.idx.msk [tilespmem:v17+s25+$0x0], $0xffff;
	v10 =	vand.u32 $0x7F, v10;
	v7 =	vadd.f32 v8, v7;
	v8 =	vmul.f32 v13, v19  }
0x474: {  	v17 =	vld.idx.msk [tilespmem:v17+s9+$0x0], $0xffff;
	v13 =	vadd.s32 s23, v0;
	v10 =	vor.u32 v1, v10  }
0x475: {  	s31 =	sadd.s32 $0x6, s28;
	v19 =	vld.idx.msk [tilespmem:v14+s25+$0x0], $0xffff;
	v13 =	vand.u32 $0x7F, v13;
	v7 =	vadd.f32 v8, v7;
	v8 =	vmul.f32 v15, v18  }
0x476: {  	v14 =	vld.idx.msk [tilespmem:v14+s9+$0x0], $0xffff;
	v15 =	vadd.s32 s31, v0;
	v13 =	vor.u32 v1, v13  }
0x477: {  	v18 =	vld.idx.msk [tilespmem:v9+s25+$0x0], $0xffff;
	v15 =	vand.u32 $0x7F, v15;
	v11 =	vmul.f32 v11, v16;
	v7 =	vadd.f32 v8, v7  }
0x478: {  	s23 =	sadd.s32 $0x7, s28;
	v8 =	vld.idx.msk [tilespmem:v9+s9+$0x0], $0xffff;
	v9 =	vor.u32 v1, v15  }
0x479: {  	v15 =	vadd.s32 s23, v0;
	v16 =	vld.idx.msk [tilespmem:v10+s25+$0x0], $0xffff;
	v7 =	vadd.f32 v11, v7;
	v11 =	vmul.f32 v17, v12  }
0x47a: {  	v10 =	vld.idx.msk [tilespmem:v10+s9+$0x0], $0xffff;
	v12 =	vand.u32 $0x7F, v15  }
0x47b: {  	v12 =	vor.u32 v1, v12;
	v15 =	vld.idx.msk [tilespmem:v13+s25+$0x0], $0xffff;
	v7 =	vadd.f32 v11, v7;
	v11 =	vmul.f32 v14, v19  }
0x47c: {  	v13 =	vld.idx.msk [tilespmem:v13+s9+$0x0], $0xffff  }
0x47d: {  	v14 =	vld.idx.msk [tilespmem:v9+s25+$0x0], $0xffff;
	v8 =	vmul.f32 v8, v18;
	v7 =	vadd.f32 v11, v7  }
0x47e: {  	v9 =	vld.idx.msk [tilespmem:v9+s9+$0x0], $0xffff  }
0x47f: {  	v7 =	vadd.f32 v8, v7;
	v8 =	vmul.f32 v10, v16  }
0x480: {  	v10 =	vld.idx.msk [tilespmem:v12+s25+$0x0], $0xffff  }
0x481: {  	v11 =	vld.idx.msk [tilespmem:v12+s9+$0x0], $0xffff;
	v7 =	vadd.f32 v8, v7;
	v8 =	vmul.f32 v13, v15;
	_ =	sdelay $0x1  }
0x482: {  	s31 =	simm.s32 $0x0;
	v7 =	vadd.f32 v8, v7;
	v8 =	vmul.f32 v9, v14  }
0x483: {  	v9 =	vadd.s32 s31, v0  }
0x484: {  	s23 =	simm.s32 $0x1;
	v7 =	vadd.f32 v8, v7;
	v8 =	vand.u32 $0x7F, v9  }
0x485: {  	v9 =	vmul.f32 v11, v10;
	v10 =	vadd.s32 s23, v0;
	v8 =	vor.u32 v2, v8  }
0x486: {  	s31 =	simm.s32 $0x2;
	v10 =	vand.u32 $0x7F, v10  }
0x487: {  	v7 =	vadd.f32 v9, v7;
	v9 =	vadd.s32 s31, v0;
	v10 =	vor.u32 v2, v10  }
0x488: {  	s23 =	simm.s32 $0x3;
	v9 =	vand.u32 $0x7F, v9  }
0x489: {  	[tilespmem:$0x18300] =	vst v7;
	v7 =	vadd.s32 s23, v0;
	v9 =	vor.u32 v2, v9  }
0x48a: {  	s31 =	simm.s32 $0x4;
	v7 =	vand.u32 $0x7F, v7;
	v13 =	vld.idx.msk [tilespmem:v8+s25+$0x0], $0xffff  }
0x48b: {  	v11 =	vadd.s32 s31, v0;
	v14 =	vld.idx.msk [tilespmem:v8+s9+$0x0], $0xffff;
	v15 =	vor.u32 v2, v7  }
0x48c: {  	s23 =	simm.s32 $0x5;
	v7 =	vand.u32 $0x7F, v11;
	v16 =	vld.idx.msk [tilespmem:v10+s25+$0x0], $0xffff  }
0x48d: {  	v8 =	vadd.s32 s23, v0;
	v10 =	vld.idx.msk [tilespmem:v10+s9+$0x0], $0xffff;
	v19 =	vor.u32 v2, v7  }
0x48e: {  	s31 =	simm.s32 $0x6;
	v8 =	vand.u32 $0x7F, v8;
	v7 =	vld.idx.msk [tilespmem:v9+s25+$0x0], $0xffff  }
0x48f: {  	v11 =	vor.u32 v2, v8;
	v12 =	vld.idx.msk [tilespmem:v9+s9+$0x0], $0xffff;
	v9 =	vadd.s32 s31, v0  }
0x490: {  	s23 =	simm.s32 $0x7;
	v9 =	vand.u32 $0x7F, v9;
	v8 =	vld.idx.msk [tilespmem:v15+s25+$0x0], $0xffff  }
0x491: {  	s28 =	simm.s32 $0x8;
	v18 =	vmul.f32 v14, v13;
	v14 =	vld.idx.msk [tilespmem:v15+s9+$0x0], $0xffff;
	v15 =	vadd.s32 s23, v0;
	v13 =	vor.u32 v2, v9  }
0x492: {  	v20 =	vadd.s32 s28, v0;
	v17 =	vimm.f32 $0.0e+00;
	v9 =	vld.idx.msk [tilespmem:v19+s25+$0x0], $0xffff;
	v15 =	vand.u32 $0x7F, v15  }
0x493: {  	s31 =	simm.s32 $0x9;
	v17 =	vadd.f32 v18, v17;
	v18 =	vmul.f32 v10, v16;
	v16 =	vld.idx.msk [tilespmem:v19+s9+$0x0], $0xffff;
	v15 =	vor.u32 v2, v15  }
0x494: {  	s0 =	simm.s32 $0x10;
	v20 =	vand.u32 $0x7F, v20;
	v19 =	vadd.s32 s31, v0;
	v10 =	vld.idx.msk [tilespmem:v11+s25+$0x0], $0xffff  }
.LBB2_42:
0x495: {  	p1 =	slt.u32 s0, $0x78;
	v20 =	vor.u32 v2, v20;
	s23 =	sadd.s32 $0x2, s28;
	v17 =	vadd.f32 v18, v17;
	v7 =	vmul.f32 v12, v7;
	v11 =	vld.idx.msk [tilespmem:v11+s9+$0x0], $0xffff  }
0x496: {  	v12 =	vand.u32 $0x7F, v19;
	v18 =	vadd.s32 s23, v0;
	v19 =	vld.idx.msk [tilespmem:v13+s25+$0x0], $0xffff  }
0x497: {  	v12 =	vor.u32 v2, v12;
	s23 =	sadd.s32 $0x3, s28;
	v8 =	vmul.f32 v14, v8;
	v7 =	vadd.f32 v7, v17;
	v13 =	vld.idx.msk [tilespmem:v13+s9+$0x0], $0xffff  }
0x498: {  	v14 =	vand.u32 $0x7F, v18;
	v17 =	vadd.s32 s23, v0;
	v18 =	vld.idx.msk [tilespmem:v15+s25+$0x0], $0xffff  }
0x499: {  	s23 =	sadd.s32 $0x4, s28;
	v14 =	vor.u32 v2, v14;
	v7 =	vadd.f32 v8, v7;
	v8 =	vmul.f32 v16, v9;
	v9 =	vld.idx.msk [tilespmem:v15+s9+$0x0], $0xffff  }
0x49a: {  	v16 =	vand.u32 $0x7F, v17;
	v17 =	vadd.s32 s23, v0;
	v15 =	vld.idx.msk [tilespmem:v20+s25+$0x0], $0xffff  }
0x49b: {  	s23 =	sadd.s32 $0x5, s28;
	v16 =	vor.u32 v2, v16;
	v20 =	vld.idx.msk [tilespmem:v20+s9+$0x0], $0xffff;
	v7 =	vadd.f32 v8, v7;
	v8 =	vmul.f32 v11, v10  }
0x49c: {  	v11 =	vand.u32 $0x7F, v17;
	v17 =	vadd.s32 s23, v0;
	v10 =	vld.idx.msk [tilespmem:v12+s25+$0x0], $0xffff  }
0x49d: {  	s23 =	sadd.s32 $0x6, s28;
	v22 =	vor.u32 v2, v11;
	v13 =	vmul.f32 v13, v19;
	v21 =	vld.idx.msk [tilespmem:v12+s9+$0x0], $0xffff;
	v8 =	vadd.f32 v8, v7  }
0x49e: {  	v11 =	vand.u32 $0x7F, v17;
	v17 =	vadd.s32 s23, v0;
	v7 =	vld.idx.msk [tilespmem:v14+s25+$0x0], $0xffff  }
0x49f: {  	s23 =	sadd.s32 $0x7, s28;
	s28 =	smov.u32 s0;
	v11 =	vor.u32 v2, v11;
	v9 =	vmul.f32 v9, v18;
	v12 =	vld.idx.msk [tilespmem:v14+s9+$0x0], $0xffff;
	v19 =	vadd.f32 v13, v8  }
.Ltmp24:
0x4a0: {  	v13 =	vand.u32 $0x7F, v17;
	v17 =	vadd.s32 s23, v0;
	v8 =	vld.idx.msk [tilespmem:v16+s25+$0x0], $0xffff;
	(pc) =	sbr.rel @p1 .LBB2_42-.Ltmp24, $4  }
0x4a1: {  	v15 =	vmul.f32 v20, v15;
	v13 =	vor.u32 v2, v13;
	v14 =	vld.idx.msk [tilespmem:v16+s9+$0x0], $0xffff;
	v16 =	vadd.f32 v9, v19  }
0x4a2: {  	v20 =	vand.u32 $0x7F, v17;
	v19 =	vadd.s32 s0, v0;
	v9 =	vld.idx.msk [tilespmem:v22+s25+$0x0], $0xffff  }
0x4a3: {  	s23 =	sadd.s32 $0x1, s0;
	v18 =	vmul.f32 v21, v10;
	v17 =	vadd.f32 v15, v16;
	v16 =	vld.idx.msk [tilespmem:v22+s9+$0x0], $0xffff;
	v15 =	vor.u32 v2, v20  }
0x4a4: {  	s0 =	sadd.s32 $0x8, s0;
	v20 =	vand.u32 $0x7F, v19;
	v19 =	vadd.s32 s23, v0;
	v10 =	vld.idx.msk [tilespmem:v11+s25+$0x0], $0xffff  }
0x4a5: {  	_ =	sdelay $0x2  }
0x4a6: {  	v17 =	vadd.f32 v18, v17;
	v7 =	vmul.f32 v12, v7  }
0x4a7: {  	v12 =	vor.u32 v2, v20;
	v11 =	vld.idx.msk [tilespmem:v11+s9+$0x0], $0xffff  }
0x4a8: {  	s0 =	sadd.s32 $0x2, s28;
	v18 =	vand.u32 $0x7F, v19;
	v19 =	vld.idx.msk [tilespmem:v13+s25+$0x0], $0xffff;
	v8 =	vmul.f32 v14, v8;
	v7 =	vadd.f32 v7, v17  }
0x4a9: {  	v13 =	vld.idx.msk [tilespmem:v13+s9+$0x0], $0xffff;
	v14 =	vadd.s32 s0, v0;
	v17 =	vor.u32 v2, v18  }
0x4aa: {  	s23 =	sadd.s32 $0x3, s28;
	v14 =	vand.u32 $0x7F, v14;
	v18 =	vld.idx.msk [tilespmem:v15+s25+$0x0], $0xffff;
	v7 =	vadd.f32 v8, v7;
	v8 =	vmul.f32 v16, v9  }
0x4ab: {  	v15 =	vld.idx.msk [tilespmem:v15+s9+$0x0], $0xffff;
	v14 =	vor.u32 v2, v14;
	v9 =	vadd.s32 s23, v0  }
0x4ac: {  	s31 =	sadd.s32 $0x4, s28;
	v16 =	vld.idx.msk [tilespmem:v12+s25+$0x0], $0xffff;
	v9 =	vand.u32 $0x7F, v9;
	v7 =	vadd.f32 v8, v7;
	v8 =	vmul.f32 v11, v10  }
0x4ad: {  	v10 =	vadd.s32 s31, v0;
	v11 =	vld.idx.msk [tilespmem:v12+s9+$0x0], $0xffff;
	v9 =	vor.u32 v2, v9  }
0x4ae: {  	s23 =	sadd.s32 $0x5, s28;
	v12 =	vld.idx.msk [tilespmem:v17+s25+$0x0], $0xffff;
	v10 =	vand.u32 $0x7F, v10;
	v7 =	vadd.f32 v8, v7;
	v8 =	vmul.f32 v13, v19  }
0x4af: {  	v17 =	vld.idx.msk [tilespmem:v17+s9+$0x0], $0xffff;
	v13 =	vadd.s32 s23, v0;
	v10 =	vor.u32 v2, v10  }
0x4b0: {  	s31 =	sadd.s32 $0x6, s28;
	v19 =	vld.idx.msk [tilespmem:v14+s25+$0x0], $0xffff;
	v13 =	vand.u32 $0x7F, v13;
	v7 =	vadd.f32 v8, v7;
	v8 =	vmul.f32 v15, v18  }
0x4b1: {  	v14 =	vld.idx.msk [tilespmem:v14+s9+$0x0], $0xffff;
	v15 =	vadd.s32 s31, v0;
	v13 =	vor.u32 v2, v13  }
0x4b2: {  	v18 =	vld.idx.msk [tilespmem:v9+s25+$0x0], $0xffff;
	v15 =	vand.u32 $0x7F, v15;
	v11 =	vmul.f32 v11, v16;
	v7 =	vadd.f32 v8, v7  }
0x4b3: {  	s23 =	sadd.s32 $0x7, s28;
	v8 =	vld.idx.msk [tilespmem:v9+s9+$0x0], $0xffff;
	v9 =	vor.u32 v2, v15  }
0x4b4: {  	v15 =	vadd.s32 s23, v0;
	v16 =	vld.idx.msk [tilespmem:v10+s25+$0x0], $0xffff;
	v7 =	vadd.f32 v11, v7;
	v11 =	vmul.f32 v17, v12  }
0x4b5: {  	v10 =	vld.idx.msk [tilespmem:v10+s9+$0x0], $0xffff;
	v12 =	vand.u32 $0x7F, v15  }
0x4b6: {  	v12 =	vor.u32 v2, v12;
	v15 =	vld.idx.msk [tilespmem:v13+s25+$0x0], $0xffff;
	v7 =	vadd.f32 v11, v7;
	v11 =	vmul.f32 v14, v19  }
0x4b7: {  	v13 =	vld.idx.msk [tilespmem:v13+s9+$0x0], $0xffff  }
0x4b8: {  	v14 =	vld.idx.msk [tilespmem:v9+s25+$0x0], $0xffff;
	v8 =	vmul.f32 v8, v18;
	v7 =	vadd.f32 v11, v7  }
0x4b9: {  	v9 =	vld.idx.msk [tilespmem:v9+s9+$0x0], $0xffff  }
0x4ba: {  	v7 =	vadd.f32 v8, v7;
	v8 =	vmul.f32 v10, v16  }
0x4bb: {  	v10 =	vld.idx.msk [tilespmem:v12+s25+$0x0], $0xffff  }
0x4bc: {  	v11 =	vld.idx.msk [tilespmem:v12+s9+$0x0], $0xffff;
	v7 =	vadd.f32 v8, v7;
	v8 =	vmul.f32 v13, v15;
	_ =	sdelay $0x1  }
0x4bd: {  	s31 =	simm.s32 $0x0;
	v7 =	vadd.f32 v8, v7;
	v8 =	vmul.f32 v9, v14  }
0x4be: {  	v9 =	vadd.s32 s31, v0  }
0x4bf: {  	s23 =	simm.s32 $0x1;
	v7 =	vadd.f32 v8, v7;
	v8 =	vand.u32 $0x7F, v9  }
0x4c0: {  	v9 =	vmul.f32 v11, v10;
	v10 =	vadd.s32 s23, v0;
	v8 =	vor.u32 v3, v8  }
0x4c1: {  	s31 =	simm.s32 $0x2;
	v10 =	vand.u32 $0x7F, v10  }
0x4c2: {  	v7 =	vadd.f32 v9, v7;
	v9 =	vadd.s32 s31, v0;
	v10 =	vor.u32 v3, v10  }
0x4c3: {  	s23 =	simm.s32 $0x3;
	v9 =	vand.u32 $0x7F, v9  }
0x4c4: {  	[tilespmem:$0x18310] =	vst v7;
	v7 =	vadd.s32 s23, v0;
	v9 =	vor.u32 v3, v9  }
0x4c5: {  	s31 =	simm.s32 $0x4;
	v7 =	vand.u32 $0x7F, v7;
	v13 =	vld.idx.msk [tilespmem:v8+s25+$0x0], $0xffff  }
0x4c6: {  	v11 =	vadd.s32 s31, v0;
	v14 =	vld.idx.msk [tilespmem:v8+s9+$0x0], $0xffff;
	v15 =	vor.u32 v3, v7  }
0x4c7: {  	s23 =	simm.s32 $0x5;
	v7 =	vand.u32 $0x7F, v11;
	v16 =	vld.idx.msk [tilespmem:v10+s25+$0x0], $0xffff  }
0x4c8: {  	v8 =	vadd.s32 s23, v0;
	v10 =	vld.idx.msk [tilespmem:v10+s9+$0x0], $0xffff;
	v19 =	vor.u32 v3, v7  }
0x4c9: {  	s31 =	simm.s32 $0x6;
	v8 =	vand.u32 $0x7F, v8;
	v7 =	vld.idx.msk [tilespmem:v9+s25+$0x0], $0xffff  }
0x4ca: {  	v11 =	vor.u32 v3, v8;
	v12 =	vld.idx.msk [tilespmem:v9+s9+$0x0], $0xffff;
	v9 =	vadd.s32 s31, v0  }
0x4cb: {  	s23 =	simm.s32 $0x7;
	v9 =	vand.u32 $0x7F, v9;
	v8 =	vld.idx.msk [tilespmem:v15+s25+$0x0], $0xffff  }
0x4cc: {  	s28 =	simm.s32 $0x8;
	v18 =	vmul.f32 v14, v13;
	v14 =	vld.idx.msk [tilespmem:v15+s9+$0x0], $0xffff;
	v15 =	vadd.s32 s23, v0;
	v13 =	vor.u32 v3, v9  }
0x4cd: {  	v20 =	vadd.s32 s28, v0;
	v17 =	vimm.f32 $0.0e+00;
	v9 =	vld.idx.msk [tilespmem:v19+s25+$0x0], $0xffff;
	v15 =	vand.u32 $0x7F, v15  }
0x4ce: {  	s31 =	simm.s32 $0x9;
	v17 =	vadd.f32 v18, v17;
	v18 =	vmul.f32 v10, v16;
	v16 =	vld.idx.msk [tilespmem:v19+s9+$0x0], $0xffff;
	v15 =	vor.u32 v3, v15  }
0x4cf: {  	s0 =	simm.s32 $0x10;
	v20 =	vand.u32 $0x7F, v20;
	v19 =	vadd.s32 s31, v0;
	v10 =	vld.idx.msk [tilespmem:v11+s25+$0x0], $0xffff  }
.LBB2_44:
0x4d0: {  	p1 =	slt.u32 s0, $0x78;
	v20 =	vor.u32 v3, v20;
	s23 =	sadd.s32 $0x2, s28;
	v17 =	vadd.f32 v18, v17;
	v7 =	vmul.f32 v12, v7;
	v11 =	vld.idx.msk [tilespmem:v11+s9+$0x0], $0xffff  }
0x4d1: {  	v12 =	vand.u32 $0x7F, v19;
	v18 =	vadd.s32 s23, v0;
	v19 =	vld.idx.msk [tilespmem:v13+s25+$0x0], $0xffff  }
0x4d2: {  	v12 =	vor.u32 v3, v12;
	s23 =	sadd.s32 $0x3, s28;
	v8 =	vmul.f32 v14, v8;
	v7 =	vadd.f32 v7, v17;
	v13 =	vld.idx.msk [tilespmem:v13+s9+$0x0], $0xffff  }
0x4d3: {  	v14 =	vand.u32 $0x7F, v18;
	v17 =	vadd.s32 s23, v0;
	v18 =	vld.idx.msk [tilespmem:v15+s25+$0x0], $0xffff  }
0x4d4: {  	s23 =	sadd.s32 $0x4, s28;
	v14 =	vor.u32 v3, v14;
	v7 =	vadd.f32 v8, v7;
	v8 =	vmul.f32 v16, v9;
	v9 =	vld.idx.msk [tilespmem:v15+s9+$0x0], $0xffff  }
0x4d5: {  	v16 =	vand.u32 $0x7F, v17;
	v17 =	vadd.s32 s23, v0;
	v15 =	vld.idx.msk [tilespmem:v20+s25+$0x0], $0xffff  }
0x4d6: {  	s23 =	sadd.s32 $0x5, s28;
	v16 =	vor.u32 v3, v16;
	v20 =	vld.idx.msk [tilespmem:v20+s9+$0x0], $0xffff;
	v7 =	vadd.f32 v8, v7;
	v8 =	vmul.f32 v11, v10  }
0x4d7: {  	v11 =	vand.u32 $0x7F, v17;
	v17 =	vadd.s32 s23, v0;
	v10 =	vld.idx.msk [tilespmem:v12+s25+$0x0], $0xffff  }
0x4d8: {  	s23 =	sadd.s32 $0x6, s28;
	v22 =	vor.u32 v3, v11;
	v13 =	vmul.f32 v13, v19;
	v21 =	vld.idx.msk [tilespmem:v12+s9+$0x0], $0xffff;
	v8 =	vadd.f32 v8, v7  }
0x4d9: {  	v11 =	vand.u32 $0x7F, v17;
	v17 =	vadd.s32 s23, v0;
	v7 =	vld.idx.msk [tilespmem:v14+s25+$0x0], $0xffff  }
0x4da: {  	s23 =	sadd.s32 $0x7, s28;
	s28 =	smov.u32 s0;
	v11 =	vor.u32 v3, v11;
	v9 =	vmul.f32 v9, v18;
	v12 =	vld.idx.msk [tilespmem:v14+s9+$0x0], $0xffff;
	v19 =	vadd.f32 v13, v8  }
.Ltmp25:
0x4db: {  	v13 =	vand.u32 $0x7F, v17;
	v17 =	vadd.s32 s23, v0;
	v8 =	vld.idx.msk [tilespmem:v16+s25+$0x0], $0xffff;
	(pc) =	sbr.rel @p1 .LBB2_44-.Ltmp25, $4  }
0x4dc: {  	v15 =	vmul.f32 v20, v15;
	v13 =	vor.u32 v3, v13;
	v14 =	vld.idx.msk [tilespmem:v16+s9+$0x0], $0xffff;
	v16 =	vadd.f32 v9, v19  }
0x4dd: {  	v20 =	vand.u32 $0x7F, v17;
	v19 =	vadd.s32 s0, v0;
	v9 =	vld.idx.msk [tilespmem:v22+s25+$0x0], $0xffff  }
0x4de: {  	s23 =	sadd.s32 $0x1, s0;
	v18 =	vmul.f32 v21, v10;
	v17 =	vadd.f32 v15, v16;
	v16 =	vld.idx.msk [tilespmem:v22+s9+$0x0], $0xffff;
	v15 =	vor.u32 v3, v20  }
0x4df: {  	s0 =	sadd.s32 $0x8, s0;
	v20 =	vand.u32 $0x7F, v19;
	v19 =	vadd.s32 s23, v0;
	v10 =	vld.idx.msk [tilespmem:v11+s25+$0x0], $0xffff  }
0x4e0: {  	_ =	sdelay $0x2  }
0x4e1: {  	v17 =	vadd.f32 v18, v17;
	v7 =	vmul.f32 v12, v7  }
0x4e2: {  	v12 =	vor.u32 v3, v20;
	v11 =	vld.idx.msk [tilespmem:v11+s9+$0x0], $0xffff  }
0x4e3: {  	s0 =	sadd.s32 $0x2, s28;
	v18 =	vand.u32 $0x7F, v19;
	v19 =	vld.idx.msk [tilespmem:v13+s25+$0x0], $0xffff;
	v8 =	vmul.f32 v14, v8;
	v7 =	vadd.f32 v7, v17  }
0x4e4: {  	v13 =	vld.idx.msk [tilespmem:v13+s9+$0x0], $0xffff;
	v14 =	vadd.s32 s0, v0;
	v17 =	vor.u32 v3, v18  }
0x4e5: {  	s23 =	sadd.s32 $0x3, s28;
	v14 =	vand.u32 $0x7F, v14;
	v18 =	vld.idx.msk [tilespmem:v15+s25+$0x0], $0xffff;
	v7 =	vadd.f32 v8, v7;
	v8 =	vmul.f32 v16, v9  }
0x4e6: {  	v15 =	vld.idx.msk [tilespmem:v15+s9+$0x0], $0xffff;
	v14 =	vor.u32 v3, v14;
	v9 =	vadd.s32 s23, v0  }
0x4e7: {  	s31 =	sadd.s32 $0x4, s28;
	v16 =	vld.idx.msk [tilespmem:v12+s25+$0x0], $0xffff;
	v9 =	vand.u32 $0x7F, v9;
	v7 =	vadd.f32 v8, v7;
	v8 =	vmul.f32 v11, v10  }
0x4e8: {  	v10 =	vadd.s32 s31, v0;
	v11 =	vld.idx.msk [tilespmem:v12+s9+$0x0], $0xffff;
	v9 =	vor.u32 v3, v9  }
0x4e9: {  	s23 =	sadd.s32 $0x5, s28;
	v12 =	vld.idx.msk [tilespmem:v17+s25+$0x0], $0xffff;
	v10 =	vand.u32 $0x7F, v10;
	v7 =	vadd.f32 v8, v7;
	v8 =	vmul.f32 v13, v19  }
0x4ea: {  	v17 =	vld.idx.msk [tilespmem:v17+s9+$0x0], $0xffff;
	v13 =	vadd.s32 s23, v0;
	v10 =	vor.u32 v3, v10  }
0x4eb: {  	s31 =	sadd.s32 $0x6, s28;
	v19 =	vld.idx.msk [tilespmem:v14+s25+$0x0], $0xffff;
	v13 =	vand.u32 $0x7F, v13;
	v7 =	vadd.f32 v8, v7;
	v8 =	vmul.f32 v15, v18  }
0x4ec: {  	v14 =	vld.idx.msk [tilespmem:v14+s9+$0x0], $0xffff;
	v15 =	vadd.s32 s31, v0;
	v13 =	vor.u32 v3, v13  }
0x4ed: {  	v18 =	vld.idx.msk [tilespmem:v9+s25+$0x0], $0xffff;
	v15 =	vand.u32 $0x7F, v15;
	v11 =	vmul.f32 v11, v16;
	v7 =	vadd.f32 v8, v7  }
0x4ee: {  	s23 =	sadd.s32 $0x7, s28;
	v8 =	vld.idx.msk [tilespmem:v9+s9+$0x0], $0xffff;
	v9 =	vor.u32 v3, v15  }
0x4ef: {  	v15 =	vadd.s32 s23, v0;
	v16 =	vld.idx.msk [tilespmem:v10+s25+$0x0], $0xffff;
	v7 =	vadd.f32 v11, v7;
	v11 =	vmul.f32 v17, v12  }
0x4f0: {  	v10 =	vld.idx.msk [tilespmem:v10+s9+$0x0], $0xffff;
	v12 =	vand.u32 $0x7F, v15  }
0x4f1: {  	v12 =	vor.u32 v3, v12;
	v15 =	vld.idx.msk [tilespmem:v13+s25+$0x0], $0xffff;
	v7 =	vadd.f32 v11, v7;
	v11 =	vmul.f32 v14, v19  }
0x4f2: {  	v13 =	vld.idx.msk [tilespmem:v13+s9+$0x0], $0xffff  }
0x4f3: {  	v14 =	vld.idx.msk [tilespmem:v9+s25+$0x0], $0xffff;
	v8 =	vmul.f32 v8, v18;
	v7 =	vadd.f32 v11, v7  }
0x4f4: {  	v9 =	vld.idx.msk [tilespmem:v9+s9+$0x0], $0xffff  }
0x4f5: {  	v7 =	vadd.f32 v8, v7;
	v8 =	vmul.f32 v10, v16  }
0x4f6: {  	v10 =	vld.idx.msk [tilespmem:v12+s25+$0x0], $0xffff  }
0x4f7: {  	v11 =	vld.idx.msk [tilespmem:v12+s9+$0x0], $0xffff;
	v7 =	vadd.f32 v8, v7;
	v8 =	vmul.f32 v13, v15;
	_ =	sdelay $0x1  }
0x4f8: {  	s31 =	simm.s32 $0x0;
	v7 =	vadd.f32 v8, v7;
	v8 =	vmul.f32 v9, v14  }
0x4f9: {  	v9 =	vadd.s32 s31, v0  }
0x4fa: {  	s23 =	simm.s32 $0x1;
	v7 =	vadd.f32 v8, v7;
	v8 =	vand.u32 $0x7F, v9  }
0x4fb: {  	v9 =	vmul.f32 v11, v10;
	v10 =	vadd.s32 s23, v0;
	v8 =	vor.u32 v4, v8  }
0x4fc: {  	s31 =	simm.s32 $0x2;
	v10 =	vand.u32 $0x7F, v10  }
0x4fd: {  	v7 =	vadd.f32 v9, v7;
	v9 =	vadd.s32 s31, v0;
	v10 =	vor.u32 v4, v10  }
0x4fe: {  	s23 =	simm.s32 $0x3;
	v9 =	vand.u32 $0x7F, v9  }
0x4ff: {  	[tilespmem:$0x18320] =	vst v7;
	v7 =	vadd.s32 s23, v0;
	v9 =	vor.u32 v4, v9  }
0x500: {  	s31 =	simm.s32 $0x4;
	v7 =	vand.u32 $0x7F, v7;
	v13 =	vld.idx.msk [tilespmem:v8+s25+$0x0], $0xffff  }
0x501: {  	v11 =	vadd.s32 s31, v0;
	v14 =	vld.idx.msk [tilespmem:v8+s9+$0x0], $0xffff;
	v15 =	vor.u32 v4, v7  }
0x502: {  	s23 =	simm.s32 $0x5;
	v7 =	vand.u32 $0x7F, v11;
	v16 =	vld.idx.msk [tilespmem:v10+s25+$0x0], $0xffff  }
0x503: {  	v8 =	vadd.s32 s23, v0;
	v10 =	vld.idx.msk [tilespmem:v10+s9+$0x0], $0xffff;
	v19 =	vor.u32 v4, v7  }
0x504: {  	s31 =	simm.s32 $0x6;
	v8 =	vand.u32 $0x7F, v8;
	v7 =	vld.idx.msk [tilespmem:v9+s25+$0x0], $0xffff  }
0x505: {  	v11 =	vor.u32 v4, v8;
	v12 =	vld.idx.msk [tilespmem:v9+s9+$0x0], $0xffff;
	v9 =	vadd.s32 s31, v0  }
0x506: {  	s23 =	simm.s32 $0x7;
	v9 =	vand.u32 $0x7F, v9;
	v8 =	vld.idx.msk [tilespmem:v15+s25+$0x0], $0xffff  }
0x507: {  	s28 =	simm.s32 $0x8;
	v18 =	vmul.f32 v14, v13;
	v14 =	vld.idx.msk [tilespmem:v15+s9+$0x0], $0xffff;
	v15 =	vadd.s32 s23, v0;
	v13 =	vor.u32 v4, v9  }
0x508: {  	v20 =	vadd.s32 s28, v0;
	v17 =	vimm.f32 $0.0e+00;
	v9 =	vld.idx.msk [tilespmem:v19+s25+$0x0], $0xffff;
	v15 =	vand.u32 $0x7F, v15  }
0x509: {  	s31 =	simm.s32 $0x9;
	v17 =	vadd.f32 v18, v17;
	v18 =	vmul.f32 v10, v16;
	v16 =	vld.idx.msk [tilespmem:v19+s9+$0x0], $0xffff;
	v15 =	vor.u32 v4, v15  }
0x50a: {  	s0 =	simm.s32 $0x10;
	v20 =	vand.u32 $0x7F, v20;
	v19 =	vadd.s32 s31, v0;
	v10 =	vld.idx.msk [tilespmem:v11+s25+$0x0], $0xffff  }
.LBB2_46:
0x50b: {  	p1 =	slt.u32 s0, $0x78;
	v20 =	vor.u32 v4, v20;
	s23 =	sadd.s32 $0x2, s28;
	v17 =	vadd.f32 v18, v17;
	v7 =	vmul.f32 v12, v7;
	v11 =	vld.idx.msk [tilespmem:v11+s9+$0x0], $0xffff  }
0x50c: {  	v12 =	vand.u32 $0x7F, v19;
	v18 =	vadd.s32 s23, v0;
	v19 =	vld.idx.msk [tilespmem:v13+s25+$0x0], $0xffff  }
0x50d: {  	v12 =	vor.u32 v4, v12;
	s23 =	sadd.s32 $0x3, s28;
	v8 =	vmul.f32 v14, v8;
	v7 =	vadd.f32 v7, v17;
	v13 =	vld.idx.msk [tilespmem:v13+s9+$0x0], $0xffff  }
0x50e: {  	v14 =	vand.u32 $0x7F, v18;
	v17 =	vadd.s32 s23, v0;
	v18 =	vld.idx.msk [tilespmem:v15+s25+$0x0], $0xffff  }
0x50f: {  	s23 =	sadd.s32 $0x4, s28;
	v14 =	vor.u32 v4, v14;
	v7 =	vadd.f32 v8, v7;
	v8 =	vmul.f32 v16, v9;
	v9 =	vld.idx.msk [tilespmem:v15+s9+$0x0], $0xffff  }
0x510: {  	v16 =	vand.u32 $0x7F, v17;
	v17 =	vadd.s32 s23, v0;
	v15 =	vld.idx.msk [tilespmem:v20+s25+$0x0], $0xffff  }
0x511: {  	s23 =	sadd.s32 $0x5, s28;
	v16 =	vor.u32 v4, v16;
	v20 =	vld.idx.msk [tilespmem:v20+s9+$0x0], $0xffff;
	v7 =	vadd.f32 v8, v7;
	v8 =	vmul.f32 v11, v10  }
0x512: {  	v11 =	vand.u32 $0x7F, v17;
	v17 =	vadd.s32 s23, v0;
	v10 =	vld.idx.msk [tilespmem:v12+s25+$0x0], $0xffff  }
0x513: {  	s23 =	sadd.s32 $0x6, s28;
	v22 =	vor.u32 v4, v11;
	v13 =	vmul.f32 v13, v19;
	v21 =	vld.idx.msk [tilespmem:v12+s9+$0x0], $0xffff;
	v8 =	vadd.f32 v8, v7  }
0x514: {  	v11 =	vand.u32 $0x7F, v17;
	v17 =	vadd.s32 s23, v0;
	v7 =	vld.idx.msk [tilespmem:v14+s25+$0x0], $0xffff  }
0x515: {  	s23 =	sadd.s32 $0x7, s28;
	s28 =	smov.u32 s0;
	v11 =	vor.u32 v4, v11;
	v9 =	vmul.f32 v9, v18;
	v12 =	vld.idx.msk [tilespmem:v14+s9+$0x0], $0xffff;
	v19 =	vadd.f32 v13, v8  }
.Ltmp26:
0x516: {  	v13 =	vand.u32 $0x7F, v17;
	v17 =	vadd.s32 s23, v0;
	v8 =	vld.idx.msk [tilespmem:v16+s25+$0x0], $0xffff;
	(pc) =	sbr.rel @p1 .LBB2_46-.Ltmp26, $4  }
0x517: {  	v15 =	vmul.f32 v20, v15;
	v13 =	vor.u32 v4, v13;
	v14 =	vld.idx.msk [tilespmem:v16+s9+$0x0], $0xffff;
	v16 =	vadd.f32 v9, v19  }
0x518: {  	v20 =	vand.u32 $0x7F, v17;
	v19 =	vadd.s32 s0, v0;
	v9 =	vld.idx.msk [tilespmem:v22+s25+$0x0], $0xffff  }
0x519: {  	s23 =	sadd.s32 $0x1, s0;
	v18 =	vmul.f32 v21, v10;
	v17 =	vadd.f32 v15, v16;
	v16 =	vld.idx.msk [tilespmem:v22+s9+$0x0], $0xffff;
	v15 =	vor.u32 v4, v20  }
0x51a: {  	s0 =	sadd.s32 $0x8, s0;
	v20 =	vand.u32 $0x7F, v19;
	v19 =	vadd.s32 s23, v0;
	v10 =	vld.idx.msk [tilespmem:v11+s25+$0x0], $0xffff  }
0x51b: {  	_ =	sdelay $0x2  }
0x51c: {  	v17 =	vadd.f32 v18, v17;
	v7 =	vmul.f32 v12, v7  }
0x51d: {  	v12 =	vor.u32 v4, v20;
	v11 =	vld.idx.msk [tilespmem:v11+s9+$0x0], $0xffff  }
0x51e: {  	s0 =	sadd.s32 $0x2, s28;
	v18 =	vand.u32 $0x7F, v19;
	v19 =	vld.idx.msk [tilespmem:v13+s25+$0x0], $0xffff;
	v8 =	vmul.f32 v14, v8;
	v7 =	vadd.f32 v7, v17  }
0x51f: {  	v13 =	vld.idx.msk [tilespmem:v13+s9+$0x0], $0xffff;
	v14 =	vadd.s32 s0, v0;
	v17 =	vor.u32 v4, v18  }
0x520: {  	s23 =	sadd.s32 $0x3, s28;
	v14 =	vand.u32 $0x7F, v14;
	v18 =	vld.idx.msk [tilespmem:v15+s25+$0x0], $0xffff;
	v7 =	vadd.f32 v8, v7;
	v8 =	vmul.f32 v16, v9  }
0x521: {  	v15 =	vld.idx.msk [tilespmem:v15+s9+$0x0], $0xffff;
	v14 =	vor.u32 v4, v14;
	v9 =	vadd.s32 s23, v0  }
0x522: {  	s31 =	sadd.s32 $0x4, s28;
	v16 =	vld.idx.msk [tilespmem:v12+s25+$0x0], $0xffff;
	v9 =	vand.u32 $0x7F, v9;
	v7 =	vadd.f32 v8, v7;
	v8 =	vmul.f32 v11, v10  }
0x523: {  	v10 =	vadd.s32 s31, v0;
	v11 =	vld.idx.msk [tilespmem:v12+s9+$0x0], $0xffff;
	v9 =	vor.u32 v4, v9  }
0x524: {  	s23 =	sadd.s32 $0x5, s28;
	v12 =	vld.idx.msk [tilespmem:v17+s25+$0x0], $0xffff;
	v10 =	vand.u32 $0x7F, v10;
	v7 =	vadd.f32 v8, v7;
	v8 =	vmul.f32 v13, v19  }
0x525: {  	v17 =	vld.idx.msk [tilespmem:v17+s9+$0x0], $0xffff;
	v13 =	vadd.s32 s23, v0;
	v10 =	vor.u32 v4, v10  }
0x526: {  	s31 =	sadd.s32 $0x6, s28;
	v19 =	vld.idx.msk [tilespmem:v14+s25+$0x0], $0xffff;
	v13 =	vand.u32 $0x7F, v13;
	v7 =	vadd.f32 v8, v7;
	v8 =	vmul.f32 v15, v18  }
0x527: {  	v14 =	vld.idx.msk [tilespmem:v14+s9+$0x0], $0xffff;
	v15 =	vadd.s32 s31, v0;
	v13 =	vor.u32 v4, v13  }
0x528: {  	v18 =	vld.idx.msk [tilespmem:v9+s25+$0x0], $0xffff;
	v15 =	vand.u32 $0x7F, v15;
	v11 =	vmul.f32 v11, v16;
	v7 =	vadd.f32 v8, v7  }
0x529: {  	s23 =	sadd.s32 $0x7, s28;
	v8 =	vld.idx.msk [tilespmem:v9+s9+$0x0], $0xffff;
	v9 =	vor.u32 v4, v15  }
0x52a: {  	v15 =	vadd.s32 s23, v0;
	v16 =	vld.idx.msk [tilespmem:v10+s25+$0x0], $0xffff;
	v7 =	vadd.f32 v11, v7;
	v11 =	vmul.f32 v17, v12  }
0x52b: {  	v10 =	vld.idx.msk [tilespmem:v10+s9+$0x0], $0xffff;
	v12 =	vand.u32 $0x7F, v15  }
0x52c: {  	v12 =	vor.u32 v4, v12;
	v15 =	vld.idx.msk [tilespmem:v13+s25+$0x0], $0xffff;
	v7 =	vadd.f32 v11, v7;
	v11 =	vmul.f32 v14, v19  }
0x52d: {  	v13 =	vld.idx.msk [tilespmem:v13+s9+$0x0], $0xffff  }
0x52e: {  	v14 =	vld.idx.msk [tilespmem:v9+s25+$0x0], $0xffff;
	v8 =	vmul.f32 v8, v18;
	v7 =	vadd.f32 v11, v7  }
0x52f: {  	v9 =	vld.idx.msk [tilespmem:v9+s9+$0x0], $0xffff  }
0x530: {  	v7 =	vadd.f32 v8, v7;
	v8 =	vmul.f32 v10, v16  }
0x531: {  	v10 =	vld.idx.msk [tilespmem:v12+s25+$0x0], $0xffff  }
0x532: {  	v11 =	vld.idx.msk [tilespmem:v12+s9+$0x0], $0xffff;
	v7 =	vadd.f32 v8, v7;
	v8 =	vmul.f32 v13, v15;
	_ =	sdelay $0x1  }
0x533: {  	s31 =	simm.s32 $0x0;
	v7 =	vadd.f32 v8, v7;
	v8 =	vmul.f32 v9, v14  }
0x534: {  	v9 =	vadd.s32 s31, v0  }
0x535: {  	s23 =	simm.s32 $0x1;
	v7 =	vadd.f32 v8, v7;
	v8 =	vand.u32 $0x7F, v9  }
0x536: {  	v9 =	vmul.f32 v11, v10;
	v10 =	vadd.s32 s23, v0;
	v8 =	vor.u32 v5, v8  }
0x537: {  	s31 =	simm.s32 $0x2;
	v10 =	vand.u32 $0x7F, v10  }
0x538: {  	v7 =	vadd.f32 v9, v7;
	v9 =	vadd.s32 s31, v0;
	v10 =	vor.u32 v5, v10  }
0x539: {  	s23 =	simm.s32 $0x3;
	v9 =	vand.u32 $0x7F, v9  }
0x53a: {  	[tilespmem:$0x18330] =	vst v7;
	v7 =	vadd.s32 s23, v0;
	v9 =	vor.u32 v5, v9  }
0x53b: {  	s31 =	simm.s32 $0x4;
	v7 =	vand.u32 $0x7F, v7;
	v13 =	vld.idx.msk [tilespmem:v8+s25+$0x0], $0xffff  }
0x53c: {  	v11 =	vadd.s32 s31, v0;
	v14 =	vld.idx.msk [tilespmem:v8+s9+$0x0], $0xffff;
	v15 =	vor.u32 v5, v7  }
0x53d: {  	s23 =	simm.s32 $0x5;
	v7 =	vand.u32 $0x7F, v11;
	v16 =	vld.idx.msk [tilespmem:v10+s25+$0x0], $0xffff  }
0x53e: {  	v8 =	vadd.s32 s23, v0;
	v10 =	vld.idx.msk [tilespmem:v10+s9+$0x0], $0xffff;
	v19 =	vor.u32 v5, v7  }
0x53f: {  	s31 =	simm.s32 $0x6;
	v8 =	vand.u32 $0x7F, v8;
	v7 =	vld.idx.msk [tilespmem:v9+s25+$0x0], $0xffff  }
0x540: {  	v11 =	vor.u32 v5, v8;
	v12 =	vld.idx.msk [tilespmem:v9+s9+$0x0], $0xffff;
	v9 =	vadd.s32 s31, v0  }
0x541: {  	s23 =	simm.s32 $0x7;
	v9 =	vand.u32 $0x7F, v9;
	v8 =	vld.idx.msk [tilespmem:v15+s25+$0x0], $0xffff  }
0x542: {  	s28 =	simm.s32 $0x8;
	v18 =	vmul.f32 v14, v13;
	v14 =	vld.idx.msk [tilespmem:v15+s9+$0x0], $0xffff;
	v15 =	vadd.s32 s23, v0;
	v13 =	vor.u32 v5, v9  }
0x543: {  	v20 =	vadd.s32 s28, v0;
	v17 =	vimm.f32 $0.0e+00;
	v9 =	vld.idx.msk [tilespmem:v19+s25+$0x0], $0xffff;
	v15 =	vand.u32 $0x7F, v15  }
0x544: {  	s31 =	simm.s32 $0x9;
	v17 =	vadd.f32 v18, v17;
	v18 =	vmul.f32 v10, v16;
	v16 =	vld.idx.msk [tilespmem:v19+s9+$0x0], $0xffff;
	v15 =	vor.u32 v5, v15  }
0x545: {  	s0 =	simm.s32 $0x10;
	v20 =	vand.u32 $0x7F, v20;
	v19 =	vadd.s32 s31, v0;
	v10 =	vld.idx.msk [tilespmem:v11+s25+$0x0], $0xffff  }
.LBB2_48:
0x546: {  	p1 =	slt.u32 s0, $0x78;
	v20 =	vor.u32 v5, v20;
	s23 =	sadd.s32 $0x2, s28;
	v17 =	vadd.f32 v18, v17;
	v7 =	vmul.f32 v12, v7;
	v11 =	vld.idx.msk [tilespmem:v11+s9+$0x0], $0xffff  }
0x547: {  	v12 =	vand.u32 $0x7F, v19;
	v18 =	vadd.s32 s23, v0;
	v19 =	vld.idx.msk [tilespmem:v13+s25+$0x0], $0xffff  }
0x548: {  	v12 =	vor.u32 v5, v12;
	s23 =	sadd.s32 $0x3, s28;
	v8 =	vmul.f32 v14, v8;
	v7 =	vadd.f32 v7, v17;
	v13 =	vld.idx.msk [tilespmem:v13+s9+$0x0], $0xffff  }
0x549: {  	v14 =	vand.u32 $0x7F, v18;
	v17 =	vadd.s32 s23, v0;
	v18 =	vld.idx.msk [tilespmem:v15+s25+$0x0], $0xffff  }
0x54a: {  	s23 =	sadd.s32 $0x4, s28;
	v14 =	vor.u32 v5, v14;
	v7 =	vadd.f32 v8, v7;
	v8 =	vmul.f32 v16, v9;
	v9 =	vld.idx.msk [tilespmem:v15+s9+$0x0], $0xffff  }
0x54b: {  	v16 =	vand.u32 $0x7F, v17;
	v17 =	vadd.s32 s23, v0;
	v15 =	vld.idx.msk [tilespmem:v20+s25+$0x0], $0xffff  }
0x54c: {  	s23 =	sadd.s32 $0x5, s28;
	v16 =	vor.u32 v5, v16;
	v20 =	vld.idx.msk [tilespmem:v20+s9+$0x0], $0xffff;
	v7 =	vadd.f32 v8, v7;
	v8 =	vmul.f32 v11, v10  }
0x54d: {  	v11 =	vand.u32 $0x7F, v17;
	v17 =	vadd.s32 s23, v0;
	v10 =	vld.idx.msk [tilespmem:v12+s25+$0x0], $0xffff  }
0x54e: {  	s23 =	sadd.s32 $0x6, s28;
	v22 =	vor.u32 v5, v11;
	v13 =	vmul.f32 v13, v19;
	v21 =	vld.idx.msk [tilespmem:v12+s9+$0x0], $0xffff;
	v8 =	vadd.f32 v8, v7  }
0x54f: {  	v11 =	vand.u32 $0x7F, v17;
	v17 =	vadd.s32 s23, v0;
	v7 =	vld.idx.msk [tilespmem:v14+s25+$0x0], $0xffff  }
0x550: {  	s23 =	sadd.s32 $0x7, s28;
	s28 =	smov.u32 s0;
	v11 =	vor.u32 v5, v11;
	v9 =	vmul.f32 v9, v18;
	v12 =	vld.idx.msk [tilespmem:v14+s9+$0x0], $0xffff;
	v19 =	vadd.f32 v13, v8  }
.Ltmp27:
0x551: {  	v13 =	vand.u32 $0x7F, v17;
	v17 =	vadd.s32 s23, v0;
	v8 =	vld.idx.msk [tilespmem:v16+s25+$0x0], $0xffff;
	(pc) =	sbr.rel @p1 .LBB2_48-.Ltmp27, $4  }
0x552: {  	v15 =	vmul.f32 v20, v15;
	v13 =	vor.u32 v5, v13;
	v14 =	vld.idx.msk [tilespmem:v16+s9+$0x0], $0xffff;
	v16 =	vadd.f32 v9, v19  }
0x553: {  	v20 =	vand.u32 $0x7F, v17;
	v19 =	vadd.s32 s0, v0;
	v9 =	vld.idx.msk [tilespmem:v22+s25+$0x0], $0xffff  }
0x554: {  	s23 =	sadd.s32 $0x1, s0;
	v18 =	vmul.f32 v21, v10;
	v17 =	vadd.f32 v15, v16;
	v16 =	vld.idx.msk [tilespmem:v22+s9+$0x0], $0xffff;
	v15 =	vor.u32 v5, v20  }
0x555: {  	s0 =	sadd.s32 $0x8, s0;
	v20 =	vand.u32 $0x7F, v19;
	v19 =	vadd.s32 s23, v0;
	v10 =	vld.idx.msk [tilespmem:v11+s25+$0x0], $0xffff  }
0x556: {  	_ =	sdelay $0x2  }
0x557: {  	v17 =	vadd.f32 v18, v17;
	v7 =	vmul.f32 v12, v7  }
0x558: {  	v12 =	vor.u32 v5, v20;
	v11 =	vld.idx.msk [tilespmem:v11+s9+$0x0], $0xffff  }
0x559: {  	s0 =	sadd.s32 $0x2, s28;
	v18 =	vand.u32 $0x7F, v19;
	v19 =	vld.idx.msk [tilespmem:v13+s25+$0x0], $0xffff;
	v8 =	vmul.f32 v14, v8;
	v7 =	vadd.f32 v7, v17  }
0x55a: {  	v13 =	vld.idx.msk [tilespmem:v13+s9+$0x0], $0xffff;
	v14 =	vadd.s32 s0, v0;
	v17 =	vor.u32 v5, v18  }
0x55b: {  	s23 =	sadd.s32 $0x3, s28;
	v14 =	vand.u32 $0x7F, v14;
	v18 =	vld.idx.msk [tilespmem:v15+s25+$0x0], $0xffff;
	v7 =	vadd.f32 v8, v7;
	v8 =	vmul.f32 v16, v9  }
0x55c: {  	v15 =	vld.idx.msk [tilespmem:v15+s9+$0x0], $0xffff;
	v14 =	vor.u32 v5, v14;
	v9 =	vadd.s32 s23, v0  }
0x55d: {  	s31 =	sadd.s32 $0x4, s28;
	v16 =	vld.idx.msk [tilespmem:v12+s25+$0x0], $0xffff;
	v9 =	vand.u32 $0x7F, v9;
	v7 =	vadd.f32 v8, v7;
	v8 =	vmul.f32 v11, v10  }
0x55e: {  	v10 =	vadd.s32 s31, v0;
	v11 =	vld.idx.msk [tilespmem:v12+s9+$0x0], $0xffff;
	v9 =	vor.u32 v5, v9  }
0x55f: {  	s23 =	sadd.s32 $0x5, s28;
	v12 =	vld.idx.msk [tilespmem:v17+s25+$0x0], $0xffff;
	v10 =	vand.u32 $0x7F, v10;
	v7 =	vadd.f32 v8, v7;
	v8 =	vmul.f32 v13, v19  }
0x560: {  	v17 =	vld.idx.msk [tilespmem:v17+s9+$0x0], $0xffff;
	v13 =	vadd.s32 s23, v0;
	v10 =	vor.u32 v5, v10  }
0x561: {  	s31 =	sadd.s32 $0x6, s28;
	v19 =	vld.idx.msk [tilespmem:v14+s25+$0x0], $0xffff;
	v13 =	vand.u32 $0x7F, v13;
	v7 =	vadd.f32 v8, v7;
	v8 =	vmul.f32 v15, v18  }
0x562: {  	v14 =	vld.idx.msk [tilespmem:v14+s9+$0x0], $0xffff;
	v15 =	vadd.s32 s31, v0;
	v13 =	vor.u32 v5, v13  }
0x563: {  	v18 =	vld.idx.msk [tilespmem:v9+s25+$0x0], $0xffff;
	v15 =	vand.u32 $0x7F, v15;
	v11 =	vmul.f32 v11, v16;
	v7 =	vadd.f32 v8, v7  }
0x564: {  	s23 =	sadd.s32 $0x7, s28;
	v8 =	vld.idx.msk [tilespmem:v9+s9+$0x0], $0xffff;
	v9 =	vor.u32 v5, v15  }
0x565: {  	v15 =	vadd.s32 s23, v0;
	v16 =	vld.idx.msk [tilespmem:v10+s25+$0x0], $0xffff;
	v7 =	vadd.f32 v11, v7;
	v11 =	vmul.f32 v17, v12  }
0x566: {  	v10 =	vld.idx.msk [tilespmem:v10+s9+$0x0], $0xffff;
	v12 =	vand.u32 $0x7F, v15  }
0x567: {  	v12 =	vor.u32 v5, v12;
	v15 =	vld.idx.msk [tilespmem:v13+s25+$0x0], $0xffff;
	v7 =	vadd.f32 v11, v7;
	v11 =	vmul.f32 v14, v19  }
0x568: {  	v13 =	vld.idx.msk [tilespmem:v13+s9+$0x0], $0xffff  }
0x569: {  	v14 =	vld.idx.msk [tilespmem:v9+s25+$0x0], $0xffff;
	v8 =	vmul.f32 v8, v18;
	v7 =	vadd.f32 v11, v7  }
0x56a: {  	v9 =	vld.idx.msk [tilespmem:v9+s9+$0x0], $0xffff  }
0x56b: {  	v7 =	vadd.f32 v8, v7;
	v8 =	vmul.f32 v10, v16  }
0x56c: {  	v10 =	vld.idx.msk [tilespmem:v12+s25+$0x0], $0xffff  }
0x56d: {  	v11 =	vld.idx.msk [tilespmem:v12+s9+$0x0], $0xffff;
	v7 =	vadd.f32 v8, v7;
	v8 =	vmul.f32 v13, v15;
	_ =	sdelay $0x1  }
0x56e: {  	s31 =	simm.s32 $0x0;
	v7 =	vadd.f32 v8, v7;
	v8 =	vmul.f32 v9, v14  }
0x56f: {  	v9 =	vadd.s32 s31, v0  }
0x570: {  	s23 =	simm.s32 $0x1;
	v7 =	vadd.f32 v8, v7;
	v8 =	vand.u32 $0x7F, v9  }
0x571: {  	v9 =	vmul.f32 v11, v10;
	v10 =	vadd.s32 s23, v0;
	v8 =	vor.u32 v6, v8  }
0x572: {  	s31 =	simm.s32 $0x2;
	v10 =	vand.u32 $0x7F, v10  }
0x573: {  	v7 =	vadd.f32 v9, v7;
	v9 =	vadd.s32 s31, v0;
	v10 =	vor.u32 v6, v10  }
0x574: {  	s23 =	simm.s32 $0x3;
	v9 =	vand.u32 $0x7F, v9  }
0x575: {  	[tilespmem:$0x18340] =	vst v7;
	v7 =	vadd.s32 s23, v0;
	v9 =	vor.u32 v6, v9  }
0x576: {  	s31 =	simm.s32 $0x4;
	v7 =	vand.u32 $0x7F, v7;
	v13 =	vld.idx.msk [tilespmem:v8+s25+$0x0], $0xffff  }
0x577: {  	v11 =	vadd.s32 s31, v0;
	v14 =	vld.idx.msk [tilespmem:v8+s9+$0x0], $0xffff;
	v15 =	vor.u32 v6, v7  }
0x578: {  	s23 =	simm.s32 $0x5;
	v7 =	vand.u32 $0x7F, v11;
	v16 =	vld.idx.msk [tilespmem:v10+s25+$0x0], $0xffff  }
0x579: {  	v8 =	vadd.s32 s23, v0;
	v10 =	vld.idx.msk [tilespmem:v10+s9+$0x0], $0xffff;
	v19 =	vor.u32 v6, v7  }
0x57a: {  	s31 =	simm.s32 $0x6;
	v8 =	vand.u32 $0x7F, v8;
	v7 =	vld.idx.msk [tilespmem:v9+s25+$0x0], $0xffff  }
0x57b: {  	v11 =	vor.u32 v6, v8;
	v12 =	vld.idx.msk [tilespmem:v9+s9+$0x0], $0xffff;
	v9 =	vadd.s32 s31, v0  }
0x57c: {  	s23 =	simm.s32 $0x7;
	v9 =	vand.u32 $0x7F, v9;
	v8 =	vld.idx.msk [tilespmem:v15+s25+$0x0], $0xffff  }
0x57d: {  	s28 =	simm.s32 $0x8;
	v18 =	vmul.f32 v14, v13;
	v14 =	vld.idx.msk [tilespmem:v15+s9+$0x0], $0xffff;
	v15 =	vadd.s32 s23, v0;
	v13 =	vor.u32 v6, v9  }
0x57e: {  	v20 =	vadd.s32 s28, v0;
	v17 =	vimm.f32 $0.0e+00;
	v9 =	vld.idx.msk [tilespmem:v19+s25+$0x0], $0xffff;
	v15 =	vand.u32 $0x7F, v15  }
0x57f: {  	s31 =	simm.s32 $0x9;
	v17 =	vadd.f32 v18, v17;
	v18 =	vmul.f32 v10, v16;
	v16 =	vld.idx.msk [tilespmem:v19+s9+$0x0], $0xffff;
	v15 =	vor.u32 v6, v15  }
0x580: {  	s0 =	simm.s32 $0x10;
	v20 =	vand.u32 $0x7F, v20;
	v19 =	vadd.s32 s31, v0;
	v10 =	vld.idx.msk [tilespmem:v11+s25+$0x0], $0xffff  }
.LBB2_50:
0x581: {  	p1 =	slt.u32 s0, $0x78;
	v20 =	vor.u32 v6, v20;
	s23 =	sadd.s32 $0x2, s28;
	v17 =	vadd.f32 v18, v17;
	v7 =	vmul.f32 v12, v7;
	v11 =	vld.idx.msk [tilespmem:v11+s9+$0x0], $0xffff  }
0x582: {  	v12 =	vand.u32 $0x7F, v19;
	v18 =	vadd.s32 s23, v0;
	v19 =	vld.idx.msk [tilespmem:v13+s25+$0x0], $0xffff  }
0x583: {  	v12 =	vor.u32 v6, v12;
	s23 =	sadd.s32 $0x3, s28;
	v8 =	vmul.f32 v14, v8;
	v7 =	vadd.f32 v7, v17;
	v13 =	vld.idx.msk [tilespmem:v13+s9+$0x0], $0xffff  }
0x584: {  	v14 =	vand.u32 $0x7F, v18;
	v17 =	vadd.s32 s23, v0;
	v18 =	vld.idx.msk [tilespmem:v15+s25+$0x0], $0xffff  }
0x585: {  	s23 =	sadd.s32 $0x4, s28;
	v14 =	vor.u32 v6, v14;
	v7 =	vadd.f32 v8, v7;
	v8 =	vmul.f32 v16, v9;
	v9 =	vld.idx.msk [tilespmem:v15+s9+$0x0], $0xffff  }
0x586: {  	v16 =	vand.u32 $0x7F, v17;
	v17 =	vadd.s32 s23, v0;
	v15 =	vld.idx.msk [tilespmem:v20+s25+$0x0], $0xffff  }
0x587: {  	s23 =	sadd.s32 $0x5, s28;
	v16 =	vor.u32 v6, v16;
	v20 =	vld.idx.msk [tilespmem:v20+s9+$0x0], $0xffff;
	v7 =	vadd.f32 v8, v7;
	v8 =	vmul.f32 v11, v10  }
0x588: {  	v11 =	vand.u32 $0x7F, v17;
	v17 =	vadd.s32 s23, v0;
	v10 =	vld.idx.msk [tilespmem:v12+s25+$0x0], $0xffff  }
0x589: {  	s23 =	sadd.s32 $0x6, s28;
	v22 =	vor.u32 v6, v11;
	v13 =	vmul.f32 v13, v19;
	v21 =	vld.idx.msk [tilespmem:v12+s9+$0x0], $0xffff;
	v8 =	vadd.f32 v8, v7  }
0x58a: {  	v11 =	vand.u32 $0x7F, v17;
	v17 =	vadd.s32 s23, v0;
	v7 =	vld.idx.msk [tilespmem:v14+s25+$0x0], $0xffff  }
0x58b: {  	s23 =	sadd.s32 $0x7, s28;
	s28 =	smov.u32 s0;
	v11 =	vor.u32 v6, v11;
	v9 =	vmul.f32 v9, v18;
	v12 =	vld.idx.msk [tilespmem:v14+s9+$0x0], $0xffff;
	v19 =	vadd.f32 v13, v8  }
.Ltmp28:
0x58c: {  	v13 =	vand.u32 $0x7F, v17;
	v17 =	vadd.s32 s23, v0;
	v8 =	vld.idx.msk [tilespmem:v16+s25+$0x0], $0xffff;
	(pc) =	sbr.rel @p1 .LBB2_50-.Ltmp28, $4  }
0x58d: {  	v15 =	vmul.f32 v20, v15;
	v13 =	vor.u32 v6, v13;
	v14 =	vld.idx.msk [tilespmem:v16+s9+$0x0], $0xffff;
	v16 =	vadd.f32 v9, v19  }
0x58e: {  	v20 =	vand.u32 $0x7F, v17;
	v19 =	vadd.s32 s0, v0;
	v9 =	vld.idx.msk [tilespmem:v22+s25+$0x0], $0xffff  }
0x58f: {  	s23 =	sadd.s32 $0x1, s0;
	v18 =	vmul.f32 v21, v10;
	v17 =	vadd.f32 v15, v16;
	v16 =	vld.idx.msk [tilespmem:v22+s9+$0x0], $0xffff;
	v15 =	vor.u32 v6, v20  }
0x590: {  	s0 =	sadd.s32 $0x8, s0;
	v20 =	vand.u32 $0x7F, v19;
	v19 =	vadd.s32 s23, v0;
	v10 =	vld.idx.msk [tilespmem:v11+s25+$0x0], $0xffff  }
0x591: {  	_ =	sdelay $0x2  }
0x592: {  	v17 =	vadd.f32 v18, v17;
	v7 =	vmul.f32 v12, v7  }
0x593: {  	v12 =	vor.u32 v6, v20;
	v11 =	vld.idx.msk [tilespmem:v11+s9+$0x0], $0xffff  }
0x594: {  	s0 =	sadd.s32 $0x2, s28;
	v18 =	vand.u32 $0x7F, v19;
	v19 =	vld.idx.msk [tilespmem:v13+s25+$0x0], $0xffff;
	v8 =	vmul.f32 v14, v8;
	v7 =	vadd.f32 v7, v17  }
0x595: {  	v13 =	vld.idx.msk [tilespmem:v13+s9+$0x0], $0xffff;
	v14 =	vadd.s32 s0, v0;
	v17 =	vor.u32 v6, v18  }
0x596: {  	s23 =	sadd.s32 $0x3, s28;
	v14 =	vand.u32 $0x7F, v14;
	v18 =	vld.idx.msk [tilespmem:v15+s25+$0x0], $0xffff;
	v7 =	vadd.f32 v8, v7;
	v8 =	vmul.f32 v16, v9  }
0x597: {  	v15 =	vld.idx.msk [tilespmem:v15+s9+$0x0], $0xffff;
	v14 =	vor.u32 v6, v14;
	v9 =	vadd.s32 s23, v0  }
0x598: {  	s31 =	sadd.s32 $0x4, s28;
	v16 =	vld.idx.msk [tilespmem:v12+s25+$0x0], $0xffff;
	v9 =	vand.u32 $0x7F, v9;
	v7 =	vadd.f32 v8, v7;
	v8 =	vmul.f32 v11, v10  }
0x599: {  	v10 =	vadd.s32 s31, v0;
	v11 =	vld.idx.msk [tilespmem:v12+s9+$0x0], $0xffff;
	v9 =	vor.u32 v6, v9  }
0x59a: {  	s23 =	sadd.s32 $0x5, s28;
	v12 =	vld.idx.msk [tilespmem:v17+s25+$0x0], $0xffff;
	v10 =	vand.u32 $0x7F, v10;
	v7 =	vadd.f32 v8, v7;
	v8 =	vmul.f32 v13, v19  }
0x59b: {  	v17 =	vld.idx.msk [tilespmem:v17+s9+$0x0], $0xffff;
	v13 =	vadd.s32 s23, v0;
	v10 =	vor.u32 v6, v10  }
0x59c: {  	s31 =	sadd.s32 $0x6, s28;
	v19 =	vld.idx.msk [tilespmem:v14+s25+$0x0], $0xffff;
	v13 =	vand.u32 $0x7F, v13;
	v7 =	vadd.f32 v8, v7;
	v8 =	vmul.f32 v15, v18  }
0x59d: {  	v14 =	vld.idx.msk [tilespmem:v14+s9+$0x0], $0xffff;
	v15 =	vadd.s32 s31, v0;
	v13 =	vor.u32 v6, v13  }
0x59e: {  	v18 =	vld.idx.msk [tilespmem:v9+s25+$0x0], $0xffff;
	v15 =	vand.u32 $0x7F, v15;
	v11 =	vmul.f32 v11, v16;
	v7 =	vadd.f32 v8, v7  }
0x59f: {  	s23 =	sadd.s32 $0x7, s28;
	v8 =	vld.idx.msk [tilespmem:v9+s9+$0x0], $0xffff;
	v9 =	vor.u32 v6, v15  }
0x5a0: {  	v15 =	vadd.s32 s23, v0;
	v16 =	vld.idx.msk [tilespmem:v10+s25+$0x0], $0xffff;
	v7 =	vadd.f32 v11, v7;
	v11 =	vmul.f32 v17, v12  }
0x5a1: {  	v10 =	vld.idx.msk [tilespmem:v10+s9+$0x0], $0xffff;
	v12 =	vand.u32 $0x7F, v15  }
0x5a2: {  	v12 =	vor.u32 v6, v12;
	v15 =	vld.idx.msk [tilespmem:v13+s25+$0x0], $0xffff;
	v7 =	vadd.f32 v11, v7;
	v11 =	vmul.f32 v14, v19  }
0x5a3: {  	v13 =	vld.idx.msk [tilespmem:v13+s9+$0x0], $0xffff  }
0x5a4: {  	v14 =	vld.idx.msk [tilespmem:v9+s25+$0x0], $0xffff;
	v8 =	vmul.f32 v8, v18;
	v7 =	vadd.f32 v11, v7  }
0x5a5: {  	v9 =	vld.idx.msk [tilespmem:v9+s9+$0x0], $0xffff  }
0x5a6: {  	v7 =	vadd.f32 v8, v7;
	v8 =	vmul.f32 v10, v16  }
0x5a7: {  	v10 =	vld.idx.msk [tilespmem:v12+s25+$0x0], $0xffff  }
0x5a8: {  	v11 =	vld.idx.msk [tilespmem:v12+s9+$0x0], $0xffff;
	v7 =	vadd.f32 v8, v7;
	v8 =	vmul.f32 v13, v15;
	_ =	sdelay $0x1  }
0x5a9: {  	s31 =	simm.s32 $0x0;
	v7 =	vadd.f32 v8, v7;
	v8 =	vmul.f32 v9, v14  }
0x5aa: {  	v9 =	vadd.s32 s31, v0  }
0x5ab: {  	s23 =	simm.s32 $0x1;
	v9 =	vand.u32 $0x7F, v9;
	v8 =	vadd.f32 v8, v7;
	v7 =	vor.u32 $0x3000, v1  }
0x5ac: {  	v10 =	vmul.f32 v11, v10;
	v11 =	vadd.s32 s23, v0;
	v9 =	vor.u32 v7, v9  }
0x5ad: {  	s31 =	simm.s32 $0x2;
	v11 =	vand.u32 $0x7F, v11  }
0x5ae: {  	v11 =	vor.u32 v7, v11;
	v8 =	vadd.f32 v10, v8;
	v10 =	vadd.s32 s31, v0  }
0x5af: {  	s23 =	simm.s32 $0x3;
	v10 =	vand.u32 $0x7F, v10  }
0x5b0: {  	[tilespmem:$0x18350] =	vst v8;
	v8 =	vadd.s32 s23, v0;
	v10 =	vor.u32 v7, v10  }
0x5b1: {  	s31 =	simm.s32 $0x4;
	v8 =	vand.u32 $0x7F, v8;
	v14 =	vld.idx.msk [tilespmem:v9+s25+$0x0], $0xffff  }
0x5b2: {  	v12 =	vadd.s32 s31, v0;
	v15 =	vld.idx.msk [tilespmem:v9+s9+$0x0], $0xffff;
	v16 =	vor.u32 v7, v8  }
0x5b3: {  	s23 =	simm.s32 $0x5;
	v17 =	vld.idx.msk [tilespmem:v11+s25+$0x0], $0xffff;
	v8 =	vand.u32 $0x7F, v12  }
0x5b4: {  	v9 =	vadd.s32 s23, v0;
	v11 =	vld.idx.msk [tilespmem:v11+s9+$0x0], $0xffff;
	v20 =	vor.u32 v7, v8  }
0x5b5: {  	s31 =	simm.s32 $0x6;
	v9 =	vand.u32 $0x7F, v9;
	v8 =	vld.idx.msk [tilespmem:v10+s25+$0x0], $0xffff  }
0x5b6: {  	v12 =	vor.u32 v7, v9;
	v13 =	vld.idx.msk [tilespmem:v10+s9+$0x0], $0xffff;
	v10 =	vadd.s32 s31, v0  }
0x5b7: {  	s23 =	simm.s32 $0x7;
	v10 =	vand.u32 $0x7F, v10;
	v9 =	vld.idx.msk [tilespmem:v16+s25+$0x0], $0xffff  }
0x5b8: {  	s28 =	simm.s32 $0x8;
	v19 =	vmul.f32 v15, v14;
	v15 =	vld.idx.msk [tilespmem:v16+s9+$0x0], $0xffff;
	v16 =	vadd.s32 s23, v0;
	v14 =	vor.u32 v7, v10  }
0x5b9: {  	v21 =	vadd.s32 s28, v0;
	v18 =	vimm.f32 $0.0e+00;
	v10 =	vld.idx.msk [tilespmem:v20+s25+$0x0], $0xffff;
	v16 =	vand.u32 $0x7F, v16  }
0x5ba: {  	s31 =	simm.s32 $0x9;
	v18 =	vadd.f32 v19, v18;
	v19 =	vmul.f32 v11, v17;
	v17 =	vld.idx.msk [tilespmem:v20+s9+$0x0], $0xffff;
	v16 =	vor.u32 v7, v16  }
0x5bb: {  	s0 =	simm.s32 $0x10;
	v21 =	vand.u32 $0x7F, v21;
	v20 =	vadd.s32 s31, v0;
	v11 =	vld.idx.msk [tilespmem:v12+s25+$0x0], $0xffff  }
.LBB2_52:
0x5bc: {  	p1 =	slt.u32 s0, $0x78;
	v21 =	vor.u32 v7, v21;
	s23 =	sadd.s32 $0x2, s28;
	v18 =	vadd.f32 v19, v18;
	v8 =	vmul.f32 v13, v8;
	v12 =	vld.idx.msk [tilespmem:v12+s9+$0x0], $0xffff  }
0x5bd: {  	v13 =	vand.u32 $0x7F, v20;
	v19 =	vadd.s32 s23, v0;
	v20 =	vld.idx.msk [tilespmem:v14+s25+$0x0], $0xffff  }
0x5be: {  	v13 =	vor.u32 v7, v13;
	s23 =	sadd.s32 $0x3, s28;
	v9 =	vmul.f32 v15, v9;
	v8 =	vadd.f32 v8, v18;
	v14 =	vld.idx.msk [tilespmem:v14+s9+$0x0], $0xffff  }
0x5bf: {  	v15 =	vand.u32 $0x7F, v19;
	v18 =	vadd.s32 s23, v0;
	v19 =	vld.idx.msk [tilespmem:v16+s25+$0x0], $0xffff  }
0x5c0: {  	s23 =	sadd.s32 $0x4, s28;
	v15 =	vor.u32 v7, v15;
	v8 =	vadd.f32 v9, v8;
	v9 =	vmul.f32 v17, v10;
	v10 =	vld.idx.msk [tilespmem:v16+s9+$0x0], $0xffff  }
0x5c1: {  	v17 =	vand.u32 $0x7F, v18;
	v18 =	vadd.s32 s23, v0;
	v16 =	vld.idx.msk [tilespmem:v21+s25+$0x0], $0xffff  }
0x5c2: {  	s23 =	sadd.s32 $0x5, s28;
	v17 =	vor.u32 v7, v17;
	v21 =	vld.idx.msk [tilespmem:v21+s9+$0x0], $0xffff;
	v8 =	vadd.f32 v9, v8;
	v9 =	vmul.f32 v12, v11  }
0x5c3: {  	v12 =	vand.u32 $0x7F, v18;
	v18 =	vadd.s32 s23, v0;
	v11 =	vld.idx.msk [tilespmem:v13+s25+$0x0], $0xffff  }
0x5c4: {  	s23 =	sadd.s32 $0x6, s28;
	v23 =	vor.u32 v7, v12;
	v14 =	vmul.f32 v14, v20;
	v22 =	vld.idx.msk [tilespmem:v13+s9+$0x0], $0xffff;
	v9 =	vadd.f32 v9, v8  }
0x5c5: {  	v12 =	vand.u32 $0x7F, v18;
	v18 =	vadd.s32 s23, v0;
	v8 =	vld.idx.msk [tilespmem:v15+s25+$0x0], $0xffff  }
0x5c6: {  	s23 =	sadd.s32 $0x7, s28;
	s28 =	smov.u32 s0;
	v12 =	vor.u32 v7, v12;
	v10 =	vmul.f32 v10, v19;
	v13 =	vld.idx.msk [tilespmem:v15+s9+$0x0], $0xffff;
	v20 =	vadd.f32 v14, v9  }
.Ltmp29:
0x5c7: {  	v14 =	vand.u32 $0x7F, v18;
	v18 =	vadd.s32 s23, v0;
	v9 =	vld.idx.msk [tilespmem:v17+s25+$0x0], $0xffff;
	(pc) =	sbr.rel @p1 .LBB2_52-.Ltmp29, $4  }
0x5c8: {  	v16 =	vmul.f32 v21, v16;
	v14 =	vor.u32 v7, v14;
	v15 =	vld.idx.msk [tilespmem:v17+s9+$0x0], $0xffff;
	v17 =	vadd.f32 v10, v20  }
0x5c9: {  	v21 =	vand.u32 $0x7F, v18;
	v20 =	vadd.s32 s0, v0;
	v10 =	vld.idx.msk [tilespmem:v23+s25+$0x0], $0xffff  }
0x5ca: {  	s23 =	sadd.s32 $0x1, s0;
	v19 =	vmul.f32 v22, v11;
	v18 =	vadd.f32 v16, v17;
	v17 =	vld.idx.msk [tilespmem:v23+s9+$0x0], $0xffff;
	v16 =	vor.u32 v7, v21  }
0x5cb: {  	s0 =	sadd.s32 $0x8, s0;
	v21 =	vand.u32 $0x7F, v20;
	v20 =	vadd.s32 s23, v0;
	v11 =	vld.idx.msk [tilespmem:v12+s25+$0x0], $0xffff  }
0x5cc: {  	_ =	sdelay $0x2  }
0x5cd: {  	v18 =	vadd.f32 v19, v18;
	v8 =	vmul.f32 v13, v8  }
0x5ce: {  	v13 =	vor.u32 v7, v21;
	v12 =	vld.idx.msk [tilespmem:v12+s9+$0x0], $0xffff  }
0x5cf: {  	s0 =	sadd.s32 $0x2, s28;
	v19 =	vand.u32 $0x7F, v20;
	v20 =	vld.idx.msk [tilespmem:v14+s25+$0x0], $0xffff;
	v9 =	vmul.f32 v15, v9;
	v8 =	vadd.f32 v8, v18  }
0x5d0: {  	v14 =	vld.idx.msk [tilespmem:v14+s9+$0x0], $0xffff;
	v15 =	vadd.s32 s0, v0;
	v18 =	vor.u32 v7, v19  }
0x5d1: {  	s23 =	sadd.s32 $0x3, s28;
	v15 =	vand.u32 $0x7F, v15;
	v19 =	vld.idx.msk [tilespmem:v16+s25+$0x0], $0xffff;
	v8 =	vadd.f32 v9, v8;
	v9 =	vmul.f32 v17, v10  }
0x5d2: {  	v16 =	vld.idx.msk [tilespmem:v16+s9+$0x0], $0xffff;
	v15 =	vor.u32 v7, v15;
	v10 =	vadd.s32 s23, v0  }
0x5d3: {  	s31 =	sadd.s32 $0x4, s28;
	v17 =	vld.idx.msk [tilespmem:v13+s25+$0x0], $0xffff;
	v10 =	vand.u32 $0x7F, v10;
	v8 =	vadd.f32 v9, v8;
	v9 =	vmul.f32 v12, v11  }
0x5d4: {  	v11 =	vadd.s32 s31, v0;
	v12 =	vld.idx.msk [tilespmem:v13+s9+$0x0], $0xffff;
	v10 =	vor.u32 v7, v10  }
0x5d5: {  	s23 =	sadd.s32 $0x5, s28;
	v13 =	vld.idx.msk [tilespmem:v18+s25+$0x0], $0xffff;
	v11 =	vand.u32 $0x7F, v11;
	v8 =	vadd.f32 v9, v8;
	v9 =	vmul.f32 v14, v20  }
0x5d6: {  	v18 =	vld.idx.msk [tilespmem:v18+s9+$0x0], $0xffff;
	v14 =	vadd.s32 s23, v0;
	v11 =	vor.u32 v7, v11  }
0x5d7: {  	s31 =	sadd.s32 $0x6, s28;
	v20 =	vld.idx.msk [tilespmem:v15+s25+$0x0], $0xffff;
	v14 =	vand.u32 $0x7F, v14;
	v8 =	vadd.f32 v9, v8;
	v9 =	vmul.f32 v16, v19  }
0x5d8: {  	v15 =	vld.idx.msk [tilespmem:v15+s9+$0x0], $0xffff;
	v16 =	vadd.s32 s31, v0;
	v14 =	vor.u32 v7, v14  }
0x5d9: {  	v19 =	vld.idx.msk [tilespmem:v10+s25+$0x0], $0xffff;
	v16 =	vand.u32 $0x7F, v16;
	v12 =	vmul.f32 v12, v17;
	v8 =	vadd.f32 v9, v8  }
0x5da: {  	s23 =	sadd.s32 $0x7, s28;
	v9 =	vld.idx.msk [tilespmem:v10+s9+$0x0], $0xffff;
	v10 =	vor.u32 v7, v16  }
0x5db: {  	v16 =	vadd.s32 s23, v0;
	v17 =	vld.idx.msk [tilespmem:v11+s25+$0x0], $0xffff;
	v8 =	vadd.f32 v12, v8;
	v12 =	vmul.f32 v18, v13  }
0x5dc: {  	v11 =	vld.idx.msk [tilespmem:v11+s9+$0x0], $0xffff;
	v13 =	vand.u32 $0x7F, v16  }
0x5dd: {  	v7 =	vor.u32 v7, v13;
	v13 =	vld.idx.msk [tilespmem:v14+s25+$0x0], $0xffff;
	v8 =	vadd.f32 v12, v8;
	v12 =	vmul.f32 v15, v20  }
0x5de: {  	v14 =	vld.idx.msk [tilespmem:v14+s9+$0x0], $0xffff  }
0x5df: {  	v15 =	vld.idx.msk [tilespmem:v10+s25+$0x0], $0xffff;
	v9 =	vmul.f32 v9, v19;
	v8 =	vadd.f32 v12, v8  }
0x5e0: {  	v10 =	vld.idx.msk [tilespmem:v10+s9+$0x0], $0xffff  }
0x5e1: {  	v8 =	vadd.f32 v9, v8;
	v9 =	vmul.f32 v11, v17  }
0x5e2: {  	v11 =	vld.idx.msk [tilespmem:v7+s25+$0x0], $0xffff  }
0x5e3: {  	v12 =	vld.idx.msk [tilespmem:v7+s9+$0x0], $0xffff;
	v7 =	vadd.f32 v9, v8;
	v8 =	vmul.f32 v14, v13;
	_ =	sdelay $0x1  }
0x5e4: {  	s31 =	simm.s32 $0x0;
	v7 =	vadd.f32 v8, v7;
	v8 =	vmul.f32 v10, v15  }
0x5e5: {  	v9 =	vadd.s32 s31, v0  }
0x5e6: {  	s23 =	simm.s32 $0x1;
	v9 =	vand.u32 $0x7F, v9;
	v8 =	vadd.f32 v8, v7;
	v7 =	vor.u32 $0x3800, v1  }
0x5e7: {  	v10 =	vmul.f32 v12, v11;
	v11 =	vadd.s32 s23, v0;
	v9 =	vor.u32 v7, v9  }
0x5e8: {  	s31 =	simm.s32 $0x2;
	v11 =	vand.u32 $0x7F, v11  }
0x5e9: {  	v11 =	vor.u32 v7, v11;
	v8 =	vadd.f32 v10, v8;
	v10 =	vadd.s32 s31, v0  }
0x5ea: {  	s23 =	simm.s32 $0x3;
	v10 =	vand.u32 $0x7F, v10  }
0x5eb: {  	[tilespmem:$0x18360] =	vst v8;
	v8 =	vadd.s32 s23, v0;
	v10 =	vor.u32 v7, v10  }
0x5ec: {  	s31 =	simm.s32 $0x4;
	v8 =	vand.u32 $0x7F, v8;
	v14 =	vld.idx.msk [tilespmem:v9+s25+$0x0], $0xffff  }
0x5ed: {  	v12 =	vadd.s32 s31, v0;
	v15 =	vld.idx.msk [tilespmem:v9+s9+$0x0], $0xffff;
	v16 =	vor.u32 v7, v8  }
0x5ee: {  	s23 =	simm.s32 $0x5;
	v17 =	vld.idx.msk [tilespmem:v11+s25+$0x0], $0xffff;
	v8 =	vand.u32 $0x7F, v12  }
0x5ef: {  	v9 =	vadd.s32 s23, v0;
	v11 =	vld.idx.msk [tilespmem:v11+s9+$0x0], $0xffff;
	v20 =	vor.u32 v7, v8  }
0x5f0: {  	s31 =	simm.s32 $0x6;
	v9 =	vand.u32 $0x7F, v9;
	v8 =	vld.idx.msk [tilespmem:v10+s25+$0x0], $0xffff  }
0x5f1: {  	v12 =	vor.u32 v7, v9;
	v13 =	vld.idx.msk [tilespmem:v10+s9+$0x0], $0xffff;
	v10 =	vadd.s32 s31, v0  }
0x5f2: {  	s23 =	simm.s32 $0x7;
	v10 =	vand.u32 $0x7F, v10;
	v9 =	vld.idx.msk [tilespmem:v16+s25+$0x0], $0xffff  }
0x5f3: {  	s28 =	simm.s32 $0x8;
	v19 =	vmul.f32 v15, v14;
	v15 =	vld.idx.msk [tilespmem:v16+s9+$0x0], $0xffff;
	v16 =	vadd.s32 s23, v0;
	v14 =	vor.u32 v7, v10  }
0x5f4: {  	v21 =	vadd.s32 s28, v0;
	v18 =	vimm.f32 $0.0e+00;
	v10 =	vld.idx.msk [tilespmem:v20+s25+$0x0], $0xffff;
	v16 =	vand.u32 $0x7F, v16  }
0x5f5: {  	s31 =	simm.s32 $0x9;
	v18 =	vadd.f32 v19, v18;
	v19 =	vmul.f32 v11, v17;
	v17 =	vld.idx.msk [tilespmem:v20+s9+$0x0], $0xffff;
	v16 =	vor.u32 v7, v16  }
0x5f6: {  	s0 =	simm.s32 $0x10;
	v21 =	vand.u32 $0x7F, v21;
	v20 =	vadd.s32 s31, v0;
	v11 =	vld.idx.msk [tilespmem:v12+s25+$0x0], $0xffff  }
.LBB2_54:
0x5f7: {  	p1 =	slt.u32 s0, $0x78;
	v21 =	vor.u32 v7, v21;
	s23 =	sadd.s32 $0x2, s28;
	v18 =	vadd.f32 v19, v18;
	v8 =	vmul.f32 v13, v8;
	v12 =	vld.idx.msk [tilespmem:v12+s9+$0x0], $0xffff  }
0x5f8: {  	v13 =	vand.u32 $0x7F, v20;
	v19 =	vadd.s32 s23, v0;
	v20 =	vld.idx.msk [tilespmem:v14+s25+$0x0], $0xffff  }
0x5f9: {  	v13 =	vor.u32 v7, v13;
	s23 =	sadd.s32 $0x3, s28;
	v9 =	vmul.f32 v15, v9;
	v8 =	vadd.f32 v8, v18;
	v14 =	vld.idx.msk [tilespmem:v14+s9+$0x0], $0xffff  }
0x5fa: {  	v15 =	vand.u32 $0x7F, v19;
	v18 =	vadd.s32 s23, v0;
	v19 =	vld.idx.msk [tilespmem:v16+s25+$0x0], $0xffff  }
0x5fb: {  	s23 =	sadd.s32 $0x4, s28;
	v15 =	vor.u32 v7, v15;
	v8 =	vadd.f32 v9, v8;
	v9 =	vmul.f32 v17, v10;
	v10 =	vld.idx.msk [tilespmem:v16+s9+$0x0], $0xffff  }
0x5fc: {  	v17 =	vand.u32 $0x7F, v18;
	v18 =	vadd.s32 s23, v0;
	v16 =	vld.idx.msk [tilespmem:v21+s25+$0x0], $0xffff  }
0x5fd: {  	s23 =	sadd.s32 $0x5, s28;
	v17 =	vor.u32 v7, v17;
	v21 =	vld.idx.msk [tilespmem:v21+s9+$0x0], $0xffff;
	v8 =	vadd.f32 v9, v8;
	v9 =	vmul.f32 v12, v11  }
0x5fe: {  	v12 =	vand.u32 $0x7F, v18;
	v18 =	vadd.s32 s23, v0;
	v11 =	vld.idx.msk [tilespmem:v13+s25+$0x0], $0xffff  }
0x5ff: {  	s23 =	sadd.s32 $0x6, s28;
	v23 =	vor.u32 v7, v12;
	v14 =	vmul.f32 v14, v20;
	v22 =	vld.idx.msk [tilespmem:v13+s9+$0x0], $0xffff;
	v9 =	vadd.f32 v9, v8  }
0x600: {  	v12 =	vand.u32 $0x7F, v18;
	v18 =	vadd.s32 s23, v0;
	v8 =	vld.idx.msk [tilespmem:v15+s25+$0x0], $0xffff  }
0x601: {  	s23 =	sadd.s32 $0x7, s28;
	s28 =	smov.u32 s0;
	v12 =	vor.u32 v7, v12;
	v10 =	vmul.f32 v10, v19;
	v13 =	vld.idx.msk [tilespmem:v15+s9+$0x0], $0xffff;
	v20 =	vadd.f32 v14, v9  }
.Ltmp30:
0x602: {  	v14 =	vand.u32 $0x7F, v18;
	v18 =	vadd.s32 s23, v0;
	v9 =	vld.idx.msk [tilespmem:v17+s25+$0x0], $0xffff;
	(pc) =	sbr.rel @p1 .LBB2_54-.Ltmp30, $4  }
0x603: {  	v16 =	vmul.f32 v21, v16;
	v14 =	vor.u32 v7, v14;
	v15 =	vld.idx.msk [tilespmem:v17+s9+$0x0], $0xffff;
	v17 =	vadd.f32 v10, v20  }
0x604: {  	v21 =	vand.u32 $0x7F, v18;
	v20 =	vadd.s32 s0, v0;
	v10 =	vld.idx.msk [tilespmem:v23+s25+$0x0], $0xffff  }
0x605: {  	s23 =	sadd.s32 $0x1, s0;
	v19 =	vmul.f32 v22, v11;
	v18 =	vadd.f32 v16, v17;
	v17 =	vld.idx.msk [tilespmem:v23+s9+$0x0], $0xffff;
	v16 =	vor.u32 v7, v21  }
0x606: {  	s0 =	sadd.s32 $0x8, s0;
	v21 =	vand.u32 $0x7F, v20;
	v20 =	vadd.s32 s23, v0;
	v11 =	vld.idx.msk [tilespmem:v12+s25+$0x0], $0xffff  }
0x607: {  	_ =	sdelay $0x2  }
0x608: {  	v18 =	vadd.f32 v19, v18;
	v8 =	vmul.f32 v13, v8  }
0x609: {  	v32 =	vor.u32 v7, v21;
	v12 =	vld.idx.msk [tilespmem:v12+s9+$0x0], $0xffff  }
0x60a: {  	s0 =	sadd.s32 $0x2, s28;
	v33 =	vand.u32 $0x7F, v20;
	v34 =	vld.idx.msk [tilespmem:v14+s25+$0x0], $0xffff;
	v9 =	vmul.f32 v15, v9;
	v8 =	vadd.f32 v8, v18  }
0x60b: {  	v37 =	vld.idx.msk [tilespmem:v14+s9+$0x0], $0xffff;
	v35 =	vadd.s32 s0, v0;
	v36 =	vor.u32 v7, v33  }
0x60c: {  	s31 =	sadd.s32 $0x3, s28;
	v38 =	vld.idx.msk [tilespmem:v16+s25+$0x0], $0xffff;
	v15 =	vand.u32 $0x7F, v35;
	v39 =	vmul.f32 v17, v10;
	v8 =	vadd.f32 v9, v8  }
0x60d: {  	v41 =	vld.idx.msk [tilespmem:v16+s9+$0x0], $0xffff;
	v40 =	vadd.s32 s31, v0;
	v15 =	vor.u32 v7, v15  }
0x60e: {  	s23 =	sadd.s32 $0x4, s28;
	v10 =	vand.u32 $0x7F, v40;
	v42 =	vld.idx.msk [tilespmem:v32+s25+$0x0], $0xffff;
	v43 =	vmul.f32 v12, v11;
	v8 =	vadd.f32 v39, v8  }
0x60f: {  	v44 =	vadd.s32 s23, v0;
	v10 =	vor.u32 v7, v10;
	v45 =	vld.idx.msk [tilespmem:v32+s9+$0x0], $0xffff  }
0x610: {  	s31 =	sadd.s32 $0x5, s28;
	v11 =	vand.u32 $0x7F, v44;
	v47 =	vmul.f32 v37, v34;
	v46 =	vld.idx.msk [tilespmem:v36+s25+$0x0], $0xffff;
	v8 =	vadd.f32 v43, v8  }
0x611: {  	v48 =	vadd.s32 s31, v0;
	v18 =	vld.idx.msk [tilespmem:v36+s9+$0x0], $0xffff;
	v11 =	vor.u32 v7, v11  }
0x612: {  	s23 =	sadd.s32 $0x6, s28;
	v14 =	vand.u32 $0x7F, v48;
	v50 =	vmul.f32 v41, v38;
	v49 =	vld.idx.msk [tilespmem:v15+s25+$0x0], $0xffff;
	v8 =	vadd.f32 v47, v8  }
0x613: {  	v51 =	vadd.s32 s23, v0;
	v14 =	vor.u32 v7, v14;
	v15 =	vld.idx.msk [tilespmem:v15+s9+$0x0], $0xffff  }
0x614: {  	s28 =	sadd.s32 $0x7, s28;
	v16 =	vand.u32 $0x7F, v51;
	v52 =	vld.idx.msk [tilespmem:v10+s25+$0x0], $0xffff;
	v12 =	vmul.f32 v45, v42;
	v8 =	vadd.f32 v50, v8  }
0x615: {  	v53 =	vadd.s32 s28, v0;
	v16 =	vor.u32 v7, v16;
	v10 =	vld.idx.msk [tilespmem:v10+s9+$0x0], $0xffff  }
0x616: {  	v9 =	vand.u32 $0x7F, v53;
	v54 =	vld.idx.msk [tilespmem:v11+s25+$0x0], $0xffff;
	v55 =	vmul.f32 v18, v46;
	v8 =	vadd.f32 v12, v8  }
0x617: {  	v7 =	vor.u32 v7, v9;
	v11 =	vld.idx.msk [tilespmem:v11+s9+$0x0], $0xffff  }
0x618: {  	v56 =	vld.idx.msk [tilespmem:v14+s25+$0x0], $0xffff;
	v57 =	vmul.f32 v15, v49;
	v8 =	vadd.f32 v55, v8  }
0x619: {  	v58 =	vld.idx.msk [tilespmem:v14+s9+$0x0], $0xffff  }
0x61a: {  	v59 =	vld.idx.msk [tilespmem:v16+s25+$0x0], $0xffff;
	v10 =	vmul.f32 v10, v52;
	v8 =	vadd.f32 v57, v8  }
0x61b: {  	v60 =	vld.idx.msk [tilespmem:v16+s9+$0x0], $0xffff  }
0x61c: {  	v61 =	vld.idx.msk [tilespmem:v7+s25+$0x0], $0xffff;
	v62 =	vmul.f32 v11, v54;
	v8 =	vadd.f32 v10, v8  }
0x61d: {  	v7 =	vld.idx.msk [tilespmem:v7+s9+$0x0], $0xffff  }
0x61e: {  	v9 =	vmul.f32 v58, v56;
	v8 =	vadd.f32 v62, v8;
	_ =	sdelay $0x1  }
0x61f: {  	v63 =	vmul.f32 v60, v59;
	v8 =	vadd.f32 v9, v8;
	_ =	sdelay $0x1  }
0x620: {  	v7 =	vmul.f32 v7, v61;
	v8 =	vadd.f32 v63, v8;
	_ =	sdelay $0x1  }
0x621: {  	v7 =	vadd.f32 v7, v8  }
0x622: {  	s31 =	sshll.u32 s26, $0x4  }
.Ltmp31:
0x623: {  	s0 =	sadd.s32 s5, s31;
	[tilespmem:$0x18370] =	vst v7;
	(pc) =	sbr.rel .LBB2_56-.Ltmp31, $4  }
0x624: {  	[hbm4b:s0+s6] =	stream.linear.scatter [tilespmem:s10], [sflag:$0xD], $0x80, $0x38;
	[tilespmem:$0x18380] =	vst v63  }
0x625: {  	_ =	swait.ge [sflag:s11], $0x80  }
0x626: {  	[sflag:s11] =	ssyncset.done $0x0  }
0x627: {  	[sflag:s11] =	ssyncadd.s32 $0xFFFFFF80  }
.LBB2_58:
0x628: {  	_ =	sfence.sel $0x180000  }
0x629: {  	[bflag:$0x0] =	sbarrier.arrive $0xFFFF  }
0x62a: {  	_ =	strace $0x90000047  }
0x62b: {  	s0 =	stileid.u32;
	[bflag:$0x2] =	sbarrier.arrive $0xFFFF  }
0x62c: {  	p0 =	sne.s32 s0, $0x0;
	s0 =	rddreg [dreg:$0x4]  }
0x62d: {  	s0 =	sadd.s32 @!p0 $0x100000, s0  }
0x62e: {  	[sflag:s0] =	ssyncadd.tile.s32 @!p0 $0x1;
	_ =	shalt  }
.Lfunc_end2:
_tile_overlayer_lowered:
.L_overlay_start_2:
0x62f: {  	(tag) =	ssettag $0x2  }
0x630: {  	s0 =	rddreg [dreg:$0x0];
	s2 =	stileid.u32  }
0x631: {  	s1 =	rddreg [dreg:$0x1];
	p0 =	sne.s32 s2, $0x0  }
0x632: {  	s3 =	rddreg [dreg:$0x2];
	[bflag:$0x3] =	sbarrier.arrive $0xFFFF;
	s2 =	simm.s32 @!p0 $0x1C0D  }
0x633: {  	[timem:s3], [sflag:s2] =	dma.local @!p0 [hbm:s0], s1  }
0x634: {  	s0 =	simm.s32 @!p0 $0xD  }
0x635: {  	_ =	swait.ge @!p0 [sflag:s0], s1  }
0x636: {  	s1 =	ssub.s32 @!p0 $0x0, s1;
	[sflag:s0] =	ssyncset.done @!p0 $0x0  }
0x637: {  	[sflag:s0] =	ssyncadd.s32 @!p0 s1  }
0x638: {  	[bflag:$0x3] =	sbarrier.arrive $0xFFFF  }
0x639: {  	_ =	shalt  }

</sc_bundles>
